<compile_context>
chip_gen: v7x
topology: tpu7x:2x2x1
jax: 0.10.2.dev20260603
libtpu: 0.0.44.dev20260713+nightly
codegen_flags: <defaults>
</compile_context>

<pallas_src>
import functools

import jax
import jax.numpy as jnp
import numpy as np
from jax import lax
from jax.experimental import pallas as pl
from jax.experimental.pallas import tpu as pltpu
from jax.experimental.pallas import tpu_sc as plsc

VOCAB = 100000
EMBED = 128
SEG_VOCAB = 3

NC = 2
NS = 16
NW = NC * NS
CHUNK = 64
NBUF = 5


def _sinusoidal_pe(seq_len, d_model):
    pos = np.arange(seq_len, dtype=np.float32)[:, None]
    div_term = np.exp(
        np.arange(0, d_model, 2, dtype=np.float32)
        * np.float32(-np.log(10000.0) / d_model)
    ).astype(np.float32)
    pe = np.zeros((seq_len, d_model), dtype=np.float32)
    pe[:, 0::2] = np.sin((pos * div_term).astype(np.float32)).astype(np.float32)
    pe[:, 1::2] = np.cos((pos * div_term).astype(np.float32)).astype(np.float32)
    return jnp.asarray(pe)


def _make_sc_kernel(n_rows, n_comb, seq_len, shift):
    rows_per_w = n_rows // NW
    n_chunks = rows_per_w // CHUNK
    assert n_chunks % NBUF == 0
    assert rows_per_w % seq_len == 0
    mesh = plsc.VectorSubcoreMesh(core_axis_name="c", subcore_axis_name="s")

    @functools.partial(
        pl.kernel,
        mesh=mesh,
        out_type=jax.ShapeDtypeStruct((n_rows, EMBED), jnp.float32),
        scratch_types=[
            pltpu.VMEM((rows_per_w,), jnp.int32),
            pltpu.VMEM((rows_per_w,), jnp.int32),
            pltpu.VMEM((rows_per_w,), jnp.int32),
            pltpu.VMEM_SHARED((n_comb, EMBED), jnp.float32),
            [pltpu.VMEM((CHUNK, EMBED), jnp.float32)] * NBUF,
            [pltpu.VMEM((CHUNK, EMBED), jnp.float32)] * NBUF,
            [pltpu.SemaphoreType.DMA] * NBUF,
            [pltpu.SemaphoreType.DMA] * NBUF,
            [pltpu.SemaphoreType.DMA] * NBUF,
        ],
    )
    def k(tok_hbm, pack_hbm, comb_hbm, out_hbm,
          pack_v, tidx_v, cidx_v, comb_sh, tok_b, comb_b, sem_g, sem_c, sem_s):
        wid = lax.axis_index("s") * NC + lax.axis_index("c")
        base = wid * rows_per_w

        @pl.when(lax.axis_index("s") == 0)
        def _():
            pltpu.sync_copy(comb_hbm, comb_sh)

        pltpu.sync_copy(pack_hbm.at[pl.ds(base, rows_per_w)], pack_v)
        lane = lax.iota(jnp.int32, 16)

        def unpack_body(i, carry):
            p = pack_v[pl.ds(i * 16, 16)]
            tidx_v[pl.ds(i * 16, 16)] = p & ((1 << shift) - 1)
            pos = (lane + i * 16) % seq_len
            cidx_v[pl.ds(i * 16, 16)] = pos * SEG_VOCAB + (
                lax.shift_right_logical(p, shift))
            return carry

        lax.fori_loop(0, rows_per_w // 16, unpack_body, 0, unroll=8)

        def issue_tok(g, b):
            pltpu.async_copy(tok_hbm.at[tidx_v.at[pl.ds(g * CHUNK, CHUNK)]],
                             tok_b[b], sem_g[b])

        def issue_comb(g, b):
            pltpu.async_copy(comb_sh.at[cidx_v.at[pl.ds(g * CHUNK, CHUNK)]],
                             comb_b[b], sem_c[b])

        def wait_gathers(b):
            pltpu.make_async_copy(tok_hbm.at[pl.ds(0, CHUNK)], tok_b[b],
                                  sem_g[b]).wait()
            pltpu.make_async_copy(comb_sh.at[pl.ds(0, CHUNK)], comb_b[b],
                                  sem_c[b]).wait()

        def wait_scatter(b):
            pltpu.make_async_copy(tok_b[b], out_hbm.at[pl.ds(0, CHUNK)],
                                  sem_s[b]).wait()

        issue_tok(0, 0)
        issue_tok(1, 1)
        issue_tok(2, 2)

        plsc.subcore_barrier()

        issue_comb(0, 0)
        issue_comb(1, 1)
        issue_comb(2, 2)

        def outer(g0, carry):
            g0 = g0 * NBUF
            for b in range(NBUF):
                g = g0 + b
                bn = (b + 3) % NBUF
                @pl.when(g >= 2)
                def _():
                    wait_scatter(bn)

                @pl.when(g + 3 < n_chunks)
                def _():
                    issue_tok(g + 3, bn)
                    issue_comb(g + 3, bn)

                wait_gathers(b)

                def row_body(r, c2):
                    for j in range(EMBED // 16):
                        plsc.addupdate(
                            tok_b[b].at[r, pl.ds(j * 16, 16)],
                            comb_b[b][r, pl.ds(j * 16, 16)],
                        )
                    return c2

                lax.fori_loop(0, CHUNK, row_body, 0, unroll=8)
                pltpu.async_copy(
                    tok_b[b], out_hbm.at[pl.ds(base + g * CHUNK, CHUNK)], sem_s[b])
            return carry

        lax.fori_loop(0, n_chunks // NBUF, outer, 0, unroll=False)
        wait_scatter((n_chunks - 2) % NBUF)
        wait_scatter((n_chunks - 1) % NBUF)

    return k


def kernel(sequence, segment_label, token_table, seg_table):
    B, L = sequence.shape
    d_model = token_table.shape[1]
    n_rows = B * L
    n_comb = L * SEG_VOCAB

    pe = _sinusoidal_pe(L, d_model)
    comb = (pe[:, None, :] + seg_table[None, :, :]).reshape(n_comb, d_model)

    shift = max(1, int(token_table.shape[0] - 1).bit_length())
    pack = (sequence.astype(jnp.int32)
            | (segment_label.astype(jnp.int32) << shift)).reshape(n_rows)

    out = _make_sc_kernel(n_rows, n_comb, L, shift)(token_table, pack, comb)
    return out.reshape(B, L, d_model)

# --- scband reference (transcript-rebuilt; emitter-appended) ---
"""Pipeline reference for scband-bertembedding-17102559772713 (READ-ONLY COPY).

The authoritative reference and input builder live on the scoring server;
editing this copy changes nothing except your own understanding.
"""

import jax, jax.numpy as jnp
import numpy as np

VOCAB = 100000
EMBED = 128
SEG_VOCAB = 3


def _sinusoidal_pe(seq_len, d_model):
    pos = jnp.arange(seq_len, dtype=jnp.float32)[:, None]
    div_term = jnp.exp(jnp.arange(0, d_model, 2, dtype=jnp.float32) * (-np.log(10000.0) / d_model))
    pe = jnp.zeros((seq_len, d_model), dtype=jnp.float32)
    pe = pe.at[:, 0::2].set(jnp.sin(pos * div_term))
    pe = pe.at[:, 1::2].set(jnp.cos(pos * div_term))
    return pe


def setup_inputs(seed: int = 0) -> dict:
    key = jax.random.key(seed)
    k1, k2, k3, k4 = jax.random.split(key, 4)
    sequence = jax.random.randint(k1, (1024, 200), 0, VOCAB, dtype=jnp.int64 if jax.config.read('jax_enable_x64') else jnp.int32)
    segment_label = jax.random.randint(k2, (1024, 200), 0, SEG_VOCAB, dtype=jnp.int64 if jax.config.read('jax_enable_x64') else jnp.int32)
    token_table = jax.random.normal(k3, (VOCAB, EMBED), dtype=jnp.float32)
    seg_table = jax.random.normal(k4, (SEG_VOCAB, EMBED), dtype=jnp.float32)
    return {"sequence": sequence, "segment_label": segment_label, "token_table": token_table, "seg_table": seg_table}


def reference(sequence, segment_label, token_table, seg_table):
    B, L = sequence.shape
    d_model = token_table.shape[1]
    # PositionalEmbedding: constant sinusoidal encoding sliced to seq_len
    pe = _sinusoidal_pe(L, d_model)[None, :, :]
    # TokenEmbedding: gather from vocab table
    tok = jnp.take(token_table, sequence, axis=0)
    x = pe + tok
    # SegmentEmbedding: gather from segment table
    seg = jnp.take(seg_table, segment_label, axis=0)
    x = x + seg
    # is_time=False -> no time embedding; dropout in eval mode == identity
    return x

if __name__ == "__main__":
    import jax
    _d = setup_inputs()
    print(jax.jit(kernel)(*tuple(_d.values())))

</pallas_src>

<mosaic_0001>
#map = affine_map<(d0, d1) -> (0, 0)>
#map1 = affine_map<(d0, d1) -> (0)>
module attributes {stable_mosaic.version = 14 : i64} {
  func.func @k(%arg0: i32, %arg1: i32, %arg2: memref<100000x128xf32, #tpu.memory_space<hbm>>, %arg3: memref<204800xi32, #tpu.memory_space<hbm>>, %arg4: memref<600x128xf32, #tpu.memory_space<hbm>>, %arg5: memref<204800x128xf32, #tpu.memory_space<hbm>>, %arg6: memref<6400xi32, #tpu.memory_space<vmem>>, %arg7: memref<6400xi32, #tpu.memory_space<vmem>>, %arg8: memref<6400xi32, #tpu.memory_space<vmem>>, %arg9: memref<600x128xf32, #tpu.memory_space<vmem_shared>>, %arg10: memref<64x128xf32, #tpu.memory_space<vmem>>, %arg11: memref<64x128xf32, #tpu.memory_space<vmem>>, %arg12: memref<64x128xf32, #tpu.memory_space<vmem>>, %arg13: memref<64x128xf32, #tpu.memory_space<vmem>>, %arg14: memref<64x128xf32, #tpu.memory_space<vmem>>, %arg15: memref<64x128xf32, #tpu.memory_space<vmem>>, %arg16: memref<64x128xf32, #tpu.memory_space<vmem>>, %arg17: memref<64x128xf32, #tpu.memory_space<vmem>>, %arg18: memref<64x128xf32, #tpu.memory_space<vmem>>, %arg19: memref<64x128xf32, #tpu.memory_space<vmem>>, %arg20: memref<!tpu.dma_semaphore, #tpu.memory_space<semaphore_mem>>, %arg21: memref<!tpu.dma_semaphore, #tpu.memory_space<semaphore_mem>>, %arg22: memref<!tpu.dma_semaphore, #tpu.memory_space<semaphore_mem>>, %arg23: memref<!tpu.dma_semaphore, #tpu.memory_space<semaphore_mem>>, %arg24: memref<!tpu.dma_semaphore, #tpu.memory_space<semaphore_mem>>, %arg25: memref<!tpu.dma_semaphore, #tpu.memory_space<semaphore_mem>>, %arg26: memref<!tpu.dma_semaphore, #tpu.memory_space<semaphore_mem>>, %arg27: memref<!tpu.dma_semaphore, #tpu.memory_space<semaphore_mem>>, %arg28: memref<!tpu.dma_semaphore, #tpu.memory_space<semaphore_mem>>, %arg29: memref<!tpu.dma_semaphore, #tpu.memory_space<semaphore_mem>>, %arg30: memref<!tpu.dma_semaphore, #tpu.memory_space<semaphore_mem>>, %arg31: memref<!tpu.dma_semaphore, #tpu.memory_space<semaphore_mem>>, %arg32: memref<!tpu.dma_semaphore, #tpu.memory_space<semaphore_mem>>, %arg33: memref<!tpu.dma_semaphore, #tpu.memory_space<semaphore_mem>>, %arg34: memref<!tpu.dma_semaphore, #tpu.memory_space<semaphore_mem>>) attributes {dimension_semantics = [#tpu.dimension_semantics<core_parallel>, #tpu.dimension_semantics<subcore_parallel>], iteration_bounds = array<i64: 2, 16>, scalar_prefetch = 0 : i64, scratch_operands = 29 : i64, tpu.core_type = #tpu.core_type<sc_vector_subcore>, window_params = [{transform_indices = #map}, {transform_indices = #map1}, {transform_indices = #map}, {transform_indices = #map}]} {
    %mul3A = arith.constant 2 : i32
    %mul3A_0 = arith.muli %arg1, %mul3A : i32
    %add3A = arith.addi %mul3A_0, %arg0 : i32
    %mul3A_1 = arith.constant 6400 : i32
    %mul3A_2 = arith.muli %add3A, %mul3A_1 : i32
    %eq3A = arith.constant 0 : i32
    %eq3A_3 = arith.cmpi eq, %arg1, %eq3A : i32
    %convert_element_type3A = arith.extui %eq3A_3 : i1 to i32
    %cond3A = arith.constant 0 : i32
    %cond3A_4 = arith.cmpi ne, %convert_element_type3A, %cond3A : i32
    scf.if %cond3A_4 {
      "tpu.region"() ({
        %run_scoped3A = tpu.sem_alloc : memref<!tpu.dma_semaphore, #tpu.memory_space<semaphore_mem>>
        tpu.enqueue_dma source(%arg4 : memref<600x128xf32, #tpu.memory_space<hbm>>) target(%arg9 : memref<600x128xf32, #tpu.memory_space<vmem_shared>>) target_semaphore(%run_scoped3A : memref<!tpu.dma_semaphore, #tpu.memory_space<semaphore_mem>>)
        tpu.wait_dma2 semaphore(%run_scoped3A : memref<!tpu.dma_semaphore, #tpu.memory_space<semaphore_mem>>) src(%arg4 : memref<600x128xf32, #tpu.memory_space<hbm>>) dst(%arg9 : memref<600x128xf32, #tpu.memory_space<vmem_shared>>)
        tpu.yield
      }) : () -> ()
    } else {
    }
    "tpu.region"() ({
      %run_scoped3A = tpu.sem_alloc : memref<!tpu.dma_semaphore, #tpu.memory_space<semaphore_mem>>
      %dma_start3A_56 = tpu.memref_slice %arg3[%mul3A_2] : memref<204800xi32, #tpu.memory_space<hbm>> -> memref<6400xi32, #tpu.memory_space<hbm>>
      %dma_start3A_57 = tpu.memref_slice %arg3[%mul3A_2] : memref<204800xi32, #tpu.memory_space<hbm>> -> memref<6400xi32, #tpu.memory_space<hbm>>
      tpu.enqueue_dma source(%dma_start3A_57 : memref<6400xi32, #tpu.memory_space<hbm>>) target(%arg6 : memref<6400xi32, #tpu.memory_space<vmem>>) target_semaphore(%run_scoped3A : memref<!tpu.dma_semaphore, #tpu.memory_space<semaphore_mem>>)
      %dma_wait3A_58 = tpu.memref_slice %arg3[%mul3A_2] : memref<204800xi32, #tpu.memory_space<hbm>> -> memref<6400xi32, #tpu.memory_space<hbm>>
      %dma_wait3A_59 = tpu.memref_slice %arg3[%mul3A_2] : memref<204800xi32, #tpu.memory_space<hbm>> -> memref<6400xi32, #tpu.memory_space<hbm>>
      tpu.wait_dma2 semaphore(%run_scoped3A : memref<!tpu.dma_semaphore, #tpu.memory_space<semaphore_mem>>) src(%dma_wait3A_59 : memref<6400xi32, #tpu.memory_space<hbm>>) dst(%arg6 : memref<6400xi32, #tpu.memory_space<vmem>>)
      tpu.yield
    }) : () -> ()
    %iota3A = tpu.iota {dimensions = array<i32: 0>} : vector<16xi32>
    %scan3A = arith.constant 0 : i32
    %scan3A_5 = arith.constant 0 : i32
    %scan3A_6 = arith.constant 400 : i32
    %scan3A_7 = arith.addi %scan3A_5, %scan3A_6 : i32
    %scan3A_8 = arith.constant 8 : i32
    scf.for %scan3A_56 = %scan3A_5 to %scan3A_7 step %scan3A_8  : i32 {
      %mul3A_57 = arith.constant 16 : i32
      %mul3A_58 = arith.muli %scan3A_56, %mul3A_57 : i32
      %get3A = arith.index_cast %mul3A_58 : i32 to index
      %get3A_59 = tpu.vector_load %arg6[%get3A] {strides = array<i32>} : memref<6400xi32, #tpu.memory_space<vmem>>, vector<16xi32>,
      %get3A_60 = vector.shape_cast %get3A_59 : vector<16xi32> to vector<16xi32>
      %and3A = arith.constant 131071 : i32
      %and3A_61 = vector.broadcast %and3A : i32 to vector<16xi32>
      %and3A_62 = arith.andi %get3A_60, %and3A_61 : vector<16xi32>
      %mul3A_63 = arith.constant 16 : i32
      %mul3A_64 = arith.muli %scan3A_56, %mul3A_63 : i32
      %swap3A = arith.index_cast %mul3A_64 : i32 to index
      %swap3A_65 = tpu.vector_load %arg7[%swap3A] {strides = array<i32>} : memref<6400xi32, #tpu.memory_space<vmem>>, vector<16xi32>,
      %swap3A_66 = vector.shape_cast %swap3A_65 : vector<16xi32> to vector<16xi32>
      %swap3A_67 = vector.shape_cast %and3A_62 : vector<16xi32> to vector<16xi32>
      tpu.vector_store %arg7[%swap3A], %swap3A_67 {strides = array<i32>} : memref<6400xi32, #tpu.memory_space<vmem>>, vector<16xi32>,
      %mul3A_68 = arith.constant 16 : i32
      %mul3A_69 = arith.muli %scan3A_56, %mul3A_68 : i32
      %add3A_70 = vector.broadcast %mul3A_69 : i32 to vector<16xi32>
      %add3A_71 = arith.addi %iota3A, %add3A_70 : vector<16xi32>
      %jit3A = arith.constant 200 : i32
      %eq3A_72 = arith.constant 0 : i32
      %eq3A_73 = arith.cmpi eq, %jit3A, %eq3A_72 : i32
      %jit3A_74 = arith.constant 1 : i32
      %select_n3A = arith.select %eq3A_73, %jit3A_74, %jit3A : i32
      %rem3A = vector.broadcast %select_n3A : i32 to vector<16xi32>
      %rem3A_75 = arith.remsi %add3A_71, %rem3A : vector<16xi32>
      %ne3A = arith.constant 0 : i32
      %ne3A_76 = vector.broadcast %ne3A : i32 to vector<16xi32>
      %ne3A_77 = arith.cmpi ne, %rem3A_75, %ne3A_76 : vector<16xi32>
      %lt3A = arith.constant 0 : i32
      %lt3A_78 = vector.broadcast %lt3A : i32 to vector<16xi32>
      %lt3A_79 = arith.cmpi slt, %rem3A_75, %lt3A_78 : vector<16xi32>
      %lt3A_80 = arith.constant 0 : i32
      %lt3A_81 = arith.cmpi slt, %select_n3A, %lt3A_80 : i32
      %ne3A_82 = vector.broadcast %lt3A_81 : i1 to vector<16xi1>
      %ne3A_83 = vector.broadcast %ne3A_82 : vector<16xi1> to vector<16xi1>
      %ne3A_84 = arith.xori %lt3A_79, %ne3A_83 : vector<16xi1>
      %and3A_85 = arith.andi %ne3A_84, %ne3A_77 : vector<16xi1>
      %add3A_86 = vector.broadcast %select_n3A : i32 to vector<16xi32>
      %add3A_87 = arith.addi %rem3A_75, %add3A_86 : vector<16xi32>
      %select_n3A_88 = arith.select %and3A_85, %add3A_87, %rem3A_75 : vector<16xi1>, vector<16xi32>
      %mul3A_89 = arith.constant 3 : i32
      %mul3A_90 = vector.broadcast %mul3A_89 : i32 to vector<16xi32>
      %mul3A_91 = arith.muli %select_n3A_88, %mul3A_90 : vector<16xi32>
      %shift_right_logical3A = arith.constant 17 : i32
      %shift_right_logical3A_92 = vector.broadcast %shift_right_logical3A : i32 to vector<16xi32>
      %shift_right_logical3A_93 = arith.shrui %get3A_60, %shift_right_logical3A_92 : vector<16xi32>
      %add3A_94 = arith.addi %mul3A_91, %shift_right_logical3A_93 : vector<16xi32>
      %mul3A_95 = arith.constant 16 : i32
      %mul3A_96 = arith.muli %scan3A_56, %mul3A_95 : i32
      %swap3A_97 = arith.index_cast %mul3A_96 : i32 to index
      %swap3A_98 = tpu.vector_load %arg8[%swap3A_97] {strides = array<i32>} : memref<6400xi32, #tpu.memory_space<vmem>>, vector<16xi32>,
      %swap3A_99 = vector.shape_cast %swap3A_98 : vector<16xi32> to vector<16xi32>
      %swap3A_100 = vector.shape_cast %add3A_94 : vector<16xi32> to vector<16xi32>
      tpu.vector_store %arg8[%swap3A_97], %swap3A_100 {strides = array<i32>} : memref<6400xi32, #tpu.memory_space<vmem>>, vector<16xi32>,
      %scan3A_101 = arith.constant 1 : i32
      %scan3A_102 = arith.addi %scan3A_56, %scan3A_101 : i32
      %mul3A_103 = arith.constant 16 : i32
      %mul3A_104 = arith.muli %scan3A_102, %mul3A_103 : i32
      %get3A_105 = arith.index_cast %mul3A_104 : i32 to index
      %get3A_106 = tpu.vector_load %arg6[%get3A_105] {strides = array<i32>} : memref<6400xi32, #tpu.memory_space<vmem>>, vector<16xi32>,
      %get3A_107 = vector.shape_cast %get3A_106 : vector<16xi32> to vector<16xi32>
      %and3A_108 = arith.constant 131071 : i32
      %and3A_109 = vector.broadcast %and3A_108 : i32 to vector<16xi32>
      %and3A_110 = arith.andi %get3A_107, %and3A_109 : vector<16xi32>
      %mul3A_111 = arith.constant 16 : i32
      %mul3A_112 = arith.muli %scan3A_102, %mul3A_111 : i32
      %swap3A_113 = arith.index_cast %mul3A_112 : i32 to index
      %swap3A_114 = tpu.vector_load %arg7[%swap3A_113] {strides = array<i32>} : memref<6400xi32, #tpu.memory_space<vmem>>, vector<16xi32>,
      %swap3A_115 = vector.shape_cast %swap3A_114 : vector<16xi32> to vector<16xi32>
      %swap3A_116 = vector.shape_cast %and3A_110 : vector<16xi32> to vector<16xi32>
      tpu.vector_store %arg7[%swap3A_113], %swap3A_116 {strides = array<i32>} : memref<6400xi32, #tpu.memory_space<vmem>>, vector<16xi32>,
      %mul3A_117 = arith.constant 16 : i32
      %mul3A_118 = arith.muli %scan3A_102, %mul3A_117 : i32
      %add3A_119 = vector.broadcast %mul3A_118 : i32 to vector<16xi32>
      %add3A_120 = arith.addi %iota3A, %add3A_119 : vector<16xi32>
      %jit3A_121 = arith.constant 200 : i32
      %eq3A_122 = arith.constant 0 : i32
      %eq3A_123 = arith.cmpi eq, %jit3A_121, %eq3A_122 : i32
      %jit3A_124 = arith.constant 1 : i32
      %select_n3A_125 = arith.select %eq3A_123, %jit3A_124, %jit3A_121 : i32
      %rem3A_126 = vector.broadcast %select_n3A_125 : i32 to vector<16xi32>
      %rem3A_127 = arith.remsi %add3A_120, %rem3A_126 : vector<16xi32>
      %ne3A_128 = arith.constant 0 : i32
      %ne3A_129 = vector.broadcast %ne3A_128 : i32 to vector<16xi32>
      %ne3A_130 = arith.cmpi ne, %rem3A_127, %ne3A_129 : vector<16xi32>
      %lt3A_131 = arith.constant 0 : i32
      %lt3A_132 = vector.broadcast %lt3A_131 : i32 to vector<16xi32>
      %lt3A_133 = arith.cmpi slt, %rem3A_127, %lt3A_132 : vector<16xi32>
      %lt3A_134 = arith.constant 0 : i32
      %lt3A_135 = arith.cmpi slt, %select_n3A_125, %lt3A_134 : i32
      %ne3A_136 = vector.broadcast %lt3A_135 : i1 to vector<16xi1>
      %ne3A_137 = vector.broadcast %ne3A_136 : vector<16xi1> to vector<16xi1>
      %ne3A_138 = arith.xori %lt3A_133, %ne3A_137 : vector<16xi1>
      %and3A_139 = arith.andi %ne3A_138, %ne3A_130 : vector<16xi1>
      %add3A_140 = vector.broadcast %select_n3A_125 : i32 to vector<16xi32>
      %add3A_141 = arith.addi %rem3A_127, %add3A_140 : vector<16xi32>
      %select_n3A_142 = arith.select %and3A_139, %add3A_141, %rem3A_127 : vector<16xi1>, vector<16xi32>
      %mul3A_143 = arith.constant 3 : i32
      %mul3A_144 = vector.broadcast %mul3A_143 : i32 to vector<16xi32>
      %mul3A_145 = arith.muli %select_n3A_142, %mul3A_144 : vector<16xi32>
      %shift_right_logical3A_146 = arith.constant 17 : i32
      %shift_right_logical3A_147 = vector.broadcast %shift_right_logical3A_146 : i32 to vector<16xi32>
      %shift_right_logical3A_148 = arith.shrui %get3A_107, %shift_right_logical3A_147 : vector<16xi32>
      %add3A_149 = arith.addi %mul3A_145, %shift_right_logical3A_148 : vector<16xi32>
      %mul3A_150 = arith.constant 16 : i32
      %mul3A_151 = arith.muli %scan3A_102, %mul3A_150 : i32
      %swap3A_152 = arith.index_cast %mul3A_151 : i32 to index
      %swap3A_153 = tpu.vector_load %arg8[%swap3A_152] {strides = array<i32>} : memref<6400xi32, #tpu.memory_space<vmem>>, vector<16xi32>,
      %swap3A_154 = vector.shape_cast %swap3A_153 : vector<16xi32> to vector<16xi32>
      %swap3A_155 = vector.shape_cast %add3A_149 : vector<16xi32> to vector<16xi32>
      tpu.vector_store %arg8[%swap3A_152], %swap3A_155 {strides = array<i32>} : memref<6400xi32, #tpu.memory_space<vmem>>, vector<16xi32>,
      %scan3A_156 = arith.constant 2 : i32
      %scan3A_157 = arith.addi %scan3A_56, %scan3A_156 : i32
      %mul3A_158 = arith.constant 16 : i32
      %mul3A_159 = arith.muli %scan3A_157, %mul3A_158 : i32
      %get3A_160 = arith.index_cast %mul3A_159 : i32 to index
      %get3A_161 = tpu.vector_load %arg6[%get3A_160] {strides = array<i32>} : memref<6400xi32, #tpu.memory_space<vmem>>, vector<16xi32>,
      %get3A_162 = vector.shape_cast %get3A_161 : vector<16xi32> to vector<16xi32>
      %and3A_163 = arith.constant 131071 : i32
      %and3A_164 = vector.broadcast %and3A_163 : i32 to vector<16xi32>
      %and3A_165 = arith.andi %get3A_162, %and3A_164 : vector<16xi32>
      %mul3A_166 = arith.constant 16 : i32
      %mul3A_167 = arith.muli %scan3A_157, %mul3A_166 : i32
      %swap3A_168 = arith.index_cast %mul3A_167 : i32 to index
      %swap3A_169 = tpu.vector_load %arg7[%swap3A_168] {strides = array<i32>} : memref<6400xi32, #tpu.memory_space<vmem>>, vector<16xi32>,
      %swap3A_170 = vector.shape_cast %swap3A_169 : vector<16xi32> to vector<16xi32>
      %swap3A_171 = vector.shape_cast %and3A_165 : vector<16xi32> to vector<16xi32>
      tpu.vector_store %arg7[%swap3A_168], %swap3A_171 {strides = array<i32>} : memref<6400xi32, #tpu.memory_space<vmem>>, vector<16xi32>,
      %mul3A_172 = arith.constant 16 : i32
      %mul3A_173 = arith.muli %scan3A_157, %mul3A_172 : i32
      %add3A_174 = vector.broadcast %mul3A_173 : i32 to vector<16xi32>
      %add3A_175 = arith.addi %iota3A, %add3A_174 : vector<16xi32>
      %jit3A_176 = arith.constant 200 : i32
      %eq3A_177 = arith.constant 0 : i32
      %eq3A_178 = arith.cmpi eq, %jit3A_176, %eq3A_177 : i32
      %jit3A_179 = arith.constant 1 : i32
      %select_n3A_180 = arith.select %eq3A_178, %jit3A_179, %jit3A_176 : i32
      %rem3A_181 = vector.broadcast %select_n3A_180 : i32 to vector<16xi32>
      %rem3A_182 = arith.remsi %add3A_175, %rem3A_181 : vector<16xi32>
      %ne3A_183 = arith.constant 0 : i32
      %ne3A_184 = vector.broadcast %ne3A_183 : i32 to vector<16xi32>
      %ne3A_185 = arith.cmpi ne, %rem3A_182, %ne3A_184 : vector<16xi32>
      %lt3A_186 = arith.constant 0 : i32
      %lt3A_187 = vector.broadcast %lt3A_186 : i32 to vector<16xi32>
      %lt3A_188 = arith.cmpi slt, %rem3A_182, %lt3A_187 : vector<16xi32>
      %lt3A_189 = arith.constant 0 : i32
      %lt3A_190 = arith.cmpi slt, %select_n3A_180, %lt3A_189 : i32
      %ne3A_191 = vector.broadcast %lt3A_190 : i1 to vector<16xi1>
      %ne3A_192 = vector.broadcast %ne3A_191 : vector<16xi1> to vector<16xi1>
      %ne3A_193 = arith.xori %lt3A_188, %ne3A_192 : vector<16xi1>
      %and3A_194 = arith.andi %ne3A_193, %ne3A_185 : vector<16xi1>
      %add3A_195 = vector.broadcast %select_n3A_180 : i32 to vector<16xi32>
      %add3A_196 = arith.addi %rem3A_182, %add3A_195 : vector<16xi32>
      %select_n3A_197 = arith.select %and3A_194, %add3A_196, %rem3A_182 : vector<16xi1>, vector<16xi32>
      %mul3A_198 = arith.constant 3 : i32
      %mul3A_199 = vector.broadcast %mul3A_198 : i32 to vector<16xi32>
      %mul3A_200 = arith.muli %select_n3A_197, %mul3A_199 : vector<16xi32>
      %shift_right_logical3A_201 = arith.constant 17 : i32
      %shift_right_logical3A_202 = vector.broadcast %shift_right_logical3A_201 : i32 to vector<16xi32>
      %shift_right_logical3A_203 = arith.shrui %get3A_162, %shift_right_logical3A_202 : vector<16xi32>
      %add3A_204 = arith.addi %mul3A_200, %shift_right_logical3A_203 : vector<16xi32>
      %mul3A_205 = arith.constant 16 : i32
      %mul3A_206 = arith.muli %scan3A_157, %mul3A_205 : i32
      %swap3A_207 = arith.index_cast %mul3A_206 : i32 to index
      %swap3A_208 = tpu.vector_load %arg8[%swap3A_207] {strides = array<i32>} : memref<6400xi32, #tpu.memory_space<vmem>>, vector<16xi32>,
      %swap3A_209 = vector.shape_cast %swap3A_208 : vector<16xi32> to vector<16xi32>
      %swap3A_210 = vector.shape_cast %add3A_204 : vector<16xi32> to vector<16xi32>
      tpu.vector_store %arg8[%swap3A_207], %swap3A_210 {strides = array<i32>} : memref<6400xi32, #tpu.memory_space<vmem>>, vector<16xi32>,
      %scan3A_211 = arith.constant 3 : i32
      %scan3A_212 = arith.addi %scan3A_56, %scan3A_211 : i32
      %mul3A_213 = arith.constant 16 : i32
      %mul3A_214 = arith.muli %scan3A_212, %mul3A_213 : i32
      %get3A_215 = arith.index_cast %mul3A_214 : i32 to index
      %get3A_216 = tpu.vector_load %arg6[%get3A_215] {strides = array<i32>} : memref<6400xi32, #tpu.memory_space<vmem>>, vector<16xi32>,
      %get3A_217 = vector.shape_cast %get3A_216 : vector<16xi32> to vector<16xi32>
      %and3A_218 = arith.constant 131071 : i32
      %and3A_219 = vector.broadcast %and3A_218 : i32 to vector<16xi32>
      %and3A_220 = arith.andi %get3A_217, %and3A_219 : vector<16xi32>
      %mul3A_221 = arith.constant 16 : i32
      %mul3A_222 = arith.muli %scan3A_212, %mul3A_221 : i32
      %swap3A_223 = arith.index_cast %mul3A_222 : i32 to index
      %swap3A_224 = tpu.vector_load %arg7[%swap3A_223] {strides = array<i32>} : memref<6400xi32, #tpu.memory_space<vmem>>, vector<16xi32>,
      %swap3A_225 = vector.shape_cast %swap3A_224 : vector<16xi32> to vector<16xi32>
      %swap3A_226 = vector.shape_cast %and3A_220 : vector<16xi32> to vector<16xi32>
      tpu.vector_store %arg7[%swap3A_223], %swap3A_226 {strides = array<i32>} : memref<6400xi32, #tpu.memory_space<vmem>>, vector<16xi32>,
      %mul3A_227 = arith.constant 16 : i32
      %mul3A_228 = arith.muli %scan3A_212, %mul3A_227 : i32
      %add3A_229 = vector.broadcast %mul3A_228 : i32 to vector<16xi32>
      %add3A_230 = arith.addi %iota3A, %add3A_229 : vector<16xi32>
      %jit3A_231 = arith.constant 200 : i32
      %eq3A_232 = arith.constant 0 : i32
      %eq3A_233 = arith.cmpi eq, %jit3A_231, %eq3A_232 : i32
      %jit3A_234 = arith.constant 1 : i32
      %select_n3A_235 = arith.select %eq3A_233, %jit3A_234, %jit3A_231 : i32
      %rem3A_236 = vector.broadcast %select_n3A_235 : i32 to vector<16xi32>
      %rem3A_237 = arith.remsi %add3A_230, %rem3A_236 : vector<16xi32>
      %ne3A_238 = arith.constant 0 : i32
      %ne3A_239 = vector.broadcast %ne3A_238 : i32 to vector<16xi32>
      %ne3A_240 = arith.cmpi ne, %rem3A_237, %ne3A_239 : vector<16xi32>
      %lt3A_241 = arith.constant 0 : i32
      %lt3A_242 = vector.broadcast %lt3A_241 : i32 to vector<16xi32>
      %lt3A_243 = arith.cmpi slt, %rem3A_237, %lt3A_242 : vector<16xi32>
      %lt3A_244 = arith.constant 0 : i32
      %lt3A_245 = arith.cmpi slt, %select_n3A_235, %lt3A_244 : i32
      %ne3A_246 = vector.broadcast %lt3A_245 : i1 to vector<16xi1>
      %ne3A_247 = vector.broadcast %ne3A_246 : vector<16xi1> to vector<16xi1>
      %ne3A_248 = arith.xori %lt3A_243, %ne3A_247 : vector<16xi1>
      %and3A_249 = arith.andi %ne3A_248, %ne3A_240 : vector<16xi1>
      %add3A_250 = vector.broadcast %select_n3A_235 : i32 to vector<16xi32>
      %add3A_251 = arith.addi %rem3A_237, %add3A_250 : vector<16xi32>
      %select_n3A_252 = arith.select %and3A_249, %add3A_251, %rem3A_237 : vector<16xi1>, vector<16xi32>
      %mul3A_253 = arith.constant 3 : i32
      %mul3A_254 = vector.broadcast %mul3A_253 : i32 to vector<16xi32>
      %mul3A_255 = arith.muli %select_n3A_252, %mul3A_254 : vector<16xi32>
      %shift_right_logical3A_256 = arith.constant 17 : i32
      %shift_right_logical3A_257 = vector.broadcast %shift_right_logical3A_256 : i32 to vector<16xi32>
      %shift_right_logical3A_258 = arith.shrui %get3A_217, %shift_right_logical3A_257 : vector<16xi32>
      %add3A_259 = arith.addi %mul3A_255, %shift_right_logical3A_258 : vector<16xi32>
      %mul3A_260 = arith.constant 16 : i32
      %mul3A_261 = arith.muli %scan3A_212, %mul3A_260 : i32
      %swap3A_262 = arith.index_cast %mul3A_261 : i32 to index
      %swap3A_263 = tpu.vector_load %arg8[%swap3A_262] {strides = array<i32>} : memref<6400xi32, #tpu.memory_space<vmem>>, vector<16xi32>,
      %swap3A_264 = vector.shape_cast %swap3A_263 : vector<16xi32> to vector<16xi32>
      %swap3A_265 = vector.shape_cast %add3A_259 : vector<16xi32> to vector<16xi32>
      tpu.vector_store %arg8[%swap3A_262], %swap3A_265 {strides = array<i32>} : memref<6400xi32, #tpu.memory_space<vmem>>, vector<16xi32>,
      %scan3A_266 = arith.constant 4 : i32
      %scan3A_267 = arith.addi %scan3A_56, %scan3A_266 : i32
      %mul3A_268 = arith.constant 16 : i32
      %mul3A_269 = arith.muli %scan3A_267, %mul3A_268 : i32
      %get3A_270 = arith.index_cast %mul3A_269 : i32 to index
      %get3A_271 = tpu.vector_load %arg6[%get3A_270] {strides = array<i32>} : memref<6400xi32, #tpu.memory_space<vmem>>, vector<16xi32>,
      %get3A_272 = vector.shape_cast %get3A_271 : vector<16xi32> to vector<16xi32>
      %and3A_273 = arith.constant 131071 : i32
      %and3A_274 = vector.broadcast %and3A_273 : i32 to vector<16xi32>
      %and3A_275 = arith.andi %get3A_272, %and3A_274 : vector<16xi32>
      %mul3A_276 = arith.constant 16 : i32
      %mul3A_277 = arith.muli %scan3A_267, %mul3A_276 : i32
      %swap3A_278 = arith.index_cast %mul3A_277 : i32 to index
      %swap3A_279 = tpu.vector_load %arg7[%swap3A_278] {strides = array<i32>} : memref<6400xi32, #tpu.memory_space<vmem>>, vector<16xi32>,
      %swap3A_280 = vector.shape_cast %swap3A_279 : vector<16xi32> to vector<16xi32>
      %swap3A_281 = vector.shape_cast %and3A_275 : vector<16xi32> to vector<16xi32>
      tpu.vector_store %arg7[%swap3A_278], %swap3A_281 {strides = array<i32>} : memref<6400xi32, #tpu.memory_space<vmem>>, vector<16xi32>,
      %mul3A_282 = arith.constant 16 : i32
      %mul3A_283 = arith.muli %scan3A_267, %mul3A_282 : i32
      %add3A_284 = vector.broadcast %mul3A_283 : i32 to vector<16xi32>
      %add3A_285 = arith.addi %iota3A, %add3A_284 : vector<16xi32>
      %jit3A_286 = arith.constant 200 : i32
      %eq3A_287 = arith.constant 0 : i32
      %eq3A_288 = arith.cmpi eq, %jit3A_286, %eq3A_287 : i32
      %jit3A_289 = arith.constant 1 : i32
      %select_n3A_290 = arith.select %eq3A_288, %jit3A_289, %jit3A_286 : i32
      %rem3A_291 = vector.broadcast %select_n3A_290 : i32 to vector<16xi32>
      %rem3A_292 = arith.remsi %add3A_285, %rem3A_291 : vector<16xi32>
      %ne3A_293 = arith.constant 0 : i32
      %ne3A_294 = vector.broadcast %ne3A_293 : i32 to vector<16xi32>
      %ne3A_295 = arith.cmpi ne, %rem3A_292, %ne3A_294 : vector<16xi32>
      %lt3A_296 = arith.constant 0 : i32
      %lt3A_297 = vector.broadcast %lt3A_296 : i32 to vector<16xi32>
      %lt3A_298 = arith.cmpi slt, %rem3A_292, %lt3A_297 : vector<16xi32>
      %lt3A_299 = arith.constant 0 : i32
      %lt3A_300 = arith.cmpi slt, %select_n3A_290, %lt3A_299 : i32
      %ne3A_301 = vector.broadcast %lt3A_300 : i1 to vector<16xi1>
      %ne3A_302 = vector.broadcast %ne3A_301 : vector<16xi1> to vector<16xi1>
      %ne3A_303 = arith.xori %lt3A_298, %ne3A_302 : vector<16xi1>
      %and3A_304 = arith.andi %ne3A_303, %ne3A_295 : vector<16xi1>
      %add3A_305 = vector.broadcast %select_n3A_290 : i32 to vector<16xi32>
      %add3A_306 = arith.addi %rem3A_292, %add3A_305 : vector<16xi32>
      %select_n3A_307 = arith.select %and3A_304, %add3A_306, %rem3A_292 : vector<16xi1>, vector<16xi32>
      %mul3A_308 = arith.constant 3 : i32
      %mul3A_309 = vector.broadcast %mul3A_308 : i32 to vector<16xi32>
      %mul3A_310 = arith.muli %select_n3A_307, %mul3A_309 : vector<16xi32>
      %shift_right_logical3A_311 = arith.constant 17 : i32
      %shift_right_logical3A_312 = vector.broadcast %shift_right_logical3A_311 : i32 to vector<16xi32>
      %shift_right_logical3A_313 = arith.shrui %get3A_272, %shift_right_logical3A_312 : vector<16xi32>
      %add3A_314 = arith.addi %mul3A_310, %shift_right_logical3A_313 : vector<16xi32>
      %mul3A_315 = arith.constant 16 : i32
      %mul3A_316 = arith.muli %scan3A_267, %mul3A_315 : i32
      %swap3A_317 = arith.index_cast %mul3A_316 : i32 to index
      %swap3A_318 = tpu.vector_load %arg8[%swap3A_317] {strides = array<i32>} : memref<6400xi32, #tpu.memory_space<vmem>>, vector<16xi32>,
      %swap3A_319 = vector.shape_cast %swap3A_318 : vector<16xi32> to vector<16xi32>
      %swap3A_320 = vector.shape_cast %add3A_314 : vector<16xi32> to vector<16xi32>
      tpu.vector_store %arg8[%swap3A_317], %swap3A_320 {strides = array<i32>} : memref<6400xi32, #tpu.memory_space<vmem>>, vector<16xi32>,
      %scan3A_321 = arith.constant 5 : i32
      %scan3A_322 = arith.addi %scan3A_56, %scan3A_321 : i32
      %mul3A_323 = arith.constant 16 : i32
      %mul3A_324 = arith.muli %scan3A_322, %mul3A_323 : i32
      %get3A_325 = arith.index_cast %mul3A_324 : i32 to index
      %get3A_326 = tpu.vector_load %arg6[%get3A_325] {strides = array<i32>} : memref<6400xi32, #tpu.memory_space<vmem>>, vector<16xi32>,
      %get3A_327 = vector.shape_cast %get3A_326 : vector<16xi32> to vector<16xi32>
      %and3A_328 = arith.constant 131071 : i32
      %and3A_329 = vector.broadcast %and3A_328 : i32 to vector<16xi32>
      %and3A_330 = arith.andi %get3A_327, %and3A_329 : vector<16xi32>
      %mul3A_331 = arith.constant 16 : i32
      %mul3A_332 = arith.muli %scan3A_322, %mul3A_331 : i32
      %swap3A_333 = arith.index_cast %mul3A_332 : i32 to index
      %swap3A_334 = tpu.vector_load %arg7[%swap3A_333] {strides = array<i32>} : memref<6400xi32, #tpu.memory_space<vmem>>, vector<16xi32>,
      %swap3A_335 = vector.shape_cast %swap3A_334 : vector<16xi32> to vector<16xi32>
      %swap3A_336 = vector.shape_cast %and3A_330 : vector<16xi32> to vector<16xi32>
      tpu.vector_store %arg7[%swap3A_333], %swap3A_336 {strides = array<i32>} : memref<6400xi32, #tpu.memory_space<vmem>>, vector<16xi32>,
      %mul3A_337 = arith.constant 16 : i32
      %mul3A_338 = arith.muli %scan3A_322, %mul3A_337 : i32
      %add3A_339 = vector.broadcast %mul3A_338 : i32 to vector<16xi32>
      %add3A_340 = arith.addi %iota3A, %add3A_339 : vector<16xi32>
      %jit3A_341 = arith.constant 200 : i32
      %eq3A_342 = arith.constant 0 : i32
      %eq3A_343 = arith.cmpi eq, %jit3A_341, %eq3A_342 : i32
      %jit3A_344 = arith.constant 1 : i32
      %select_n3A_345 = arith.select %eq3A_343, %jit3A_344, %jit3A_341 : i32
      %rem3A_346 = vector.broadcast %select_n3A_345 : i32 to vector<16xi32>
      %rem3A_347 = arith.remsi %add3A_340, %rem3A_346 : vector<16xi32>
      %ne3A_348 = arith.constant 0 : i32
      %ne3A_349 = vector.broadcast %ne3A_348 : i32 to vector<16xi32>
      %ne3A_350 = arith.cmpi ne, %rem3A_347, %ne3A_349 : vector<16xi32>
      %lt3A_351 = arith.constant 0 : i32
      %lt3A_352 = vector.broadcast %lt3A_351 : i32 to vector<16xi32>
      %lt3A_353 = arith.cmpi slt, %rem3A_347, %lt3A_352 : vector<16xi32>
      %lt3A_354 = arith.constant 0 : i32
      %lt3A_355 = arith.cmpi slt, %select_n3A_345, %lt3A_354 : i32
      %ne3A_356 = vector.broadcast %lt3A_355 : i1 to vector<16xi1>
      %ne3A_357 = vector.broadcast %ne3A_356 : vector<16xi1> to vector<16xi1>
      %ne3A_358 = arith.xori %lt3A_353, %ne3A_357 : vector<16xi1>
      %and3A_359 = arith.andi %ne3A_358, %ne3A_350 : vector<16xi1>
      %add3A_360 = vector.broadcast %select_n3A_345 : i32 to vector<16xi32>
      %add3A_361 = arith.addi %rem3A_347, %add3A_360 : vector<16xi32>
      %select_n3A_362 = arith.select %and3A_359, %add3A_361, %rem3A_347 : vector<16xi1>, vector<16xi32>
      %mul3A_363 = arith.constant 3 : i32
      %mul3A_364 = vector.broadcast %mul3A_363 : i32 to vector<16xi32>
      %mul3A_365 = arith.muli %select_n3A_362, %mul3A_364 : vector<16xi32>
      %shift_right_logical3A_366 = arith.constant 17 : i32
      %shift_right_logical3A_367 = vector.broadcast %shift_right_logical3A_366 : i32 to vector<16xi32>
      %shift_right_logical3A_368 = arith.shrui %get3A_327, %shift_right_logical3A_367 : vector<16xi32>
      %add3A_369 = arith.addi %mul3A_365, %shift_right_logical3A_368 : vector<16xi32>
      %mul3A_370 = arith.constant 16 : i32
      %mul3A_371 = arith.muli %scan3A_322, %mul3A_370 : i32
      %swap3A_372 = arith.index_cast %mul3A_371 : i32 to index
      %swap3A_373 = tpu.vector_load %arg8[%swap3A_372] {strides = array<i32>} : memref<6400xi32, #tpu.memory_space<vmem>>, vector<16xi32>,
      %swap3A_374 = vector.shape_cast %swap3A_373 : vector<16xi32> to vector<16xi32>
      %swap3A_375 = vector.shape_cast %add3A_369 : vector<16xi32> to vector<16xi32>
      tpu.vector_store %arg8[%swap3A_372], %swap3A_375 {strides = array<i32>} : memref<6400xi32, #tpu.memory_space<vmem>>, vector<16xi32>,
      %scan3A_376 = arith.constant 6 : i32
      %scan3A_377 = arith.addi %scan3A_56, %scan3A_376 : i32
      %mul3A_378 = arith.constant 16 : i32
      %mul3A_379 = arith.muli %scan3A_377, %mul3A_378 : i32
      %get3A_380 = arith.index_cast %mul3A_379 : i32 to index
      %get3A_381 = tpu.vector_load %arg6[%get3A_380] {strides = array<i32>} : memref<6400xi32, #tpu.memory_space<vmem>>, vector<16xi32>,
      %get3A_382 = vector.shape_cast %get3A_381 : vector<16xi32> to vector<16xi32>
      %and3A_383 = arith.constant 131071 : i32
      %and3A_384 = vector.broadcast %and3A_383 : i32 to vector<16xi32>
      %and3A_385 = arith.andi %get3A_382, %and3A_384 : vector<16xi32>
      %mul3A_386 = arith.constant 16 : i32
      %mul3A_387 = arith.muli %scan3A_377, %mul3A_386 : i32
      %swap3A_388 = arith.index_cast %mul3A_387 : i32 to index
      %swap3A_389 = tpu.vector_load %arg7[%swap3A_388] {strides = array<i32>} : memref<6400xi32, #tpu.memory_space<vmem>>, vector<16xi32>,
      %swap3A_390 = vector.shape_cast %swap3A_389 : vector<16xi32> to vector<16xi32>
      %swap3A_391 = vector.shape_cast %and3A_385 : vector<16xi32> to vector<16xi32>
      tpu.vector_store %arg7[%swap3A_388], %swap3A_391 {strides = array<i32>} : memref<6400xi32, #tpu.memory_space<vmem>>, vector<16xi32>,
      %mul3A_392 = arith.constant 16 : i32
      %mul3A_393 = arith.muli %scan3A_377, %mul3A_392 : i32
      %add3A_394 = vector.broadcast %mul3A_393 : i32 to vector<16xi32>
      %add3A_395 = arith.addi %iota3A, %add3A_394 : vector<16xi32>
      %jit3A_396 = arith.constant 200 : i32
      %eq3A_397 = arith.constant 0 : i32
      %eq3A_398 = arith.cmpi eq, %jit3A_396, %eq3A_397 : i32
      %jit3A_399 = arith.constant 1 : i32
      %select_n3A_400 = arith.select %eq3A_398, %jit3A_399, %jit3A_396 : i32
      %rem3A_401 = vector.broadcast %select_n3A_400 : i32 to vector<16xi32>
      %rem3A_402 = arith.remsi %add3A_395, %rem3A_401 : vector<16xi32>
      %ne3A_403 = arith.constant 0 : i32
      %ne3A_404 = vector.broadcast %ne3A_403 : i32 to vector<16xi32>
      %ne3A_405 = arith.cmpi ne, %rem3A_402, %ne3A_404 : vector<16xi32>
      %lt3A_406 = arith.constant 0 : i32
      %lt3A_407 = vector.broadcast %lt3A_406 : i32 to vector<16xi32>
      %lt3A_408 = arith.cmpi slt, %rem3A_402, %lt3A_407 : vector<16xi32>
      %lt3A_409 = arith.constant 0 : i32
      %lt3A_410 = arith.cmpi slt, %select_n3A_400, %lt3A_409 : i32
      %ne3A_411 = vector.broadcast %lt3A_410 : i1 to vector<16xi1>
      %ne3A_412 = vector.broadcast %ne3A_411 : vector<16xi1> to vector<16xi1>
      %ne3A_413 = arith.xori %lt3A_408, %ne3A_412 : vector<16xi1>
      %and3A_414 = arith.andi %ne3A_413, %ne3A_405 : vector<16xi1>
      %add3A_415 = vector.broadcast %select_n3A_400 : i32 to vector<16xi32>
      %add3A_416 = arith.addi %rem3A_402, %add3A_415 : vector<16xi32>
      %select_n3A_417 = arith.select %and3A_414, %add3A_416, %rem3A_402 : vector<16xi1>, vector<16xi32>
      %mul3A_418 = arith.constant 3 : i32
      %mul3A_419 = vector.broadcast %mul3A_418 : i32 to vector<16xi32>
      %mul3A_420 = arith.muli %select_n3A_417, %mul3A_419 : vector<16xi32>
      %shift_right_logical3A_421 = arith.constant 17 : i32
      %shift_right_logical3A_422 = vector.broadcast %shift_right_logical3A_421 : i32 to vector<16xi32>
      %shift_right_logical3A_423 = arith.shrui %get3A_382, %shift_right_logical3A_422 : vector<16xi32>
      %add3A_424 = arith.addi %mul3A_420, %shift_right_logical3A_423 : vector<16xi32>
      %mul3A_425 = arith.constant 16 : i32
      %mul3A_426 = arith.muli %scan3A_377, %mul3A_425 : i32
      %swap3A_427 = arith.index_cast %mul3A_426 : i32 to index
      %swap3A_428 = tpu.vector_load %arg8[%swap3A_427] {strides = array<i32>} : memref<6400xi32, #tpu.memory_space<vmem>>, vector<16xi32>,
      %swap3A_429 = vector.shape_cast %swap3A_428 : vector<16xi32> to vector<16xi32>
      %swap3A_430 = vector.shape_cast %add3A_424 : vector<16xi32> to vector<16xi32>
      tpu.vector_store %arg8[%swap3A_427], %swap3A_430 {strides = array<i32>} : memref<6400xi32, #tpu.memory_space<vmem>>, vector<16xi32>,
      %scan3A_431 = arith.constant 7 : i32
      %scan3A_432 = arith.addi %scan3A_56, %scan3A_431 : i32
      %mul3A_433 = arith.constant 16 : i32
      %mul3A_434 = arith.muli %scan3A_432, %mul3A_433 : i32
      %get3A_435 = arith.index_cast %mul3A_434 : i32 to index
      %get3A_436 = tpu.vector_load %arg6[%get3A_435] {strides = array<i32>} : memref<6400xi32, #tpu.memory_space<vmem>>, vector<16xi32>,
      %get3A_437 = vector.shape_cast %get3A_436 : vector<16xi32> to vector<16xi32>
      %and3A_438 = arith.constant 131071 : i32
      %and3A_439 = vector.broadcast %and3A_438 : i32 to vector<16xi32>
      %and3A_440 = arith.andi %get3A_437, %and3A_439 : vector<16xi32>
      %mul3A_441 = arith.constant 16 : i32
      %mul3A_442 = arith.muli %scan3A_432, %mul3A_441 : i32
      %swap3A_443 = arith.index_cast %mul3A_442 : i32 to index
      %swap3A_444 = tpu.vector_load %arg7[%swap3A_443] {strides = array<i32>} : memref<6400xi32, #tpu.memory_space<vmem>>, vector<16xi32>,
      %swap3A_445 = vector.shape_cast %swap3A_444 : vector<16xi32> to vector<16xi32>
      %swap3A_446 = vector.shape_cast %and3A_440 : vector<16xi32> to vector<16xi32>
      tpu.vector_store %arg7[%swap3A_443], %swap3A_446 {strides = array<i32>} : memref<6400xi32, #tpu.memory_space<vmem>>, vector<16xi32>,
      %mul3A_447 = arith.constant 16 : i32
      %mul3A_448 = arith.muli %scan3A_432, %mul3A_447 : i32
      %add3A_449 = vector.broadcast %mul3A_448 : i32 to vector<16xi32>
      %add3A_450 = arith.addi %iota3A, %add3A_449 : vector<16xi32>
      %jit3A_451 = arith.constant 200 : i32
      %eq3A_452 = arith.constant 0 : i32
      %eq3A_453 = arith.cmpi eq, %jit3A_451, %eq3A_452 : i32
      %jit3A_454 = arith.constant 1 : i32
      %select_n3A_455 = arith.select %eq3A_453, %jit3A_454, %jit3A_451 : i32
      %rem3A_456 = vector.broadcast %select_n3A_455 : i32 to vector<16xi32>
      %rem3A_457 = arith.remsi %add3A_450, %rem3A_456 : vector<16xi32>
      %ne3A_458 = arith.constant 0 : i32
      %ne3A_459 = vector.broadcast %ne3A_458 : i32 to vector<16xi32>
      %ne3A_460 = arith.cmpi ne, %rem3A_457, %ne3A_459 : vector<16xi32>
      %lt3A_461 = arith.constant 0 : i32
      %lt3A_462 = vector.broadcast %lt3A_461 : i32 to vector<16xi32>
      %lt3A_463 = arith.cmpi slt, %rem3A_457, %lt3A_462 : vector<16xi32>
      %lt3A_464 = arith.constant 0 : i32
      %lt3A_465 = arith.cmpi slt, %select_n3A_455, %lt3A_464 : i32
      %ne3A_466 = vector.broadcast %lt3A_465 : i1 to vector<16xi1>
      %ne3A_467 = vector.broadcast %ne3A_466 : vector<16xi1> to vector<16xi1>
      %ne3A_468 = arith.xori %lt3A_463, %ne3A_467 : vector<16xi1>
      %and3A_469 = arith.andi %ne3A_468, %ne3A_460 : vector<16xi1>
      %add3A_470 = vector.broadcast %select_n3A_455 : i32 to vector<16xi32>
      %add3A_471 = arith.addi %rem3A_457, %add3A_470 : vector<16xi32>
      %select_n3A_472 = arith.select %and3A_469, %add3A_471, %rem3A_457 : vector<16xi1>, vector<16xi32>
      %mul3A_473 = arith.constant 3 : i32
      %mul3A_474 = vector.broadcast %mul3A_473 : i32 to vector<16xi32>
      %mul3A_475 = arith.muli %select_n3A_472, %mul3A_474 : vector<16xi32>
      %shift_right_logical3A_476 = arith.constant 17 : i32
      %shift_right_logical3A_477 = vector.broadcast %shift_right_logical3A_476 : i32 to vector<16xi32>
      %shift_right_logical3A_478 = arith.shrui %get3A_437, %shift_right_logical3A_477 : vector<16xi32>
      %add3A_479 = arith.addi %mul3A_475, %shift_right_logical3A_478 : vector<16xi32>
      %mul3A_480 = arith.constant 16 : i32
      %mul3A_481 = arith.muli %scan3A_432, %mul3A_480 : i32
      %swap3A_482 = arith.index_cast %mul3A_481 : i32 to index
      %swap3A_483 = tpu.vector_load %arg8[%swap3A_482] {strides = array<i32>} : memref<6400xi32, #tpu.memory_space<vmem>>, vector<16xi32>,
      %swap3A_484 = vector.shape_cast %swap3A_483 : vector<16xi32> to vector<16xi32>
      %swap3A_485 = vector.shape_cast %add3A_479 : vector<16xi32> to vector<16xi32>
      tpu.vector_store %arg8[%swap3A_482], %swap3A_485 {strides = array<i32>} : memref<6400xi32, #tpu.memory_space<vmem>>, vector<16xi32>,
    }
    %scan3A_9 = arith.constant 400 : i32
    %dma_start3A = arith.constant 0 : i32
    %dma_start3A_10 = tpu.memref_slice %arg7[%dma_start3A] : memref<6400xi32, #tpu.memory_space<vmem>> -> memref<64xi32, #tpu.memory_space<vmem>>
    %dma_start3A_11 = arith.constant 0 : i32
    %dma_start3A_12 = arith.constant 0 : i32
    %dma_start3A_13 = tpu.memref_slice %arg2[%dma_start3A_11, %dma_start3A_12] : memref<100000x128xf32, #tpu.memory_space<hbm>> -> memref<100000x128xf32, #tpu.memory_space<hbm>>
    tpu.enqueue_indirect_dma source(%dma_start3A_13 : memref<100000x128xf32, #tpu.memory_space<hbm>>) target(%arg10 : memref<64x128xf32, #tpu.memory_space<vmem>>) offsets(%dma_start3A_10 : memref<64xi32, #tpu.memory_space<vmem>>) semaphore(%arg20 : memref<!tpu.dma_semaphore, #tpu.memory_space<semaphore_mem>>)
    %dma_start3A_14 = arith.constant 64 : i32
    %dma_start3A_15 = tpu.memref_slice %arg7[%dma_start3A_14] : memref<6400xi32, #tpu.memory_space<vmem>> -> memref<64xi32, #tpu.memory_space<vmem>>
    %dma_start3A_16 = arith.constant 0 : i32
    %dma_start3A_17 = arith.constant 0 : i32
    %dma_start3A_18 = tpu.memref_slice %arg2[%dma_start3A_16, %dma_start3A_17] : memref<100000x128xf32, #tpu.memory_space<hbm>> -> memref<100000x128xf32, #tpu.memory_space<hbm>>
    tpu.enqueue_indirect_dma source(%dma_start3A_18 : memref<100000x128xf32, #tpu.memory_space<hbm>>) target(%arg11 : memref<64x128xf32, #tpu.memory_space<vmem>>) offsets(%dma_start3A_15 : memref<64xi32, #tpu.memory_space<vmem>>) semaphore(%arg21 : memref<!tpu.dma_semaphore, #tpu.memory_space<semaphore_mem>>)
    %dma_start3A_19 = arith.constant 128 : i32
    %dma_start3A_20 = tpu.memref_slice %arg7[%dma_start3A_19] : memref<6400xi32, #tpu.memory_space<vmem>> -> memref<64xi32, #tpu.memory_space<vmem>>
    %dma_start3A_21 = arith.constant 0 : i32
    %dma_start3A_22 = arith.constant 0 : i32
    %dma_start3A_23 = tpu.memref_slice %arg2[%dma_start3A_21, %dma_start3A_22] : memref<100000x128xf32, #tpu.memory_space<hbm>> -> memref<100000x128xf32, #tpu.memory_space<hbm>>
    tpu.enqueue_indirect_dma source(%dma_start3A_23 : memref<100000x128xf32, #tpu.memory_space<hbm>>) target(%arg12 : memref<64x128xf32, #tpu.memory_space<vmem>>) offsets(%dma_start3A_20 : memref<64xi32, #tpu.memory_space<vmem>>) semaphore(%arg22 : memref<!tpu.dma_semaphore, #tpu.memory_space<semaphore_mem>>)
    %barrier3A = arith.constant 0 : index
    tpu.barrier barrier_id(%barrier3A)
    %dma_start3A_24 = arith.constant 0 : i32
    %dma_start3A_25 = tpu.memref_slice %arg8[%dma_start3A_24] : memref<6400xi32, #tpu.memory_space<vmem>> -> memref<64xi32, #tpu.memory_space<vmem>>
    %dma_start3A_26 = arith.constant 0 : i32
    %dma_start3A_27 = arith.constant 0 : i32
    %dma_start3A_28 = tpu.memref_slice %arg9[%dma_start3A_26, %dma_start3A_27] : memref<600x128xf32, #tpu.memory_space<vmem_shared>> -> memref<600x128xf32, #tpu.memory_space<vmem_shared>>
    tpu.enqueue_indirect_dma source(%dma_start3A_28 : memref<600x128xf32, #tpu.memory_space<vmem_shared>>) target(%arg15 : memref<64x128xf32, #tpu.memory_space<vmem>>) offsets(%dma_start3A_25 : memref<64xi32, #tpu.memory_space<vmem>>) semaphore(%arg25 : memref<!tpu.dma_semaphore, #tpu.memory_space<semaphore_mem>>)
    %dma_start3A_29 = arith.constant 64 : i32
    %dma_start3A_30 = tpu.memref_slice %arg8[%dma_start3A_29] : memref<6400xi32, #tpu.memory_space<vmem>> -> memref<64xi32, #tpu.memory_space<vmem>>
    %dma_start3A_31 = arith.constant 0 : i32
    %dma_start3A_32 = arith.constant 0 : i32
    %dma_start3A_33 = tpu.memref_slice %arg9[%dma_start3A_31, %dma_start3A_32] : memref<600x128xf32, #tpu.memory_space<vmem_shared>> -> memref<600x128xf32, #tpu.memory_space<vmem_shared>>
    tpu.enqueue_indirect_dma source(%dma_start3A_33 : memref<600x128xf32, #tpu.memory_space<vmem_shared>>) target(%arg16 : memref<64x128xf32, #tpu.memory_space<vmem>>) offsets(%dma_start3A_30 : memref<64xi32, #tpu.memory_space<vmem>>) semaphore(%arg26 : memref<!tpu.dma_semaphore, #tpu.memory_space<semaphore_mem>>)
    %dma_start3A_34 = arith.constant 128 : i32
    %dma_start3A_35 = tpu.memref_slice %arg8[%dma_start3A_34] : memref<6400xi32, #tpu.memory_space<vmem>> -> memref<64xi32, #tpu.memory_space<vmem>>
    %dma_start3A_36 = arith.constant 0 : i32
    %dma_start3A_37 = arith.constant 0 : i32
    %dma_start3A_38 = tpu.memref_slice %arg9[%dma_start3A_36, %dma_start3A_37] : memref<600x128xf32, #tpu.memory_space<vmem_shared>> -> memref<600x128xf32, #tpu.memory_space<vmem_shared>>
    tpu.enqueue_indirect_dma source(%dma_start3A_38 : memref<600x128xf32, #tpu.memory_space<vmem_shared>>) target(%arg17 : memref<64x128xf32, #tpu.memory_space<vmem>>) offsets(%dma_start3A_35 : memref<64xi32, #tpu.memory_space<vmem>>) semaphore(%arg27 : memref<!tpu.dma_semaphore, #tpu.memory_space<semaphore_mem>>)
    %scan3A_39 = arith.constant 0 : i32
    %scan3A_40 = arith.constant 0 : i32
    %scan3A_41 = arith.constant 20 : i32
    %scan3A_42 = arith.addi %scan3A_40, %scan3A_41 : i32
    %scan3A_43 = arith.constant 1 : i32
    scf.for %scan3A_56 = %scan3A_40 to %scan3A_42 step %scan3A_43  : i32 {
      %mul3A_57 = arith.constant 5 : i32
      %mul3A_58 = arith.muli %scan3A_56, %mul3A_57 : i32
      %add3A_59 = arith.constant 0 : i32
      %add3A_60 = arith.addi %mul3A_58, %add3A_59 : i32
      %ge3A = arith.constant 2 : i32
      %ge3A_61 = arith.cmpi sge, %add3A_60, %ge3A : i32
      %convert_element_type3A_62 = arith.extui %ge3A_61 : i1 to i32
      %cond3A_63 = arith.constant 0 : i32
      %cond3A_64 = arith.cmpi ne, %convert_element_type3A_62, %cond3A_63 : i32
      scf.if %cond3A_64 {
        %dma_wait3A_252 = arith.constant 0 : i32
        %dma_wait3A_253 = arith.constant 0 : i32
        %dma_wait3A_254 = tpu.memref_slice %arg5[%dma_wait3A_252, %dma_wait3A_253] : memref<204800x128xf32, #tpu.memory_space<hbm>> -> memref<64x128xf32, #tpu.memory_space<hbm>>
        %dma_wait3A_255 = arith.constant 0 : i32
        %dma_wait3A_256 = arith.constant 0 : i32
        %dma_wait3A_257 = tpu.memref_slice %arg5[%dma_wait3A_255, %dma_wait3A_256] : memref<204800x128xf32, #tpu.memory_space<hbm>> -> memref<64x128xf32, #tpu.memory_space<hbm>>
        tpu.wait_dma2 semaphore(%arg33 : memref<!tpu.dma_semaphore, #tpu.memory_space<semaphore_mem>>) src(%arg13 : memref<64x128xf32, #tpu.memory_space<vmem>>) dst(%dma_wait3A_257 : memref<64x128xf32, #tpu.memory_space<hbm>>)
      } else {
      }
      %add3A_65 = arith.constant 3 : i32
      %add3A_66 = arith.addi %add3A_60, %add3A_65 : i32
      %lt3A = arith.constant 100 : i32
      %lt3A_67 = arith.cmpi slt, %add3A_66, %lt3A : i32
      %convert_element_type3A_68 = arith.extui %lt3A_67 : i1 to i32
      %cond3A_69 = arith.constant 0 : i32
      %cond3A_70 = arith.cmpi ne, %convert_element_type3A_68, %cond3A_69 : i32
      scf.if %cond3A_70 {
        %add3A_252 = arith.constant 3 : i32
        %add3A_253 = arith.addi %add3A_60, %add3A_252 : i32
        %mul3A_254 = arith.constant 64 : i32
        %mul3A_255 = arith.muli %add3A_253, %mul3A_254 : i32
        %dma_start3A_256 = tpu.memref_slice %arg7[%mul3A_255] : memref<6400xi32, #tpu.memory_space<vmem>> -> memref<64xi32, #tpu.memory_space<vmem>>
        %dma_start3A_257 = arith.constant 0 : i32
        %dma_start3A_258 = arith.constant 0 : i32
        %dma_start3A_259 = tpu.memref_slice %arg2[%dma_start3A_257, %dma_start3A_258] : memref<100000x128xf32, #tpu.memory_space<hbm>> -> memref<100000x128xf32, #tpu.memory_space<hbm>>
        tpu.enqueue_indirect_dma source(%dma_start3A_259 : memref<100000x128xf32, #tpu.memory_space<hbm>>) target(%arg13 : memref<64x128xf32, #tpu.memory_space<vmem>>) offsets(%dma_start3A_256 : memref<64xi32, #tpu.memory_space<vmem>>) semaphore(%arg23 : memref<!tpu.dma_semaphore, #tpu.memory_space<semaphore_mem>>)
        %add3A_260 = arith.constant 3 : i32
        %add3A_261 = arith.addi %add3A_60, %add3A_260 : i32
        %mul3A_262 = arith.constant 64 : i32
        %mul3A_263 = arith.muli %add3A_261, %mul3A_262 : i32
        %dma_start3A_264 = tpu.memref_slice %arg8[%mul3A_263] : memref<6400xi32, #tpu.memory_space<vmem>> -> memref<64xi32, #tpu.memory_space<vmem>>
        %dma_start3A_265 = arith.constant 0 : i32
        %dma_start3A_266 = arith.constant 0 : i32
        %dma_start3A_267 = tpu.memref_slice %arg9[%dma_start3A_265, %dma_start3A_266] : memref<600x128xf32, #tpu.memory_space<vmem_shared>> -> memref<600x128xf32, #tpu.memory_space<vmem_shared>>
        tpu.enqueue_indirect_dma source(%dma_start3A_267 : memref<600x128xf32, #tpu.memory_space<vmem_shared>>) target(%arg18 : memref<64x128xf32, #tpu.memory_space<vmem>>) offsets(%dma_start3A_264 : memref<64xi32, #tpu.memory_space<vmem>>) semaphore(%arg28 : memref<!tpu.dma_semaphore, #tpu.memory_space<semaphore_mem>>)
      } else {
      }
      %dma_wait3A_71 = arith.constant 0 : i32
      %dma_wait3A_72 = arith.constant 0 : i32
      %dma_wait3A_73 = tpu.memref_slice %arg2[%dma_wait3A_71, %dma_wait3A_72] : memref<100000x128xf32, #tpu.memory_space<hbm>> -> memref<64x128xf32, #tpu.memory_space<hbm>>
      %dma_wait3A_74 = arith.constant 0 : i32
      %dma_wait3A_75 = arith.constant 0 : i32
      %dma_wait3A_76 = tpu.memref_slice %arg2[%dma_wait3A_74, %dma_wait3A_75] : memref<100000x128xf32, #tpu.memory_space<hbm>> -> memref<64x128xf32, #tpu.memory_space<hbm>>
      tpu.wait_dma2 semaphore(%arg20 : memref<!tpu.dma_semaphore, #tpu.memory_space<semaphore_mem>>) src(%dma_wait3A_76 : memref<64x128xf32, #tpu.memory_space<hbm>>) dst(%arg10 : memref<64x128xf32, #tpu.memory_space<vmem>>)
      %dma_wait3A_77 = arith.constant 0 : i32
      %dma_wait3A_78 = arith.constant 0 : i32
      %dma_wait3A_79 = tpu.memref_slice %arg9[%dma_wait3A_77, %dma_wait3A_78] : memref<600x128xf32, #tpu.memory_space<vmem_shared>> -> memref<64x128xf32, #tpu.memory_space<vmem_shared>>
      %dma_wait3A_80 = arith.constant 0 : i32
      %dma_wait3A_81 = arith.constant 0 : i32
      %dma_wait3A_82 = tpu.memref_slice %arg9[%dma_wait3A_80, %dma_wait3A_81] : memref<600x128xf32, #tpu.memory_space<vmem_shared>> -> memref<64x128xf32, #tpu.memory_space<vmem_shared>>
      tpu.wait_dma2 semaphore(%arg25 : memref<!tpu.dma_semaphore, #tpu.memory_space<semaphore_mem>>) src(%dma_wait3A_82 : memref<64x128xf32, #tpu.memory_space<vmem_shared>>) dst(%arg15 : memref<64x128xf32, #tpu.memory_space<vmem>>)
      %scan3A_83 = arith.constant 0 : i32
      %scan3A_84 = arith.constant 0 : i32
      %scan3A_85 = arith.constant 64 : i32
      %scan3A_86 = arith.addi %scan3A_84, %scan3A_85 : i32
      %scan3A_87 = arith.constant 8 : i32
      scf.for %scan3A_252 = %scan3A_84 to %scan3A_86 step %scan3A_87  : i32 {
        %get3A = arith.index_cast %scan3A_252 : i32 to index
        %get3A_253 = arith.constant 0 : index
        %get3A_254 = tpu.vector_load %arg15[%get3A, %get3A_253] {strides = array<i32>} : memref<64x128xf32, #tpu.memory_space<vmem>>, vector<1x16xf32>,
        %get3A_255 = vector.shape_cast %get3A_254 : vector<1x16xf32> to vector<16xf32>
        %swap3A = arith.index_cast %scan3A_252 : i32 to index
        %swap3A_256 = arith.constant 0 : index
        %swap3A_257 = tpu.vector_load %arg10[%swap3A, %swap3A_256] {strides = array<i32>} : memref<64x128xf32, #tpu.memory_space<vmem>>, vector<1x16xf32>,
        %swap3A_258 = vector.shape_cast %swap3A_257 : vector<1x16xf32> to vector<16xf32>
        %swap3A_259 = vector.shape_cast %get3A_255 : vector<16xf32> to vector<1x16xf32>
        tpu.vector_store %arg10[%swap3A, %swap3A_256], %swap3A_259 {add = true, strides = array<i32>} : memref<64x128xf32, #tpu.memory_space<vmem>>, vector<1x16xf32>,
        %get3A_260 = arith.index_cast %scan3A_252 : i32 to index
        %get3A_261 = arith.constant 16 : index
        %get3A_262 = tpu.vector_load %arg15[%get3A_260, %get3A_261] {strides = array<i32>} : memref<64x128xf32, #tpu.memory_space<vmem>>, vector<1x16xf32>,
        %get3A_263 = vector.shape_cast %get3A_262 : vector<1x16xf32> to vector<16xf32>
        %swap3A_264 = arith.index_cast %scan3A_252 : i32 to index
        %swap3A_265 = arith.constant 16 : index
        %swap3A_266 = tpu.vector_load %arg10[%swap3A_264, %swap3A_265] {strides = array<i32>} : memref<64x128xf32, #tpu.memory_space<vmem>>, vector<1x16xf32>,
        %swap3A_267 = vector.shape_cast %swap3A_266 : vector<1x16xf32> to vector<16xf32>
        %swap3A_268 = vector.shape_cast %get3A_263 : vector<16xf32> to vector<1x16xf32>
        tpu.vector_store %arg10[%swap3A_264, %swap3A_265], %swap3A_268 {add = true, strides = array<i32>} : memref<64x128xf32, #tpu.memory_space<vmem>>, vector<1x16xf32>,
        %get3A_269 = arith.index_cast %scan3A_252 : i32 to index
        %get3A_270 = arith.constant 32 : index
        %get3A_271 = tpu.vector_load %arg15[%get3A_269, %get3A_270] {strides = array<i32>} : memref<64x128xf32, #tpu.memory_space<vmem>>, vector<1x16xf32>,
        %get3A_272 = vector.shape_cast %get3A_271 : vector<1x16xf32> to vector<16xf32>
        %swap3A_273 = arith.index_cast %scan3A_252 : i32 to index
        %swap3A_274 = arith.constant 32 : index
        %swap3A_275 = tpu.vector_load %arg10[%swap3A_273, %swap3A_274] {strides = array<i32>} : memref<64x128xf32, #tpu.memory_space<vmem>>, vector<1x16xf32>,
        %swap3A_276 = vector.shape_cast %swap3A_275 : vector<1x16xf32> to vector<16xf32>
        %swap3A_277 = vector.shape_cast %get3A_272 : vector<16xf32> to vector<1x16xf32>
        tpu.vector_store %arg10[%swap3A_273, %swap3A_274], %swap3A_277 {add = true, strides = array<i32>} : memref<64x128xf32, #tpu.memory_space<vmem>>, vector<1x16xf32>,
        %get3A_278 = arith.index_cast %scan3A_252 : i32 to index
        %get3A_279 = arith.constant 48 : index
        %get3A_280 = tpu.vector_load %arg15[%get3A_278, %get3A_279] {strides = array<i32>} : memref<64x128xf32, #tpu.memory_space<vmem>>, vector<1x16xf32>,
        %get3A_281 = vector.shape_cast %get3A_280 : vector<1x16xf32> to vector<16xf32>
        %swap3A_282 = arith.index_cast %scan3A_252 : i32 to index
        %swap3A_283 = arith.constant 48 : index
        %swap3A_284 = tpu.vector_load %arg10[%swap3A_282, %swap3A_283] {strides = array<i32>} : memref<64x128xf32, #tpu.memory_space<vmem>>, vector<1x16xf32>,
        %swap3A_285 = vector.shape_cast %swap3A_284 : vector<1x16xf32> to vector<16xf32>
        %swap3A_286 = vector.shape_cast %get3A_281 : vector<16xf32> to vector<1x16xf32>
        tpu.vector_store %arg10[%swap3A_282, %swap3A_283], %swap3A_286 {add = true, strides = array<i32>} : memref<64x128xf32, #tpu.memory_space<vmem>>, vector<1x16xf32>,
        %get3A_287 = arith.index_cast %scan3A_252 : i32 to index
        %get3A_288 = arith.constant 64 : index
        %get3A_289 = tpu.vector_load %arg15[%get3A_287, %get3A_288] {strides = array<i32>} : memref<64x128xf32, #tpu.memory_space<vmem>>, vector<1x16xf32>,
        %get3A_290 = vector.shape_cast %get3A_289 : vector<1x16xf32> to vector<16xf32>
        %swap3A_291 = arith.index_cast %scan3A_252 : i32 to index
        %swap3A_292 = arith.constant 64 : index
        %swap3A_293 = tpu.vector_load %arg10[%swap3A_291, %swap3A_292] {strides = array<i32>} : memref<64x128xf32, #tpu.memory_space<vmem>>, vector<1x16xf32>,
        %swap3A_294 = vector.shape_cast %swap3A_293 : vector<1x16xf32> to vector<16xf32>
        %swap3A_295 = vector.shape_cast %get3A_290 : vector<16xf32> to vector<1x16xf32>
        tpu.vector_store %arg10[%swap3A_291, %swap3A_292], %swap3A_295 {add = true, strides = array<i32>} : memref<64x128xf32, #tpu.memory_space<vmem>>, vector<1x16xf32>,
        %get3A_296 = arith.index_cast %scan3A_252 : i32 to index
        %get3A_297 = arith.constant 80 : index
        %get3A_298 = tpu.vector_load %arg15[%get3A_296, %get3A_297] {strides = array<i32>} : memref<64x128xf32, #tpu.memory_space<vmem>>, vector<1x16xf32>,
        %get3A_299 = vector.shape_cast %get3A_298 : vector<1x16xf32> to vector<16xf32>
        %swap3A_300 = arith.index_cast %scan3A_252 : i32 to index
        %swap3A_301 = arith.constant 80 : index
        %swap3A_302 = tpu.vector_load %arg10[%swap3A_300, %swap3A_301] {strides = array<i32>} : memref<64x128xf32, #tpu.memory_space<vmem>>, vector<1x16xf32>,
        %swap3A_303 = vector.shape_cast %swap3A_302 : vector<1x16xf32> to vector<16xf32>
        %swap3A_304 = vector.shape_cast %get3A_299 : vector<16xf32> to vector<1x16xf32>
        tpu.vector_store %arg10[%swap3A_300, %swap3A_301], %swap3A_304 {add = true, strides = array<i32>} : memref<64x128xf32, #tpu.memory_space<vmem>>, vector<1x16xf32>,
        %get3A_305 = arith.index_cast %scan3A_252 : i32 to index
        %get3A_306 = arith.constant 96 : index
        %get3A_307 = tpu.vector_load %arg15[%get3A_305, %get3A_306] {strides = array<i32>} : memref<64x128xf32, #tpu.memory_space<vmem>>, vector<1x16xf32>,
        %get3A_308 = vector.shape_cast %get3A_307 : vector<1x16xf32> to vector<16xf32>
        %swap3A_309 = arith.index_cast %scan3A_252 : i32 to index
        %swap3A_310 = arith.constant 96 : index
        %swap3A_311 = tpu.vector_load %arg10[%swap3A_309, %swap3A_310] {strides = array<i32>} : memref<64x128xf32, #tpu.memory_space<vmem>>, vector<1x16xf32>,
        %swap3A_312 = vector.shape_cast %swap3A_311 : vector<1x16xf32> to vector<16xf32>
        %swap3A_313 = vector.shape_cast %get3A_308 : vector<16xf32> to vector<1x16xf32>
        tpu.vector_store %arg10[%swap3A_309, %swap3A_310], %swap3A_313 {add = true, strides = array<i32>} : memref<64x128xf32, #tpu.memory_space<vmem>>, vector<1x16xf32>,
        %get3A_314 = arith.index_cast %scan3A_252 : i32 to index
        %get3A_315 = arith.constant 112 : index
        %get3A_316 = tpu.vector_load %arg15[%get3A_314, %get3A_315] {strides = array<i32>} : memref<64x128xf32, #tpu.memory_space<vmem>>, vector<1x16xf32>,
        %get3A_317 = vector.shape_cast %get3A_316 : vector<1x16xf32> to vector<16xf32>
        %swap3A_318 = arith.index_cast %scan3A_252 : i32 to index
        %swap3A_319 = arith.constant 112 : index
        %swap3A_320 = tpu.vector_load %arg10[%swap3A_318, %swap3A_319] {strides = array<i32>} : memref<64x128xf32, #tpu.memory_space<vmem>>, vector<1x16xf32>,
        %swap3A_321 = vector.shape_cast %swap3A_320 : vector<1x16xf32> to vector<16xf32>
        %swap3A_322 = vector.shape_cast %get3A_317 : vector<16xf32> to vector<1x16xf32>
        tpu.vector_store %arg10[%swap3A_318, %swap3A_319], %swap3A_322 {add = true, strides = array<i32>} : memref<64x128xf32, #tpu.memory_space<vmem>>, vector<1x16xf32>,
        %scan3A_323 = arith.constant 1 : i32
        %scan3A_324 = arith.addi %scan3A_252, %scan3A_323 : i32
        %get3A_325 = arith.index_cast %scan3A_324 : i32 to index
        %get3A_326 = arith.constant 0 : index
        %get3A_327 = tpu.vector_load %arg15[%get3A_325, %get3A_326] {strides = array<i32>} : memref<64x128xf32, #tpu.memory_space<vmem>>, vector<1x16xf32>,
        %get3A_328 = vector.shape_cast %get3A_327 : vector<1x16xf32> to vector<16xf32>
        %swap3A_329 = arith.index_cast %scan3A_324 : i32 to index
        %swap3A_330 = arith.constant 0 : index
        %swap3A_331 = tpu.vector_load %arg10[%swap3A_329, %swap3A_330] {strides = array<i32>} : memref<64x128xf32, #tpu.memory_space<vmem>>, vector<1x16xf32>,
        %swap3A_332 = vector.shape_cast %swap3A_331 : vector<1x16xf32> to vector<16xf32>
        %swap3A_333 = vector.shape_cast %get3A_328 : vector<16xf32> to vector<1x16xf32>
        tpu.vector_store %arg10[%swap3A_329, %swap3A_330], %swap3A_333 {add = true, strides = array<i32>} : memref<64x128xf32, #tpu.memory_space<vmem>>, vector<1x16xf32>,
        %get3A_334 = arith.index_cast %scan3A_324 : i32 to index
        %get3A_335 = arith.constant 16 : index
        %get3A_336 = tpu.vector_load %arg15[%get3A_334, %get3A_335] {strides = array<i32>} : memref<64x128xf32, #tpu.memory_space<vmem>>, vector<1x16xf32>,
        %get3A_337 = vector.shape_cast %get3A_336 : vector<1x16xf32> to vector<16xf32>
        %swap3A_338 = arith.index_cast %scan3A_324 : i32 to index
        %swap3A_339 = arith.constant 16 : index
        %swap3A_340 = tpu.vector_load %arg10[%swap3A_338, %swap3A_339] {strides = array<i32>} : memref<64x128xf32, #tpu.memory_space<vmem>>, vector<1x16xf32>,
        %swap3A_341 = vector.shape_cast %swap3A_340 : vector<1x16xf32> to vector<16xf32>
        %swap3A_342 = vector.shape_cast %get3A_337 : vector<16xf32> to vector<1x16xf32>
        tpu.vector_store %arg10[%swap3A_338, %swap3A_339], %swap3A_342 {add = true, strides = array<i32>} : memref<64x128xf32, #tpu.memory_space<vmem>>, vector<1x16xf32>,
        %get3A_343 = arith.index_cast %scan3A_324 : i32 to index
        %get3A_344 = arith.constant 32 : index
        %get3A_345 = tpu.vector_load %arg15[%get3A_343, %get3A_344] {strides = array<i32>} : memref<64x128xf32, #tpu.memory_space<vmem>>, vector<1x16xf32>,
        %get3A_346 = vector.shape_cast %get3A_345 : vector<1x16xf32> to vector<16xf32>
        %swap3A_347 = arith.index_cast %scan3A_324 : i32 to index
        %swap3A_348 = arith.constant 32 : index
        %swap3A_349 = tpu.vector_load %arg10[%swap3A_347, %swap3A_348] {strides = array<i32>} : memref<64x128xf32, #tpu.memory_space<vmem>>, vector<1x16xf32>,
        %swap3A_350 = vector.shape_cast %swap3A_349 : vector<1x16xf32> to vector<16xf32>
        %swap3A_351 = vector.shape_cast %get3A_346 : vector<16xf32> to vector<1x16xf32>
        tpu.vector_store %arg10[%swap3A_347, %swap3A_348], %swap3A_351 {add = true, strides = array<i32>} : memref<64x128xf32, #tpu.memory_space<vmem>>, vector<1x16xf32>,
        %get3A_352 = arith.index_cast %scan3A_324 : i32 to index
        %get3A_353 = arith.constant 48 : index
        %get3A_354 = tpu.vector_load %arg15[%get3A_352, %get3A_353] {strides = array<i32>} : memref<64x128xf32, #tpu.memory_space<vmem>>, vector<1x16xf32>,
        %get3A_355 = vector.shape_cast %get3A_354 : vector<1x16xf32> to vector<16xf32>
        %swap3A_356 = arith.index_cast %scan3A_324 : i32 to index
        %swap3A_357 = arith.constant 48 : index
        %swap3A_358 = tpu.vector_load %arg10[%swap3A_356, %swap3A_357] {strides = array<i32>} : memref<64x128xf32, #tpu.memory_space<vmem>>, vector<1x16xf32>,
        %swap3A_359 = vector.shape_cast %swap3A_358 : vector<1x16xf32> to vector<16xf32>
        %swap3A_360 = vector.shape_cast %get3A_355 : vector<16xf32> to vector<1x16xf32>
        tpu.vector_store %arg10[%swap3A_356, %swap3A_357], %swap3A_360 {add = true, strides = array<i32>} : memref<64x128xf32, #tpu.memory_space<vmem>>, vector<1x16xf32>,
        %get3A_361 = arith.index_cast %scan3A_324 : i32 to index
        %get3A_362 = arith.constant 64 : index
        %get3A_363 = tpu.vector_load %arg15[%get3A_361, %get3A_362] {strides = array<i32>} : memref<64x128xf32, #tpu.memory_space<vmem>>, vector<1x16xf32>,
        %get3A_364 = vector.shape_cast %get3A_363 : vector<1x16xf32> to vector<16xf32>
        %swap3A_365 = arith.index_cast %scan3A_324 : i32 to index
        %swap3A_366 = arith.constant 64 : index
        %swap3A_367 = tpu.vector_load %arg10[%swap3A_365, %swap3A_366] {strides = array<i32>} : memref<64x128xf32, #tpu.memory_space<vmem>>, vector<1x16xf32>,
        %swap3A_368 = vector.shape_cast %swap3A_367 : vector<1x16xf32> to vector<16xf32>
        %swap3A_369 = vector.shape_cast %get3A_364 : vector<16xf32> to vector<1x16xf32>
        tpu.vector_store %arg10[%swap3A_365, %swap3A_366], %swap3A_369 {add = true, strides = array<i32>} : memref<64x128xf32, #tpu.memory_space<vmem>>, vector<1x16xf32>,
        %get3A_370 = arith.index_cast %scan3A_324 : i32 to index
        %get3A_371 = arith.constant 80 : index
        %get3A_372 = tpu.vector_load %arg15[%get3A_370, %get3A_371] {strides = array<i32>} : memref<64x128xf32, #tpu.memory_space<vmem>>, vector<1x16xf32>,
        %get3A_373 = vector.shape_cast %get3A_372 : vector<1x16xf32> to vector<16xf32>
        %swap3A_374 = arith.index_cast %scan3A_324 : i32 to index
        %swap3A_375 = arith.constant 80 : index
        %swap3A_376 = tpu.vector_load %arg10[%swap3A_374, %swap3A_375] {strides = array<i32>} : memref<64x128xf32, #tpu.memory_space<vmem>>, vector<1x16xf32>,
        %swap3A_377 = vector.shape_cast %swap3A_376 : vector<1x16xf32> to vector<16xf32>
        %swap3A_378 = vector.shape_cast %get3A_373 : vector<16xf32> to vector<1x16xf32>
        tpu.vector_store %arg10[%swap3A_374, %swap3A_375], %swap3A_378 {add = true, strides = array<i32>} : memref<64x128xf32, #tpu.memory_space<vmem>>, vector<1x16xf32>,
        %get3A_379 = arith.index_cast %scan3A_324 : i32 to index
        %get3A_380 = arith.constant 96 : index
        %get3A_381 = tpu.vector_load %arg15[%get3A_379, %get3A_380] {strides = array<i32>} : memref<64x128xf32, #tpu.memory_space<vmem>>, vector<1x16xf32>,
        %get3A_382 = vector.shape_cast %get3A_381 : vector<1x16xf32> to vector<16xf32>
        %swap3A_383 = arith.index_cast %scan3A_324 : i32 to index
        %swap3A_384 = arith.constant 96 : index
        %swap3A_385 = tpu.vector_load %arg10[%swap3A_383, %swap3A_384] {strides = array<i32>} : memref<64x128xf32, #tpu.memory_space<vmem>>, vector<1x16xf32>,
        %swap3A_386 = vector.shape_cast %swap3A_385 : vector<1x16xf32> to vector<16xf32>
        %swap3A_387 = vector.shape_cast %get3A_382 : vector<16xf32> to vector<1x16xf32>
        tpu.vector_store %arg10[%swap3A_383, %swap3A_384], %swap3A_387 {add = true, strides = array<i32>} : memref<64x128xf32, #tpu.memory_space<vmem>>, vector<1x16xf32>,
        %get3A_388 = arith.index_cast %scan3A_324 : i32 to index
        %get3A_389 = arith.constant 112 : index
        %get3A_390 = tpu.vector_load %arg15[%get3A_388, %get3A_389] {strides = array<i32>} : memref<64x128xf32, #tpu.memory_space<vmem>>, vector<1x16xf32>,
        %get3A_391 = vector.shape_cast %get3A_390 : vector<1x16xf32> to vector<16xf32>
        %swap3A_392 = arith.index_cast %scan3A_324 : i32 to index
        %swap3A_393 = arith.constant 112 : index
        %swap3A_394 = tpu.vector_load %arg10[%swap3A_392, %swap3A_393] {strides = array<i32>} : memref<64x128xf32, #tpu.memory_space<vmem>>, vector<1x16xf32>,
        %swap3A_395 = vector.shape_cast %swap3A_394 : vector<1x16xf32> to vector<16xf32>
        %swap3A_396 = vector.shape_cast %get3A_391 : vector<16xf32> to vector<1x16xf32>
        tpu.vector_store %arg10[%swap3A_392, %swap3A_393], %swap3A_396 {add = true, strides = array<i32>} : memref<64x128xf32, #tpu.memory_space<vmem>>, vector<1x16xf32>,
        %scan3A_397 = arith.constant 2 : i32
        %scan3A_398 = arith.addi %scan3A_252, %scan3A_397 : i32
        %get3A_399 = arith.index_cast %scan3A_398 : i32 to index
        %get3A_400 = arith.constant 0 : index
        %get3A_401 = tpu.vector_load %arg15[%get3A_399, %get3A_400] {strides = array<i32>} : memref<64x128xf32, #tpu.memory_space<vmem>>, vector<1x16xf32>,
        %get3A_402 = vector.shape_cast %get3A_401 : vector<1x16xf32> to vector<16xf32>
        %swap3A_403 = arith.index_cast %scan3A_398 : i32 to index
        %swap3A_404 = arith.constant 0 : index
        %swap3A_405 = tpu.vector_load %arg10[%swap3A_403, %swap3A_404] {strides = array<i32>} : memref<64x128xf32, #tpu.memory_space<vmem>>, vector<1x16xf32>,
        %swap3A_406 = vector.shape_cast %swap3A_405 : vector<1x16xf32> to vector<16xf32>
        %swap3A_407 = vector.shape_cast %get3A_402 : vector<16xf32> to vector<1x16xf32>
        tpu.vector_store %arg10[%swap3A_403, %swap3A_404], %swap3A_407 {add = true, strides = array<i32>} : memref<64x128xf32, #tpu.memory_space<vmem>>, vector<1x16xf32>,
        %get3A_408 = arith.index_cast %scan3A_398 : i32 to index
        %get3A_409 = arith.constant 16 : index
        %get3A_410 = tpu.vector_load %arg15[%get3A_408, %get3A_409] {strides = array<i32>} : memref<64x128xf32, #tpu.memory_space<vmem>>, vector<1x16xf32>,
        %get3A_411 = vector.shape_cast %get3A_410 : vector<1x16xf32> to vector<16xf32>
        %swap3A_412 = arith.index_cast %scan3A_398 : i32 to index
        %swap3A_413 = arith.constant 16 : index
        %swap3A_414 = tpu.vector_load %arg10[%swap3A_412, %swap3A_413] {strides = array<i32>} : memref<64x128xf32, #tpu.memory_space<vmem>>, vector<1x16xf32>,
        %swap3A_415 = vector.shape_cast %swap3A_414 : vector<1x16xf32> to vector<16xf32>
        %swap3A_416 = vector.shape_cast %get3A_411 : vector<16xf32> to vector<1x16xf32>
        tpu.vector_store %arg10[%swap3A_412, %swap3A_413], %swap3A_416 {add = true, strides = array<i32>} : memref<64x128xf32, #tpu.memory_space<vmem>>, vector<1x16xf32>,
        %get3A_417 = arith.index_cast %scan3A_398 : i32 to index
        %get3A_418 = arith.constant 32 : index
        %get3A_419 = tpu.vector_load %arg15[%get3A_417, %get3A_418] {strides = array<i32>} : memref<64x128xf32, #tpu.memory_space<vmem>>, vector<1x16xf32>,
        %get3A_420 = vector.shape_cast %get3A_419 : vector<1x16xf32> to vector<16xf32>
        %swap3A_421 = arith.index_cast %scan3A_398 : i32 to index
        %swap3A_422 = arith.constant 32 : index
        %swap3A_423 = tpu.vector_load %arg10[%swap3A_421, %swap3A_422] {strides = array<i32>} : memref<64x128xf32, #tpu.memory_space<vmem>>, vector<1x16xf32>,
        %swap3A_424 = vector.shape_cast %swap3A_423 : vector<1x16xf32> to vector<16xf32>
        %swap3A_425 = vector.shape_cast %get3A_420 : vector<16xf32> to vector<1x16xf32>
        tpu.vector_store %arg10[%swap3A_421, %swap3A_422], %swap3A_425 {add = true, strides = array<i32>} : memref<64x128xf32, #tpu.memory_space<vmem>>, vector<1x16xf32>,
        %get3A_426 = arith.index_cast %scan3A_398 : i32 to index
        %get3A_427 = arith.constant 48 : index
        %get3A_428 = tpu.vector_load %arg15[%get3A_426, %get3A_427] {strides = array<i32>} : memref<64x128xf32, #tpu.memory_space<vmem>>, vector<1x16xf32>,
        %get3A_429 = vector.shape_cast %get3A_428 : vector<1x16xf32> to vector<16xf32>
        %swap3A_430 = arith.index_cast %scan3A_398 : i32 to index
        %swap3A_431 = arith.constant 48 : index
        %swap3A_432 = tpu.vector_load %arg10[%swap3A_430, %swap3A_431] {strides = array<i32>} : memref<64x128xf32, #tpu.memory_space<vmem>>, vector<1x16xf32>,
        %swap3A_433 = vector.shape_cast %swap3A_432 : vector<1x16xf32> to vector<16xf32>
        %swap3A_434 = vector.shape_cast %get3A_429 : vector<16xf32> to vector<1x16xf32>
        tpu.vector_store %arg10[%swap3A_430, %swap3A_431], %swap3A_434 {add = true, strides = array<i32>} : memref<64x128xf32, #tpu.memory_space<vmem>>, vector<1x16xf32>,
        %get3A_435 = arith.index_cast %scan3A_398 : i32 to index
        %get3A_436 = arith.constant 64 : index
        %get3A_437 = tpu.vector_load %arg15[%get3A_435, %get3A_436] {strides = array<i32>} : memref<64x128xf32, #tpu.memory_space<vmem>>, vector<1x16xf32>,
        %get3A_438 = vector.shape_cast %get3A_437 : vector<1x16xf32> to vector<16xf32>
        %swap3A_439 = arith.index_cast %scan3A_398 : i32 to index
        %swap3A_440 = arith.constant 64 : index
        %swap3A_441 = tpu.vector_load %arg10[%swap3A_439, %swap3A_440] {strides = array<i32>} : memref<64x128xf32, #tpu.memory_space<vmem>>, vector<1x16xf32>,
        %swap3A_442 = vector.shape_cast %swap3A_441 : vector<1x16xf32> to vector<16xf32>
        %swap3A_443 = vector.shape_cast %get3A_438 : vector<16xf32> to vector<1x16xf32>
        tpu.vector_store %arg10[%swap3A_439, %swap3A_440], %swap3A_443 {add = true, strides = array<i32>} : memref<64x128xf32, #tpu.memory_space<vmem>>, vector<1x16xf32>,
        %get3A_444 = arith.index_cast %scan3A_398 : i32 to index
        %get3A_445 = arith.constant 80 : index
        %get3A_446 = tpu.vector_load %arg15[%get3A_444, %get3A_445] {strides = array<i32>} : memref<64x128xf32, #tpu.memory_space<vmem>>, vector<1x16xf32>,
        %get3A_447 = vector.shape_cast %get3A_446 : vector<1x16xf32> to vector<16xf32>
        %swap3A_448 = arith.index_cast %scan3A_398 : i32 to index
        %swap3A_449 = arith.constant 80 : index
        %swap3A_450 = tpu.vector_load %arg10[%swap3A_448, %swap3A_449] {strides = array<i32>} : memref<64x128xf32, #tpu.memory_space<vmem>>, vector<1x16xf32>,
        %swap3A_451 = vector.shape_cast %swap3A_450 : vector<1x16xf32> to vector<16xf32>
        %swap3A_452 = vector.shape_cast %get3A_447 : vector<16xf32> to vector<1x16xf32>
        tpu.vector_store %arg10[%swap3A_448, %swap3A_449], %swap3A_452 {add = true, strides = array<i32>} : memref<64x128xf32, #tpu.memory_space<vmem>>, vector<1x16xf32>,
        %get3A_453 = arith.index_cast %scan3A_398 : i32 to index
        %get3A_454 = arith.constant 96 : index
        %get3A_455 = tpu.vector_load %arg15[%get3A_453, %get3A_454] {strides = array<i32>} : memref<64x128xf32, #tpu.memory_space<vmem>>, vector<1x16xf32>,
        %get3A_456 = vector.shape_cast %get3A_455 : vector<1x16xf32> to vector<16xf32>
        %swap3A_457 = arith.index_cast %scan3A_398 : i32 to index
        %swap3A_458 = arith.constant 96 : index
        %swap3A_459 = tpu.vector_load %arg10[%swap3A_457, %swap3A_458] {strides = array<i32>} : memref<64x128xf32, #tpu.memory_space<vmem>>, vector<1x16xf32>,
        %swap3A_460 = vector.shape_cast %swap3A_459 : vector<1x16xf32> to vector<16xf32>
        %swap3A_461 = vector.shape_cast %get3A_456 : vector<16xf32> to vector<1x16xf32>
        tpu.vector_store %arg10[%swap3A_457, %swap3A_458], %swap3A_461 {add = true, strides = array<i32>} : memref<64x128xf32, #tpu.memory_space<vmem>>, vector<1x16xf32>,
        %get3A_462 = arith.index_cast %scan3A_398 : i32 to index
        %get3A_463 = arith.constant 112 : index
        %get3A_464 = tpu.vector_load %arg15[%get3A_462, %get3A_463] {strides = array<i32>} : memref<64x128xf32, #tpu.memory_space<vmem>>, vector<1x16xf32>,
        %get3A_465 = vector.shape_cast %get3A_464 : vector<1x16xf32> to vector<16xf32>
        %swap3A_466 = arith.index_cast %scan3A_398 : i32 to index
        %swap3A_467 = arith.constant 112 : index
        %swap3A_468 = tpu.vector_load %arg10[%swap3A_466, %swap3A_467] {strides = array<i32>} : memref<64x128xf32, #tpu.memory_space<vmem>>, vector<1x16xf32>,
        %swap3A_469 = vector.shape_cast %swap3A_468 : vector<1x16xf32> to vector<16xf32>
        %swap3A_470 = vector.shape_cast %get3A_465 : vector<16xf32> to vector<1x16xf32>
        tpu.vector_store %arg10[%swap3A_466, %swap3A_467], %swap3A_470 {add = true, strides = array<i32>} : memref<64x128xf32, #tpu.memory_space<vmem>>, vector<1x16xf32>,
        %scan3A_471 = arith.constant 3 : i32
        %scan3A_472 = arith.addi %scan3A_252, %scan3A_471 : i32
        %get3A_473 = arith.index_cast %scan3A_472 : i32 to index
        %get3A_474 = arith.constant 0 : index
        %get3A_475 = tpu.vector_load %arg15[%get3A_473, %get3A_474] {strides = array<i32>} : memref<64x128xf32, #tpu.memory_space<vmem>>, vector<1x16xf32>,
        %get3A_476 = vector.shape_cast %get3A_475 : vector<1x16xf32> to vector<16xf32>
        %swap3A_477 = arith.index_cast %scan3A_472 : i32 to index
        %swap3A_478 = arith.constant 0 : index
        %swap3A_479 = tpu.vector_load %arg10[%swap3A_477, %swap3A_478] {strides = array<i32>} : memref<64x128xf32, #tpu.memory_space<vmem>>, vector<1x16xf32>,
        %swap3A_480 = vector.shape_cast %swap3A_479 : vector<1x16xf32> to vector<16xf32>
        %swap3A_481 = vector.shape_cast %get3A_476 : vector<16xf32> to vector<1x16xf32>
        tpu.vector_store %arg10[%swap3A_477, %swap3A_478], %swap3A_481 {add = true, strides = array<i32>} : memref<64x128xf32, #tpu.memory_space<vmem>>, vector<1x16xf32>,
        %get3A_482 = arith.index_cast %scan3A_472 : i32 to index
        %get3A_483 = arith.constant 16 : index
        %get3A_484 = tpu.vector_load %arg15[%get3A_482, %get3A_483] {strides = array<i32>} : memref<64x128xf32, #tpu.memory_space<vmem>>, vector<1x16xf32>,
        %get3A_485 = vector.shape_cast %get3A_484 : vector<1x16xf32> to vector<16xf32>
        %swap3A_486 = arith.index_cast %scan3A_472 : i32 to index
        %swap3A_487 = arith.constant 16 : index
        %swap3A_488 = tpu.vector_load %arg10[%swap3A_486, %swap3A_487] {strides = array<i32>} : memref<64x128xf32, #tpu.memory_space<vmem>>, vector<1x16xf32>,
        %swap3A_489 = vector.shape_cast %swap3A_488 : vector<1x16xf32> to vector<16xf32>
        %swap3A_490 = vector.shape_cast %get3A_485 : vector<16xf32> to vector<1x16xf32>
        tpu.vector_store %arg10[%swap3A_486, %swap3A_487], %swap3A_490 {add = true, strides = array<i32>} : memref<64x128xf32, #tpu.memory_space<vmem>>, vector<1x16xf32>,
        %get3A_491 = arith.index_cast %scan3A_472 : i32 to index
        %get3A_492 = arith.constant 32 : index
        %get3A_493 = tpu.vector_load %arg15[%get3A_491, %get3A_492] {strides = array<i32>} : memref<64x128xf32, #tpu.memory_space<vmem>>, vector<1x16xf32>,
        %get3A_494 = vector.shape_cast %get3A_493 : vector<1x16xf32> to vector<16xf32>
        %swap3A_495 = arith.index_cast %scan3A_472 : i32 to index
        %swap3A_496 = arith.constant 32 : index
        %swap3A_497 = tpu.vector_load %arg10[%swap3A_495, %swap3A_496] {strides = array<i32>} : memref<64x128xf32, #tpu.memory_space<vmem>>, vector<1x16xf32>,
        %swap3A_498 = vector.shape_cast %swap3A_497 : vector<1x16xf32> to vector<16xf32>
        %swap3A_499 = vector.shape_cast %get3A_494 : vector<16xf32> to vector<1x16xf32>
        tpu.vector_store %arg10[%swap3A_495, %swap3A_496], %swap3A_499 {add = true, strides = array<i32>} : memref<64x128xf32, #tpu.memory_space<vmem>>, vector<1x16xf32>,
        %get3A_500 = arith.index_cast %scan3A_472 : i32 to index
        %get3A_501 = arith.constant 48 : index
        %get3A_502 = tpu.vector_load %arg15[%get3A_500, %get3A_501] {strides = array<i32>} : memref<64x128xf32, #tpu.memory_space<vmem>>, vector<1x16xf32>,
        %get3A_503 = vector.shape_cast %get3A_502 : vector<1x16xf32> to vector<16xf32>
        %swap3A_504 = arith.index_cast %scan3A_472 : i32 to index
        %swap3A_505 = arith.constant 48 : index
        %swap3A_506 = tpu.vector_load %arg10[%swap3A_504, %swap3A_505] {strides = array<i32>} : memref<64x128xf32, #tpu.memory_space<vmem>>, vector<1x16xf32>,
        %swap3A_507 = vector.shape_cast %swap3A_506 : vector<1x16xf32> to vector<16xf32>
        %swap3A_508 = vector.shape_cast %get3A_503 : vector<16xf32> to vector<1x16xf32>
        tpu.vector_store %arg10[%swap3A_504, %swap3A_505], %swap3A_508 {add = true, strides = array<i32>} : memref<64x128xf32, #tpu.memory_space<vmem>>, vector<1x16xf32>,
        %get3A_509 = arith.index_cast %scan3A_472 : i32 to index
        %get3A_510 = arith.constant 64 : index
        %get3A_511 = tpu.vector_load %arg15[%get3A_509, %get3A_510] {strides = array<i32>} : memref<64x128xf32, #tpu.memory_space<vmem>>, vector<1x16xf32>,
        %get3A_512 = vector.shape_cast %get3A_511 : vector<1x16xf32> to vector<16xf32>
        %swap3A_513 = arith.index_cast %scan3A_472 : i32 to index
        %swap3A_514 = arith.constant 64 : index
        %swap3A_515 = tpu.vector_load %arg10[%swap3A_513, %swap3A_514] {strides = array<i32>} : memref<64x128xf32, #tpu.memory_space<vmem>>, vector<1x16xf32>,
        %swap3A_516 = vector.shape_cast %swap3A_515 : vector<1x16xf32> to vector<16xf32>
        %swap3A_517 = vector.shape_cast %get3A_512 : vector<16xf32> to vector<1x16xf32>
        tpu.vector_store %arg10[%swap3A_513, %swap3A_514], %swap3A_517 {add = true, strides = array<i32>} : memref<64x128xf32, #tpu.memory_space<vmem>>, vector<1x16xf32>,
        %get3A_518 = arith.index_cast %scan3A_472 : i32 to index
        %get3A_519 = arith.constant 80 : index
        %get3A_520 = tpu.vector_load %arg15[%get3A_518, %get3A_519] {strides = array<i32>} : memref<64x128xf32, #tpu.memory_space<vmem>>, vector<1x16xf32>,
        %get3A_521 = vector.shape_cast %get3A_520 : vector<1x16xf32> to vector<16xf32>
        %swap3A_522 = arith.index_cast %scan3A_472 : i32 to index
        %swap3A_523 = arith.constant 80 : index
        %swap3A_524 = tpu.vector_load %arg10[%swap3A_522, %swap3A_523] {strides = array<i32>} : memref<64x128xf32, #tpu.memory_space<vmem>>, vector<1x16xf32>,
        %swap3A_525 = vector.shape_cast %swap3A_524 : vector<1x16xf32> to vector<16xf32>
        %swap3A_526 = vector.shape_cast %get3A_521 : vector<16xf32> to vector<1x16xf32>
        tpu.vector_store %arg10[%swap3A_522, %swap3A_523], %swap3A_526 {add = true, strides = array<i32>} : memref<64x128xf32, #tpu.memory_space<vmem>>, vector<1x16xf32>,
        %get3A_527 = arith.index_cast %scan3A_472 : i32 to index
        %get3A_528 = arith.constant 96 : index
        %get3A_529 = tpu.vector_load %arg15[%get3A_527, %get3A_528] {strides = array<i32>} : memref<64x128xf32, #tpu.memory_space<vmem>>, vector<1x16xf32>,
        %get3A_530 = vector.shape_cast %get3A_529 : vector<1x16xf32> to vector<16xf32>
        %swap3A_531 = arith.index_cast %scan3A_472 : i32 to index
        %swap3A_532 = arith.constant 96 : index
        %swap3A_533 = tpu.vector_load %arg10[%swap3A_531, %swap3A_532] {strides = array<i32>} : memref<64x128xf32, #tpu.memory_space<vmem>>, vector<1x16xf32>,
        %swap3A_534 = vector.shape_cast %swap3A_533 : vector<1x16xf32> to vector<16xf32>
        %swap3A_535 = vector.shape_cast %get3A_530 : vector<16xf32> to vector<1x16xf32>
        tpu.vector_store %arg10[%swap3A_531, %swap3A_532], %swap3A_535 {add = true, strides = array<i32>} : memref<64x128xf32, #tpu.memory_space<vmem>>, vector<1x16xf32>,
        %get3A_536 = arith.index_cast %scan3A_472 : i32 to index
        %get3A_537 = arith.constant 112 : index
        %get3A_538 = tpu.vector_load %arg15[%get3A_536, %get3A_537] {strides = array<i32>} : memref<64x128xf32, #tpu.memory_space<vmem>>, vector<1x16xf32>,
        %get3A_539 = vector.shape_cast %get3A_538 : vector<1x16xf32> to vector<16xf32>
        %swap3A_540 = arith.index_cast %scan3A_472 : i32 to index
        %swap3A_541 = arith.constant 112 : index
        %swap3A_542 = tpu.vector_load %arg10[%swap3A_540, %swap3A_541] {strides = array<i32>} : memref<64x128xf32, #tpu.memory_space<vmem>>, vector<1x16xf32>,
        %swap3A_543 = vector.shape_cast %swap3A_542 : vector<1x16xf32> to vector<16xf32>
        %swap3A_544 = vector.shape_cast %get3A_539 : vector<16xf32> to vector<1x16xf32>
        tpu.vector_store %arg10[%swap3A_540, %swap3A_541], %swap3A_544 {add = true, strides = array<i32>} : memref<64x128xf32, #tpu.memory_space<vmem>>, vector<1x16xf32>,
        %scan3A_545 = arith.constant 4 : i32
        %scan3A_546 = arith.addi %scan3A_252, %scan3A_545 : i32
        %get3A_547 = arith.index_cast %scan3A_546 : i32 to index
        %get3A_548 = arith.constant 0 : index
        %get3A_549 = tpu.vector_load %arg15[%get3A_547, %get3A_548] {strides = array<i32>} : memref<64x128xf32, #tpu.memory_space<vmem>>, vector<1x16xf32>,
        %get3A_550 = vector.shape_cast %get3A_549 : vector<1x16xf32> to vector<16xf32>
        %swap3A_551 = arith.index_cast %scan3A_546 : i32 to index
        %swap3A_552 = arith.constant 0 : index
        %swap3A_553 = tpu.vector_load %arg10[%swap3A_551, %swap3A_552] {strides = array<i32>} : memref<64x128xf32, #tpu.memory_space<vmem>>, vector<1x16xf32>,
        %swap3A_554 = vector.shape_cast %swap3A_553 : vector<1x16xf32> to vector<16xf32>
        %swap3A_555 = vector.shape_cast %get3A_550 : vector<16xf32> to vector<1x16xf32>
        tpu.vector_store %arg10[%swap3A_551, %swap3A_552], %swap3A_555 {add = true, strides = array<i32>} : memref<64x128xf32, #tpu.memory_space<vmem>>, vector<1x16xf32>,
        %get3A_556 = arith.index_cast %scan3A_546 : i32 to index
        %get3A_557 = arith.constant 16 : index
        %get3A_558 = tpu.vector_load %arg15[%get3A_556, %get3A_557] {strides = array<i32>} : memref<64x128xf32, #tpu.memory_space<vmem>>, vector<1x16xf32>,
        %get3A_559 = vector.shape_cast %get3A_558 : vector<1x16xf32> to vector<16xf32>
        %swap3A_560 = arith.index_cast %scan3A_546 : i32 to index
        %swap3A_561 = arith.constant 16 : index
        %swap3A_562 = tpu.vector_load %arg10[%swap3A_560, %swap3A_561] {strides = array<i32>} : memref<64x128xf32, #tpu.memory_space<vmem>>, vector<1x16xf32>,
        %swap3A_563 = vector.shape_cast %swap3A_562 : vector<1x16xf32> to vector<16xf32>
        %swap3A_564 = vector.shape_cast %get3A_559 : vector<16xf32> to vector<1x16xf32>
        tpu.vector_store %arg10[%swap3A_560, %swap3A_561], %swap3A_564 {add = true, strides = array<i32>} : memref<64x128xf32, #tpu.memory_space<vmem>>, vector<1x16xf32>,
        %get3A_565 = arith.index_cast %scan3A_546 : i32 to index
        %get3A_566 = arith.constant 32 : index
        %get3A_567 = tpu.vector_load %arg15[%get3A_565, %get3A_566] {strides = array<i32>} : memref<64x128xf32, #tpu.memory_space<vmem>>, vector<1x16xf32>,
        %get3A_568 = vector.shape_cast %get3A_567 : vector<1x16xf32> to vector<16xf32>
        %swap3A_569 = arith.index_cast %scan3A_546 : i32 to index
        %swap3A_570 = arith.constant 32 : index
        %swap3A_571 = tpu.vector_load %arg10[%swap3A_569, %swap3A_570] {strides = array<i32>} : memref<64x128xf32, #tpu.memory_space<vmem>>, vector<1x16xf32>,
        %swap3A_572 = vector.shape_cast %swap3A_571 : vector<1x16xf32> to vector<16xf32>
        %swap3A_573 = vector.shape_cast %get3A_568 : vector<16xf32> to vector<1x16xf32>
        tpu.vector_store %arg10[%swap3A_569, %swap3A_570], %swap3A_573 {add = true, strides = array<i32>} : memref<64x128xf32, #tpu.memory_space<vmem>>, vector<1x16xf32>,
        %get3A_574 = arith.index_cast %scan3A_546 : i32 to index
        %get3A_575 = arith.constant 48 : index
        %get3A_576 = tpu.vector_load %arg15[%get3A_574, %get3A_575] {strides = array<i32>} : memref<64x128xf32, #tpu.memory_space<vmem>>, vector<1x16xf32>,
        %get3A_577 = vector.shape_cast %get3A_576 : vector<1x16xf32> to vector<16xf32>
        %swap3A_578 = arith.index_cast %scan3A_546 : i32 to index
        %swap3A_579 = arith.constant 48 : index
        %swap3A_580 = tpu.vector_load %arg10[%swap3A_578, %swap3A_579] {strides = array<i32>} : memref<64x128xf32, #tpu.memory_space<vmem>>, vector<1x16xf32>,
        %swap3A_581 = vector.shape_cast %swap3A_580 : vector<1x16xf32> to vector<16xf32>
        %swap3A_582 = vector.shape_cast %get3A_577 : vector<16xf32> to vector<1x16xf32>
        tpu.vector_store %arg10[%swap3A_578, %swap3A_579], %swap3A_582 {add = true, strides = array<i32>} : memref<64x128xf32, #tpu.memory_space<vmem>>, vector<1x16xf32>,
        %get3A_583 = arith.index_cast %scan3A_546 : i32 to index
        %get3A_584 = arith.constant 64 : index
        %get3A_585 = tpu.vector_load %arg15[%get3A_583, %get3A_584] {strides = array<i32>} : memref<64x128xf32, #tpu.memory_space<vmem>>, vector<1x16xf32>,
        %get3A_586 = vector.shape_cast %get3A_585 : vector<1x16xf32> to vector<16xf32>
        %swap3A_587 = arith.index_cast %scan3A_546 : i32 to index
        %swap3A_588 = arith.constant 64 : index
        %swap3A_589 = tpu.vector_load %arg10[%swap3A_587, %swap3A_588] {strides = array<i32>} : memref<64x128xf32, #tpu.memory_space<vmem>>, vector<1x16xf32>,
        %swap3A_590 = vector.shape_cast %swap3A_589 : vector<1x16xf32> to vector<16xf32>
        %swap3A_591 = vector.shape_cast %get3A_586 : vector<16xf32> to vector<1x16xf32>
        tpu.vector_store %arg10[%swap3A_587, %swap3A_588], %swap3A_591 {add = true, strides = array<i32>} : memref<64x128xf32, #tpu.memory_space<vmem>>, vector<1x16xf32>,
        %get3A_592 = arith.index_cast %scan3A_546 : i32 to index
        %get3A_593 = arith.constant 80 : index
        %get3A_594 = tpu.vector_load %arg15[%get3A_592, %get3A_593] {strides = array<i32>} : memref<64x128xf32, #tpu.memory_space<vmem>>, vector<1x16xf32>,
        %get3A_595 = vector.shape_cast %get3A_594 : vector<1x16xf32> to vector<16xf32>
        %swap3A_596 = arith.index_cast %scan3A_546 : i32 to index
        %swap3A_597 = arith.constant 80 : index
        %swap3A_598 = tpu.vector_load %arg10[%swap3A_596, %swap3A_597] {strides = array<i32>} : memref<64x128xf32, #tpu.memory_space<vmem>>, vector<1x16xf32>,
        %swap3A_599 = vector.shape_cast %swap3A_598 : vector<1x16xf32> to vector<16xf32>
        %swap3A_600 = vector.shape_cast %get3A_595 : vector<16xf32> to vector<1x16xf32>
        tpu.vector_store %arg10[%swap3A_596, %swap3A_597], %swap3A_600 {add = true, strides = array<i32>} : memref<64x128xf32, #tpu.memory_space<vmem>>, vector<1x16xf32>,
        %get3A_601 = arith.index_cast %scan3A_546 : i32 to index
        %get3A_602 = arith.constant 96 : index
        %get3A_603 = tpu.vector_load %arg15[%get3A_601, %get3A_602] {strides = array<i32>} : memref<64x128xf32, #tpu.memory_space<vmem>>, vector<1x16xf32>,
        %get3A_604 = vector.shape_cast %get3A_603 : vector<1x16xf32> to vector<16xf32>
        %swap3A_605 = arith.index_cast %scan3A_546 : i32 to index
        %swap3A_606 = arith.constant 96 : index
        %swap3A_607 = tpu.vector_load %arg10[%swap3A_605, %swap3A_606] {strides = array<i32>} : memref<64x128xf32, #tpu.memory_space<vmem>>, vector<1x16xf32>,
        %swap3A_608 = vector.shape_cast %swap3A_607 : vector<1x16xf32> to vector<16xf32>
        %swap3A_609 = vector.shape_cast %get3A_604 : vector<16xf32> to vector<1x16xf32>
        tpu.vector_store %arg10[%swap3A_605, %swap3A_606], %swap3A_609 {add = true, strides = array<i32>} : memref<64x128xf32, #tpu.memory_space<vmem>>, vector<1x16xf32>,
        %get3A_610 = arith.index_cast %scan3A_546 : i32 to index
        %get3A_611 = arith.constant 112 : index
        %get3A_612 = tpu.vector_load %arg15[%get3A_610, %get3A_611] {strides = array<i32>} : memref<64x128xf32, #tpu.memory_space<vmem>>, vector<1x16xf32>,
        %get3A_613 = vector.shape_cast %get3A_612 : vector<1x16xf32> to vector<16xf32>
        %swap3A_614 = arith.index_cast %scan3A_546 : i32 to index
        %swap3A_615 = arith.constant 112 : index
        %swap3A_616 = tpu.vector_load %arg10[%swap3A_614, %swap3A_615] {strides = array<i32>} : memref<64x128xf32, #tpu.memory_space<vmem>>, vector<1x16xf32>,
        %swap3A_617 = vector.shape_cast %swap3A_616 : vector<1x16xf32> to vector<16xf32>
        %swap3A_618 = vector.shape_cast %get3A_613 : vector<16xf32> to vector<1x16xf32>
        tpu.vector_store %arg10[%swap3A_614, %swap3A_615], %swap3A_618 {add = true, strides = array<i32>} : memref<64x128xf32, #tpu.memory_space<vmem>>, vector<1x16xf32>,
        %scan3A_619 = arith.constant 5 : i32
        %scan3A_620 = arith.addi %scan3A_252, %scan3A_619 : i32
        %get3A_621 = arith.index_cast %scan3A_620 : i32 to index
        %get3A_622 = arith.constant 0 : index
        %get3A_623 = tpu.vector_load %arg15[%get3A_621, %get3A_622] {strides = array<i32>} : memref<64x128xf32, #tpu.memory_space<vmem>>, vector<1x16xf32>,
        %get3A_624 = vector.shape_cast %get3A_623 : vector<1x16xf32> to vector<16xf32>
        %swap3A_625 = arith.index_cast %scan3A_620 : i32 to index
        %swap3A_626 = arith.constant 0 : index
        %swap3A_627 = tpu.vector_load %arg10[%swap3A_625, %swap3A_626] {strides = array<i32>} : memref<64x128xf32, #tpu.memory_space<vmem>>, vector<1x16xf32>,
        %swap3A_628 = vector.shape_cast %swap3A_627 : vector<1x16xf32> to vector<16xf32>
        %swap3A_629 = vector.shape_cast %get3A_624 : vector<16xf32> to vector<1x16xf32>
        tpu.vector_store %arg10[%swap3A_625, %swap3A_626], %swap3A_629 {add = true, strides = array<i32>} : memref<64x128xf32, #tpu.memory_space<vmem>>, vector<1x16xf32>,
        %get3A_630 = arith.index_cast %scan3A_620 : i32 to index
        %get3A_631 = arith.constant 16 : index
        %get3A_632 = tpu.vector_load %arg15[%get3A_630, %get3A_631] {strides = array<i32>} : memref<64x128xf32, #tpu.memory_space<vmem>>, vector<1x16xf32>,
        %get3A_633 = vector.shape_cast %get3A_632 : vector<1x16xf32> to vector<16xf32>
        %swap3A_634 = arith.index_cast %scan3A_620 : i32 to index
        %swap3A_635 = arith.constant 16 : index
        %swap3A_636 = tpu.vector_load %arg10[%swap3A_634, %swap3A_635] {strides = array<i32>} : memref<64x128xf32, #tpu.memory_space<vmem>>, vector<1x16xf32>,
        %swap3A_637 = vector.shape_cast %swap3A_636 : vector<1x16xf32> to vector<16xf32>
        %swap3A_638 = vector.shape_cast %get3A_633 : vector<16xf32> to vector<1x16xf32>
        tpu.vector_store %arg10[%swap3A_634, %swap3A_635], %swap3A_638 {add = true, strides = array<i32>} : memref<64x128xf32, #tpu.memory_space<vmem>>, vector<1x16xf32>,
        %get3A_639 = arith.index_cast %scan3A_620 : i32 to index
        %get3A_640 = arith.constant 32 : index
        %get3A_641 = tpu.vector_load %arg15[%get3A_639, %get3A_640] {strides = array<i32>} : memref<64x128xf32, #tpu.memory_space<vmem>>, vector<1x16xf32>,
        %get3A_642 = vector.shape_cast %get3A_641 : vector<1x16xf32> to vector<16xf32>
        %swap3A_643 = arith.index_cast %scan3A_620 : i32 to index
        %swap3A_644 = arith.constant 32 : index
        %swap3A_645 = tpu.vector_load %arg10[%swap3A_643, %swap3A_644] {strides = array<i32>} : memref<64x128xf32, #tpu.memory_space<vmem>>, vector<1x16xf32>,
        %swap3A_646 = vector.shape_cast %swap3A_645 : vector<1x16xf32> to vector<16xf32>
        %swap3A_647 = vector.shape_cast %get3A_642 : vector<16xf32> to vector<1x16xf32>
        tpu.vector_store %arg10[%swap3A_643, %swap3A_644], %swap3A_647 {add = true, strides = array<i32>} : memref<64x128xf32, #tpu.memory_space<vmem>>, vector<1x16xf32>,
        %get3A_648 = arith.index_cast %scan3A_620 : i32 to index
        %get3A_649 = arith.constant 48 : index
        %get3A_650 = tpu.vector_load %arg15[%get3A_648, %get3A_649] {strides = array<i32>} : memref<64x128xf32, #tpu.memory_space<vmem>>, vector<1x16xf32>,
        %get3A_651 = vector.shape_cast %get3A_650 : vector<1x16xf32> to vector<16xf32>
        %swap3A_652 = arith.index_cast %scan3A_620 : i32 to index
        %swap3A_653 = arith.constant 48 : index
        %swap3A_654 = tpu.vector_load %arg10[%swap3A_652, %swap3A_653] {strides = array<i32>} : memref<64x128xf32, #tpu.memory_space<vmem>>, vector<1x16xf32>,
        %swap3A_655 = vector.shape_cast %swap3A_654 : vector<1x16xf32> to vector<16xf32>
        %swap3A_656 = vector.shape_cast %get3A_651 : vector<16xf32> to vector<1x16xf32>
        tpu.vector_store %arg10[%swap3A_652, %swap3A_653], %swap3A_656 {add = true, strides = array<i32>} : memref<64x128xf32, #tpu.memory_space<vmem>>, vector<1x16xf32>,
        %get3A_657 = arith.index_cast %scan3A_620 : i32 to index
        %get3A_658 = arith.constant 64 : index
        %get3A_659 = tpu.vector_load %arg15[%get3A_657, %get3A_658] {strides = array<i32>} : memref<64x128xf32, #tpu.memory_space<vmem>>, vector<1x16xf32>,
        %get3A_660 = vector.shape_cast %get3A_659 : vector<1x16xf32> to vector<16xf32>
        %swap3A_661 = arith.index_cast %scan3A_620 : i32 to index
        %swap3A_662 = arith.constant 64 : index
        %swap3A_663 = tpu.vector_load %arg10[%swap3A_661, %swap3A_662] {strides = array<i32>} : memref<64x128xf32, #tpu.memory_space<vmem>>, vector<1x16xf32>,
        %swap3A_664 = vector.shape_cast %swap3A_663 : vector<1x16xf32> to vector<16xf32>
        %swap3A_665 = vector.shape_cast %get3A_660 : vector<16xf32> to vector<1x16xf32>
        tpu.vector_store %arg10[%swap3A_661, %swap3A_662], %swap3A_665 {add = true, strides = array<i32>} : memref<64x128xf32, #tpu.memory_space<vmem>>, vector<1x16xf32>,
        %get3A_666 = arith.index_cast %scan3A_620 : i32 to index
        %get3A_667 = arith.constant 80 : index
        %get3A_668 = tpu.vector_load %arg15[%get3A_666, %get3A_667] {strides = array<i32>} : memref<64x128xf32, #tpu.memory_space<vmem>>, vector<1x16xf32>,
        %get3A_669 = vector.shape_cast %get3A_668 : vector<1x16xf32> to vector<16xf32>
        %swap3A_670 = arith.index_cast %scan3A_620 : i32 to index
        %swap3A_671 = arith.constant 80 : index
        %swap3A_672 = tpu.vector_load %arg10[%swap3A_670, %swap3A_671] {strides = array<i32>} : memref<64x128xf32, #tpu.memory_space<vmem>>, vector<1x16xf32>,
        %swap3A_673 = vector.shape_cast %swap3A_672 : vector<1x16xf32> to vector<16xf32>
        %swap3A_674 = vector.shape_cast %get3A_669 : vector<16xf32> to vector<1x16xf32>
        tpu.vector_store %arg10[%swap3A_670, %swap3A_671], %swap3A_674 {add = true, strides = array<i32>} : memref<64x128xf32, #tpu.memory_space<vmem>>, vector<1x16xf32>,
        %get3A_675 = arith.index_cast %scan3A_620 : i32 to index
        %get3A_676 = arith.constant 96 : index
        %get3A_677 = tpu.vector_load %arg15[%get3A_675, %get3A_676] {strides = array<i32>} : memref<64x128xf32, #tpu.memory_space<vmem>>, vector<1x16xf32>,
        %get3A_678 = vector.shape_cast %get3A_677 : vector<1x16xf32> to vector<16xf32>
        %swap3A_679 = arith.index_cast %scan3A_620 : i32 to index
        %swap3A_680 = arith.constant 96 : index
        %swap3A_681 = tpu.vector_load %arg10[%swap3A_679, %swap3A_680] {strides = array<i32>} : memref<64x128xf32, #tpu.memory_space<vmem>>, vector<1x16xf32>,
        %swap3A_682 = vector.shape_cast %swap3A_681 : vector<1x16xf32> to vector<16xf32>
        %swap3A_683 = vector.shape_cast %get3A_678 : vector<16xf32> to vector<1x16xf32>
        tpu.vector_store %arg10[%swap3A_679, %swap3A_680], %swap3A_683 {add = true, strides = array<i32>} : memref<64x128xf32, #tpu.memory_space<vmem>>, vector<1x16xf32>,
        %get3A_684 = arith.index_cast %scan3A_620 : i32 to index
        %get3A_685 = arith.constant 112 : index
        %get3A_686 = tpu.vector_load %arg15[%get3A_684, %get3A_685] {strides = array<i32>} : memref<64x128xf32, #tpu.memory_space<vmem>>, vector<1x16xf32>,
        %get3A_687 = vector.shape_cast %get3A_686 : vector<1x16xf32> to vector<16xf32>
        %swap3A_688 = arith.index_cast %scan3A_620 : i32 to index
        %swap3A_689 = arith.constant 112 : index
        %swap3A_690 = tpu.vector_load %arg10[%swap3A_688, %swap3A_689] {strides = array<i32>} : memref<64x128xf32, #tpu.memory_space<vmem>>, vector<1x16xf32>,
        %swap3A_691 = vector.shape_cast %swap3A_690 : vector<1x16xf32> to vector<16xf32>
        %swap3A_692 = vector.shape_cast %get3A_687 : vector<16xf32> to vector<1x16xf32>
        tpu.vector_store %arg10[%swap3A_688, %swap3A_689], %swap3A_692 {add = true, strides = array<i32>} : memref<64x128xf32, #tpu.memory_space<vmem>>, vector<1x16xf32>,
        %scan3A_693 = arith.constant 6 : i32
        %scan3A_694 = arith.addi %scan3A_252, %scan3A_693 : i32
        %get3A_695 = arith.index_cast %scan3A_694 : i32 to index
        %get3A_696 = arith.constant 0 : index
        %get3A_697 = tpu.vector_load %arg15[%get3A_695, %get3A_696] {strides = array<i32>} : memref<64x128xf32, #tpu.memory_space<vmem>>, vector<1x16xf32>,
        %get3A_698 = vector.shape_cast %get3A_697 : vector<1x16xf32> to vector<16xf32>
        %swap3A_699 = arith.index_cast %scan3A_694 : i32 to index
        %swap3A_700 = arith.constant 0 : index
        %swap3A_701 = tpu.vector_load %arg10[%swap3A_699, %swap3A_700] {strides = array<i32>} : memref<64x128xf32, #tpu.memory_space<vmem>>, vector<1x16xf32>,
        %swap3A_702 = vector.shape_cast %swap3A_701 : vector<1x16xf32> to vector<16xf32>
        %swap3A_703 = vector.shape_cast %get3A_698 : vector<16xf32> to vector<1x16xf32>
        tpu.vector_store %arg10[%swap3A_699, %swap3A_700], %swap3A_703 {add = true, strides = array<i32>} : memref<64x128xf32, #tpu.memory_space<vmem>>, vector<1x16xf32>,
        %get3A_704 = arith.index_cast %scan3A_694 : i32 to index
        %get3A_705 = arith.constant 16 : index
        %get3A_706 = tpu.vector_load %arg15[%get3A_704, %get3A_705] {strides = array<i32>} : memref<64x128xf32, #tpu.memory_space<vmem>>, vector<1x16xf32>,
        %get3A_707 = vector.shape_cast %get3A_706 : vector<1x16xf32> to vector<16xf32>
        %swap3A_708 = arith.index_cast %scan3A_694 : i32 to index
        %swap3A_709 = arith.constant 16 : index
        %swap3A_710 = tpu.vector_load %arg10[%swap3A_708, %swap3A_709] {strides = array<i32>} : memref<64x128xf32, #tpu.memory_space<vmem>>, vector<1x16xf32>,
        %swap3A_711 = vector.shape_cast %swap3A_710 : vector<1x16xf32> to vector<16xf32>
        %swap3A_712 = vector.shape_cast %get3A_707 : vector<16xf32> to vector<1x16xf32>
        tpu.vector_store %arg10[%swap3A_708, %swap3A_709], %swap3A_712 {add = true, strides = array<i32>} : memref<64x128xf32, #tpu.memory_space<vmem>>, vector<1x16xf32>,
        %get3A_713 = arith.index_cast %scan3A_694 : i32 to index
        %get3A_714 = arith.constant 32 : index
        %get3A_715 = tpu.vector_load %arg15[%get3A_713, %get3A_714] {strides = array<i32>} : memref<64x128xf32, #tpu.memory_space<vmem>>, vector<1x16xf32>,
        %get3A_716 = vector.shape_cast %get3A_715 : vector<1x16xf32> to vector<16xf32>
        %swap3A_717 = arith.index_cast %scan3A_694 : i32 to index
        %swap3A_718 = arith.constant 32 : index
        %swap3A_719 = tpu.vector_load %arg10[%swap3A_717, %swap3A_718] {strides = array<i32>} : memref<64x128xf32, #tpu.memory_space<vmem>>, vector<1x16xf32>,
        %swap3A_720 = vector.shape_cast %swap3A_719 : vector<1x16xf32> to vector<16xf32>
        %swap3A_721 = vector.shape_cast %get3A_716 : vector<16xf32> to vector<1x16xf32>
        tpu.vector_store %arg10[%swap3A_717, %swap3A_718], %swap3A_721 {add = true, strides = array<i32>} : memref<64x128xf32, #tpu.memory_space<vmem>>, vector<1x16xf32>,
        %get3A_722 = arith.index_cast %scan3A_694 : i32 to index
        %get3A_723 = arith.constant 48 : index
        %get3A_724 = tpu.vector_load %arg15[%get3A_722, %get3A_723] {strides = array<i32>} : memref<64x128xf32, #tpu.memory_space<vmem>>, vector<1x16xf32>,
        %get3A_725 = vector.shape_cast %get3A_724 : vector<1x16xf32> to vector<16xf32>
        %swap3A_726 = arith.index_cast %scan3A_694 : i32 to index
        %swap3A_727 = arith.constant 48 : index
        %swap3A_728 = tpu.vector_load %arg10[%swap3A_726, %swap3A_727] {strides = array<i32>} : memref<64x128xf32, #tpu.memory_space<vmem>>, vector<1x16xf32>,
        %swap3A_729 = vector.shape_cast %swap3A_728 : vector<1x16xf32> to vector<16xf32>
        %swap3A_730 = vector.shape_cast %get3A_725 : vector<16xf32> to vector<1x16xf32>
        tpu.vector_store %arg10[%swap3A_726, %swap3A_727], %swap3A_730 {add = true, strides = array<i32>} : memref<64x128xf32, #tpu.memory_space<vmem>>, vector<1x16xf32>,
        %get3A_731 = arith.index_cast %scan3A_694 : i32 to index
        %get3A_732 = arith.constant 64 : index
        %get3A_733 = tpu.vector_load %arg15[%get3A_731, %get3A_732] {strides = array<i32>} : memref<64x128xf32, #tpu.memory_space<vmem>>, vector<1x16xf32>,
        %get3A_734 = vector.shape_cast %get3A_733 : vector<1x16xf32> to vector<16xf32>
        %swap3A_735 = arith.index_cast %scan3A_694 : i32 to index
        %swap3A_736 = arith.constant 64 : index
        %swap3A_737 = tpu.vector_load %arg10[%swap3A_735, %swap3A_736] {strides = array<i32>} : memref<64x128xf32, #tpu.memory_space<vmem>>, vector<1x16xf32>,
        %swap3A_738 = vector.shape_cast %swap3A_737 : vector<1x16xf32> to vector<16xf32>
        %swap3A_739 = vector.shape_cast %get3A_734 : vector<16xf32> to vector<1x16xf32>
        tpu.vector_store %arg10[%swap3A_735, %swap3A_736], %swap3A_739 {add = true, strides = array<i32>} : memref<64x128xf32, #tpu.memory_space<vmem>>, vector<1x16xf32>,
        %get3A_740 = arith.index_cast %scan3A_694 : i32 to index
        %get3A_741 = arith.constant 80 : index
        %get3A_742 = tpu.vector_load %arg15[%get3A_740, %get3A_741] {strides = array<i32>} : memref<64x128xf32, #tpu.memory_space<vmem>>, vector<1x16xf32>,
        %get3A_743 = vector.shape_cast %get3A_742 : vector<1x16xf32> to vector<16xf32>
        %swap3A_744 = arith.index_cast %scan3A_694 : i32 to index
        %swap3A_745 = arith.constant 80 : index
        %swap3A_746 = tpu.vector_load %arg10[%swap3A_744, %swap3A_745] {strides = array<i32>} : memref<64x128xf32, #tpu.memory_space<vmem>>, vector<1x16xf32>,
        %swap3A_747 = vector.shape_cast %swap3A_746 : vector<1x16xf32> to vector<16xf32>
        %swap3A_748 = vector.shape_cast %get3A_743 : vector<16xf32> to vector<1x16xf32>
        tpu.vector_store %arg10[%swap3A_744, %swap3A_745], %swap3A_748 {add = true, strides = array<i32>} : memref<64x128xf32, #tpu.memory_space<vmem>>, vector<1x16xf32>,
        %get3A_749 = arith.index_cast %scan3A_694 : i32 to index
        %get3A_750 = arith.constant 96 : index
        %get3A_751 = tpu.vector_load %arg15[%get3A_749, %get3A_750] {strides = array<i32>} : memref<64x128xf32, #tpu.memory_space<vmem>>, vector<1x16xf32>,
        %get3A_752 = vector.shape_cast %get3A_751 : vector<1x16xf32> to vector<16xf32>
        %swap3A_753 = arith.index_cast %scan3A_694 : i32 to index
        %swap3A_754 = arith.constant 96 : index
        %swap3A_755 = tpu.vector_load %arg10[%swap3A_753, %swap3A_754] {strides = array<i32>} : memref<64x128xf32, #tpu.memory_space<vmem>>, vector<1x16xf32>,
        %swap3A_756 = vector.shape_cast %swap3A_755 : vector<1x16xf32> to vector<16xf32>
        %swap3A_757 = vector.shape_cast %get3A_752 : vector<16xf32> to vector<1x16xf32>
        tpu.vector_store %arg10[%swap3A_753, %swap3A_754], %swap3A_757 {add = true, strides = array<i32>} : memref<64x128xf32, #tpu.memory_space<vmem>>, vector<1x16xf32>,
        %get3A_758 = arith.index_cast %scan3A_694 : i32 to index
        %get3A_759 = arith.constant 112 : index
        %get3A_760 = tpu.vector_load %arg15[%get3A_758, %get3A_759] {strides = array<i32>} : memref<64x128xf32, #tpu.memory_space<vmem>>, vector<1x16xf32>,
        %get3A_761 = vector.shape_cast %get3A_760 : vector<1x16xf32> to vector<16xf32>
        %swap3A_762 = arith.index_cast %scan3A_694 : i32 to index
        %swap3A_763 = arith.constant 112 : index
        %swap3A_764 = tpu.vector_load %arg10[%swap3A_762, %swap3A_763] {strides = array<i32>} : memref<64x128xf32, #tpu.memory_space<vmem>>, vector<1x16xf32>,
        %swap3A_765 = vector.shape_cast %swap3A_764 : vector<1x16xf32> to vector<16xf32>
        %swap3A_766 = vector.shape_cast %get3A_761 : vector<16xf32> to vector<1x16xf32>
        tpu.vector_store %arg10[%swap3A_762, %swap3A_763], %swap3A_766 {add = true, strides = array<i32>} : memref<64x128xf32, #tpu.memory_space<vmem>>, vector<1x16xf32>,
        %scan3A_767 = arith.constant 7 : i32
        %scan3A_768 = arith.addi %scan3A_252, %scan3A_767 : i32
        %get3A_769 = arith.index_cast %scan3A_768 : i32 to index
        %get3A_770 = arith.constant 0 : index
        %get3A_771 = tpu.vector_load %arg15[%get3A_769, %get3A_770] {strides = array<i32>} : memref<64x128xf32, #tpu.memory_space<vmem>>, vector<1x16xf32>,
        %get3A_772 = vector.shape_cast %get3A_771 : vector<1x16xf32> to vector<16xf32>
        %swap3A_773 = arith.index_cast %scan3A_768 : i32 to index
        %swap3A_774 = arith.constant 0 : index
        %swap3A_775 = tpu.vector_load %arg10[%swap3A_773, %swap3A_774] {strides = array<i32>} : memref<64x128xf32, #tpu.memory_space<vmem>>, vector<1x16xf32>,
        %swap3A_776 = vector.shape_cast %swap3A_775 : vector<1x16xf32> to vector<16xf32>
        %swap3A_777 = vector.shape_cast %get3A_772 : vector<16xf32> to vector<1x16xf32>
        tpu.vector_store %arg10[%swap3A_773, %swap3A_774], %swap3A_777 {add = true, strides = array<i32>} : memref<64x128xf32, #tpu.memory_space<vmem>>, vector<1x16xf32>,
        %get3A_778 = arith.index_cast %scan3A_768 : i32 to index
        %get3A_779 = arith.constant 16 : index
        %get3A_780 = tpu.vector_load %arg15[%get3A_778, %get3A_779] {strides = array<i32>} : memref<64x128xf32, #tpu.memory_space<vmem>>, vector<1x16xf32>,
        %get3A_781 = vector.shape_cast %get3A_780 : vector<1x16xf32> to vector<16xf32>
        %swap3A_782 = arith.index_cast %scan3A_768 : i32 to index
        %swap3A_783 = arith.constant 16 : index
        %swap3A_784 = tpu.vector_load %arg10[%swap3A_782, %swap3A_783] {strides = array<i32>} : memref<64x128xf32, #tpu.memory_space<vmem>>, vector<1x16xf32>,
        %swap3A_785 = vector.shape_cast %swap3A_784 : vector<1x16xf32> to vector<16xf32>
        %swap3A_786 = vector.shape_cast %get3A_781 : vector<16xf32> to vector<1x16xf32>
        tpu.vector_store %arg10[%swap3A_782, %swap3A_783], %swap3A_786 {add = true, strides = array<i32>} : memref<64x128xf32, #tpu.memory_space<vmem>>, vector<1x16xf32>,
        %get3A_787 = arith.index_cast %scan3A_768 : i32 to index
        %get3A_788 = arith.constant 32 : index
        %get3A_789 = tpu.vector_load %arg15[%get3A_787, %get3A_788] {strides = array<i32>} : memref<64x128xf32, #tpu.memory_space<vmem>>, vector<1x16xf32>,
        %get3A_790 = vector.shape_cast %get3A_789 : vector<1x16xf32> to vector<16xf32>
        %swap3A_791 = arith.index_cast %scan3A_768 : i32 to index
        %swap3A_792 = arith.constant 32 : index
        %swap3A_793 = tpu.vector_load %arg10[%swap3A_791, %swap3A_792] {strides = array<i32>} : memref<64x128xf32, #tpu.memory_space<vmem>>, vector<1x16xf32>,
        %swap3A_794 = vector.shape_cast %swap3A_793 : vector<1x16xf32> to vector<16xf32>
        %swap3A_795 = vector.shape_cast %get3A_790 : vector<16xf32> to vector<1x16xf32>
        tpu.vector_store %arg10[%swap3A_791, %swap3A_792], %swap3A_795 {add = true, strides = array<i32>} : memref<64x128xf32, #tpu.memory_space<vmem>>, vector<1x16xf32>,
        %get3A_796 = arith.index_cast %scan3A_768 : i32 to index
        %get3A_797 = arith.constant 48 : index
        %get3A_798 = tpu.vector_load %arg15[%get3A_796, %get3A_797] {strides = array<i32>} : memref<64x128xf32, #tpu.memory_space<vmem>>, vector<1x16xf32>,
        %get3A_799 = vector.shape_cast %get3A_798 : vector<1x16xf32> to vector<16xf32>
        %swap3A_800 = arith.index_cast %scan3A_768 : i32 to index
        %swap3A_801 = arith.constant 48 : index
        %swap3A_802 = tpu.vector_load %arg10[%swap3A_800, %swap3A_801] {strides = array<i32>} : memref<64x128xf32, #tpu.memory_space<vmem>>, vector<1x16xf32>,
        %swap3A_803 = vector.shape_cast %swap3A_802 : vector<1x16xf32> to vector<16xf32>
        %swap3A_804 = vector.shape_cast %get3A_799 : vector<16xf32> to vector<1x16xf32>
        tpu.vector_store %arg10[%swap3A_800, %swap3A_801], %swap3A_804 {add = true, strides = array<i32>} : memref<64x128xf32, #tpu.memory_space<vmem>>, vector<1x16xf32>,
        %get3A_805 = arith.index_cast %scan3A_768 : i32 to index
        %get3A_806 = arith.constant 64 : index
        %get3A_807 = tpu.vector_load %arg15[%get3A_805, %get3A_806] {strides = array<i32>} : memref<64x128xf32, #tpu.memory_space<vmem>>, vector<1x16xf32>,
        %get3A_808 = vector.shape_cast %get3A_807 : vector<1x16xf32> to vector<16xf32>
        %swap3A_809 = arith.index_cast %scan3A_768 : i32 to index
        %swap3A_810 = arith.constant 64 : index
        %swap3A_811 = tpu.vector_load %arg10[%swap3A_809, %swap3A_810] {strides = array<i32>} : memref<64x128xf32, #tpu.memory_space<vmem>>, vector<1x16xf32>,
        %swap3A_812 = vector.shape_cast %swap3A_811 : vector<1x16xf32> to vector<16xf32>
        %swap3A_813 = vector.shape_cast %get3A_808 : vector<16xf32> to vector<1x16xf32>
        tpu.vector_store %arg10[%swap3A_809, %swap3A_810], %swap3A_813 {add = true, strides = array<i32>} : memref<64x128xf32, #tpu.memory_space<vmem>>, vector<1x16xf32>,
        %get3A_814 = arith.index_cast %scan3A_768 : i32 to index
        %get3A_815 = arith.constant 80 : index
        %get3A_816 = tpu.vector_load %arg15[%get3A_814, %get3A_815] {strides = array<i32>} : memref<64x128xf32, #tpu.memory_space<vmem>>, vector<1x16xf32>,
        %get3A_817 = vector.shape_cast %get3A_816 : vector<1x16xf32> to vector<16xf32>
        %swap3A_818 = arith.index_cast %scan3A_768 : i32 to index
        %swap3A_819 = arith.constant 80 : index
        %swap3A_820 = tpu.vector_load %arg10[%swap3A_818, %swap3A_819] {strides = array<i32>} : memref<64x128xf32, #tpu.memory_space<vmem>>, vector<1x16xf32>,
        %swap3A_821 = vector.shape_cast %swap3A_820 : vector<1x16xf32> to vector<16xf32>
        %swap3A_822 = vector.shape_cast %get3A_817 : vector<16xf32> to vector<1x16xf32>
        tpu.vector_store %arg10[%swap3A_818, %swap3A_819], %swap3A_822 {add = true, strides = array<i32>} : memref<64x128xf32, #tpu.memory_space<vmem>>, vector<1x16xf32>,
        %get3A_823 = arith.index_cast %scan3A_768 : i32 to index
        %get3A_824 = arith.constant 96 : index
        %get3A_825 = tpu.vector_load %arg15[%get3A_823, %get3A_824] {strides = array<i32>} : memref<64x128xf32, #tpu.memory_space<vmem>>, vector<1x16xf32>,
        %get3A_826 = vector.shape_cast %get3A_825 : vector<1x16xf32> to vector<16xf32>
        %swap3A_827 = arith.index_cast %scan3A_768 : i32 to index
        %swap3A_828 = arith.constant 96 : index
        %swap3A_829 = tpu.vector_load %arg10[%swap3A_827, %swap3A_828] {strides = array<i32>} : memref<64x128xf32, #tpu.memory_space<vmem>>, vector<1x16xf32>,
        %swap3A_830 = vector.shape_cast %swap3A_829 : vector<1x16xf32> to vector<16xf32>
        %swap3A_831 = vector.shape_cast %get3A_826 : vector<16xf32> to vector<1x16xf32>
        tpu.vector_store %arg10[%swap3A_827, %swap3A_828], %swap3A_831 {add = true, strides = array<i32>} : memref<64x128xf32, #tpu.memory_space<vmem>>, vector<1x16xf32>,
        %get3A_832 = arith.index_cast %scan3A_768 : i32 to index
        %get3A_833 = arith.constant 112 : index
        %get3A_834 = tpu.vector_load %arg15[%get3A_832, %get3A_833] {strides = array<i32>} : memref<64x128xf32, #tpu.memory_space<vmem>>, vector<1x16xf32>,
        %get3A_835 = vector.shape_cast %get3A_834 : vector<1x16xf32> to vector<16xf32>
        %swap3A_836 = arith.index_cast %scan3A_768 : i32 to index
        %swap3A_837 = arith.constant 112 : index
        %swap3A_838 = tpu.vector_load %arg10[%swap3A_836, %swap3A_837] {strides = array<i32>} : memref<64x128xf32, #tpu.memory_space<vmem>>, vector<1x16xf32>,
        %swap3A_839 = vector.shape_cast %swap3A_838 : vector<1x16xf32> to vector<16xf32>
        %swap3A_840 = vector.shape_cast %get3A_835 : vector<16xf32> to vector<1x16xf32>
        tpu.vector_store %arg10[%swap3A_836, %swap3A_837], %swap3A_840 {add = true, strides = array<i32>} : memref<64x128xf32, #tpu.memory_space<vmem>>, vector<1x16xf32>,
      }
      %scan3A_88 = arith.constant 64 : i32
      %mul3A_89 = arith.constant 64 : i32
      %mul3A_90 = arith.muli %add3A_60, %mul3A_89 : i32
      %add3A_91 = arith.addi %mul3A_2, %mul3A_90 : i32
      %dma_start3A_92 = arith.constant 0 : i32
      %dma_start3A_93 = tpu.memref_slice %arg5[%add3A_91, %dma_start3A_92] : memref<204800x128xf32, #tpu.memory_space<hbm>> -> memref<64x128xf32, #tpu.memory_space<hbm>>
      %dma_start3A_94 = arith.constant 0 : i32
      %dma_start3A_95 = tpu.memref_slice %arg5[%add3A_91, %dma_start3A_94] : memref<204800x128xf32, #tpu.memory_space<hbm>> -> memref<64x128xf32, #tpu.memory_space<hbm>>
      tpu.enqueue_dma source(%arg10 : memref<64x128xf32, #tpu.memory_space<vmem>>) target(%dma_start3A_95 : memref<64x128xf32, #tpu.memory_space<hbm>>) target_semaphore(%arg30 : memref<!tpu.dma_semaphore, #tpu.memory_space<semaphore_mem>>)
      %add3A_96 = arith.constant 1 : i32
      %add3A_97 = arith.addi %mul3A_58, %add3A_96 : i32
      %ge3A_98 = arith.constant 2 : i32
      %ge3A_99 = arith.cmpi sge, %add3A_97, %ge3A_98 : i32
      %convert_element_type3A_100 = arith.extui %ge3A_99 : i1 to i32
      %cond3A_101 = arith.constant 0 : i32
      %cond3A_102 = arith.cmpi ne, %convert_element_type3A_100, %cond3A_101 : i32
      scf.if %cond3A_102 {
        %dma_wait3A_252 = arith.constant 0 : i32
        %dma_wait3A_253 = arith.constant 0 : i32
        %dma_wait3A_254 = tpu.memref_slice %arg5[%dma_wait3A_252, %dma_wait3A_253] : memref<204800x128xf32, #tpu.memory_space<hbm>> -> memref<64x128xf32, #tpu.memory_space<hbm>>
        %dma_wait3A_255 = arith.constant 0 : i32
        %dma_wait3A_256 = arith.constant 0 : i32
        %dma_wait3A_257 = tpu.memref_slice %arg5[%dma_wait3A_255, %dma_wait3A_256] : memref<204800x128xf32, #tpu.memory_space<hbm>> -> memref<64x128xf32, #tpu.memory_space<hbm>>
        tpu.wait_dma2 semaphore(%arg34 : memref<!tpu.dma_semaphore, #tpu.memory_space<semaphore_mem>>) src(%arg14 : memref<64x128xf32, #tpu.memory_space<vmem>>) dst(%dma_wait3A_257 : memref<64x128xf32, #tpu.memory_space<hbm>>)
      } else {
      }
      %add3A_103 = arith.constant 3 : i32
      %add3A_104 = arith.addi %add3A_97, %add3A_103 : i32
      %lt3A_105 = arith.constant 100 : i32
      %lt3A_106 = arith.cmpi slt, %add3A_104, %lt3A_105 : i32
      %convert_element_type3A_107 = arith.extui %lt3A_106 : i1 to i32
      %cond3A_108 = arith.constant 0 : i32
      %cond3A_109 = arith.cmpi ne, %convert_element_type3A_107, %cond3A_108 : i32
      scf.if %cond3A_109 {
        %add3A_252 = arith.constant 3 : i32
        %add3A_253 = arith.addi %add3A_97, %add3A_252 : i32
        %mul3A_254 = arith.constant 64 : i32
        %mul3A_255 = arith.muli %add3A_253, %mul3A_254 : i32
        %dma_start3A_256 = tpu.memref_slice %arg7[%mul3A_255] : memref<6400xi32, #tpu.memory_space<vmem>> -> memref<64xi32, #tpu.memory_space<vmem>>
        %dma_start3A_257 = arith.constant 0 : i32
        %dma_start3A_258 = arith.constant 0 : i32
        %dma_start3A_259 = tpu.memref_slice %arg2[%dma_start3A_257, %dma_start3A_258] : memref<100000x128xf32, #tpu.memory_space<hbm>> -> memref<100000x128xf32, #tpu.memory_space<hbm>>
        tpu.enqueue_indirect_dma source(%dma_start3A_259 : memref<100000x128xf32, #tpu.memory_space<hbm>>) target(%arg14 : memref<64x128xf32, #tpu.memory_space<vmem>>) offsets(%dma_start3A_256 : memref<64xi32, #tpu.memory_space<vmem>>) semaphore(%arg24 : memref<!tpu.dma_semaphore, #tpu.memory_space<semaphore_mem>>)
        %add3A_260 = arith.constant 3 : i32
        %add3A_261 = arith.addi %add3A_97, %add3A_260 : i32
        %mul3A_262 = arith.constant 64 : i32
        %mul3A_263 = arith.muli %add3A_261, %mul3A_262 : i32
        %dma_start3A_264 = tpu.memref_slice %arg8[%mul3A_263] : memref<6400xi32, #tpu.memory_space<vmem>> -> memref<64xi32, #tpu.memory_space<vmem>>
        %dma_start3A_265 = arith.constant 0 : i32
        %dma_start3A_266 = arith.constant 0 : i32
        %dma_start3A_267 = tpu.memref_slice %arg9[%dma_start3A_265, %dma_start3A_266] : memref<600x128xf32, #tpu.memory_space<vmem_shared>> -> memref<600x128xf32, #tpu.memory_space<vmem_shared>>
        tpu.enqueue_indirect_dma source(%dma_start3A_267 : memref<600x128xf32, #tpu.memory_space<vmem_shared>>) target(%arg19 : memref<64x128xf32, #tpu.memory_space<vmem>>) offsets(%dma_start3A_264 : memref<64xi32, #tpu.memory_space<vmem>>) semaphore(%arg29 : memref<!tpu.dma_semaphore, #tpu.memory_space<semaphore_mem>>)
      } else {
      }
      %dma_wait3A_110 = arith.constant 0 : i32
      %dma_wait3A_111 = arith.constant 0 : i32
      %dma_wait3A_112 = tpu.memref_slice %arg2[%dma_wait3A_110, %dma_wait3A_111] : memref<100000x128xf32, #tpu.memory_space<hbm>> -> memref<64x128xf32, #tpu.memory_space<hbm>>
      %dma_wait3A_113 = arith.constant 0 : i32
      %dma_wait3A_114 = arith.constant 0 : i32
      %dma_wait3A_115 = tpu.memref_slice %arg2[%dma_wait3A_113, %dma_wait3A_114] : memref<100000x128xf32, #tpu.memory_space<hbm>> -> memref<64x128xf32, #tpu.memory_space<hbm>>
      tpu.wait_dma2 semaphore(%arg21 : memref<!tpu.dma_semaphore, #tpu.memory_space<semaphore_mem>>) src(%dma_wait3A_115 : memref<64x128xf32, #tpu.memory_space<hbm>>) dst(%arg11 : memref<64x128xf32, #tpu.memory_space<vmem>>)
      %dma_wait3A_116 = arith.constant 0 : i32
      %dma_wait3A_117 = arith.constant 0 : i32
      %dma_wait3A_118 = tpu.memref_slice %arg9[%dma_wait3A_116, %dma_wait3A_117] : memref<600x128xf32, #tpu.memory_space<vmem_shared>> -> memref<64x128xf32, #tpu.memory_space<vmem_shared>>
      %dma_wait3A_119 = arith.constant 0 : i32
      %dma_wait3A_120 = arith.constant 0 : i32
      %dma_wait3A_121 = tpu.memref_slice %arg9[%dma_wait3A_119, %dma_wait3A_120] : memref<600x128xf32, #tpu.memory_space<vmem_shared>> -> memref<64x128xf32, #tpu.memory_space<vmem_shared>>
      tpu.wait_dma2 semaphore(%arg26 : memref<!tpu.dma_semaphore, #tpu.memory_space<semaphore_mem>>) src(%dma_wait3A_121 : memref<64x128xf32, #tpu.memory_space<vmem_shared>>) dst(%arg16 : memref<64x128xf32, #tpu.memory_space<vmem>>)
      %scan3A_122 = arith.constant 0 : i32
      %scan3A_123 = arith.constant 0 : i32
      %scan3A_124 = arith.constant 64 : i32
      %scan3A_125 = arith.addi %scan3A_123, %scan3A_124 : i32
      %scan3A_126 = arith.constant 8 : i32
      scf.for %scan3A_252 = %scan3A_123 to %scan3A_125 step %scan3A_126  : i32 {
        %get3A = arith.index_cast %scan3A_252 : i32 to index
        %get3A_253 = arith.constant 0 : index
        %get3A_254 = tpu.vector_load %arg16[%get3A, %get3A_253] {strides = array<i32>} : memref<64x128xf32, #tpu.memory_space<vmem>>, vector<1x16xf32>,
        %get3A_255 = vector.shape_cast %get3A_254 : vector<1x16xf32> to vector<16xf32>
        %swap3A = arith.index_cast %scan3A_252 : i32 to index
        %swap3A_256 = arith.constant 0 : index
        %swap3A_257 = tpu.vector_load %arg11[%swap3A, %swap3A_256] {strides = array<i32>} : memref<64x128xf32, #tpu.memory_space<vmem>>, vector<1x16xf32>,
        %swap3A_258 = vector.shape_cast %swap3A_257 : vector<1x16xf32> to vector<16xf32>
        %swap3A_259 = vector.shape_cast %get3A_255 : vector<16xf32> to vector<1x16xf32>
        tpu.vector_store %arg11[%swap3A, %swap3A_256], %swap3A_259 {add = true, strides = array<i32>} : memref<64x128xf32, #tpu.memory_space<vmem>>, vector<1x16xf32>,
        %get3A_260 = arith.index_cast %scan3A_252 : i32 to index
        %get3A_261 = arith.constant 16 : index
        %get3A_262 = tpu.vector_load %arg16[%get3A_260, %get3A_261] {strides = array<i32>} : memref<64x128xf32, #tpu.memory_space<vmem>>, vector<1x16xf32>,
        %get3A_263 = vector.shape_cast %get3A_262 : vector<1x16xf32> to vector<16xf32>
        %swap3A_264 = arith.index_cast %scan3A_252 : i32 to index
        %swap3A_265 = arith.constant 16 : index
        %swap3A_266 = tpu.vector_load %arg11[%swap3A_264, %swap3A_265] {strides = array<i32>} : memref<64x128xf32, #tpu.memory_space<vmem>>, vector<1x16xf32>,
        %swap3A_267 = vector.shape_cast %swap3A_266 : vector<1x16xf32> to vector<16xf32>
        %swap3A_268 = vector.shape_cast %get3A_263 : vector<16xf32> to vector<1x16xf32>
        tpu.vector_store %arg11[%swap3A_264, %swap3A_265], %swap3A_268 {add = true, strides = array<i32>} : memref<64x128xf32, #tpu.memory_space<vmem>>, vector<1x16xf32>,
        %get3A_269 = arith.index_cast %scan3A_252 : i32 to index
        %get3A_270 = arith.constant 32 : index
        %get3A_271 = tpu.vector_load %arg16[%get3A_269, %get3A_270] {strides = array<i32>} : memref<64x128xf32, #tpu.memory_space<vmem>>, vector<1x16xf32>,
        %get3A_272 = vector.shape_cast %get3A_271 : vector<1x16xf32> to vector<16xf32>
        %swap3A_273 = arith.index_cast %scan3A_252 : i32 to index
        %swap3A_274 = arith.constant 32 : index
        %swap3A_275 = tpu.vector_load %arg11[%swap3A_273, %swap3A_274] {strides = array<i32>} : memref<64x128xf32, #tpu.memory_space<vmem>>, vector<1x16xf32>,
        %swap3A_276 = vector.shape_cast %swap3A_275 : vector<1x16xf32> to vector<16xf32>
        %swap3A_277 = vector.shape_cast %get3A_272 : vector<16xf32> to vector<1x16xf32>
        tpu.vector_store %arg11[%swap3A_273, %swap3A_274], %swap3A_277 {add = true, strides = array<i32>} : memref<64x128xf32, #tpu.memory_space<vmem>>, vector<1x16xf32>,
        %get3A_278 = arith.index_cast %scan3A_252 : i32 to index
        %get3A_279 = arith.constant 48 : index
        %get3A_280 = tpu.vector_load %arg16[%get3A_278, %get3A_279] {strides = array<i32>} : memref<64x128xf32, #tpu.memory_space<vmem>>, vector<1x16xf32>,
        %get3A_281 = vector.shape_cast %get3A_280 : vector<1x16xf32> to vector<16xf32>
        %swap3A_282 = arith.index_cast %scan3A_252 : i32 to index
        %swap3A_283 = arith.constant 48 : index
        %swap3A_284 = tpu.vector_load %arg11[%swap3A_282, %swap3A_283] {strides = array<i32>} : memref<64x128xf32, #tpu.memory_space<vmem>>, vector<1x16xf32>,
        %swap3A_285 = vector.shape_cast %swap3A_284 : vector<1x16xf32> to vector<16xf32>
        %swap3A_286 = vector.shape_cast %get3A_281 : vector<16xf32> to vector<1x16xf32>
        tpu.vector_store %arg11[%swap3A_282, %swap3A_283], %swap3A_286 {add = true, strides = array<i32>} : memref<64x128xf32, #tpu.memory_space<vmem>>, vector<1x16xf32>,
        %get3A_287 = arith.index_cast %scan3A_252 : i32 to index
        %get3A_288 = arith.constant 64 : index
        %get3A_289 = tpu.vector_load %arg16[%get3A_287, %get3A_288] {strides = array<i32>} : memref<64x128xf32, #tpu.memory_space<vmem>>, vector<1x16xf32>,
        %get3A_290 = vector.shape_cast %get3A_289 : vector<1x16xf32> to vector<16xf32>
        %swap3A_291 = arith.index_cast %scan3A_252 : i32 to index
        %swap3A_292 = arith.constant 64 : index
        %swap3A_293 = tpu.vector_load %arg11[%swap3A_291, %swap3A_292] {strides = array<i32>} : memref<64x128xf32, #tpu.memory_space<vmem>>, vector<1x16xf32>,
        %swap3A_294 = vector.shape_cast %swap3A_293 : vector<1x16xf32> to vector<16xf32>
        %swap3A_295 = vector.shape_cast %get3A_290 : vector<16xf32> to vector<1x16xf32>
        tpu.vector_store %arg11[%swap3A_291, %swap3A_292], %swap3A_295 {add = true, strides = array<i32>} : memref<64x128xf32, #tpu.memory_space<vmem>>, vector<1x16xf32>,
        %get3A_296 = arith.index_cast %scan3A_252 : i32 to index
        %get3A_297 = arith.constant 80 : index
        %get3A_298 = tpu.vector_load %arg16[%get3A_296, %get3A_297] {strides = array<i32>} : memref<64x128xf32, #tpu.memory_space<vmem>>, vector<1x16xf32>,
        %get3A_299 = vector.shape_cast %get3A_298 : vector<1x16xf32> to vector<16xf32>
        %swap3A_300 = arith.index_cast %scan3A_252 : i32 to index
        %swap3A_301 = arith.constant 80 : index
        %swap3A_302 = tpu.vector_load %arg11[%swap3A_300, %swap3A_301] {strides = array<i32>} : memref<64x128xf32, #tpu.memory_space<vmem>>, vector<1x16xf32>,
        %swap3A_303 = vector.shape_cast %swap3A_302 : vector<1x16xf32> to vector<16xf32>
        %swap3A_304 = vector.shape_cast %get3A_299 : vector<16xf32> to vector<1x16xf32>
        tpu.vector_store %arg11[%swap3A_300, %swap3A_301], %swap3A_304 {add = true, strides = array<i32>} : memref<64x128xf32, #tpu.memory_space<vmem>>, vector<1x16xf32>,
        %get3A_305 = arith.index_cast %scan3A_252 : i32 to index
        %get3A_306 = arith.constant 96 : index
        %get3A_307 = tpu.vector_load %arg16[%get3A_305, %get3A_306] {strides = array<i32>} : memref<64x128xf32, #tpu.memory_space<vmem>>, vector<1x16xf32>,
        %get3A_308 = vector.shape_cast %get3A_307 : vector<1x16xf32> to vector<16xf32>
        %swap3A_309 = arith.index_cast %scan3A_252 : i32 to index
        %swap3A_310 = arith.constant 96 : index
        %swap3A_311 = tpu.vector_load %arg11[%swap3A_309, %swap3A_310] {strides = array<i32>} : memref<64x128xf32, #tpu.memory_space<vmem>>, vector<1x16xf32>,
        %swap3A_312 = vector.shape_cast %swap3A_311 : vector<1x16xf32> to vector<16xf32>
        %swap3A_313 = vector.shape_cast %get3A_308 : vector<16xf32> to vector<1x16xf32>
        tpu.vector_store %arg11[%swap3A_309, %swap3A_310], %swap3A_313 {add = true, strides = array<i32>} : memref<64x128xf32, #tpu.memory_space<vmem>>, vector<1x16xf32>,
        %get3A_314 = arith.index_cast %scan3A_252 : i32 to index
        %get3A_315 = arith.constant 112 : index
        %get3A_316 = tpu.vector_load %arg16[%get3A_314, %get3A_315] {strides = array<i32>} : memref<64x128xf32, #tpu.memory_space<vmem>>, vector<1x16xf32>,
        %get3A_317 = vector.shape_cast %get3A_316 : vector<1x16xf32> to vector<16xf32>
        %swap3A_318 = arith.index_cast %scan3A_252 : i32 to index
        %swap3A_319 = arith.constant 112 : index
        %swap3A_320 = tpu.vector_load %arg11[%swap3A_318, %swap3A_319] {strides = array<i32>} : memref<64x128xf32, #tpu.memory_space<vmem>>, vector<1x16xf32>,
        %swap3A_321 = vector.shape_cast %swap3A_320 : vector<1x16xf32> to vector<16xf32>
        %swap3A_322 = vector.shape_cast %get3A_317 : vector<16xf32> to vector<1x16xf32>
        tpu.vector_store %arg11[%swap3A_318, %swap3A_319], %swap3A_322 {add = true, strides = array<i32>} : memref<64x128xf32, #tpu.memory_space<vmem>>, vector<1x16xf32>,
        %scan3A_323 = arith.constant 1 : i32
        %scan3A_324 = arith.addi %scan3A_252, %scan3A_323 : i32
        %get3A_325 = arith.index_cast %scan3A_324 : i32 to index
        %get3A_326 = arith.constant 0 : index
        %get3A_327 = tpu.vector_load %arg16[%get3A_325, %get3A_326] {strides = array<i32>} : memref<64x128xf32, #tpu.memory_space<vmem>>, vector<1x16xf32>,
        %get3A_328 = vector.shape_cast %get3A_327 : vector<1x16xf32> to vector<16xf32>
        %swap3A_329 = arith.index_cast %scan3A_324 : i32 to index
        %swap3A_330 = arith.constant 0 : index
        %swap3A_331 = tpu.vector_load %arg11[%swap3A_329, %swap3A_330] {strides = array<i32>} : memref<64x128xf32, #tpu.memory_space<vmem>>, vector<1x16xf32>,
        %swap3A_332 = vector.shape_cast %swap3A_331 : vector<1x16xf32> to vector<16xf32>
        %swap3A_333 = vector.shape_cast %get3A_328 : vector<16xf32> to vector<1x16xf32>
        tpu.vector_store %arg11[%swap3A_329, %swap3A_330], %swap3A_333 {add = true, strides = array<i32>} : memref<64x128xf32, #tpu.memory_space<vmem>>, vector<1x16xf32>,
        %get3A_334 = arith.index_cast %scan3A_324 : i32 to index
        %get3A_335 = arith.constant 16 : index
        %get3A_336 = tpu.vector_load %arg16[%get3A_334, %get3A_335] {strides = array<i32>} : memref<64x128xf32, #tpu.memory_space<vmem>>, vector<1x16xf32>,
        %get3A_337 = vector.shape_cast %get3A_336 : vector<1x16xf32> to vector<16xf32>
        %swap3A_338 = arith.index_cast %scan3A_324 : i32 to index
        %swap3A_339 = arith.constant 16 : index
        %swap3A_340 = tpu.vector_load %arg11[%swap3A_338, %swap3A_339] {strides = array<i32>} : memref<64x128xf32, #tpu.memory_space<vmem>>, vector<1x16xf32>,
        %swap3A_341 = vector.shape_cast %swap3A_340 : vector<1x16xf32> to vector<16xf32>
        %swap3A_342 = vector.shape_cast %get3A_337 : vector<16xf32> to vector<1x16xf32>
        tpu.vector_store %arg11[%swap3A_338, %swap3A_339], %swap3A_342 {add = true, strides = array<i32>} : memref<64x128xf32, #tpu.memory_space<vmem>>, vector<1x16xf32>,
        %get3A_343 = arith.index_cast %scan3A_324 : i32 to index
        %get3A_344 = arith.constant 32 : index
        %get3A_345 = tpu.vector_load %arg16[%get3A_343, %get3A_344] {strides = array<i32>} : memref<64x128xf32, #tpu.memory_space<vmem>>, vector<1x16xf32>,
        %get3A_346 = vector.shape_cast %get3A_345 : vector<1x16xf32> to vector<16xf32>
        %swap3A_347 = arith.index_cast %scan3A_324 : i32 to index
        %swap3A_348 = arith.constant 32 : index
        %swap3A_349 = tpu.vector_load %arg11[%swap3A_347, %swap3A_348] {strides = array<i32>} : memref<64x128xf32, #tpu.memory_space<vmem>>, vector<1x16xf32>,
        %swap3A_350 = vector.shape_cast %swap3A_349 : vector<1x16xf32> to vector<16xf32>
        %swap3A_351 = vector.shape_cast %get3A_346 : vector<16xf32> to vector<1x16xf32>
        tpu.vector_store %arg11[%swap3A_347, %swap3A_348], %swap3A_351 {add = true, strides = array<i32>} : memref<64x128xf32, #tpu.memory_space<vmem>>, vector<1x16xf32>,
        %get3A_352 = arith.index_cast %scan3A_324 : i32 to index
        %get3A_353 = arith.constant 48 : index
        %get3A_354 = tpu.vector_load %arg16[%get3A_352, %get3A_353] {strides = array<i32>} : memref<64x128xf32, #tpu.memory_space<vmem>>, vector<1x16xf32>,
        %get3A_355 = vector.shape_cast %get3A_354 : vector<1x16xf32> to vector<16xf32>
        %swap3A_356 = arith.index_cast %scan3A_324 : i32 to index
        %swap3A_357 = arith.constant 48 : index
        %swap3A_358 = tpu.vector_load %arg11[%swap3A_356, %swap3A_357] {strides = array<i32>} : memref<64x128xf32, #tpu.memory_space<vmem>>, vector<1x16xf32>,
        %swap3A_359 = vector.shape_cast %swap3A_358 : vector<1x16xf32> to vector<16xf32>
        %swap3A_360 = vector.shape_cast %get3A_355 : vector<16xf32> to vector<1x16xf32>
        tpu.vector_store %arg11[%swap3A_356, %swap3A_357], %swap3A_360 {add = true, strides = array<i32>} : memref<64x128xf32, #tpu.memory_space<vmem>>, vector<1x16xf32>,
        %get3A_361 = arith.index_cast %scan3A_324 : i32 to index
        %get3A_362 = arith.constant 64 : index
        %get3A_363 = tpu.vector_load %arg16[%get3A_361, %get3A_362] {strides = array<i32>} : memref<64x128xf32, #tpu.memory_space<vmem>>, vector<1x16xf32>,
        %get3A_364 = vector.shape_cast %get3A_363 : vector<1x16xf32> to vector<16xf32>
        %swap3A_365 = arith.index_cast %scan3A_324 : i32 to index
        %swap3A_366 = arith.constant 64 : index
        %swap3A_367 = tpu.vector_load %arg11[%swap3A_365, %swap3A_366] {strides = array<i32>} : memref<64x128xf32, #tpu.memory_space<vmem>>, vector<1x16xf32>,
        %swap3A_368 = vector.shape_cast %swap3A_367 : vector<1x16xf32> to vector<16xf32>
        %swap3A_369 = vector.shape_cast %get3A_364 : vector<16xf32> to vector<1x16xf32>
        tpu.vector_store %arg11[%swap3A_365, %swap3A_366], %swap3A_369 {add = true, strides = array<i32>} : memref<64x128xf32, #tpu.memory_space<vmem>>, vector<1x16xf32>,
        %get3A_370 = arith.index_cast %scan3A_324 : i32 to index
        %get3A_371 = arith.constant 80 : index
        %get3A_372 = tpu.vector_load %arg16[%get3A_370, %get3A_371] {strides = array<i32>} : memref<64x128xf32, #tpu.memory_space<vmem>>, vector<1x16xf32>,
        %get3A_373 = vector.shape_cast %get3A_372 : vector<1x16xf32> to vector<16xf32>
        %swap3A_374 = arith.index_cast %scan3A_324 : i32 to index
        %swap3A_375 = arith.constant 80 : index
        %swap3A_376 = tpu.vector_load %arg11[%swap3A_374, %swap3A_375] {strides = array<i32>} : memref<64x128xf32, #tpu.memory_space<vmem>>, vector<1x16xf32>,
        %swap3A_377 = vector.shape_cast %swap3A_376 : vector<1x16xf32> to vector<16xf32>
        %swap3A_378 = vector.shape_cast %get3A_373 : vector<16xf32> to vector<1x16xf32>
        tpu.vector_store %arg11[%swap3A_374, %swap3A_375], %swap3A_378 {add = true, strides = array<i32>} : memref<64x128xf32, #tpu.memory_space<vmem>>, vector<1x16xf32>,
        %get3A_379 = arith.index_cast %scan3A_324 : i32 to index
        %get3A_380 = arith.constant 96 : index
        %get3A_381 = tpu.vector_load %arg16[%get3A_379, %get3A_380] {strides = array<i32>} : memref<64x128xf32, #tpu.memory_space<vmem>>, vector<1x16xf32>,
        %get3A_382 = vector.shape_cast %get3A_381 : vector<1x16xf32> to vector<16xf32>
        %swap3A_383 = arith.index_cast %scan3A_324 : i32 to index
        %swap3A_384 = arith.constant 96 : index
        %swap3A_385 = tpu.vector_load %arg11[%swap3A_383, %swap3A_384] {strides = array<i32>} : memref<64x128xf32, #tpu.memory_space<vmem>>, vector<1x16xf32>,
        %swap3A_386 = vector.shape_cast %swap3A_385 : vector<1x16xf32> to vector<16xf32>
        %swap3A_387 = vector.shape_cast %get3A_382 : vector<16xf32> to vector<1x16xf32>
        tpu.vector_store %arg11[%swap3A_383, %swap3A_384], %swap3A_387 {add = true, strides = array<i32>} : memref<64x128xf32, #tpu.memory_space<vmem>>, vector<1x16xf32>,
        %get3A_388 = arith.index_cast %scan3A_324 : i32 to index
        %get3A_389 = arith.constant 112 : index
        %get3A_390 = tpu.vector_load %arg16[%get3A_388, %get3A_389] {strides = array<i32>} : memref<64x128xf32, #tpu.memory_space<vmem>>, vector<1x16xf32>,
        %get3A_391 = vector.shape_cast %get3A_390 : vector<1x16xf32> to vector<16xf32>
        %swap3A_392 = arith.index_cast %scan3A_324 : i32 to index
        %swap3A_393 = arith.constant 112 : index
        %swap3A_394 = tpu.vector_load %arg11[%swap3A_392, %swap3A_393] {strides = array<i32>} : memref<64x128xf32, #tpu.memory_space<vmem>>, vector<1x16xf32>,
        %swap3A_395 = vector.shape_cast %swap3A_394 : vector<1x16xf32> to vector<16xf32>
        %swap3A_396 = vector.shape_cast %get3A_391 : vector<16xf32> to vector<1x16xf32>
        tpu.vector_store %arg11[%swap3A_392, %swap3A_393], %swap3A_396 {add = true, strides = array<i32>} : memref<64x128xf32, #tpu.memory_space<vmem>>, vector<1x16xf32>,
        %scan3A_397 = arith.constant 2 : i32
        %scan3A_398 = arith.addi %scan3A_252, %scan3A_397 : i32
        %get3A_399 = arith.index_cast %scan3A_398 : i32 to index
        %get3A_400 = arith.constant 0 : index
        %get3A_401 = tpu.vector_load %arg16[%get3A_399, %get3A_400] {strides = array<i32>} : memref<64x128xf32, #tpu.memory_space<vmem>>, vector<1x16xf32>,
        %get3A_402 = vector.shape_cast %get3A_401 : vector<1x16xf32> to vector<16xf32>
        %swap3A_403 = arith.index_cast %scan3A_398 : i32 to index
        %swap3A_404 = arith.constant 0 : index
        %swap3A_405 = tpu.vector_load %arg11[%swap3A_403, %swap3A_404] {strides = array<i32>} : memref<64x128xf32, #tpu.memory_space<vmem>>, vector<1x16xf32>,
        %swap3A_406 = vector.shape_cast %swap3A_405 : vector<1x16xf32> to vector<16xf32>
        %swap3A_407 = vector.shape_cast %get3A_402 : vector<16xf32> to vector<1x16xf32>
        tpu.vector_store %arg11[%swap3A_403, %swap3A_404], %swap3A_407 {add = true, strides = array<i32>} : memref<64x128xf32, #tpu.memory_space<vmem>>, vector<1x16xf32>,
        %get3A_408 = arith.index_cast %scan3A_398 : i32 to index
        %get3A_409 = arith.constant 16 : index
        %get3A_410 = tpu.vector_load %arg16[%get3A_408, %get3A_409] {strides = array<i32>} : memref<64x128xf32, #tpu.memory_space<vmem>>, vector<1x16xf32>,
        %get3A_411 = vector.shape_cast %get3A_410 : vector<1x16xf32> to vector<16xf32>
        %swap3A_412 = arith.index_cast %scan3A_398 : i32 to index
        %swap3A_413 = arith.constant 16 : index
        %swap3A_414 = tpu.vector_load %arg11[%swap3A_412, %swap3A_413] {strides = array<i32>} : memref<64x128xf32, #tpu.memory_space<vmem>>, vector<1x16xf32>,
        %swap3A_415 = vector.shape_cast %swap3A_414 : vector<1x16xf32> to vector<16xf32>
        %swap3A_416 = vector.shape_cast %get3A_411 : vector<16xf32> to vector<1x16xf32>
        tpu.vector_store %arg11[%swap3A_412, %swap3A_413], %swap3A_416 {add = true, strides = array<i32>} : memref<64x128xf32, #tpu.memory_space<vmem>>, vector<1x16xf32>,
        %get3A_417 = arith.index_cast %scan3A_398 : i32 to index
        %get3A_418 = arith.constant 32 : index
        %get3A_419 = tpu.vector_load %arg16[%get3A_417, %get3A_418] {strides = array<i32>} : memref<64x128xf32, #tpu.memory_space<vmem>>, vector<1x16xf32>,
        %get3A_420 = vector.shape_cast %get3A_419 : vector<1x16xf32> to vector<16xf32>
        %swap3A_421 = arith.index_cast %scan3A_398 : i32 to index
        %swap3A_422 = arith.constant 32 : index
        %swap3A_423 = tpu.vector_load %arg11[%swap3A_421, %swap3A_422] {strides = array<i32>} : memref<64x128xf32, #tpu.memory_space<vmem>>, vector<1x16xf32>,
        %swap3A_424 = vector.shape_cast %swap3A_423 : vector<1x16xf32> to vector<16xf32>
        %swap3A_425 = vector.shape_cast %get3A_420 : vector<16xf32> to vector<1x16xf32>
        tpu.vector_store %arg11[%swap3A_421, %swap3A_422], %swap3A_425 {add = true, strides = array<i32>} : memref<64x128xf32, #tpu.memory_space<vmem>>, vector<1x16xf32>,
        %get3A_426 = arith.index_cast %scan3A_398 : i32 to index
        %get3A_427 = arith.constant 48 : index
        %get3A_428 = tpu.vector_load %arg16[%get3A_426, %get3A_427] {strides = array<i32>} : memref<64x128xf32, #tpu.memory_space<vmem>>, vector<1x16xf32>,
        %get3A_429 = vector.shape_cast %get3A_428 : vector<1x16xf32> to vector<16xf32>
        %swap3A_430 = arith.index_cast %scan3A_398 : i32 to index
        %swap3A_431 = arith.constant 48 : index
        %swap3A_432 = tpu.vector_load %arg11[%swap3A_430, %swap3A_431] {strides = array<i32>} : memref<64x128xf32, #tpu.memory_space<vmem>>, vector<1x16xf32>,
        %swap3A_433 = vector.shape_cast %swap3A_432 : vector<1x16xf32> to vector<16xf32>
        %swap3A_434 = vector.shape_cast %get3A_429 : vector<16xf32> to vector<1x16xf32>
        tpu.vector_store %arg11[%swap3A_430, %swap3A_431], %swap3A_434 {add = true, strides = array<i32>} : memref<64x128xf32, #tpu.memory_space<vmem>>, vector<1x16xf32>,
        %get3A_435 = arith.index_cast %scan3A_398 : i32 to index
        %get3A_436 = arith.constant 64 : index
        %get3A_437 = tpu.vector_load %arg16[%get3A_435, %get3A_436] {strides = array<i32>} : memref<64x128xf32, #tpu.memory_space<vmem>>, vector<1x16xf32>,
        %get3A_438 = vector.shape_cast %get3A_437 : vector<1x16xf32> to vector<16xf32>
        %swap3A_439 = arith.index_cast %scan3A_398 : i32 to index
        %swap3A_440 = arith.constant 64 : index
        %swap3A_441 = tpu.vector_load %arg11[%swap3A_439, %swap3A_440] {strides = array<i32>} : memref<64x128xf32, #tpu.memory_space<vmem>>, vector<1x16xf32>,
        %swap3A_442 = vector.shape_cast %swap3A_441 : vector<1x16xf32> to vector<16xf32>
        %swap3A_443 = vector.shape_cast %get3A_438 : vector<16xf32> to vector<1x16xf32>
        tpu.vector_store %arg11[%swap3A_439, %swap3A_440], %swap3A_443 {add = true, strides = array<i32>} : memref<64x128xf32, #tpu.memory_space<vmem>>, vector<1x16xf32>,
        %get3A_444 = arith.index_cast %scan3A_398 : i32 to index
        %get3A_445 = arith.constant 80 : index
        %get3A_446 = tpu.vector_load %arg16[%get3A_444, %get3A_445] {strides = array<i32>} : memref<64x128xf32, #tpu.memory_space<vmem>>, vector<1x16xf32>,
        %get3A_447 = vector.shape_cast %get3A_446 : vector<1x16xf32> to vector<16xf32>
        %swap3A_448 = arith.index_cast %scan3A_398 : i32 to index
        %swap3A_449 = arith.constant 80 : index
        %swap3A_450 = tpu.vector_load %arg11[%swap3A_448, %swap3A_449] {strides = array<i32>} : memref<64x128xf32, #tpu.memory_space<vmem>>, vector<1x16xf32>,
        %swap3A_451 = vector.shape_cast %swap3A_450 : vector<1x16xf32> to vector<16xf32>
        %swap3A_452 = vector.shape_cast %get3A_447 : vector<16xf32> to vector<1x16xf32>
        tpu.vector_store %arg11[%swap3A_448, %swap3A_449], %swap3A_452 {add = true, strides = array<i32>} : memref<64x128xf32, #tpu.memory_space<vmem>>, vector<1x16xf32>,
        %get3A_453 = arith.index_cast %scan3A_398 : i32 to index
        %get3A_454 = arith.constant 96 : index
        %get3A_455 = tpu.vector_load %arg16[%get3A_453, %get3A_454] {strides = array<i32>} : memref<64x128xf32, #tpu.memory_space<vmem>>, vector<1x16xf32>,
        %get3A_456 = vector.shape_cast %get3A_455 : vector<1x16xf32> to vector<16xf32>
        %swap3A_457 = arith.index_cast %scan3A_398 : i32 to index
        %swap3A_458 = arith.constant 96 : index
        %swap3A_459 = tpu.vector_load %arg11[%swap3A_457, %swap3A_458] {strides = array<i32>} : memref<64x128xf32, #tpu.memory_space<vmem>>, vector<1x16xf32>,
        %swap3A_460 = vector.shape_cast %swap3A_459 : vector<1x16xf32> to vector<16xf32>
        %swap3A_461 = vector.shape_cast %get3A_456 : vector<16xf32> to vector<1x16xf32>
        tpu.vector_store %arg11[%swap3A_457, %swap3A_458], %swap3A_461 {add = true, strides = array<i32>} : memref<64x128xf32, #tpu.memory_space<vmem>>, vector<1x16xf32>,
        %get3A_462 = arith.index_cast %scan3A_398 : i32 to index
        %get3A_463 = arith.constant 112 : index
        %get3A_464 = tpu.vector_load %arg16[%get3A_462, %get3A_463] {strides = array<i32>} : memref<64x128xf32, #tpu.memory_space<vmem>>, vector<1x16xf32>,
        %get3A_465 = vector.shape_cast %get3A_464 : vector<1x16xf32> to vector<16xf32>
        %swap3A_466 = arith.index_cast %scan3A_398 : i32 to index
        %swap3A_467 = arith.constant 112 : index
        %swap3A_468 = tpu.vector_load %arg11[%swap3A_466, %swap3A_467] {strides = array<i32>} : memref<64x128xf32, #tpu.memory_space<vmem>>, vector<1x16xf32>,
        %swap3A_469 = vector.shape_cast %swap3A_468 : vector<1x16xf32> to vector<16xf32>
        %swap3A_470 = vector.shape_cast %get3A_465 : vector<16xf32> to vector<1x16xf32>
        tpu.vector_store %arg11[%swap3A_466, %swap3A_467], %swap3A_470 {add = true, strides = array<i32>} : memref<64x128xf32, #tpu.memory_space<vmem>>, vector<1x16xf32>,
        %scan3A_471 = arith.constant 3 : i32
        %scan3A_472 = arith.addi %scan3A_252, %scan3A_471 : i32
        %get3A_473 = arith.index_cast %scan3A_472 : i32 to index
        %get3A_474 = arith.constant 0 : index
        %get3A_475 = tpu.vector_load %arg16[%get3A_473, %get3A_474] {strides = array<i32>} : memref<64x128xf32, #tpu.memory_space<vmem>>, vector<1x16xf32>,
        %get3A_476 = vector.shape_cast %get3A_475 : vector<1x16xf32> to vector<16xf32>
        %swap3A_477 = arith.index_cast %scan3A_472 : i32 to index
        %swap3A_478 = arith.constant 0 : index
        %swap3A_479 = tpu.vector_load %arg11[%swap3A_477, %swap3A_478] {strides = array<i32>} : memref<64x128xf32, #tpu.memory_space<vmem>>, vector<1x16xf32>,
        %swap3A_480 = vector.shape_cast %swap3A_479 : vector<1x16xf32> to vector<16xf32>
        %swap3A_481 = vector.shape_cast %get3A_476 : vector<16xf32> to vector<1x16xf32>
        tpu.vector_store %arg11[%swap3A_477, %swap3A_478], %swap3A_481 {add = true, strides = array<i32>} : memref<64x128xf32, #tpu.memory_space<vmem>>, vector<1x16xf32>,
        %get3A_482 = arith.index_cast %scan3A_472 : i32 to index
        %get3A_483 = arith.constant 16 : index
        %get3A_484 = tpu.vector_load %arg16[%get3A_482, %get3A_483] {strides = array<i32>} : memref<64x128xf32, #tpu.memory_space<vmem>>, vector<1x16xf32>,
        %get3A_485 = vector.shape_cast %get3A_484 : vector<1x16xf32> to vector<16xf32>
        %swap3A_486 = arith.index_cast %scan3A_472 : i32 to index
        %swap3A_487 = arith.constant 16 : index
        %swap3A_488 = tpu.vector_load %arg11[%swap3A_486, %swap3A_487] {strides = array<i32>} : memref<64x128xf32, #tpu.memory_space<vmem>>, vector<1x16xf32>,
        %swap3A_489 = vector.shape_cast %swap3A_488 : vector<1x16xf32> to vector<16xf32>
        %swap3A_490 = vector.shape_cast %get3A_485 : vector<16xf32> to vector<1x16xf32>
        tpu.vector_store %arg11[%swap3A_486, %swap3A_487], %swap3A_490 {add = true, strides = array<i32>} : memref<64x128xf32, #tpu.memory_space<vmem>>, vector<1x16xf32>,
        %get3A_491 = arith.index_cast %scan3A_472 : i32 to index
        %get3A_492 = arith.constant 32 : index
        %get3A_493 = tpu.vector_load %arg16[%get3A_491, %get3A_492] {strides = array<i32>} : memref<64x128xf32, #tpu.memory_space<vmem>>, vector<1x16xf32>,
        %get3A_494 = vector.shape_cast %get3A_493 : vector<1x16xf32> to vector<16xf32>
        %swap3A_495 = arith.index_cast %scan3A_472 : i32 to index
        %swap3A_496 = arith.constant 32 : index
        %swap3A_497 = tpu.vector_load %arg11[%swap3A_495, %swap3A_496] {strides = array<i32>} : memref<64x128xf32, #tpu.memory_space<vmem>>, vector<1x16xf32>,
        %swap3A_498 = vector.shape_cast %swap3A_497 : vector<1x16xf32> to vector<16xf32>
        %swap3A_499 = vector.shape_cast %get3A_494 : vector<16xf32> to vector<1x16xf32>
        tpu.vector_store %arg11[%swap3A_495, %swap3A_496], %swap3A_499 {add = true, strides = array<i32>} : memref<64x128xf32, #tpu.memory_space<vmem>>, vector<1x16xf32>,
        %get3A_500 = arith.index_cast %scan3A_472 : i32 to index
        %get3A_501 = arith.constant 48 : index
        %get3A_502 = tpu.vector_load %arg16[%get3A_500, %get3A_501] {strides = array<i32>} : memref<64x128xf32, #tpu.memory_space<vmem>>, vector<1x16xf32>,
        %get3A_503 = vector.shape_cast %get3A_502 : vector<1x16xf32> to vector<16xf32>
        %swap3A_504 = arith.index_cast %scan3A_472 : i32 to index
        %swap3A_505 = arith.constant 48 : index
        %swap3A_506 = tpu.vector_load %arg11[%swap3A_504, %swap3A_505] {strides = array<i32>} : memref<64x128xf32, #tpu.memory_space<vmem>>, vector<1x16xf32>,
        %swap3A_507 = vector.shape_cast %swap3A_506 : vector<1x16xf32> to vector<16xf32>
        %swap3A_508 = vector.shape_cast %get3A_503 : vector<16xf32> to vector<1x16xf32>
        tpu.vector_store %arg11[%swap3A_504, %swap3A_505], %swap3A_508 {add = true, strides = array<i32>} : memref<64x128xf32, #tpu.memory_space<vmem>>, vector<1x16xf32>,
        %get3A_509 = arith.index_cast %scan3A_472 : i32 to index
        %get3A_510 = arith.constant 64 : index
        %get3A_511 = tpu.vector_load %arg16[%get3A_509, %get3A_510] {strides = array<i32>} : memref<64x128xf32, #tpu.memory_space<vmem>>, vector<1x16xf32>,
        %get3A_512 = vector.shape_cast %get3A_511 : vector<1x16xf32> to vector<16xf32>
        %swap3A_513 = arith.index_cast %scan3A_472 : i32 to index
        %swap3A_514 = arith.constant 64 : index
        %swap3A_515 = tpu.vector_load %arg11[%swap3A_513, %swap3A_514] {strides = array<i32>} : memref<64x128xf32, #tpu.memory_space<vmem>>, vector<1x16xf32>,
        %swap3A_516 = vector.shape_cast %swap3A_515 : vector<1x16xf32> to vector<16xf32>
        %swap3A_517 = vector.shape_cast %get3A_512 : vector<16xf32> to vector<1x16xf32>
        tpu.vector_store %arg11[%swap3A_513, %swap3A_514], %swap3A_517 {add = true, strides = array<i32>} : memref<64x128xf32, #tpu.memory_space<vmem>>, vector<1x16xf32>,
        %get3A_518 = arith.index_cast %scan3A_472 : i32 to index
        %get3A_519 = arith.constant 80 : index
        %get3A_520 = tpu.vector_load %arg16[%get3A_518, %get3A_519] {strides = array<i32>} : memref<64x128xf32, #tpu.memory_space<vmem>>, vector<1x16xf32>,
        %get3A_521 = vector.shape_cast %get3A_520 : vector<1x16xf32> to vector<16xf32>
        %swap3A_522 = arith.index_cast %scan3A_472 : i32 to index
        %swap3A_523 = arith.constant 80 : index
        %swap3A_524 = tpu.vector_load %arg11[%swap3A_522, %swap3A_523] {strides = array<i32>} : memref<64x128xf32, #tpu.memory_space<vmem>>, vector<1x16xf32>,
        %swap3A_525 = vector.shape_cast %swap3A_524 : vector<1x16xf32> to vector<16xf32>
        %swap3A_526 = vector.shape_cast %get3A_521 : vector<16xf32> to vector<1x16xf32>
        tpu.vector_store %arg11[%swap3A_522, %swap3A_523], %swap3A_526 {add = true, strides = array<i32>} : memref<64x128xf32, #tpu.memory_space<vmem>>, vector<1x16xf32>,
        %get3A_527 = arith.index_cast %scan3A_472 : i32 to index
        %get3A_528 = arith.constant 96 : index
        %get3A_529 = tpu.vector_load %arg16[%get3A_527, %get3A_528] {strides = array<i32>} : memref<64x128xf32, #tpu.memory_space<vmem>>, vector<1x16xf32>,
        %get3A_530 = vector.shape_cast %get3A_529 : vector<1x16xf32> to vector<16xf32>
        %swap3A_531 = arith.index_cast %scan3A_472 : i32 to index
        %swap3A_532 = arith.constant 96 : index
        %swap3A_533 = tpu.vector_load %arg11[%swap3A_531, %swap3A_532] {strides = array<i32>} : memref<64x128xf32, #tpu.memory_space<vmem>>, vector<1x16xf32>,
        %swap3A_534 = vector.shape_cast %swap3A_533 : vector<1x16xf32> to vector<16xf32>
        %swap3A_535 = vector.shape_cast %get3A_530 : vector<16xf32> to vector<1x16xf32>
        tpu.vector_store %arg11[%swap3A_531, %swap3A_532], %swap3A_535 {add = true, strides = array<i32>} : memref<64x128xf32, #tpu.memory_space<vmem>>, vector<1x16xf32>,
        %get3A_536 = arith.index_cast %scan3A_472 : i32 to index
        %get3A_537 = arith.constant 112 : index
        %get3A_538 = tpu.vector_load %arg16[%get3A_536, %get3A_537] {strides = array<i32>} : memref<64x128xf32, #tpu.memory_space<vmem>>, vector<1x16xf32>,
        %get3A_539 = vector.shape_cast %get3A_538 : vector<1x16xf32> to vector<16xf32>
        %swap3A_540 = arith.index_cast %scan3A_472 : i32 to index
        %swap3A_541 = arith.constant 112 : index
        %swap3A_542 = tpu.vector_load %arg11[%swap3A_540, %swap3A_541] {strides = array<i32>} : memref<64x128xf32, #tpu.memory_space<vmem>>, vector<1x16xf32>,
        %swap3A_543 = vector.shape_cast %swap3A_542 : vector<1x16xf32> to vector<16xf32>
        %swap3A_544 = vector.shape_cast %get3A_539 : vector<16xf32> to vector<1x16xf32>
        tpu.vector_store %arg11[%swap3A_540, %swap3A_541], %swap3A_544 {add = true, strides = array<i32>} : memref<64x128xf32, #tpu.memory_space<vmem>>, vector<1x16xf32>,
        %scan3A_545 = arith.constant 4 : i32
        %scan3A_546 = arith.addi %scan3A_252, %scan3A_545 : i32
        %get3A_547 = arith.index_cast %scan3A_546 : i32 to index
        %get3A_548 = arith.constant 0 : index
        %get3A_549 = tpu.vector_load %arg16[%get3A_547, %get3A_548] {strides = array<i32>} : memref<64x128xf32, #tpu.memory_space<vmem>>, vector<1x16xf32>,
        %get3A_550 = vector.shape_cast %get3A_549 : vector<1x16xf32> to vector<16xf32>
        %swap3A_551 = arith.index_cast %scan3A_546 : i32 to index
        %swap3A_552 = arith.constant 0 : index
        %swap3A_553 = tpu.vector_load %arg11[%swap3A_551, %swap3A_552] {strides = array<i32>} : memref<64x128xf32, #tpu.memory_space<vmem>>, vector<1x16xf32>,
        %swap3A_554 = vector.shape_cast %swap3A_553 : vector<1x16xf32> to vector<16xf32>
        %swap3A_555 = vector.shape_cast %get3A_550 : vector<16xf32> to vector<1x16xf32>
        tpu.vector_store %arg11[%swap3A_551, %swap3A_552], %swap3A_555 {add = true, strides = array<i32>} : memref<64x128xf32, #tpu.memory_space<vmem>>, vector<1x16xf32>,
        %get3A_556 = arith.index_cast %scan3A_546 : i32 to index
        %get3A_557 = arith.constant 16 : index
        %get3A_558 = tpu.vector_load %arg16[%get3A_556, %get3A_557] {strides = array<i32>} : memref<64x128xf32, #tpu.memory_space<vmem>>, vector<1x16xf32>,
        %get3A_559 = vector.shape_cast %get3A_558 : vector<1x16xf32> to vector<16xf32>
        %swap3A_560 = arith.index_cast %scan3A_546 : i32 to index
        %swap3A_561 = arith.constant 16 : index
        %swap3A_562 = tpu.vector_load %arg11[%swap3A_560, %swap3A_561] {strides = array<i32>} : memref<64x128xf32, #tpu.memory_space<vmem>>, vector<1x16xf32>,
        %swap3A_563 = vector.shape_cast %swap3A_562 : vector<1x16xf32> to vector<16xf32>
        %swap3A_564 = vector.shape_cast %get3A_559 : vector<16xf32> to vector<1x16xf32>
        tpu.vector_store %arg11[%swap3A_560, %swap3A_561], %swap3A_564 {add = true, strides = array<i32>} : memref<64x128xf32, #tpu.memory_space<vmem>>, vector<1x16xf32>,
        %get3A_565 = arith.index_cast %scan3A_546 : i32 to index
        %get3A_566 = arith.constant 32 : index
        %get3A_567 = tpu.vector_load %arg16[%get3A_565, %get3A_566] {strides = array<i32>} : memref<64x128xf32, #tpu.memory_space<vmem>>, vector<1x16xf32>,
        %get3A_568 = vector.shape_cast %get3A_567 : vector<1x16xf32> to vector<16xf32>
        %swap3A_569 = arith.index_cast %scan3A_546 : i32 to index
        %swap3A_570 = arith.constant 32 : index
        %swap3A_571 = tpu.vector_load %arg11[%swap3A_569, %swap3A_570] {strides = array<i32>} : memref<64x128xf32, #tpu.memory_space<vmem>>, vector<1x16xf32>,
        %swap3A_572 = vector.shape_cast %swap3A_571 : vector<1x16xf32> to vector<16xf32>
        %swap3A_573 = vector.shape_cast %get3A_568 : vector<16xf32> to vector<1x16xf32>
        tpu.vector_store %arg11[%swap3A_569, %swap3A_570], %swap3A_573 {add = true, strides = array<i32>} : memref<64x128xf32, #tpu.memory_space<vmem>>, vector<1x16xf32>,
        %get3A_574 = arith.index_cast %scan3A_546 : i32 to index
        %get3A_575 = arith.constant 48 : index
        %get3A_576 = tpu.vector_load %arg16[%get3A_574, %get3A_575] {strides = array<i32>} : memref<64x128xf32, #tpu.memory_space<vmem>>, vector<1x16xf32>,
        %get3A_577 = vector.shape_cast %get3A_576 : vector<1x16xf32> to vector<16xf32>
        %swap3A_578 = arith.index_cast %scan3A_546 : i32 to index
        %swap3A_579 = arith.constant 48 : index
        %swap3A_580 = tpu.vector_load %arg11[%swap3A_578, %swap3A_579] {strides = array<i32>} : memref<64x128xf32, #tpu.memory_space<vmem>>, vector<1x16xf32>,
        %swap3A_581 = vector.shape_cast %swap3A_580 : vector<1x16xf32> to vector<16xf32>
        %swap3A_582 = vector.shape_cast %get3A_577 : vector<16xf32> to vector<1x16xf32>
        tpu.vector_store %arg11[%swap3A_578, %swap3A_579], %swap3A_582 {add = true, strides = array<i32>} : memref<64x128xf32, #tpu.memory_space<vmem>>, vector<1x16xf32>,
        %get3A_583 = arith.index_cast %scan3A_546 : i32 to index
        %get3A_584 = arith.constant 64 : index
        %get3A_585 = tpu.vector_load %arg16[%get3A_583, %get3A_584] {strides = array<i32>} : memref<64x128xf32, #tpu.memory_space<vmem>>, vector<1x16xf32>,
        %get3A_586 = vector.shape_cast %get3A_585 : vector<1x16xf32> to vector<16xf32>
        %swap3A_587 = arith.index_cast %scan3A_546 : i32 to index
        %swap3A_588 = arith.constant 64 : index
        %swap3A_589 = tpu.vector_load %arg11[%swap3A_587, %swap3A_588] {strides = array<i32>} : memref<64x128xf32, #tpu.memory_space<vmem>>, vector<1x16xf32>,
        %swap3A_590 = vector.shape_cast %swap3A_589 : vector<1x16xf32> to vector<16xf32>
        %swap3A_591 = vector.shape_cast %get3A_586 : vector<16xf32> to vector<1x16xf32>
        tpu.vector_store %arg11[%swap3A_587, %swap3A_588], %swap3A_591 {add = true, strides = array<i32>} : memref<64x128xf32, #tpu.memory_space<vmem>>, vector<1x16xf32>,
        %get3A_592 = arith.index_cast %scan3A_546 : i32 to index
        %get3A_593 = arith.constant 80 : index
        %get3A_594 = tpu.vector_load %arg16[%get3A_592, %get3A_593] {strides = array<i32>} : memref<64x128xf32, #tpu.memory_space<vmem>>, vector<1x16xf32>,
        %get3A_595 = vector.shape_cast %get3A_594 : vector<1x16xf32> to vector<16xf32>
        %swap3A_596 = arith.index_cast %scan3A_546 : i32 to index
        %swap3A_597 = arith.constant 80 : index
        %swap3A_598 = tpu.vector_load %arg11[%swap3A_596, %swap3A_597] {strides = array<i32>} : memref<64x128xf32, #tpu.memory_space<vmem>>, vector<1x16xf32>,
        %swap3A_599 = vector.shape_cast %swap3A_598 : vector<1x16xf32> to vector<16xf32>
        %swap3A_600 = vector.shape_cast %get3A_595 : vector<16xf32> to vector<1x16xf32>
        tpu.vector_store %arg11[%swap3A_596, %swap3A_597], %swap3A_600 {add = true, strides = array<i32>} : memref<64x128xf32, #tpu.memory_space<vmem>>, vector<1x16xf32>,
        %get3A_601 = arith.index_cast %scan3A_546 : i32 to index
        %get3A_602 = arith.constant 96 : index
        %get3A_603 = tpu.vector_load %arg16[%get3A_601, %get3A_602] {strides = array<i32>} : memref<64x128xf32, #tpu.memory_space<vmem>>, vector<1x16xf32>,
        %get3A_604 = vector.shape_cast %get3A_603 : vector<1x16xf32> to vector<16xf32>
        %swap3A_605 = arith.index_cast %scan3A_546 : i32 to index
        %swap3A_606 = arith.constant 96 : index
        %swap3A_607 = tpu.vector_load %arg11[%swap3A_605, %swap3A_606] {strides = array<i32>} : memref<64x128xf32, #tpu.memory_space<vmem>>, vector<1x16xf32>,
        %swap3A_608 = vector.shape_cast %swap3A_607 : vector<1x16xf32> to vector<16xf32>
        %swap3A_609 = vector.shape_cast %get3A_604 : vector<16xf32> to vector<1x16xf32>
        tpu.vector_store %arg11[%swap3A_605, %swap3A_606], %swap3A_609 {add = true, strides = array<i32>} : memref<64x128xf32, #tpu.memory_space<vmem>>, vector<1x16xf32>,
        %get3A_610 = arith.index_cast %scan3A_546 : i32 to index
        %get3A_611 = arith.constant 112 : index
        %get3A_612 = tpu.vector_load %arg16[%get3A_610, %get3A_611] {strides = array<i32>} : memref<64x128xf32, #tpu.memory_space<vmem>>, vector<1x16xf32>,
        %get3A_613 = vector.shape_cast %get3A_612 : vector<1x16xf32> to vector<16xf32>
        %swap3A_614 = arith.index_cast %scan3A_546 : i32 to index
        %swap3A_615 = arith.constant 112 : index
        %swap3A_616 = tpu.vector_load %arg11[%swap3A_614, %swap3A_615] {strides = array<i32>} : memref<64x128xf32, #tpu.memory_space<vmem>>, vector<1x16xf32>,
        %swap3A_617 = vector.shape_cast %swap3A_616 : vector<1x16xf32> to vector<16xf32>
        %swap3A_618 = vector.shape_cast %get3A_613 : vector<16xf32> to vector<1x16xf32>
        tpu.vector_store %arg11[%swap3A_614, %swap3A_615], %swap3A_618 {add = true, strides = array<i32>} : memref<64x128xf32, #tpu.memory_space<vmem>>, vector<1x16xf32>,
        %scan3A_619 = arith.constant 5 : i32
        %scan3A_620 = arith.addi %scan3A_252, %scan3A_619 : i32
        %get3A_621 = arith.index_cast %scan3A_620 : i32 to index
        %get3A_622 = arith.constant 0 : index
        %get3A_623 = tpu.vector_load %arg16[%get3A_621, %get3A_622] {strides = array<i32>} : memref<64x128xf32, #tpu.memory_space<vmem>>, vector<1x16xf32>,
        %get3A_624 = vector.shape_cast %get3A_623 : vector<1x16xf32> to vector<16xf32>
        %swap3A_625 = arith.index_cast %scan3A_620 : i32 to index
        %swap3A_626 = arith.constant 0 : index
        %swap3A_627 = tpu.vector_load %arg11[%swap3A_625, %swap3A_626] {strides = array<i32>} : memref<64x128xf32, #tpu.memory_space<vmem>>, vector<1x16xf32>,
        %swap3A_628 = vector.shape_cast %swap3A_627 : vector<1x16xf32> to vector<16xf32>
        %swap3A_629 = vector.shape_cast %get3A_624 : vector<16xf32> to vector<1x16xf32>
        tpu.vector_store %arg11[%swap3A_625, %swap3A_626], %swap3A_629 {add = true, strides = array<i32>} : memref<64x128xf32, #tpu.memory_space<vmem>>, vector<1x16xf32>,
        %get3A_630 = arith.index_cast %scan3A_620 : i32 to index
        %get3A_631 = arith.constant 16 : index
        %get3A_632 = tpu.vector_load %arg16[%get3A_630, %get3A_631] {strides = array<i32>} : memref<64x128xf32, #tpu.memory_space<vmem>>, vector<1x16xf32>,
        %get3A_633 = vector.shape_cast %get3A_632 : vector<1x16xf32> to vector<16xf32>
        %swap3A_634 = arith.index_cast %scan3A_620 : i32 to index
        %swap3A_635 = arith.constant 16 : index
        %swap3A_636 = tpu.vector_load %arg11[%swap3A_634, %swap3A_635] {strides = array<i32>} : memref<64x128xf32, #tpu.memory_space<vmem>>, vector<1x16xf32>,
        %swap3A_637 = vector.shape_cast %swap3A_636 : vector<1x16xf32> to vector<16xf32>
        %swap3A_638 = vector.shape_cast %get3A_633 : vector<16xf32> to vector<1x16xf32>
        tpu.vector_store %arg11[%swap3A_634, %swap3A_635], %swap3A_638 {add = true, strides = array<i32>} : memref<64x128xf32, #tpu.memory_space<vmem>>, vector<1x16xf32>,
        %get3A_639 = arith.index_cast %scan3A_620 : i32 to index
        %get3A_640 = arith.constant 32 : index
        %get3A_641 = tpu.vector_load %arg16[%get3A_639, %get3A_640] {strides = array<i32>} : memref<64x128xf32, #tpu.memory_space<vmem>>, vector<1x16xf32>,
        %get3A_642 = vector.shape_cast %get3A_641 : vector<1x16xf32> to vector<16xf32>
        %swap3A_643 = arith.index_cast %scan3A_620 : i32 to index
        %swap3A_644 = arith.constant 32 : index
        %swap3A_645 = tpu.vector_load %arg11[%swap3A_643, %swap3A_644] {strides = array<i32>} : memref<64x128xf32, #tpu.memory_space<vmem>>, vector<1x16xf32>,
        %swap3A_646 = vector.shape_cast %swap3A_645 : vector<1x16xf32> to vector<16xf32>
        %swap3A_647 = vector.shape_cast %get3A_642 : vector<16xf32> to vector<1x16xf32>
        tpu.vector_store %arg11[%swap3A_643, %swap3A_644], %swap3A_647 {add = true, strides = array<i32>} : memref<64x128xf32, #tpu.memory_space<vmem>>, vector<1x16xf32>,
        %get3A_648 = arith.index_cast %scan3A_620 : i32 to index
        %get3A_649 = arith.constant 48 : index
        %get3A_650 = tpu.vector_load %arg16[%get3A_648, %get3A_649] {strides = array<i32>} : memref<64x128xf32, #tpu.memory_space<vmem>>, vector<1x16xf32>,
        %get3A_651 = vector.shape_cast %get3A_650 : vector<1x16xf32> to vector<16xf32>
        %swap3A_652 = arith.index_cast %scan3A_620 : i32 to index
        %swap3A_653 = arith.constant 48 : index
        %swap3A_654 = tpu.vector_load %arg11[%swap3A_652, %swap3A_653] {strides = array<i32>} : memref<64x128xf32, #tpu.memory_space<vmem>>, vector<1x16xf32>,
        %swap3A_655 = vector.shape_cast %swap3A_654 : vector<1x16xf32> to vector<16xf32>
        %swap3A_656 = vector.shape_cast %get3A_651 : vector<16xf32> to vector<1x16xf32>
        tpu.vector_store %arg11[%swap3A_652, %swap3A_653], %swap3A_656 {add = true, strides = array<i32>} : memref<64x128xf32, #tpu.memory_space<vmem>>, vector<1x16xf32>,
        %get3A_657 = arith.index_cast %scan3A_620 : i32 to index
        %get3A_658 = arith.constant 64 : index
        %get3A_659 = tpu.vector_load %arg16[%get3A_657, %get3A_658] {strides = array<i32>} : memref<64x128xf32, #tpu.memory_space<vmem>>, vector<1x16xf32>,
        %get3A_660 = vector.shape_cast %get3A_659 : vector<1x16xf32> to vector<16xf32>
        %swap3A_661 = arith.index_cast %scan3A_620 : i32 to index
        %swap3A_662 = arith.constant 64 : index
        %swap3A_663 = tpu.vector_load %arg11[%swap3A_661, %swap3A_662] {strides = array<i32>} : memref<64x128xf32, #tpu.memory_space<vmem>>, vector<1x16xf32>,
        %swap3A_664 = vector.shape_cast %swap3A_663 : vector<1x16xf32> to vector<16xf32>
        %swap3A_665 = vector.shape_cast %get3A_660 : vector<16xf32> to vector<1x16xf32>
        tpu.vector_store %arg11[%swap3A_661, %swap3A_662], %swap3A_665 {add = true, strides = array<i32>} : memref<64x128xf32, #tpu.memory_space<vmem>>, vector<1x16xf32>,
        %get3A_666 = arith.index_cast %scan3A_620 : i32 to index
        %get3A_667 = arith.constant 80 : index
        %get3A_668 = tpu.vector_load %arg16[%get3A_666, %get3A_667] {strides = array<i32>} : memref<64x128xf32, #tpu.memory_space<vmem>>, vector<1x16xf32>,
        %get3A_669 = vector.shape_cast %get3A_668 : vector<1x16xf32> to vector<16xf32>
        %swap3A_670 = arith.index_cast %scan3A_620 : i32 to index
        %swap3A_671 = arith.constant 80 : index
        %swap3A_672 = tpu.vector_load %arg11[%swap3A_670, %swap3A_671] {strides = array<i32>} : memref<64x128xf32, #tpu.memory_space<vmem>>, vector<1x16xf32>,
        %swap3A_673 = vector.shape_cast %swap3A_672 : vector<1x16xf32> to vector<16xf32>
        %swap3A_674 = vector.shape_cast %get3A_669 : vector<16xf32> to vector<1x16xf32>
        tpu.vector_store %arg11[%swap3A_670, %swap3A_671], %swap3A_674 {add = true, strides = array<i32>} : memref<64x128xf32, #tpu.memory_space<vmem>>, vector<1x16xf32>,
        %get3A_675 = arith.index_cast %scan3A_620 : i32 to index
        %get3A_676 = arith.constant 96 : index
        %get3A_677 = tpu.vector_load %arg16[%get3A_675, %get3A_676] {strides = array<i32>} : memref<64x128xf32, #tpu.memory_space<vmem>>, vector<1x16xf32>,
        %get3A_678 = vector.shape_cast %get3A_677 : vector<1x16xf32> to vector<16xf32>
        %swap3A_679 = arith.index_cast %scan3A_620 : i32 to index
        %swap3A_680 = arith.constant 96 : index
        %swap3A_681 = tpu.vector_load %arg11[%swap3A_679, %swap3A_680] {strides = array<i32>} : memref<64x128xf32, #tpu.memory_space<vmem>>, vector<1x16xf32>,
        %swap3A_682 = vector.shape_cast %swap3A_681 : vector<1x16xf32> to vector<16xf32>
        %swap3A_683 = vector.shape_cast %get3A_678 : vector<16xf32> to vector<1x16xf32>
        tpu.vector_store %arg11[%swap3A_679, %swap3A_680], %swap3A_683 {add = true, strides = array<i32>} : memref<64x128xf32, #tpu.memory_space<vmem>>, vector<1x16xf32>,
        %get3A_684 = arith.index_cast %scan3A_620 : i32 to index
        %get3A_685 = arith.constant 112 : index
        %get3A_686 = tpu.vector_load %arg16[%get3A_684, %get3A_685] {strides = array<i32>} : memref<64x128xf32, #tpu.memory_space<vmem>>, vector<1x16xf32>,
        %get3A_687 = vector.shape_cast %get3A_686 : vector<1x16xf32> to vector<16xf32>
        %swap3A_688 = arith.index_cast %scan3A_620 : i32 to index
        %swap3A_689 = arith.constant 112 : index
        %swap3A_690 = tpu.vector_load %arg11[%swap3A_688, %swap3A_689] {strides = array<i32>} : memref<64x128xf32, #tpu.memory_space<vmem>>, vector<1x16xf32>,
        %swap3A_691 = vector.shape_cast %swap3A_690 : vector<1x16xf32> to vector<16xf32>
        %swap3A_692 = vector.shape_cast %get3A_687 : vector<16xf32> to vector<1x16xf32>
        tpu.vector_store %arg11[%swap3A_688, %swap3A_689], %swap3A_692 {add = true, strides = array<i32>} : memref<64x128xf32, #tpu.memory_space<vmem>>, vector<1x16xf32>,
        %scan3A_693 = arith.constant 6 : i32
        %scan3A_694 = arith.addi %scan3A_252, %scan3A_693 : i32
        %get3A_695 = arith.index_cast %scan3A_694 : i32 to index
        %get3A_696 = arith.constant 0 : index
        %get3A_697 = tpu.vector_load %arg16[%get3A_695, %get3A_696] {strides = array<i32>} : memref<64x128xf32, #tpu.memory_space<vmem>>, vector<1x16xf32>,
        %get3A_698 = vector.shape_cast %get3A_697 : vector<1x16xf32> to vector<16xf32>
        %swap3A_699 = arith.index_cast %scan3A_694 : i32 to index
        %swap3A_700 = arith.constant 0 : index
        %swap3A_701 = tpu.vector_load %arg11[%swap3A_699, %swap3A_700] {strides = array<i32>} : memref<64x128xf32, #tpu.memory_space<vmem>>, vector<1x16xf32>,
        %swap3A_702 = vector.shape_cast %swap3A_701 : vector<1x16xf32> to vector<16xf32>
        %swap3A_703 = vector.shape_cast %get3A_698 : vector<16xf32> to vector<1x16xf32>
        tpu.vector_store %arg11[%swap3A_699, %swap3A_700], %swap3A_703 {add = true, strides = array<i32>} : memref<64x128xf32, #tpu.memory_space<vmem>>, vector<1x16xf32>,
        %get3A_704 = arith.index_cast %scan3A_694 : i32 to index
        %get3A_705 = arith.constant 16 : index
        %get3A_706 = tpu.vector_load %arg16[%get3A_704, %get3A_705] {strides = array<i32>} : memref<64x128xf32, #tpu.memory_space<vmem>>, vector<1x16xf32>,
        %get3A_707 = vector.shape_cast %get3A_706 : vector<1x16xf32> to vector<16xf32>
        %swap3A_708 = arith.index_cast %scan3A_694 : i32 to index
        %swap3A_709 = arith.constant 16 : index
        %swap3A_710 = tpu.vector_load %arg11[%swap3A_708, %swap3A_709] {strides = array<i32>} : memref<64x128xf32, #tpu.memory_space<vmem>>, vector<1x16xf32>,
        %swap3A_711 = vector.shape_cast %swap3A_710 : vector<1x16xf32> to vector<16xf32>
        %swap3A_712 = vector.shape_cast %get3A_707 : vector<16xf32> to vector<1x16xf32>
        tpu.vector_store %arg11[%swap3A_708, %swap3A_709], %swap3A_712 {add = true, strides = array<i32>} : memref<64x128xf32, #tpu.memory_space<vmem>>, vector<1x16xf32>,
        %get3A_713 = arith.index_cast %scan3A_694 : i32 to index
        %get3A_714 = arith.constant 32 : index
        %get3A_715 = tpu.vector_load %arg16[%get3A_713, %get3A_714] {strides = array<i32>} : memref<64x128xf32, #tpu.memory_space<vmem>>, vector<1x16xf32>,
        %get3A_716 = vector.shape_cast %get3A_715 : vector<1x16xf32> to vector<16xf32>
        %swap3A_717 = arith.index_cast %scan3A_694 : i32 to index
        %swap3A_718 = arith.constant 32 : index
        %swap3A_719 = tpu.vector_load %arg11[%swap3A_717, %swap3A_718] {strides = array<i32>} : memref<64x128xf32, #tpu.memory_space<vmem>>, vector<1x16xf32>,
        %swap3A_720 = vector.shape_cast %swap3A_719 : vector<1x16xf32> to vector<16xf32>
        %swap3A_721 = vector.shape_cast %get3A_716 : vector<16xf32> to vector<1x16xf32>
        tpu.vector_store %arg11[%swap3A_717, %swap3A_718], %swap3A_721 {add = true, strides = array<i32>} : memref<64x128xf32, #tpu.memory_space<vmem>>, vector<1x16xf32>,
        %get3A_722 = arith.index_cast %scan3A_694 : i32 to index
        %get3A_723 = arith.constant 48 : index
        %get3A_724 = tpu.vector_load %arg16[%get3A_722, %get3A_723] {strides = array<i32>} : memref<64x128xf32, #tpu.memory_space<vmem>>, vector<1x16xf32>,
        %get3A_725 = vector.shape_cast %get3A_724 : vector<1x16xf32> to vector<16xf32>
        %swap3A_726 = arith.index_cast %scan3A_694 : i32 to index
        %swap3A_727 = arith.constant 48 : index
        %swap3A_728 = tpu.vector_load %arg11[%swap3A_726, %swap3A_727] {strides = array<i32>} : memref<64x128xf32, #tpu.memory_space<vmem>>, vector<1x16xf32>,
        %swap3A_729 = vector.shape_cast %swap3A_728 : vector<1x16xf32> to vector<16xf32>
        %swap3A_730 = vector.shape_cast %get3A_725 : vector<16xf32> to vector<1x16xf32>
        tpu.vector_store %arg11[%swap3A_726, %swap3A_727], %swap3A_730 {add = true, strides = array<i32>} : memref<64x128xf32, #tpu.memory_space<vmem>>, vector<1x16xf32>,
        %get3A_731 = arith.index_cast %scan3A_694 : i32 to index
        %get3A_732 = arith.constant 64 : index
        %get3A_733 = tpu.vector_load %arg16[%get3A_731, %get3A_732] {strides = array<i32>} : memref<64x128xf32, #tpu.memory_space<vmem>>, vector<1x16xf32>,
        %get3A_734 = vector.shape_cast %get3A_733 : vector<1x16xf32> to vector<16xf32>
        %swap3A_735 = arith.index_cast %scan3A_694 : i32 to index
        %swap3A_736 = arith.constant 64 : index
        %swap3A_737 = tpu.vector_load %arg11[%swap3A_735, %swap3A_736] {strides = array<i32>} : memref<64x128xf32, #tpu.memory_space<vmem>>, vector<1x16xf32>,
        %swap3A_738 = vector.shape_cast %swap3A_737 : vector<1x16xf32> to vector<16xf32>
        %swap3A_739 = vector.shape_cast %get3A_734 : vector<16xf32> to vector<1x16xf32>
        tpu.vector_store %arg11[%swap3A_735, %swap3A_736], %swap3A_739 {add = true, strides = array<i32>} : memref<64x128xf32, #tpu.memory_space<vmem>>, vector<1x16xf32>,
        %get3A_740 = arith.index_cast %scan3A_694 : i32 to index
        %get3A_741 = arith.constant 80 : index
        %get3A_742 = tpu.vector_load %arg16[%get3A_740, %get3A_741] {strides = array<i32>} : memref<64x128xf32, #tpu.memory_space<vmem>>, vector<1x16xf32>,
        %get3A_743 = vector.shape_cast %get3A_742 : vector<1x16xf32> to vector<16xf32>
        %swap3A_744 = arith.index_cast %scan3A_694 : i32 to index
        %swap3A_745 = arith.constant 80 : index
        %swap3A_746 = tpu.vector_load %arg11[%swap3A_744, %swap3A_745] {strides = array<i32>} : memref<64x128xf32, #tpu.memory_space<vmem>>, vector<1x16xf32>,
        %swap3A_747 = vector.shape_cast %swap3A_746 : vector<1x16xf32> to vector<16xf32>
        %swap3A_748 = vector.shape_cast %get3A_743 : vector<16xf32> to vector<1x16xf32>
        tpu.vector_store %arg11[%swap3A_744, %swap3A_745], %swap3A_748 {add = true, strides = array<i32>} : memref<64x128xf32, #tpu.memory_space<vmem>>, vector<1x16xf32>,
        %get3A_749 = arith.index_cast %scan3A_694 : i32 to index
        %get3A_750 = arith.constant 96 : index
        %get3A_751 = tpu.vector_load %arg16[%get3A_749, %get3A_750] {strides = array<i32>} : memref<64x128xf32, #tpu.memory_space<vmem>>, vector<1x16xf32>,
        %get3A_752 = vector.shape_cast %get3A_751 : vector<1x16xf32> to vector<16xf32>
        %swap3A_753 = arith.index_cast %scan3A_694 : i32 to index
        %swap3A_754 = arith.constant 96 : index
        %swap3A_755 = tpu.vector_load %arg11[%swap3A_753, %swap3A_754] {strides = array<i32>} : memref<64x128xf32, #tpu.memory_space<vmem>>, vector<1x16xf32>,
        %swap3A_756 = vector.shape_cast %swap3A_755 : vector<1x16xf32> to vector<16xf32>
        %swap3A_757 = vector.shape_cast %get3A_752 : vector<16xf32> to vector<1x16xf32>
        tpu.vector_store %arg11[%swap3A_753, %swap3A_754], %swap3A_757 {add = true, strides = array<i32>} : memref<64x128xf32, #tpu.memory_space<vmem>>, vector<1x16xf32>,
        %get3A_758 = arith.index_cast %scan3A_694 : i32 to index
        %get3A_759 = arith.constant 112 : index
        %get3A_760 = tpu.vector_load %arg16[%get3A_758, %get3A_759] {strides = array<i32>} : memref<64x128xf32, #tpu.memory_space<vmem>>, vector<1x16xf32>,
        %get3A_761 = vector.shape_cast %get3A_760 : vector<1x16xf32> to vector<16xf32>
        %swap3A_762 = arith.index_cast %scan3A_694 : i32 to index
        %swap3A_763 = arith.constant 112 : index
        %swap3A_764 = tpu.vector_load %arg11[%swap3A_762, %swap3A_763] {strides = array<i32>} : memref<64x128xf32, #tpu.memory_space<vmem>>, vector<1x16xf32>,
        %swap3A_765 = vector.shape_cast %swap3A_764 : vector<1x16xf32> to vector<16xf32>
        %swap3A_766 = vector.shape_cast %get3A_761 : vector<16xf32> to vector<1x16xf32>
        tpu.vector_store %arg11[%swap3A_762, %swap3A_763], %swap3A_766 {add = true, strides = array<i32>} : memref<64x128xf32, #tpu.memory_space<vmem>>, vector<1x16xf32>,
        %scan3A_767 = arith.constant 7 : i32
        %scan3A_768 = arith.addi %scan3A_252, %scan3A_767 : i32
        %get3A_769 = arith.index_cast %scan3A_768 : i32 to index
        %get3A_770 = arith.constant 0 : index
        %get3A_771 = tpu.vector_load %arg16[%get3A_769, %get3A_770] {strides = array<i32>} : memref<64x128xf32, #tpu.memory_space<vmem>>, vector<1x16xf32>,
        %get3A_772 = vector.shape_cast %get3A_771 : vector<1x16xf32> to vector<16xf32>
        %swap3A_773 = arith.index_cast %scan3A_768 : i32 to index
        %swap3A_774 = arith.constant 0 : index
        %swap3A_775 = tpu.vector_load %arg11[%swap3A_773, %swap3A_774] {strides = array<i32>} : memref<64x128xf32, #tpu.memory_space<vmem>>, vector<1x16xf32>,
        %swap3A_776 = vector.shape_cast %swap3A_775 : vector<1x16xf32> to vector<16xf32>
        %swap3A_777 = vector.shape_cast %get3A_772 : vector<16xf32> to vector<1x16xf32>
        tpu.vector_store %arg11[%swap3A_773, %swap3A_774], %swap3A_777 {add = true, strides = array<i32>} : memref<64x128xf32, #tpu.memory_space<vmem>>, vector<1x16xf32>,
        %get3A_778 = arith.index_cast %scan3A_768 : i32 to index
        %get3A_779 = arith.constant 16 : index
        %get3A_780 = tpu.vector_load %arg16[%get3A_778, %get3A_779] {strides = array<i32>} : memref<64x128xf32, #tpu.memory_space<vmem>>, vector<1x16xf32>,
        %get3A_781 = vector.shape_cast %get3A_780 : vector<1x16xf32> to vector<16xf32>
        %swap3A_782 = arith.index_cast %scan3A_768 : i32 to index
        %swap3A_783 = arith.constant 16 : index
        %swap3A_784 = tpu.vector_load %arg11[%swap3A_782, %swap3A_783] {strides = array<i32>} : memref<64x128xf32, #tpu.memory_space<vmem>>, vector<1x16xf32>,
        %swap3A_785 = vector.shape_cast %swap3A_784 : vector<1x16xf32> to vector<16xf32>
        %swap3A_786 = vector.shape_cast %get3A_781 : vector<16xf32> to vector<1x16xf32>
        tpu.vector_store %arg11[%swap3A_782, %swap3A_783], %swap3A_786 {add = true, strides = array<i32>} : memref<64x128xf32, #tpu.memory_space<vmem>>, vector<1x16xf32>,
        %get3A_787 = arith.index_cast %scan3A_768 : i32 to index
        %get3A_788 = arith.constant 32 : index
        %get3A_789 = tpu.vector_load %arg16[%get3A_787, %get3A_788] {strides = array<i32>} : memref<64x128xf32, #tpu.memory_space<vmem>>, vector<1x16xf32>,
        %get3A_790 = vector.shape_cast %get3A_789 : vector<1x16xf32> to vector<16xf32>
        %swap3A_791 = arith.index_cast %scan3A_768 : i32 to index
        %swap3A_792 = arith.constant 32 : index
        %swap3A_793 = tpu.vector_load %arg11[%swap3A_791, %swap3A_792] {strides = array<i32>} : memref<64x128xf32, #tpu.memory_space<vmem>>, vector<1x16xf32>,
        %swap3A_794 = vector.shape_cast %swap3A_793 : vector<1x16xf32> to vector<16xf32>
        %swap3A_795 = vector.shape_cast %get3A_790 : vector<16xf32> to vector<1x16xf32>
        tpu.vector_store %arg11[%swap3A_791, %swap3A_792], %swap3A_795 {add = true, strides = array<i32>} : memref<64x128xf32, #tpu.memory_space<vmem>>, vector<1x16xf32>,
        %get3A_796 = arith.index_cast %scan3A_768 : i32 to index
        %get3A_797 = arith.constant 48 : index
        %get3A_798 = tpu.vector_load %arg16[%get3A_796, %get3A_797] {strides = array<i32>} : memref<64x128xf32, #tpu.memory_space<vmem>>, vector<1x16xf32>,
        %get3A_799 = vector.shape_cast %get3A_798 : vector<1x16xf32> to vector<16xf32>
        %swap3A_800 = arith.index_cast %scan3A_768 : i32 to index
        %swap3A_801 = arith.constant 48 : index
        %swap3A_802 = tpu.vector_load %arg11[%swap3A_800, %swap3A_801] {strides = array<i32>} : memref<64x128xf32, #tpu.memory_space<vmem>>, vector<1x16xf32>,
        %swap3A_803 = vector.shape_cast %swap3A_802 : vector<1x16xf32> to vector<16xf32>
        %swap3A_804 = vector.shape_cast %get3A_799 : vector<16xf32> to vector<1x16xf32>
        tpu.vector_store %arg11[%swap3A_800, %swap3A_801], %swap3A_804 {add = true, strides = array<i32>} : memref<64x128xf32, #tpu.memory_space<vmem>>, vector<1x16xf32>,
        %get3A_805 = arith.index_cast %scan3A_768 : i32 to index
        %get3A_806 = arith.constant 64 : index
        %get3A_807 = tpu.vector_load %arg16[%get3A_805, %get3A_806] {strides = array<i32>} : memref<64x128xf32, #tpu.memory_space<vmem>>, vector<1x16xf32>,
        %get3A_808 = vector.shape_cast %get3A_807 : vector<1x16xf32> to vector<16xf32>
        %swap3A_809 = arith.index_cast %scan3A_768 : i32 to index
        %swap3A_810 = arith.constant 64 : index
        %swap3A_811 = tpu.vector_load %arg11[%swap3A_809, %swap3A_810] {strides = array<i32>} : memref<64x128xf32, #tpu.memory_space<vmem>>, vector<1x16xf32>,
        %swap3A_812 = vector.shape_cast %swap3A_811 : vector<1x16xf32> to vector<16xf32>
        %swap3A_813 = vector.shape_cast %get3A_808 : vector<16xf32> to vector<1x16xf32>
        tpu.vector_store %arg11[%swap3A_809, %swap3A_810], %swap3A_813 {add = true, strides = array<i32>} : memref<64x128xf32, #tpu.memory_space<vmem>>, vector<1x16xf32>,
        %get3A_814 = arith.index_cast %scan3A_768 : i32 to index
        %get3A_815 = arith.constant 80 : index
        %get3A_816 = tpu.vector_load %arg16[%get3A_814, %get3A_815] {strides = array<i32>} : memref<64x128xf32, #tpu.memory_space<vmem>>, vector<1x16xf32>,
        %get3A_817 = vector.shape_cast %get3A_816 : vector<1x16xf32> to vector<16xf32>
        %swap3A_818 = arith.index_cast %scan3A_768 : i32 to index
        %swap3A_819 = arith.constant 80 : index
        %swap3A_820 = tpu.vector_load %arg11[%swap3A_818, %swap3A_819] {strides = array<i32>} : memref<64x128xf32, #tpu.memory_space<vmem>>, vector<1x16xf32>,
        %swap3A_821 = vector.shape_cast %swap3A_820 : vector<1x16xf32> to vector<16xf32>
        %swap3A_822 = vector.shape_cast %get3A_817 : vector<16xf32> to vector<1x16xf32>
        tpu.vector_store %arg11[%swap3A_818, %swap3A_819], %swap3A_822 {add = true, strides = array<i32>} : memref<64x128xf32, #tpu.memory_space<vmem>>, vector<1x16xf32>,
        %get3A_823 = arith.index_cast %scan3A_768 : i32 to index
        %get3A_824 = arith.constant 96 : index
        %get3A_825 = tpu.vector_load %arg16[%get3A_823, %get3A_824] {strides = array<i32>} : memref<64x128xf32, #tpu.memory_space<vmem>>, vector<1x16xf32>,
        %get3A_826 = vector.shape_cast %get3A_825 : vector<1x16xf32> to vector<16xf32>
        %swap3A_827 = arith.index_cast %scan3A_768 : i32 to index
        %swap3A_828 = arith.constant 96 : index
        %swap3A_829 = tpu.vector_load %arg11[%swap3A_827, %swap3A_828] {strides = array<i32>} : memref<64x128xf32, #tpu.memory_space<vmem>>, vector<1x16xf32>,
        %swap3A_830 = vector.shape_cast %swap3A_829 : vector<1x16xf32> to vector<16xf32>
        %swap3A_831 = vector.shape_cast %get3A_826 : vector<16xf32> to vector<1x16xf32>
        tpu.vector_store %arg11[%swap3A_827, %swap3A_828], %swap3A_831 {add = true, strides = array<i32>} : memref<64x128xf32, #tpu.memory_space<vmem>>, vector<1x16xf32>,
        %get3A_832 = arith.index_cast %scan3A_768 : i32 to index
        %get3A_833 = arith.constant 112 : index
        %get3A_834 = tpu.vector_load %arg16[%get3A_832, %get3A_833] {strides = array<i32>} : memref<64x128xf32, #tpu.memory_space<vmem>>, vector<1x16xf32>,
        %get3A_835 = vector.shape_cast %get3A_834 : vector<1x16xf32> to vector<16xf32>
        %swap3A_836 = arith.index_cast %scan3A_768 : i32 to index
        %swap3A_837 = arith.constant 112 : index
        %swap3A_838 = tpu.vector_load %arg11[%swap3A_836, %swap3A_837] {strides = array<i32>} : memref<64x128xf32, #tpu.memory_space<vmem>>, vector<1x16xf32>,
        %swap3A_839 = vector.shape_cast %swap3A_838 : vector<1x16xf32> to vector<16xf32>
        %swap3A_840 = vector.shape_cast %get3A_835 : vector<16xf32> to vector<1x16xf32>
        tpu.vector_store %arg11[%swap3A_836, %swap3A_837], %swap3A_840 {add = true, strides = array<i32>} : memref<64x128xf32, #tpu.memory_space<vmem>>, vector<1x16xf32>,
      }
      %scan3A_127 = arith.constant 64 : i32
      %mul3A_128 = arith.constant 64 : i32
      %mul3A_129 = arith.muli %add3A_97, %mul3A_128 : i32
      %add3A_130 = arith.addi %mul3A_2, %mul3A_129 : i32
      %dma_start3A_131 = arith.constant 0 : i32
      %dma_start3A_132 = tpu.memref_slice %arg5[%add3A_130, %dma_start3A_131] : memref<204800x128xf32, #tpu.memory_space<hbm>> -> memref<64x128xf32, #tpu.memory_space<hbm>>
      %dma_start3A_133 = arith.constant 0 : i32
      %dma_start3A_134 = tpu.memref_slice %arg5[%add3A_130, %dma_start3A_133] : memref<204800x128xf32, #tpu.memory_space<hbm>> -> memref<64x128xf32, #tpu.memory_space<hbm>>
      tpu.enqueue_dma source(%arg11 : memref<64x128xf32, #tpu.memory_space<vmem>>) target(%dma_start3A_134 : memref<64x128xf32, #tpu.memory_space<hbm>>) target_semaphore(%arg31 : memref<!tpu.dma_semaphore, #tpu.memory_space<semaphore_mem>>)
      %add3A_135 = arith.constant 2 : i32
      %add3A_136 = arith.addi %mul3A_58, %add3A_135 : i32
      %ge3A_137 = arith.constant 2 : i32
      %ge3A_138 = arith.cmpi sge, %add3A_136, %ge3A_137 : i32
      %convert_element_type3A_139 = arith.extui %ge3A_138 : i1 to i32
      %cond3A_140 = arith.constant 0 : i32
      %cond3A_141 = arith.cmpi ne, %convert_element_type3A_139, %cond3A_140 : i32
      scf.if %cond3A_141 {
        %dma_wait3A_252 = arith.constant 0 : i32
        %dma_wait3A_253 = arith.constant 0 : i32
        %dma_wait3A_254 = tpu.memref_slice %arg5[%dma_wait3A_252, %dma_wait3A_253] : memref<204800x128xf32, #tpu.memory_space<hbm>> -> memref<64x128xf32, #tpu.memory_space<hbm>>
        %dma_wait3A_255 = arith.constant 0 : i32
        %dma_wait3A_256 = arith.constant 0 : i32
        %dma_wait3A_257 = tpu.memref_slice %arg5[%dma_wait3A_255, %dma_wait3A_256] : memref<204800x128xf32, #tpu.memory_space<hbm>> -> memref<64x128xf32, #tpu.memory_space<hbm>>
        tpu.wait_dma2 semaphore(%arg30 : memref<!tpu.dma_semaphore, #tpu.memory_space<semaphore_mem>>) src(%arg10 : memref<64x128xf32, #tpu.memory_space<vmem>>) dst(%dma_wait3A_257 : memref<64x128xf32, #tpu.memory_space<hbm>>)
      } else {
      }
      %add3A_142 = arith.constant 3 : i32
      %add3A_143 = arith.addi %add3A_136, %add3A_142 : i32
      %lt3A_144 = arith.constant 100 : i32
      %lt3A_145 = arith.cmpi slt, %add3A_143, %lt3A_144 : i32
      %convert_element_type3A_146 = arith.extui %lt3A_145 : i1 to i32
      %cond3A_147 = arith.constant 0 : i32
      %cond3A_148 = arith.cmpi ne, %convert_element_type3A_146, %cond3A_147 : i32
      scf.if %cond3A_148 {
        %add3A_252 = arith.constant 3 : i32
        %add3A_253 = arith.addi %add3A_136, %add3A_252 : i32
        %mul3A_254 = arith.constant 64 : i32
        %mul3A_255 = arith.muli %add3A_253, %mul3A_254 : i32
        %dma_start3A_256 = tpu.memref_slice %arg7[%mul3A_255] : memref<6400xi32, #tpu.memory_space<vmem>> -> memref<64xi32, #tpu.memory_space<vmem>>
        %dma_start3A_257 = arith.constant 0 : i32
        %dma_start3A_258 = arith.constant 0 : i32
        %dma_start3A_259 = tpu.memref_slice %arg2[%dma_start3A_257, %dma_start3A_258] : memref<100000x128xf32, #tpu.memory_space<hbm>> -> memref<100000x128xf32, #tpu.memory_space<hbm>>
        tpu.enqueue_indirect_dma source(%dma_start3A_259 : memref<100000x128xf32, #tpu.memory_space<hbm>>) target(%arg10 : memref<64x128xf32, #tpu.memory_space<vmem>>) offsets(%dma_start3A_256 : memref<64xi32, #tpu.memory_space<vmem>>) semaphore(%arg20 : memref<!tpu.dma_semaphore, #tpu.memory_space<semaphore_mem>>)
        %add3A_260 = arith.constant 3 : i32
        %add3A_261 = arith.addi %add3A_136, %add3A_260 : i32
        %mul3A_262 = arith.constant 64 : i32
        %mul3A_263 = arith.muli %add3A_261, %mul3A_262 : i32
        %dma_start3A_264 = tpu.memref_slice %arg8[%mul3A_263] : memref<6400xi32, #tpu.memory_space<vmem>> -> memref<64xi32, #tpu.memory_space<vmem>>
        %dma_start3A_265 = arith.constant 0 : i32
        %dma_start3A_266 = arith.constant 0 : i32
        %dma_start3A_267 = tpu.memref_slice %arg9[%dma_start3A_265, %dma_start3A_266] : memref<600x128xf32, #tpu.memory_space<vmem_shared>> -> memref<600x128xf32, #tpu.memory_space<vmem_shared>>
        tpu.enqueue_indirect_dma source(%dma_start3A_267 : memref<600x128xf32, #tpu.memory_space<vmem_shared>>) target(%arg15 : memref<64x128xf32, #tpu.memory_space<vmem>>) offsets(%dma_start3A_264 : memref<64xi32, #tpu.memory_space<vmem>>) semaphore(%arg25 : memref<!tpu.dma_semaphore, #tpu.memory_space<semaphore_mem>>)
      } else {
      }
      %dma_wait3A_149 = arith.constant 0 : i32
      %dma_wait3A_150 = arith.constant 0 : i32
      %dma_wait3A_151 = tpu.memref_slice %arg2[%dma_wait3A_149, %dma_wait3A_150] : memref<100000x128xf32, #tpu.memory_space<hbm>> -> memref<64x128xf32, #tpu.memory_space<hbm>>
      %dma_wait3A_152 = arith.constant 0 : i32
      %dma_wait3A_153 = arith.constant 0 : i32
      %dma_wait3A_154 = tpu.memref_slice %arg2[%dma_wait3A_152, %dma_wait3A_153] : memref<100000x128xf32, #tpu.memory_space<hbm>> -> memref<64x128xf32, #tpu.memory_space<hbm>>
      tpu.wait_dma2 semaphore(%arg22 : memref<!tpu.dma_semaphore, #tpu.memory_space<semaphore_mem>>) src(%dma_wait3A_154 : memref<64x128xf32, #tpu.memory_space<hbm>>) dst(%arg12 : memref<64x128xf32, #tpu.memory_space<vmem>>)
      %dma_wait3A_155 = arith.constant 0 : i32
      %dma_wait3A_156 = arith.constant 0 : i32
      %dma_wait3A_157 = tpu.memref_slice %arg9[%dma_wait3A_155, %dma_wait3A_156] : memref<600x128xf32, #tpu.memory_space<vmem_shared>> -> memref<64x128xf32, #tpu.memory_space<vmem_shared>>
      %dma_wait3A_158 = arith.constant 0 : i32
      %dma_wait3A_159 = arith.constant 0 : i32
      %dma_wait3A_160 = tpu.memref_slice %arg9[%dma_wait3A_158, %dma_wait3A_159] : memref<600x128xf32, #tpu.memory_space<vmem_shared>> -> memref<64x128xf32, #tpu.memory_space<vmem_shared>>
      tpu.wait_dma2 semaphore(%arg27 : memref<!tpu.dma_semaphore, #tpu.memory_space<semaphore_mem>>) src(%dma_wait3A_160 : memref<64x128xf32, #tpu.memory_space<vmem_shared>>) dst(%arg17 : memref<64x128xf32, #tpu.memory_space<vmem>>)
      %scan3A_161 = arith.constant 0 : i32
      %scan3A_162 = arith.constant 0 : i32
      %scan3A_163 = arith.constant 64 : i32
      %scan3A_164 = arith.addi %scan3A_162, %scan3A_163 : i32
      %scan3A_165 = arith.constant 8 : i32
      scf.for %scan3A_252 = %scan3A_162 to %scan3A_164 step %scan3A_165  : i32 {
        %get3A = arith.index_cast %scan3A_252 : i32 to index
        %get3A_253 = arith.constant 0 : index
        %get3A_254 = tpu.vector_load %arg17[%get3A, %get3A_253] {strides = array<i32>} : memref<64x128xf32, #tpu.memory_space<vmem>>, vector<1x16xf32>,
        %get3A_255 = vector.shape_cast %get3A_254 : vector<1x16xf32> to vector<16xf32>
        %swap3A = arith.index_cast %scan3A_252 : i32 to index
        %swap3A_256 = arith.constant 0 : index
        %swap3A_257 = tpu.vector_load %arg12[%swap3A, %swap3A_256] {strides = array<i32>} : memref<64x128xf32, #tpu.memory_space<vmem>>, vector<1x16xf32>,
        %swap3A_258 = vector.shape_cast %swap3A_257 : vector<1x16xf32> to vector<16xf32>
        %swap3A_259 = vector.shape_cast %get3A_255 : vector<16xf32> to vector<1x16xf32>
        tpu.vector_store %arg12[%swap3A, %swap3A_256], %swap3A_259 {add = true, strides = array<i32>} : memref<64x128xf32, #tpu.memory_space<vmem>>, vector<1x16xf32>,
        %get3A_260 = arith.index_cast %scan3A_252 : i32 to index
        %get3A_261 = arith.constant 16 : index
        %get3A_262 = tpu.vector_load %arg17[%get3A_260, %get3A_261] {strides = array<i32>} : memref<64x128xf32, #tpu.memory_space<vmem>>, vector<1x16xf32>,
        %get3A_263 = vector.shape_cast %get3A_262 : vector<1x16xf32> to vector<16xf32>
        %swap3A_264 = arith.index_cast %scan3A_252 : i32 to index
        %swap3A_265 = arith.constant 16 : index
        %swap3A_266 = tpu.vector_load %arg12[%swap3A_264, %swap3A_265] {strides = array<i32>} : memref<64x128xf32, #tpu.memory_space<vmem>>, vector<1x16xf32>,
        %swap3A_267 = vector.shape_cast %swap3A_266 : vector<1x16xf32> to vector<16xf32>
        %swap3A_268 = vector.shape_cast %get3A_263 : vector<16xf32> to vector<1x16xf32>
        tpu.vector_store %arg12[%swap3A_264, %swap3A_265], %swap3A_268 {add = true, strides = array<i32>} : memref<64x128xf32, #tpu.memory_space<vmem>>, vector<1x16xf32>,
        %get3A_269 = arith.index_cast %scan3A_252 : i32 to index
        %get3A_270 = arith.constant 32 : index
        %get3A_271 = tpu.vector_load %arg17[%get3A_269, %get3A_270] {strides = array<i32>} : memref<64x128xf32, #tpu.memory_space<vmem>>, vector<1x16xf32>,
        %get3A_272 = vector.shape_cast %get3A_271 : vector<1x16xf32> to vector<16xf32>
        %swap3A_273 = arith.index_cast %scan3A_252 : i32 to index
        %swap3A_274 = arith.constant 32 : index
        %swap3A_275 = tpu.vector_load %arg12[%swap3A_273, %swap3A_274] {strides = array<i32>} : memref<64x128xf32, #tpu.memory_space<vmem>>, vector<1x16xf32>,
        %swap3A_276 = vector.shape_cast %swap3A_275 : vector<1x16xf32> to vector<16xf32>
        %swap3A_277 = vector.shape_cast %get3A_272 : vector<16xf32> to vector<1x16xf32>
        tpu.vector_store %arg12[%swap3A_273, %swap3A_274], %swap3A_277 {add = true, strides = array<i32>} : memref<64x128xf32, #tpu.memory_space<vmem>>, vector<1x16xf32>,
        %get3A_278 = arith.index_cast %scan3A_252 : i32 to index
        %get3A_279 = arith.constant 48 : index
        %get3A_280 = tpu.vector_load %arg17[%get3A_278, %get3A_279] {strides = array<i32>} : memref<64x128xf32, #tpu.memory_space<vmem>>, vector<1x16xf32>,
        %get3A_281 = vector.shape_cast %get3A_280 : vector<1x16xf32> to vector<16xf32>
        %swap3A_282 = arith.index_cast %scan3A_252 : i32 to index
        %swap3A_283 = arith.constant 48 : index
        %swap3A_284 = tpu.vector_load %arg12[%swap3A_282, %swap3A_283] {strides = array<i32>} : memref<64x128xf32, #tpu.memory_space<vmem>>, vector<1x16xf32>,
        %swap3A_285 = vector.shape_cast %swap3A_284 : vector<1x16xf32> to vector<16xf32>
        %swap3A_286 = vector.shape_cast %get3A_281 : vector<16xf32> to vector<1x16xf32>
        tpu.vector_store %arg12[%swap3A_282, %swap3A_283], %swap3A_286 {add = true, strides = array<i32>} : memref<64x128xf32, #tpu.memory_space<vmem>>, vector<1x16xf32>,
        %get3A_287 = arith.index_cast %scan3A_252 : i32 to index
        %get3A_288 = arith.constant 64 : index
        %get3A_289 = tpu.vector_load %arg17[%get3A_287, %get3A_288] {strides = array<i32>} : memref<64x128xf32, #tpu.memory_space<vmem>>, vector<1x16xf32>,
        %get3A_290 = vector.shape_cast %get3A_289 : vector<1x16xf32> to vector<16xf32>
        %swap3A_291 = arith.index_cast %scan3A_252 : i32 to index
        %swap3A_292 = arith.constant 64 : index
        %swap3A_293 = tpu.vector_load %arg12[%swap3A_291, %swap3A_292] {strides = array<i32>} : memref<64x128xf32, #tpu.memory_space<vmem>>, vector<1x16xf32>,
        %swap3A_294 = vector.shape_cast %swap3A_293 : vector<1x16xf32> to vector<16xf32>
        %swap3A_295 = vector.shape_cast %get3A_290 : vector<16xf32> to vector<1x16xf32>
        tpu.vector_store %arg12[%swap3A_291, %swap3A_292], %swap3A_295 {add = true, strides = array<i32>} : memref<64x128xf32, #tpu.memory_space<vmem>>, vector<1x16xf32>,
        %get3A_296 = arith.index_cast %scan3A_252 : i32 to index
        %get3A_297 = arith.constant 80 : index
        %get3A_298 = tpu.vector_load %arg17[%get3A_296, %get3A_297] {strides = array<i32>} : memref<64x128xf32, #tpu.memory_space<vmem>>, vector<1x16xf32>,
        %get3A_299 = vector.shape_cast %get3A_298 : vector<1x16xf32> to vector<16xf32>
        %swap3A_300 = arith.index_cast %scan3A_252 : i32 to index
        %swap3A_301 = arith.constant 80 : index
        %swap3A_302 = tpu.vector_load %arg12[%swap3A_300, %swap3A_301] {strides = array<i32>} : memref<64x128xf32, #tpu.memory_space<vmem>>, vector<1x16xf32>,
        %swap3A_303 = vector.shape_cast %swap3A_302 : vector<1x16xf32> to vector<16xf32>
        %swap3A_304 = vector.shape_cast %get3A_299 : vector<16xf32> to vector<1x16xf32>
        tpu.vector_store %arg12[%swap3A_300, %swap3A_301], %swap3A_304 {add = true, strides = array<i32>} : memref<64x128xf32, #tpu.memory_space<vmem>>, vector<1x16xf32>,
        %get3A_305 = arith.index_cast %scan3A_252 : i32 to index
        %get3A_306 = arith.constant 96 : index
        %get3A_307 = tpu.vector_load %arg17[%get3A_305, %get3A_306] {strides = array<i32>} : memref<64x128xf32, #tpu.memory_space<vmem>>, vector<1x16xf32>,
        %get3A_308 = vector.shape_cast %get3A_307 : vector<1x16xf32> to vector<16xf32>
        %swap3A_309 = arith.index_cast %scan3A_252 : i32 to index
        %swap3A_310 = arith.constant 96 : index
        %swap3A_311 = tpu.vector_load %arg12[%swap3A_309, %swap3A_310] {strides = array<i32>} : memref<64x128xf32, #tpu.memory_space<vmem>>, vector<1x16xf32>,
        %swap3A_312 = vector.shape_cast %swap3A_311 : vector<1x16xf32> to vector<16xf32>
        %swap3A_313 = vector.shape_cast %get3A_308 : vector<16xf32> to vector<1x16xf32>
        tpu.vector_store %arg12[%swap3A_309, %swap3A_310], %swap3A_313 {add = true, strides = array<i32>} : memref<64x128xf32, #tpu.memory_space<vmem>>, vector<1x16xf32>,
        %get3A_314 = arith.index_cast %scan3A_252 : i32 to index
        %get3A_315 = arith.constant 112 : index
        %get3A_316 = tpu.vector_load %arg17[%get3A_314, %get3A_315] {strides = array<i32>} : memref<64x128xf32, #tpu.memory_space<vmem>>, vector<1x16xf32>,
        %get3A_317 = vector.shape_cast %get3A_316 : vector<1x16xf32> to vector<16xf32>
        %swap3A_318 = arith.index_cast %scan3A_252 : i32 to index
        %swap3A_319 = arith.constant 112 : index
        %swap3A_320 = tpu.vector_load %arg12[%swap3A_318, %swap3A_319] {strides = array<i32>} : memref<64x128xf32, #tpu.memory_space<vmem>>, vector<1x16xf32>,
        %swap3A_321 = vector.shape_cast %swap3A_320 : vector<1x16xf32> to vector<16xf32>
        %swap3A_322 = vector.shape_cast %get3A_317 : vector<16xf32> to vector<1x16xf32>
        tpu.vector_store %arg12[%swap3A_318, %swap3A_319], %swap3A_322 {add = true, strides = array<i32>} : memref<64x128xf32, #tpu.memory_space<vmem>>, vector<1x16xf32>,
        %scan3A_323 = arith.constant 1 : i32
        %scan3A_324 = arith.addi %scan3A_252, %scan3A_323 : i32
        %get3A_325 = arith.index_cast %scan3A_324 : i32 to index
        %get3A_326 = arith.constant 0 : index
        %get3A_327 = tpu.vector_load %arg17[%get3A_325, %get3A_326] {strides = array<i32>} : memref<64x128xf32, #tpu.memory_space<vmem>>, vector<1x16xf32>,
        %get3A_328 = vector.shape_cast %get3A_327 : vector<1x16xf32> to vector<16xf32>
        %swap3A_329 = arith.index_cast %scan3A_324 : i32 to index
        %swap3A_330 = arith.constant 0 : index
        %swap3A_331 = tpu.vector_load %arg12[%swap3A_329, %swap3A_330] {strides = array<i32>} : memref<64x128xf32, #tpu.memory_space<vmem>>, vector<1x16xf32>,
        %swap3A_332 = vector.shape_cast %swap3A_331 : vector<1x16xf32> to vector<16xf32>
        %swap3A_333 = vector.shape_cast %get3A_328 : vector<16xf32> to vector<1x16xf32>
        tpu.vector_store %arg12[%swap3A_329, %swap3A_330], %swap3A_333 {add = true, strides = array<i32>} : memref<64x128xf32, #tpu.memory_space<vmem>>, vector<1x16xf32>,
        %get3A_334 = arith.index_cast %scan3A_324 : i32 to index
        %get3A_335 = arith.constant 16 : index
        %get3A_336 = tpu.vector_load %arg17[%get3A_334, %get3A_335] {strides = array<i32>} : memref<64x128xf32, #tpu.memory_space<vmem>>, vector<1x16xf32>,
        %get3A_337 = vector.shape_cast %get3A_336 : vector<1x16xf32> to vector<16xf32>
        %swap3A_338 = arith.index_cast %scan3A_324 : i32 to index
        %swap3A_339 = arith.constant 16 : index
        %swap3A_340 = tpu.vector_load %arg12[%swap3A_338, %swap3A_339] {strides = array<i32>} : memref<64x128xf32, #tpu.memory_space<vmem>>, vector<1x16xf32>,
        %swap3A_341 = vector.shape_cast %swap3A_340 : vector<1x16xf32> to vector<16xf32>
        %swap3A_342 = vector.shape_cast %get3A_337 : vector<16xf32> to vector<1x16xf32>
        tpu.vector_store %arg12[%swap3A_338, %swap3A_339], %swap3A_342 {add = true, strides = array<i32>} : memref<64x128xf32, #tpu.memory_space<vmem>>, vector<1x16xf32>,
        %get3A_343 = arith.index_cast %scan3A_324 : i32 to index
        %get3A_344 = arith.constant 32 : index
        %get3A_345 = tpu.vector_load %arg17[%get3A_343, %get3A_344] {strides = array<i32>} : memref<64x128xf32, #tpu.memory_space<vmem>>, vector<1x16xf32>,
        %get3A_346 = vector.shape_cast %get3A_345 : vector<1x16xf32> to vector<16xf32>
        %swap3A_347 = arith.index_cast %scan3A_324 : i32 to index
        %swap3A_348 = arith.constant 32 : index
        %swap3A_349 = tpu.vector_load %arg12[%swap3A_347, %swap3A_348] {strides = array<i32>} : memref<64x128xf32, #tpu.memory_space<vmem>>, vector<1x16xf32>,
        %swap3A_350 = vector.shape_cast %swap3A_349 : vector<1x16xf32> to vector<16xf32>
        %swap3A_351 = vector.shape_cast %get3A_346 : vector<16xf32> to vector<1x16xf32>
        tpu.vector_store %arg12[%swap3A_347, %swap3A_348], %swap3A_351 {add = true, strides = array<i32>} : memref<64x128xf32, #tpu.memory_space<vmem>>, vector<1x16xf32>,
        %get3A_352 = arith.index_cast %scan3A_324 : i32 to index
        %get3A_353 = arith.constant 48 : index
        %get3A_354 = tpu.vector_load %arg17[%get3A_352, %get3A_353] {strides = array<i32>} : memref<64x128xf32, #tpu.memory_space<vmem>>, vector<1x16xf32>,
        %get3A_355 = vector.shape_cast %get3A_354 : vector<1x16xf32> to vector<16xf32>
        %swap3A_356 = arith.index_cast %scan3A_324 : i32 to index
        %swap3A_357 = arith.constant 48 : index
        %swap3A_358 = tpu.vector_load %arg12[%swap3A_356, %swap3A_357] {strides = array<i32>} : memref<64x128xf32, #tpu.memory_space<vmem>>, vector<1x16xf32>,
        %swap3A_359 = vector.shape_cast %swap3A_358 : vector<1x16xf32> to vector<16xf32>
        %swap3A_360 = vector.shape_cast %get3A_355 : vector<16xf32> to vector<1x16xf32>
        tpu.vector_store %arg12[%swap3A_356, %swap3A_357], %swap3A_360 {add = true, strides = array<i32>} : memref<64x128xf32, #tpu.memory_space<vmem>>, vector<1x16xf32>,
        %get3A_361 = arith.index_cast %scan3A_324 : i32 to index
        %get3A_362 = arith.constant 64 : index
        %get3A_363 = tpu.vector_load %arg17[%get3A_361, %get3A_362] {strides = array<i32>} : memref<64x128xf32, #tpu.memory_space<vmem>>, vector<1x16xf32>,
        %get3A_364 = vector.shape_cast %get3A_363 : vector<1x16xf32> to vector<16xf32>
        %swap3A_365 = arith.index_cast %scan3A_324 : i32 to index
        %swap3A_366 = arith.constant 64 : index
        %swap3A_367 = tpu.vector_load %arg12[%swap3A_365, %swap3A_366] {strides = array<i32>} : memref<64x128xf32, #tpu.memory_space<vmem>>, vector<1x16xf32>,
        %swap3A_368 = vector.shape_cast %swap3A_367 : vector<1x16xf32> to vector<16xf32>
        %swap3A_369 = vector.shape_cast %get3A_364 : vector<16xf32> to vector<1x16xf32>
        tpu.vector_store %arg12[%swap3A_365, %swap3A_366], %swap3A_369 {add = true, strides = array<i32>} : memref<64x128xf32, #tpu.memory_space<vmem>>, vector<1x16xf32>,
        %get3A_370 = arith.index_cast %scan3A_324 : i32 to index
        %get3A_371 = arith.constant 80 : index
        %get3A_372 = tpu.vector_load %arg17[%get3A_370, %get3A_371] {strides = array<i32>} : memref<64x128xf32, #tpu.memory_space<vmem>>, vector<1x16xf32>,
        %get3A_373 = vector.shape_cast %get3A_372 : vector<1x16xf32> to vector<16xf32>
        %swap3A_374 = arith.index_cast %scan3A_324 : i32 to index
        %swap3A_375 = arith.constant 80 : index
        %swap3A_376 = tpu.vector_load %arg12[%swap3A_374, %swap3A_375] {strides = array<i32>} : memref<64x128xf32, #tpu.memory_space<vmem>>, vector<1x16xf32>,
        %swap3A_377 = vector.shape_cast %swap3A_376 : vector<1x16xf32> to vector<16xf32>
        %swap3A_378 = vector.shape_cast %get3A_373 : vector<16xf32> to vector<1x16xf32>
        tpu.vector_store %arg12[%swap3A_374, %swap3A_375], %swap3A_378 {add = true, strides = array<i32>} : memref<64x128xf32, #tpu.memory_space<vmem>>, vector<1x16xf32>,
        %get3A_379 = arith.index_cast %scan3A_324 : i32 to index
        %get3A_380 = arith.constant 96 : index
        %get3A_381 = tpu.vector_load %arg17[%get3A_379, %get3A_380] {strides = array<i32>} : memref<64x128xf32, #tpu.memory_space<vmem>>, vector<1x16xf32>,
        %get3A_382 = vector.shape_cast %get3A_381 : vector<1x16xf32> to vector<16xf32>
        %swap3A_383 = arith.index_cast %scan3A_324 : i32 to index
        %swap3A_384 = arith.constant 96 : index
        %swap3A_385 = tpu.vector_load %arg12[%swap3A_383, %swap3A_384] {strides = array<i32>} : memref<64x128xf32, #tpu.memory_space<vmem>>, vector<1x16xf32>,
        %swap3A_386 = vector.shape_cast %swap3A_385 : vector<1x16xf32> to vector<16xf32>
        %swap3A_387 = vector.shape_cast %get3A_382 : vector<16xf32> to vector<1x16xf32>
        tpu.vector_store %arg12[%swap3A_383, %swap3A_384], %swap3A_387 {add = true, strides = array<i32>} : memref<64x128xf32, #tpu.memory_space<vmem>>, vector<1x16xf32>,
        %get3A_388 = arith.index_cast %scan3A_324 : i32 to index
        %get3A_389 = arith.constant 112 : index
        %get3A_390 = tpu.vector_load %arg17[%get3A_388, %get3A_389] {strides = array<i32>} : memref<64x128xf32, #tpu.memory_space<vmem>>, vector<1x16xf32>,
        %get3A_391 = vector.shape_cast %get3A_390 : vector<1x16xf32> to vector<16xf32>
        %swap3A_392 = arith.index_cast %scan3A_324 : i32 to index
        %swap3A_393 = arith.constant 112 : index
        %swap3A_394 = tpu.vector_load %arg12[%swap3A_392, %swap3A_393] {strides = array<i32>} : memref<64x128xf32, #tpu.memory_space<vmem>>, vector<1x16xf32>,
        %swap3A_395 = vector.shape_cast %swap3A_394 : vector<1x16xf32> to vector<16xf32>
        %swap3A_396 = vector.shape_cast %get3A_391 : vector<16xf32> to vector<1x16xf32>
        tpu.vector_store %arg12[%swap3A_392, %swap3A_393], %swap3A_396 {add = true, strides = array<i32>} : memref<64x128xf32, #tpu.memory_space<vmem>>, vector<1x16xf32>,
        %scan3A_397 = arith.constant 2 : i32
        %scan3A_398 = arith.addi %scan3A_252, %scan3A_397 : i32
        %get3A_399 = arith.index_cast %scan3A_398 : i32 to index
        %get3A_400 = arith.constant 0 : index
        %get3A_401 = tpu.vector_load %arg17[%get3A_399, %get3A_400] {strides = array<i32>} : memref<64x128xf32, #tpu.memory_space<vmem>>, vector<1x16xf32>,
        %get3A_402 = vector.shape_cast %get3A_401 : vector<1x16xf32> to vector<16xf32>
        %swap3A_403 = arith.index_cast %scan3A_398 : i32 to index
        %swap3A_404 = arith.constant 0 : index
        %swap3A_405 = tpu.vector_load %arg12[%swap3A_403, %swap3A_404] {strides = array<i32>} : memref<64x128xf32, #tpu.memory_space<vmem>>, vector<1x16xf32>,
        %swap3A_406 = vector.shape_cast %swap3A_405 : vector<1x16xf32> to vector<16xf32>
        %swap3A_407 = vector.shape_cast %get3A_402 : vector<16xf32> to vector<1x16xf32>
        tpu.vector_store %arg12[%swap3A_403, %swap3A_404], %swap3A_407 {add = true, strides = array<i32>} : memref<64x128xf32, #tpu.memory_space<vmem>>, vector<1x16xf32>,
        %get3A_408 = arith.index_cast %scan3A_398 : i32 to index
        %get3A_409 = arith.constant 16 : index
        %get3A_410 = tpu.vector_load %arg17[%get3A_408, %get3A_409] {strides = array<i32>} : memref<64x128xf32, #tpu.memory_space<vmem>>, vector<1x16xf32>,
        %get3A_411 = vector.shape_cast %get3A_410 : vector<1x16xf32> to vector<16xf32>
        %swap3A_412 = arith.index_cast %scan3A_398 : i32 to index
        %swap3A_413 = arith.constant 16 : index
        %swap3A_414 = tpu.vector_load %arg12[%swap3A_412, %swap3A_413] {strides = array<i32>} : memref<64x128xf32, #tpu.memory_space<vmem>>, vector<1x16xf32>,
        %swap3A_415 = vector.shape_cast %swap3A_414 : vector<1x16xf32> to vector<16xf32>
        %swap3A_416 = vector.shape_cast %get3A_411 : vector<16xf32> to vector<1x16xf32>
        tpu.vector_store %arg12[%swap3A_412, %swap3A_413], %swap3A_416 {add = true, strides = array<i32>} : memref<64x128xf32, #tpu.memory_space<vmem>>, vector<1x16xf32>,
        %get3A_417 = arith.index_cast %scan3A_398 : i32 to index
        %get3A_418 = arith.constant 32 : index
        %get3A_419 = tpu.vector_load %arg17[%get3A_417, %get3A_418] {strides = array<i32>} : memref<64x128xf32, #tpu.memory_space<vmem>>, vector<1x16xf32>,
        %get3A_420 = vector.shape_cast %get3A_419 : vector<1x16xf32> to vector<16xf32>
        %swap3A_421 = arith.index_cast %scan3A_398 : i32 to index
        %swap3A_422 = arith.constant 32 : index
        %swap3A_423 = tpu.vector_load %arg12[%swap3A_421, %swap3A_422] {strides = array<i32>} : memref<64x128xf32, #tpu.memory_space<vmem>>, vector<1x16xf32>,
        %swap3A_424 = vector.shape_cast %swap3A_423 : vector<1x16xf32> to vector<16xf32>
        %swap3A_425 = vector.shape_cast %get3A_420 : vector<16xf32> to vector<1x16xf32>
        tpu.vector_store %arg12[%swap3A_421, %swap3A_422], %swap3A_425 {add = true, strides = array<i32>} : memref<64x128xf32, #tpu.memory_space<vmem>>, vector<1x16xf32>,
        %get3A_426 = arith.index_cast %scan3A_398 : i32 to index
        %get3A_427 = arith.constant 48 : index
        %get3A_428 = tpu.vector_load %arg17[%get3A_426, %get3A_427] {strides = array<i32>} : memref<64x128xf32, #tpu.memory_space<vmem>>, vector<1x16xf32>,
        %get3A_429 = vector.shape_cast %get3A_428 : vector<1x16xf32> to vector<16xf32>
        %swap3A_430 = arith.index_cast %scan3A_398 : i32 to index
        %swap3A_431 = arith.constant 48 : index
        %swap3A_432 = tpu.vector_load %arg12[%swap3A_430, %swap3A_431] {strides = array<i32>} : memref<64x128xf32, #tpu.memory_space<vmem>>, vector<1x16xf32>,
        %swap3A_433 = vector.shape_cast %swap3A_432 : vector<1x16xf32> to vector<16xf32>
        %swap3A_434 = vector.shape_cast %get3A_429 : vector<16xf32> to vector<1x16xf32>
        tpu.vector_store %arg12[%swap3A_430, %swap3A_431], %swap3A_434 {add = true, strides = array<i32>} : memref<64x128xf32, #tpu.memory_space<vmem>>, vector<1x16xf32>,
        %get3A_435 = arith.index_cast %scan3A_398 : i32 to index
        %get3A_436 = arith.constant 64 : index
        %get3A_437 = tpu.vector_load %arg17[%get3A_435, %get3A_436] {strides = array<i32>} : memref<64x128xf32, #tpu.memory_space<vmem>>, vector<1x16xf32>,
        %get3A_438 = vector.shape_cast %get3A_437 : vector<1x16xf32> to vector<16xf32>
        %swap3A_439 = arith.index_cast %scan3A_398 : i32 to index
        %swap3A_440 = arith.constant 64 : index
        %swap3A_441 = tpu.vector_load %arg12[%swap3A_439, %swap3A_440] {strides = array<i32>} : memref<64x128xf32, #tpu.memory_space<vmem>>, vector<1x16xf32>,
        %swap3A_442 = vector.shape_cast %swap3A_441 : vector<1x16xf32> to vector<16xf32>
        %swap3A_443 = vector.shape_cast %get3A_438 : vector<16xf32> to vector<1x16xf32>
        tpu.vector_store %arg12[%swap3A_439, %swap3A_440], %swap3A_443 {add = true, strides = array<i32>} : memref<64x128xf32, #tpu.memory_space<vmem>>, vector<1x16xf32>,
        %get3A_444 = arith.index_cast %scan3A_398 : i32 to index
        %get3A_445 = arith.constant 80 : index
        %get3A_446 = tpu.vector_load %arg17[%get3A_444, %get3A_445] {strides = array<i32>} : memref<64x128xf32, #tpu.memory_space<vmem>>, vector<1x16xf32>,
        %get3A_447 = vector.shape_cast %get3A_446 : vector<1x16xf32> to vector<16xf32>
        %swap3A_448 = arith.index_cast %scan3A_398 : i32 to index
        %swap3A_449 = arith.constant 80 : index
        %swap3A_450 = tpu.vector_load %arg12[%swap3A_448, %swap3A_449] {strides = array<i32>} : memref<64x128xf32, #tpu.memory_space<vmem>>, vector<1x16xf32>,
        %swap3A_451 = vector.shape_cast %swap3A_450 : vector<1x16xf32> to vector<16xf32>
        %swap3A_452 = vector.shape_cast %get3A_447 : vector<16xf32> to vector<1x16xf32>
        tpu.vector_store %arg12[%swap3A_448, %swap3A_449], %swap3A_452 {add = true, strides = array<i32>} : memref<64x128xf32, #tpu.memory_space<vmem>>, vector<1x16xf32>,
        %get3A_453 = arith.index_cast %scan3A_398 : i32 to index
        %get3A_454 = arith.constant 96 : index
        %get3A_455 = tpu.vector_load %arg17[%get3A_453, %get3A_454] {strides = array<i32>} : memref<64x128xf32, #tpu.memory_space<vmem>>, vector<1x16xf32>,
        %get3A_456 = vector.shape_cast %get3A_455 : vector<1x16xf32> to vector<16xf32>
        %swap3A_457 = arith.index_cast %scan3A_398 : i32 to index
        %swap3A_458 = arith.constant 96 : index
        %swap3A_459 = tpu.vector_load %arg12[%swap3A_457, %swap3A_458] {strides = array<i32>} : memref<64x128xf32, #tpu.memory_space<vmem>>, vector<1x16xf32>,
        %swap3A_460 = vector.shape_cast %swap3A_459 : vector<1x16xf32> to vector<16xf32>
        %swap3A_461 = vector.shape_cast %get3A_456 : vector<16xf32> to vector<1x16xf32>
        tpu.vector_store %arg12[%swap3A_457, %swap3A_458], %swap3A_461 {add = true, strides = array<i32>} : memref<64x128xf32, #tpu.memory_space<vmem>>, vector<1x16xf32>,
        %get3A_462 = arith.index_cast %scan3A_398 : i32 to index
        %get3A_463 = arith.constant 112 : index
        %get3A_464 = tpu.vector_load %arg17[%get3A_462, %get3A_463] {strides = array<i32>} : memref<64x128xf32, #tpu.memory_space<vmem>>, vector<1x16xf32>,
        %get3A_465 = vector.shape_cast %get3A_464 : vector<1x16xf32> to vector<16xf32>
        %swap3A_466 = arith.index_cast %scan3A_398 : i32 to index
        %swap3A_467 = arith.constant 112 : index
        %swap3A_468 = tpu.vector_load %arg12[%swap3A_466, %swap3A_467] {strides = array<i32>} : memref<64x128xf32, #tpu.memory_space<vmem>>, vector<1x16xf32>,
        %swap3A_469 = vector.shape_cast %swap3A_468 : vector<1x16xf32> to vector<16xf32>
        %swap3A_470 = vector.shape_cast %get3A_465 : vector<16xf32> to vector<1x16xf32>
        tpu.vector_store %arg12[%swap3A_466, %swap3A_467], %swap3A_470 {add = true, strides = array<i32>} : memref<64x128xf32, #tpu.memory_space<vmem>>, vector<1x16xf32>,
        %scan3A_471 = arith.constant 3 : i32
        %scan3A_472 = arith.addi %scan3A_252, %scan3A_471 : i32
        %get3A_473 = arith.index_cast %scan3A_472 : i32 to index
        %get3A_474 = arith.constant 0 : index
        %get3A_475 = tpu.vector_load %arg17[%get3A_473, %get3A_474] {strides = array<i32>} : memref<64x128xf32, #tpu.memory_space<vmem>>, vector<1x16xf32>,
        %get3A_476 = vector.shape_cast %get3A_475 : vector<1x16xf32> to vector<16xf32>
        %swap3A_477 = arith.index_cast %scan3A_472 : i32 to index
        %swap3A_478 = arith.constant 0 : index
        %swap3A_479 = tpu.vector_load %arg12[%swap3A_477, %swap3A_478] {strides = array<i32>} : memref<64x128xf32, #tpu.memory_space<vmem>>, vector<1x16xf32>,
        %swap3A_480 = vector.shape_cast %swap3A_479 : vector<1x16xf32> to vector<16xf32>
        %swap3A_481 = vector.shape_cast %get3A_476 : vector<16xf32> to vector<1x16xf32>
        tpu.vector_store %arg12[%swap3A_477, %swap3A_478], %swap3A_481 {add = true, strides = array<i32>} : memref<64x128xf32, #tpu.memory_space<vmem>>, vector<1x16xf32>,
        %get3A_482 = arith.index_cast %scan3A_472 : i32 to index
        %get3A_483 = arith.constant 16 : index
        %get3A_484 = tpu.vector_load %arg17[%get3A_482, %get3A_483] {strides = array<i32>} : memref<64x128xf32, #tpu.memory_space<vmem>>, vector<1x16xf32>,
        %get3A_485 = vector.shape_cast %get3A_484 : vector<1x16xf32> to vector<16xf32>
        %swap3A_486 = arith.index_cast %scan3A_472 : i32 to index
        %swap3A_487 = arith.constant 16 : index
        %swap3A_488 = tpu.vector_load %arg12[%swap3A_486, %swap3A_487] {strides = array<i32>} : memref<64x128xf32, #tpu.memory_space<vmem>>, vector<1x16xf32>,
        %swap3A_489 = vector.shape_cast %swap3A_488 : vector<1x16xf32> to vector<16xf32>
        %swap3A_490 = vector.shape_cast %get3A_485 : vector<16xf32> to vector<1x16xf32>
        tpu.vector_store %arg12[%swap3A_486, %swap3A_487], %swap3A_490 {add = true, strides = array<i32>} : memref<64x128xf32, #tpu.memory_space<vmem>>, vector<1x16xf32>,
        %get3A_491 = arith.index_cast %scan3A_472 : i32 to index
        %get3A_492 = arith.constant 32 : index
        %get3A_493 = tpu.vector_load %arg17[%get3A_491, %get3A_492] {strides = array<i32>} : memref<64x128xf32, #tpu.memory_space<vmem>>, vector<1x16xf32>,
        %get3A_494 = vector.shape_cast %get3A_493 : vector<1x16xf32> to vector<16xf32>
        %swap3A_495 = arith.index_cast %scan3A_472 : i32 to index
        %swap3A_496 = arith.constant 32 : index
        %swap3A_497 = tpu.vector_load %arg12[%swap3A_495, %swap3A_496] {strides = array<i32>} : memref<64x128xf32, #tpu.memory_space<vmem>>, vector<1x16xf32>,
        %swap3A_498 = vector.shape_cast %swap3A_497 : vector<1x16xf32> to vector<16xf32>
        %swap3A_499 = vector.shape_cast %get3A_494 : vector<16xf32> to vector<1x16xf32>
        tpu.vector_store %arg12[%swap3A_495, %swap3A_496], %swap3A_499 {add = true, strides = array<i32>} : memref<64x128xf32, #tpu.memory_space<vmem>>, vector<1x16xf32>,
        %get3A_500 = arith.index_cast %scan3A_472 : i32 to index
        %get3A_501 = arith.constant 48 : index
        %get3A_502 = tpu.vector_load %arg17[%get3A_500, %get3A_501] {strides = array<i32>} : memref<64x128xf32, #tpu.memory_space<vmem>>, vector<1x16xf32>,
        %get3A_503 = vector.shape_cast %get3A_502 : vector<1x16xf32> to vector<16xf32>
        %swap3A_504 = arith.index_cast %scan3A_472 : i32 to index
        %swap3A_505 = arith.constant 48 : index
        %swap3A_506 = tpu.vector_load %arg12[%swap3A_504, %swap3A_505] {strides = array<i32>} : memref<64x128xf32, #tpu.memory_space<vmem>>, vector<1x16xf32>,
        %swap3A_507 = vector.shape_cast %swap3A_506 : vector<1x16xf32> to vector<16xf32>
        %swap3A_508 = vector.shape_cast %get3A_503 : vector<16xf32> to vector<1x16xf32>
        tpu.vector_store %arg12[%swap3A_504, %swap3A_505], %swap3A_508 {add = true, strides = array<i32>} : memref<64x128xf32, #tpu.memory_space<vmem>>, vector<1x16xf32>,
        %get3A_509 = arith.index_cast %scan3A_472 : i32 to index
        %get3A_510 = arith.constant 64 : index
        %get3A_511 = tpu.vector_load %arg17[%get3A_509, %get3A_510] {strides = array<i32>} : memref<64x128xf32, #tpu.memory_space<vmem>>, vector<1x16xf32>,
        %get3A_512 = vector.shape_cast %get3A_511 : vector<1x16xf32> to vector<16xf32>
        %swap3A_513 = arith.index_cast %scan3A_472 : i32 to index
        %swap3A_514 = arith.constant 64 : index
        %swap3A_515 = tpu.vector_load %arg12[%swap3A_513, %swap3A_514] {strides = array<i32>} : memref<64x128xf32, #tpu.memory_space<vmem>>, vector<1x16xf32>,
        %swap3A_516 = vector.shape_cast %swap3A_515 : vector<1x16xf32> to vector<16xf32>
        %swap3A_517 = vector.shape_cast %get3A_512 : vector<16xf32> to vector<1x16xf32>
        tpu.vector_store %arg12[%swap3A_513, %swap3A_514], %swap3A_517 {add = true, strides = array<i32>} : memref<64x128xf32, #tpu.memory_space<vmem>>, vector<1x16xf32>,
        %get3A_518 = arith.index_cast %scan3A_472 : i32 to index
        %get3A_519 = arith.constant 80 : index
        %get3A_520 = tpu.vector_load %arg17[%get3A_518, %get3A_519] {strides = array<i32>} : memref<64x128xf32, #tpu.memory_space<vmem>>, vector<1x16xf32>,
        %get3A_521 = vector.shape_cast %get3A_520 : vector<1x16xf32> to vector<16xf32>
        %swap3A_522 = arith.index_cast %scan3A_472 : i32 to index
        %swap3A_523 = arith.constant 80 : index
        %swap3A_524 = tpu.vector_load %arg12[%swap3A_522, %swap3A_523] {strides = array<i32>} : memref<64x128xf32, #tpu.memory_space<vmem>>, vector<1x16xf32>,
        %swap3A_525 = vector.shape_cast %swap3A_524 : vector<1x16xf32> to vector<16xf32>
        %swap3A_526 = vector.shape_cast %get3A_521 : vector<16xf32> to vector<1x16xf32>
        tpu.vector_store %arg12[%swap3A_522, %swap3A_523], %swap3A_526 {add = true, strides = array<i32>} : memref<64x128xf32, #tpu.memory_space<vmem>>, vector<1x16xf32>,
        %get3A_527 = arith.index_cast %scan3A_472 : i32 to index
        %get3A_528 = arith.constant 96 : index
        %get3A_529 = tpu.vector_load %arg17[%get3A_527, %get3A_528] {strides = array<i32>} : memref<64x128xf32, #tpu.memory_space<vmem>>, vector<1x16xf32>,
        %get3A_530 = vector.shape_cast %get3A_529 : vector<1x16xf32> to vector<16xf32>
        %swap3A_531 = arith.index_cast %scan3A_472 : i32 to index
        %swap3A_532 = arith.constant 96 : index
        %swap3A_533 = tpu.vector_load %arg12[%swap3A_531, %swap3A_532] {strides = array<i32>} : memref<64x128xf32, #tpu.memory_space<vmem>>, vector<1x16xf32>,
        %swap3A_534 = vector.shape_cast %swap3A_533 : vector<1x16xf32> to vector<16xf32>
        %swap3A_535 = vector.shape_cast %get3A_530 : vector<16xf32> to vector<1x16xf32>
        tpu.vector_store %arg12[%swap3A_531, %swap3A_532], %swap3A_535 {add = true, strides = array<i32>} : memref<64x128xf32, #tpu.memory_space<vmem>>, vector<1x16xf32>,
        %get3A_536 = arith.index_cast %scan3A_472 : i32 to index
        %get3A_537 = arith.constant 112 : index
        %get3A_538 = tpu.vector_load %arg17[%get3A_536, %get3A_537] {strides = array<i32>} : memref<64x128xf32, #tpu.memory_space<vmem>>, vector<1x16xf32>,
        %get3A_539 = vector.shape_cast %get3A_538 : vector<1x16xf32> to vector<16xf32>
        %swap3A_540 = arith.index_cast %scan3A_472 : i32 to index
        %swap3A_541 = arith.constant 112 : index
        %swap3A_542 = tpu.vector_load %arg12[%swap3A_540, %swap3A_541] {strides = array<i32>} : memref<64x128xf32, #tpu.memory_space<vmem>>, vector<1x16xf32>,
        %swap3A_543 = vector.shape_cast %swap3A_542 : vector<1x16xf32> to vector<16xf32>
        %swap3A_544 = vector.shape_cast %get3A_539 : vector<16xf32> to vector<1x16xf32>
        tpu.vector_store %arg12[%swap3A_540, %swap3A_541], %swap3A_544 {add = true, strides = array<i32>} : memref<64x128xf32, #tpu.memory_space<vmem>>, vector<1x16xf32>,
        %scan3A_545 = arith.constant 4 : i32
        %scan3A_546 = arith.addi %scan3A_252, %scan3A_545 : i32
        %get3A_547 = arith.index_cast %scan3A_546 : i32 to index
        %get3A_548 = arith.constant 0 : index
        %get3A_549 = tpu.vector_load %arg17[%get3A_547, %get3A_548] {strides = array<i32>} : memref<64x128xf32, #tpu.memory_space<vmem>>, vector<1x16xf32>,
        %get3A_550 = vector.shape_cast %get3A_549 : vector<1x16xf32> to vector<16xf32>
        %swap3A_551 = arith.index_cast %scan3A_546 : i32 to index
        %swap3A_552 = arith.constant 0 : index
        %swap3A_553 = tpu.vector_load %arg12[%swap3A_551, %swap3A_552] {strides = array<i32>} : memref<64x128xf32, #tpu.memory_space<vmem>>, vector<1x16xf32>,
        %swap3A_554 = vector.shape_cast %swap3A_553 : vector<1x16xf32> to vector<16xf32>
        %swap3A_555 = vector.shape_cast %get3A_550 : vector<16xf32> to vector<1x16xf32>
        tpu.vector_store %arg12[%swap3A_551, %swap3A_552], %swap3A_555 {add = true, strides = array<i32>} : memref<64x128xf32, #tpu.memory_space<vmem>>, vector<1x16xf32>,
        %get3A_556 = arith.index_cast %scan3A_546 : i32 to index
        %get3A_557 = arith.constant 16 : index
        %get3A_558 = tpu.vector_load %arg17[%get3A_556, %get3A_557] {strides = array<i32>} : memref<64x128xf32, #tpu.memory_space<vmem>>, vector<1x16xf32>,
        %get3A_559 = vector.shape_cast %get3A_558 : vector<1x16xf32> to vector<16xf32>
        %swap3A_560 = arith.index_cast %scan3A_546 : i32 to index
        %swap3A_561 = arith.constant 16 : index
        %swap3A_562 = tpu.vector_load %arg12[%swap3A_560, %swap3A_561] {strides = array<i32>} : memref<64x128xf32, #tpu.memory_space<vmem>>, vector<1x16xf32>,
        %swap3A_563 = vector.shape_cast %swap3A_562 : vector<1x16xf32> to vector<16xf32>
        %swap3A_564 = vector.shape_cast %get3A_559 : vector<16xf32> to vector<1x16xf32>
        tpu.vector_store %arg12[%swap3A_560, %swap3A_561], %swap3A_564 {add = true, strides = array<i32>} : memref<64x128xf32, #tpu.memory_space<vmem>>, vector<1x16xf32>,
        %get3A_565 = arith.index_cast %scan3A_546 : i32 to index
        %get3A_566 = arith.constant 32 : index
        %get3A_567 = tpu.vector_load %arg17[%get3A_565, %get3A_566] {strides = array<i32>} : memref<64x128xf32, #tpu.memory_space<vmem>>, vector<1x16xf32>,
        %get3A_568 = vector.shape_cast %get3A_567 : vector<1x16xf32> to vector<16xf32>
        %swap3A_569 = arith.index_cast %scan3A_546 : i32 to index
        %swap3A_570 = arith.constant 32 : index
        %swap3A_571 = tpu.vector_load %arg12[%swap3A_569, %swap3A_570] {strides = array<i32>} : memref<64x128xf32, #tpu.memory_space<vmem>>, vector<1x16xf32>,
        %swap3A_572 = vector.shape_cast %swap3A_571 : vector<1x16xf32> to vector<16xf32>
        %swap3A_573 = vector.shape_cast %get3A_568 : vector<16xf32> to vector<1x16xf32>
        tpu.vector_store %arg12[%swap3A_569, %swap3A_570], %swap3A_573 {add = true, strides = array<i32>} : memref<64x128xf32, #tpu.memory_space<vmem>>, vector<1x16xf32>,
        %get3A_574 = arith.index_cast %scan3A_546 : i32 to index
        %get3A_575 = arith.constant 48 : index
        %get3A_576 = tpu.vector_load %arg17[%get3A_574, %get3A_575] {strides = array<i32>} : memref<64x128xf32, #tpu.memory_space<vmem>>, vector<1x16xf32>,
        %get3A_577 = vector.shape_cast %get3A_576 : vector<1x16xf32> to vector<16xf32>
        %swap3A_578 = arith.index_cast %scan3A_546 : i32 to index
        %swap3A_579 = arith.constant 48 : index
        %swap3A_580 = tpu.vector_load %arg12[%swap3A_578, %swap3A_579] {strides = array<i32>} : memref<64x128xf32, #tpu.memory_space<vmem>>, vector<1x16xf32>,
        %swap3A_581 = vector.shape_cast %swap3A_580 : vector<1x16xf32> to vector<16xf32>
        %swap3A_582 = vector.shape_cast %get3A_577 : vector<16xf32> to vector<1x16xf32>
        tpu.vector_store %arg12[%swap3A_578, %swap3A_579], %swap3A_582 {add = true, strides = array<i32>} : memref<64x128xf32, #tpu.memory_space<vmem>>, vector<1x16xf32>,
        %get3A_583 = arith.index_cast %scan3A_546 : i32 to index
        %get3A_584 = arith.constant 64 : index
        %get3A_585 = tpu.vector_load %arg17[%get3A_583, %get3A_584] {strides = array<i32>} : memref<64x128xf32, #tpu.memory_space<vmem>>, vector<1x16xf32>,
        %get3A_586 = vector.shape_cast %get3A_585 : vector<1x16xf32> to vector<16xf32>
        %swap3A_587 = arith.index_cast %scan3A_546 : i32 to index
        %swap3A_588 = arith.constant 64 : index
        %swap3A_589 = tpu.vector_load %arg12[%swap3A_587, %swap3A_588] {strides = array<i32>} : memref<64x128xf32, #tpu.memory_space<vmem>>, vector<1x16xf32>,
        %swap3A_590 = vector.shape_cast %swap3A_589 : vector<1x16xf32> to vector<16xf32>
        %swap3A_591 = vector.shape_cast %get3A_586 : vector<16xf32> to vector<1x16xf32>
        tpu.vector_store %arg12[%swap3A_587, %swap3A_588], %swap3A_591 {add = true, strides = array<i32>} : memref<64x128xf32, #tpu.memory_space<vmem>>, vector<1x16xf32>,
        %get3A_592 = arith.index_cast %scan3A_546 : i32 to index
        %get3A_593 = arith.constant 80 : index
        %get3A_594 = tpu.vector_load %arg17[%get3A_592, %get3A_593] {strides = array<i32>} : memref<64x128xf32, #tpu.memory_space<vmem>>, vector<1x16xf32>,
        %get3A_595 = vector.shape_cast %get3A_594 : vector<1x16xf32> to vector<16xf32>
        %swap3A_596 = arith.index_cast %scan3A_546 : i32 to index
        %swap3A_597 = arith.constant 80 : index
        %swap3A_598 = tpu.vector_load %arg12[%swap3A_596, %swap3A_597] {strides = array<i32>} : memref<64x128xf32, #tpu.memory_space<vmem>>, vector<1x16xf32>,
        %swap3A_599 = vector.shape_cast %swap3A_598 : vector<1x16xf32> to vector<16xf32>
        %swap3A_600 = vector.shape_cast %get3A_595 : vector<16xf32> to vector<1x16xf32>
        tpu.vector_store %arg12[%swap3A_596, %swap3A_597], %swap3A_600 {add = true, strides = array<i32>} : memref<64x128xf32, #tpu.memory_space<vmem>>, vector<1x16xf32>,
        %get3A_601 = arith.index_cast %scan3A_546 : i32 to index
        %get3A_602 = arith.constant 96 : index
        %get3A_603 = tpu.vector_load %arg17[%get3A_601, %get3A_602] {strides = array<i32>} : memref<64x128xf32, #tpu.memory_space<vmem>>, vector<1x16xf32>,
        %get3A_604 = vector.shape_cast %get3A_603 : vector<1x16xf32> to vector<16xf32>
        %swap3A_605 = arith.index_cast %scan3A_546 : i32 to index
        %swap3A_606 = arith.constant 96 : index
        %swap3A_607 = tpu.vector_load %arg12[%swap3A_605, %swap3A_606] {strides = array<i32>} : memref<64x128xf32, #tpu.memory_space<vmem>>, vector<1x16xf32>,
        %swap3A_608 = vector.shape_cast %swap3A_607 : vector<1x16xf32> to vector<16xf32>
        %swap3A_609 = vector.shape_cast %get3A_604 : vector<16xf32> to vector<1x16xf32>
        tpu.vector_store %arg12[%swap3A_605, %swap3A_606], %swap3A_609 {add = true, strides = array<i32>} : memref<64x128xf32, #tpu.memory_space<vmem>>, vector<1x16xf32>,
        %get3A_610 = arith.index_cast %scan3A_546 : i32 to index
        %get3A_611 = arith.constant 112 : index
        %get3A_612 = tpu.vector_load %arg17[%get3A_610, %get3A_611] {strides = array<i32>} : memref<64x128xf32, #tpu.memory_space<vmem>>, vector<1x16xf32>,
        %get3A_613 = vector.shape_cast %get3A_612 : vector<1x16xf32> to vector<16xf32>
        %swap3A_614 = arith.index_cast %scan3A_546 : i32 to index
        %swap3A_615 = arith.constant 112 : index
        %swap3A_616 = tpu.vector_load %arg12[%swap3A_614, %swap3A_615] {strides = array<i32>} : memref<64x128xf32, #tpu.memory_space<vmem>>, vector<1x16xf32>,
        %swap3A_617 = vector.shape_cast %swap3A_616 : vector<1x16xf32> to vector<16xf32>
        %swap3A_618 = vector.shape_cast %get3A_613 : vector<16xf32> to vector<1x16xf32>
        tpu.vector_store %arg12[%swap3A_614, %swap3A_615], %swap3A_618 {add = true, strides = array<i32>} : memref<64x128xf32, #tpu.memory_space<vmem>>, vector<1x16xf32>,
        %scan3A_619 = arith.constant 5 : i32
        %scan3A_620 = arith.addi %scan3A_252, %scan3A_619 : i32
        %get3A_621 = arith.index_cast %scan3A_620 : i32 to index
        %get3A_622 = arith.constant 0 : index
        %get3A_623 = tpu.vector_load %arg17[%get3A_621, %get3A_622] {strides = array<i32>} : memref<64x128xf32, #tpu.memory_space<vmem>>, vector<1x16xf32>,
        %get3A_624 = vector.shape_cast %get3A_623 : vector<1x16xf32> to vector<16xf32>
        %swap3A_625 = arith.index_cast %scan3A_620 : i32 to index
        %swap3A_626 = arith.constant 0 : index
        %swap3A_627 = tpu.vector_load %arg12[%swap3A_625, %swap3A_626] {strides = array<i32>} : memref<64x128xf32, #tpu.memory_space<vmem>>, vector<1x16xf32>,
        %swap3A_628 = vector.shape_cast %swap3A_627 : vector<1x16xf32> to vector<16xf32>
        %swap3A_629 = vector.shape_cast %get3A_624 : vector<16xf32> to vector<1x16xf32>
        tpu.vector_store %arg12[%swap3A_625, %swap3A_626], %swap3A_629 {add = true, strides = array<i32>} : memref<64x128xf32, #tpu.memory_space<vmem>>, vector<1x16xf32>,
        %get3A_630 = arith.index_cast %scan3A_620 : i32 to index
        %get3A_631 = arith.constant 16 : index
        %get3A_632 = tpu.vector_load %arg17[%get3A_630, %get3A_631] {strides = array<i32>} : memref<64x128xf32, #tpu.memory_space<vmem>>, vector<1x16xf32>,
        %get3A_633 = vector.shape_cast %get3A_632 : vector<1x16xf32> to vector<16xf32>
        %swap3A_634 = arith.index_cast %scan3A_620 : i32 to index
        %swap3A_635 = arith.constant 16 : index
        %swap3A_636 = tpu.vector_load %arg12[%swap3A_634, %swap3A_635] {strides = array<i32>} : memref<64x128xf32, #tpu.memory_space<vmem>>, vector<1x16xf32>,
        %swap3A_637 = vector.shape_cast %swap3A_636 : vector<1x16xf32> to vector<16xf32>
        %swap3A_638 = vector.shape_cast %get3A_633 : vector<16xf32> to vector<1x16xf32>
        tpu.vector_store %arg12[%swap3A_634, %swap3A_635], %swap3A_638 {add = true, strides = array<i32>} : memref<64x128xf32, #tpu.memory_space<vmem>>, vector<1x16xf32>,
        %get3A_639 = arith.index_cast %scan3A_620 : i32 to index
        %get3A_640 = arith.constant 32 : index
        %get3A_641 = tpu.vector_load %arg17[%get3A_639, %get3A_640] {strides = array<i32>} : memref<64x128xf32, #tpu.memory_space<vmem>>, vector<1x16xf32>,
        %get3A_642 = vector.shape_cast %get3A_641 : vector<1x16xf32> to vector<16xf32>
        %swap3A_643 = arith.index_cast %scan3A_620 : i32 to index
        %swap3A_644 = arith.constant 32 : index
        %swap3A_645 = tpu.vector_load %arg12[%swap3A_643, %swap3A_644] {strides = array<i32>} : memref<64x128xf32, #tpu.memory_space<vmem>>, vector<1x16xf32>,
        %swap3A_646 = vector.shape_cast %swap3A_645 : vector<1x16xf32> to vector<16xf32>
        %swap3A_647 = vector.shape_cast %get3A_642 : vector<16xf32> to vector<1x16xf32>
        tpu.vector_store %arg12[%swap3A_643, %swap3A_644], %swap3A_647 {add = true, strides = array<i32>} : memref<64x128xf32, #tpu.memory_space<vmem>>, vector<1x16xf32>,
        %get3A_648 = arith.index_cast %scan3A_620 : i32 to index
        %get3A_649 = arith.constant 48 : index
        %get3A_650 = tpu.vector_load %arg17[%get3A_648, %get3A_649] {strides = array<i32>} : memref<64x128xf32, #tpu.memory_space<vmem>>, vector<1x16xf32>,
        %get3A_651 = vector.shape_cast %get3A_650 : vector<1x16xf32> to vector<16xf32>
        %swap3A_652 = arith.index_cast %scan3A_620 : i32 to index
        %swap3A_653 = arith.constant 48 : index
        %swap3A_654 = tpu.vector_load %arg12[%swap3A_652, %swap3A_653] {strides = array<i32>} : memref<64x128xf32, #tpu.memory_space<vmem>>, vector<1x16xf32>,
        %swap3A_655 = vector.shape_cast %swap3A_654 : vector<1x16xf32> to vector<16xf32>
        %swap3A_656 = vector.shape_cast %get3A_651 : vector<16xf32> to vector<1x16xf32>
        tpu.vector_store %arg12[%swap3A_652, %swap3A_653], %swap3A_656 {add = true, strides = array<i32>} : memref<64x128xf32, #tpu.memory_space<vmem>>, vector<1x16xf32>,
        %get3A_657 = arith.index_cast %scan3A_620 : i32 to index
        %get3A_658 = arith.constant 64 : index
        %get3A_659 = tpu.vector_load %arg17[%get3A_657, %get3A_658] {strides = array<i32>} : memref<64x128xf32, #tpu.memory_space<vmem>>, vector<1x16xf32>,
        %get3A_660 = vector.shape_cast %get3A_659 : vector<1x16xf32> to vector<16xf32>
        %swap3A_661 = arith.index_cast %scan3A_620 : i32 to index
        %swap3A_662 = arith.constant 64 : index
        %swap3A_663 = tpu.vector_load %arg12[%swap3A_661, %swap3A_662] {strides = array<i32>} : memref<64x128xf32, #tpu.memory_space<vmem>>, vector<1x16xf32>,
        %swap3A_664 = vector.shape_cast %swap3A_663 : vector<1x16xf32> to vector<16xf32>
        %swap3A_665 = vector.shape_cast %get3A_660 : vector<16xf32> to vector<1x16xf32>
        tpu.vector_store %arg12[%swap3A_661, %swap3A_662], %swap3A_665 {add = true, strides = array<i32>} : memref<64x128xf32, #tpu.memory_space<vmem>>, vector<1x16xf32>,
        %get3A_666 = arith.index_cast %scan3A_620 : i32 to index
        %get3A_667 = arith.constant 80 : index
        %get3A_668 = tpu.vector_load %arg17[%get3A_666, %get3A_667] {strides = array<i32>} : memref<64x128xf32, #tpu.memory_space<vmem>>, vector<1x16xf32>,
        %get3A_669 = vector.shape_cast %get3A_668 : vector<1x16xf32> to vector<16xf32>
        %swap3A_670 = arith.index_cast %scan3A_620 : i32 to index
        %swap3A_671 = arith.constant 80 : index
        %swap3A_672 = tpu.vector_load %arg12[%swap3A_670, %swap3A_671] {strides = array<i32>} : memref<64x128xf32, #tpu.memory_space<vmem>>, vector<1x16xf32>,
        %swap3A_673 = vector.shape_cast %swap3A_672 : vector<1x16xf32> to vector<16xf32>
        %swap3A_674 = vector.shape_cast %get3A_669 : vector<16xf32> to vector<1x16xf32>
        tpu.vector_store %arg12[%swap3A_670, %swap3A_671], %swap3A_674 {add = true, strides = array<i32>} : memref<64x128xf32, #tpu.memory_space<vmem>>, vector<1x16xf32>,
        %get3A_675 = arith.index_cast %scan3A_620 : i32 to index
        %get3A_676 = arith.constant 96 : index
        %get3A_677 = tpu.vector_load %arg17[%get3A_675, %get3A_676] {strides = array<i32>} : memref<64x128xf32, #tpu.memory_space<vmem>>, vector<1x16xf32>,
        %get3A_678 = vector.shape_cast %get3A_677 : vector<1x16xf32> to vector<16xf32>
        %swap3A_679 = arith.index_cast %scan3A_620 : i32 to index
        %swap3A_680 = arith.constant 96 : index
        %swap3A_681 = tpu.vector_load %arg12[%swap3A_679, %swap3A_680] {strides = array<i32>} : memref<64x128xf32, #tpu.memory_space<vmem>>, vector<1x16xf32>,
        %swap3A_682 = vector.shape_cast %swap3A_681 : vector<1x16xf32> to vector<16xf32>
        %swap3A_683 = vector.shape_cast %get3A_678 : vector<16xf32> to vector<1x16xf32>
        tpu.vector_store %arg12[%swap3A_679, %swap3A_680], %swap3A_683 {add = true, strides = array<i32>} : memref<64x128xf32, #tpu.memory_space<vmem>>, vector<1x16xf32>,
        %get3A_684 = arith.index_cast %scan3A_620 : i32 to index
        %get3A_685 = arith.constant 112 : index
        %get3A_686 = tpu.vector_load %arg17[%get3A_684, %get3A_685] {strides = array<i32>} : memref<64x128xf32, #tpu.memory_space<vmem>>, vector<1x16xf32>,
        %get3A_687 = vector.shape_cast %get3A_686 : vector<1x16xf32> to vector<16xf32>
        %swap3A_688 = arith.index_cast %scan3A_620 : i32 to index
        %swap3A_689 = arith.constant 112 : index
        %swap3A_690 = tpu.vector_load %arg12[%swap3A_688, %swap3A_689] {strides = array<i32>} : memref<64x128xf32, #tpu.memory_space<vmem>>, vector<1x16xf32>,
        %swap3A_691 = vector.shape_cast %swap3A_690 : vector<1x16xf32> to vector<16xf32>
        %swap3A_692 = vector.shape_cast %get3A_687 : vector<16xf32> to vector<1x16xf32>
        tpu.vector_store %arg12[%swap3A_688, %swap3A_689], %swap3A_692 {add = true, strides = array<i32>} : memref<64x128xf32, #tpu.memory_space<vmem>>, vector<1x16xf32>,
        %scan3A_693 = arith.constant 6 : i32
        %scan3A_694 = arith.addi %scan3A_252, %scan3A_693 : i32
        %get3A_695 = arith.index_cast %scan3A_694 : i32 to index
        %get3A_696 = arith.constant 0 : index
        %get3A_697 = tpu.vector_load %arg17[%get3A_695, %get3A_696] {strides = array<i32>} : memref<64x128xf32, #tpu.memory_space<vmem>>, vector<1x16xf32>,
        %get3A_698 = vector.shape_cast %get3A_697 : vector<1x16xf32> to vector<16xf32>
        %swap3A_699 = arith.index_cast %scan3A_694 : i32 to index
        %swap3A_700 = arith.constant 0 : index
        %swap3A_701 = tpu.vector_load %arg12[%swap3A_699, %swap3A_700] {strides = array<i32>} : memref<64x128xf32, #tpu.memory_space<vmem>>, vector<1x16xf32>,
        %swap3A_702 = vector.shape_cast %swap3A_701 : vector<1x16xf32> to vector<16xf32>
        %swap3A_703 = vector.shape_cast %get3A_698 : vector<16xf32> to vector<1x16xf32>
        tpu.vector_store %arg12[%swap3A_699, %swap3A_700], %swap3A_703 {add = true, strides = array<i32>} : memref<64x128xf32, #tpu.memory_space<vmem>>, vector<1x16xf32>,
        %get3A_704 = arith.index_cast %scan3A_694 : i32 to index
        %get3A_705 = arith.constant 16 : index
        %get3A_706 = tpu.vector_load %arg17[%get3A_704, %get3A_705] {strides = array<i32>} : memref<64x128xf32, #tpu.memory_space<vmem>>, vector<1x16xf32>,
        %get3A_707 = vector.shape_cast %get3A_706 : vector<1x16xf32> to vector<16xf32>
        %swap3A_708 = arith.index_cast %scan3A_694 : i32 to index
        %swap3A_709 = arith.constant 16 : index
        %swap3A_710 = tpu.vector_load %arg12[%swap3A_708, %swap3A_709] {strides = array<i32>} : memref<64x128xf32, #tpu.memory_space<vmem>>, vector<1x16xf32>,
        %swap3A_711 = vector.shape_cast %swap3A_710 : vector<1x16xf32> to vector<16xf32>
        %swap3A_712 = vector.shape_cast %get3A_707 : vector<16xf32> to vector<1x16xf32>
        tpu.vector_store %arg12[%swap3A_708, %swap3A_709], %swap3A_712 {add = true, strides = array<i32>} : memref<64x128xf32, #tpu.memory_space<vmem>>, vector<1x16xf32>,
        %get3A_713 = arith.index_cast %scan3A_694 : i32 to index
        %get3A_714 = arith.constant 32 : index
        %get3A_715 = tpu.vector_load %arg17[%get3A_713, %get3A_714] {strides = array<i32>} : memref<64x128xf32, #tpu.memory_space<vmem>>, vector<1x16xf32>,
        %get3A_716 = vector.shape_cast %get3A_715 : vector<1x16xf32> to vector<16xf32>
        %swap3A_717 = arith.index_cast %scan3A_694 : i32 to index
        %swap3A_718 = arith.constant 32 : index
        %swap3A_719 = tpu.vector_load %arg12[%swap3A_717, %swap3A_718] {strides = array<i32>} : memref<64x128xf32, #tpu.memory_space<vmem>>, vector<1x16xf32>,
        %swap3A_720 = vector.shape_cast %swap3A_719 : vector<1x16xf32> to vector<16xf32>
        %swap3A_721 = vector.shape_cast %get3A_716 : vector<16xf32> to vector<1x16xf32>
        tpu.vector_store %arg12[%swap3A_717, %swap3A_718], %swap3A_721 {add = true, strides = array<i32>} : memref<64x128xf32, #tpu.memory_space<vmem>>, vector<1x16xf32>,
        %get3A_722 = arith.index_cast %scan3A_694 : i32 to index
        %get3A_723 = arith.constant 48 : index
        %get3A_724 = tpu.vector_load %arg17[%get3A_722, %get3A_723] {strides = array<i32>} : memref<64x128xf32, #tpu.memory_space<vmem>>, vector<1x16xf32>,
        %get3A_725 = vector.shape_cast %get3A_724 : vector<1x16xf32> to vector<16xf32>
        %swap3A_726 = arith.index_cast %scan3A_694 : i32 to index
        %swap3A_727 = arith.constant 48 : index
        %swap3A_728 = tpu.vector_load %arg12[%swap3A_726, %swap3A_727] {strides = array<i32>} : memref<64x128xf32, #tpu.memory_space<vmem>>, vector<1x16xf32>,
        %swap3A_729 = vector.shape_cast %swap3A_728 : vector<1x16xf32> to vector<16xf32>
        %swap3A_730 = vector.shape_cast %get3A_725 : vector<16xf32> to vector<1x16xf32>
        tpu.vector_store %arg12[%swap3A_726, %swap3A_727], %swap3A_730 {add = true, strides = array<i32>} : memref<64x128xf32, #tpu.memory_space<vmem>>, vector<1x16xf32>,
        %get3A_731 = arith.index_cast %scan3A_694 : i32 to index
        %get3A_732 = arith.constant 64 : index
        %get3A_733 = tpu.vector_load %arg17[%get3A_731, %get3A_732] {strides = array<i32>} : memref<64x128xf32, #tpu.memory_space<vmem>>, vector<1x16xf32>,
        %get3A_734 = vector.shape_cast %get3A_733 : vector<1x16xf32> to vector<16xf32>
        %swap3A_735 = arith.index_cast %scan3A_694 : i32 to index
        %swap3A_736 = arith.constant 64 : index
        %swap3A_737 = tpu.vector_load %arg12[%swap3A_735, %swap3A_736] {strides = array<i32>} : memref<64x128xf32, #tpu.memory_space<vmem>>, vector<1x16xf32>,
        %swap3A_738 = vector.shape_cast %swap3A_737 : vector<1x16xf32> to vector<16xf32>
        %swap3A_739 = vector.shape_cast %get3A_734 : vector<16xf32> to vector<1x16xf32>
        tpu.vector_store %arg12[%swap3A_735, %swap3A_736], %swap3A_739 {add = true, strides = array<i32>} : memref<64x128xf32, #tpu.memory_space<vmem>>, vector<1x16xf32>,
        %get3A_740 = arith.index_cast %scan3A_694 : i32 to index
        %get3A_741 = arith.constant 80 : index
        %get3A_742 = tpu.vector_load %arg17[%get3A_740, %get3A_741] {strides = array<i32>} : memref<64x128xf32, #tpu.memory_space<vmem>>, vector<1x16xf32>,
        %get3A_743 = vector.shape_cast %get3A_742 : vector<1x16xf32> to vector<16xf32>
        %swap3A_744 = arith.index_cast %scan3A_694 : i32 to index
        %swap3A_745 = arith.constant 80 : index
        %swap3A_746 = tpu.vector_load %arg12[%swap3A_744, %swap3A_745] {strides = array<i32>} : memref<64x128xf32, #tpu.memory_space<vmem>>, vector<1x16xf32>,
        %swap3A_747 = vector.shape_cast %swap3A_746 : vector<1x16xf32> to vector<16xf32>
        %swap3A_748 = vector.shape_cast %get3A_743 : vector<16xf32> to vector<1x16xf32>
        tpu.vector_store %arg12[%swap3A_744, %swap3A_745], %swap3A_748 {add = true, strides = array<i32>} : memref<64x128xf32, #tpu.memory_space<vmem>>, vector<1x16xf32>,
        %get3A_749 = arith.index_cast %scan3A_694 : i32 to index
        %get3A_750 = arith.constant 96 : index
        %get3A_751 = tpu.vector_load %arg17[%get3A_749, %get3A_750] {strides = array<i32>} : memref<64x128xf32, #tpu.memory_space<vmem>>, vector<1x16xf32>,
        %get3A_752 = vector.shape_cast %get3A_751 : vector<1x16xf32> to vector<16xf32>
        %swap3A_753 = arith.index_cast %scan3A_694 : i32 to index
        %swap3A_754 = arith.constant 96 : index
        %swap3A_755 = tpu.vector_load %arg12[%swap3A_753, %swap3A_754] {strides = array<i32>} : memref<64x128xf32, #tpu.memory_space<vmem>>, vector<1x16xf32>,
        %swap3A_756 = vector.shape_cast %swap3A_755 : vector<1x16xf32> to vector<16xf32>
        %swap3A_757 = vector.shape_cast %get3A_752 : vector<16xf32> to vector<1x16xf32>
        tpu.vector_store %arg12[%swap3A_753, %swap3A_754], %swap3A_757 {add = true, strides = array<i32>} : memref<64x128xf32, #tpu.memory_space<vmem>>, vector<1x16xf32>,
        %get3A_758 = arith.index_cast %scan3A_694 : i32 to index
        %get3A_759 = arith.constant 112 : index
        %get3A_760 = tpu.vector_load %arg17[%get3A_758, %get3A_759] {strides = array<i32>} : memref<64x128xf32, #tpu.memory_space<vmem>>, vector<1x16xf32>,
        %get3A_761 = vector.shape_cast %get3A_760 : vector<1x16xf32> to vector<16xf32>
        %swap3A_762 = arith.index_cast %scan3A_694 : i32 to index
        %swap3A_763 = arith.constant 112 : index
        %swap3A_764 = tpu.vector_load %arg12[%swap3A_762, %swap3A_763] {strides = array<i32>} : memref<64x128xf32, #tpu.memory_space<vmem>>, vector<1x16xf32>,
        %swap3A_765 = vector.shape_cast %swap3A_764 : vector<1x16xf32> to vector<16xf32>
        %swap3A_766 = vector.shape_cast %get3A_761 : vector<16xf32> to vector<1x16xf32>
        tpu.vector_store %arg12[%swap3A_762, %swap3A_763], %swap3A_766 {add = true, strides = array<i32>} : memref<64x128xf32, #tpu.memory_space<vmem>>, vector<1x16xf32>,
        %scan3A_767 = arith.constant 7 : i32
        %scan3A_768 = arith.addi %scan3A_252, %scan3A_767 : i32
        %get3A_769 = arith.index_cast %scan3A_768 : i32 to index
        %get3A_770 = arith.constant 0 : index
        %get3A_771 = tpu.vector_load %arg17[%get3A_769, %get3A_770] {strides = array<i32>} : memref<64x128xf32, #tpu.memory_space<vmem>>, vector<1x16xf32>,
        %get3A_772 = vector.shape_cast %get3A_771 : vector<1x16xf32> to vector<16xf32>
        %swap3A_773 = arith.index_cast %scan3A_768 : i32 to index
        %swap3A_774 = arith.constant 0 : index
        %swap3A_775 = tpu.vector_load %arg12[%swap3A_773, %swap3A_774] {strides = array<i32>} : memref<64x128xf32, #tpu.memory_space<vmem>>, vector<1x16xf32>,
        %swap3A_776 = vector.shape_cast %swap3A_775 : vector<1x16xf32> to vector<16xf32>
        %swap3A_777 = vector.shape_cast %get3A_772 : vector<16xf32> to vector<1x16xf32>
        tpu.vector_store %arg12[%swap3A_773, %swap3A_774], %swap3A_777 {add = true, strides = array<i32>} : memref<64x128xf32, #tpu.memory_space<vmem>>, vector<1x16xf32>,
        %get3A_778 = arith.index_cast %scan3A_768 : i32 to index
        %get3A_779 = arith.constant 16 : index
        %get3A_780 = tpu.vector_load %arg17[%get3A_778, %get3A_779] {strides = array<i32>} : memref<64x128xf32, #tpu.memory_space<vmem>>, vector<1x16xf32>,
        %get3A_781 = vector.shape_cast %get3A_780 : vector<1x16xf32> to vector<16xf32>
        %swap3A_782 = arith.index_cast %scan3A_768 : i32 to index
        %swap3A_783 = arith.constant 16 : index
        %swap3A_784 = tpu.vector_load %arg12[%swap3A_782, %swap3A_783] {strides = array<i32>} : memref<64x128xf32, #tpu.memory_space<vmem>>, vector<1x16xf32>,
        %swap3A_785 = vector.shape_cast %swap3A_784 : vector<1x16xf32> to vector<16xf32>
        %swap3A_786 = vector.shape_cast %get3A_781 : vector<16xf32> to vector<1x16xf32>
        tpu.vector_store %arg12[%swap3A_782, %swap3A_783], %swap3A_786 {add = true, strides = array<i32>} : memref<64x128xf32, #tpu.memory_space<vmem>>, vector<1x16xf32>,
        %get3A_787 = arith.index_cast %scan3A_768 : i32 to index
        %get3A_788 = arith.constant 32 : index
        %get3A_789 = tpu.vector_load %arg17[%get3A_787, %get3A_788] {strides = array<i32>} : memref<64x128xf32, #tpu.memory_space<vmem>>, vector<1x16xf32>,
        %get3A_790 = vector.shape_cast %get3A_789 : vector<1x16xf32> to vector<16xf32>
        %swap3A_791 = arith.index_cast %scan3A_768 : i32 to index
        %swap3A_792 = arith.constant 32 : index
        %swap3A_793 = tpu.vector_load %arg12[%swap3A_791, %swap3A_792] {strides = array<i32>} : memref<64x128xf32, #tpu.memory_space<vmem>>, vector<1x16xf32>,
        %swap3A_794 = vector.shape_cast %swap3A_793 : vector<1x16xf32> to vector<16xf32>
        %swap3A_795 = vector.shape_cast %get3A_790 : vector<16xf32> to vector<1x16xf32>
        tpu.vector_store %arg12[%swap3A_791, %swap3A_792], %swap3A_795 {add = true, strides = array<i32>} : memref<64x128xf32, #tpu.memory_space<vmem>>, vector<1x16xf32>,
        %get3A_796 = arith.index_cast %scan3A_768 : i32 to index
        %get3A_797 = arith.constant 48 : index
        %get3A_798 = tpu.vector_load %arg17[%get3A_796, %get3A_797] {strides = array<i32>} : memref<64x128xf32, #tpu.memory_space<vmem>>, vector<1x16xf32>,
        %get3A_799 = vector.shape_cast %get3A_798 : vector<1x16xf32> to vector<16xf32>
        %swap3A_800 = arith.index_cast %scan3A_768 : i32 to index
        %swap3A_801 = arith.constant 48 : index
        %swap3A_802 = tpu.vector_load %arg12[%swap3A_800, %swap3A_801] {strides = array<i32>} : memref<64x128xf32, #tpu.memory_space<vmem>>, vector<1x16xf32>,
        %swap3A_803 = vector.shape_cast %swap3A_802 : vector<1x16xf32> to vector<16xf32>
        %swap3A_804 = vector.shape_cast %get3A_799 : vector<16xf32> to vector<1x16xf32>
        tpu.vector_store %arg12[%swap3A_800, %swap3A_801], %swap3A_804 {add = true, strides = array<i32>} : memref<64x128xf32, #tpu.memory_space<vmem>>, vector<1x16xf32>,
        %get3A_805 = arith.index_cast %scan3A_768 : i32 to index
        %get3A_806 = arith.constant 64 : index
        %get3A_807 = tpu.vector_load %arg17[%get3A_805, %get3A_806] {strides = array<i32>} : memref<64x128xf32, #tpu.memory_space<vmem>>, vector<1x16xf32>,
        %get3A_808 = vector.shape_cast %get3A_807 : vector<1x16xf32> to vector<16xf32>
        %swap3A_809 = arith.index_cast %scan3A_768 : i32 to index
        %swap3A_810 = arith.constant 64 : index
        %swap3A_811 = tpu.vector_load %arg12[%swap3A_809, %swap3A_810] {strides = array<i32>} : memref<64x128xf32, #tpu.memory_space<vmem>>, vector<1x16xf32>,
        %swap3A_812 = vector.shape_cast %swap3A_811 : vector<1x16xf32> to vector<16xf32>
        %swap3A_813 = vector.shape_cast %get3A_808 : vector<16xf32> to vector<1x16xf32>
        tpu.vector_store %arg12[%swap3A_809, %swap3A_810], %swap3A_813 {add = true, strides = array<i32>} : memref<64x128xf32, #tpu.memory_space<vmem>>, vector<1x16xf32>,
        %get3A_814 = arith.index_cast %scan3A_768 : i32 to index
        %get3A_815 = arith.constant 80 : index
        %get3A_816 = tpu.vector_load %arg17[%get3A_814, %get3A_815] {strides = array<i32>} : memref<64x128xf32, #tpu.memory_space<vmem>>, vector<1x16xf32>,
        %get3A_817 = vector.shape_cast %get3A_816 : vector<1x16xf32> to vector<16xf32>
        %swap3A_818 = arith.index_cast %scan3A_768 : i32 to index
        %swap3A_819 = arith.constant 80 : index
        %swap3A_820 = tpu.vector_load %arg12[%swap3A_818, %swap3A_819] {strides = array<i32>} : memref<64x128xf32, #tpu.memory_space<vmem>>, vector<1x16xf32>,
        %swap3A_821 = vector.shape_cast %swap3A_820 : vector<1x16xf32> to vector<16xf32>
        %swap3A_822 = vector.shape_cast %get3A_817 : vector<16xf32> to vector<1x16xf32>
        tpu.vector_store %arg12[%swap3A_818, %swap3A_819], %swap3A_822 {add = true, strides = array<i32>} : memref<64x128xf32, #tpu.memory_space<vmem>>, vector<1x16xf32>,
        %get3A_823 = arith.index_cast %scan3A_768 : i32 to index
        %get3A_824 = arith.constant 96 : index
        %get3A_825 = tpu.vector_load %arg17[%get3A_823, %get3A_824] {strides = array<i32>} : memref<64x128xf32, #tpu.memory_space<vmem>>, vector<1x16xf32>,
        %get3A_826 = vector.shape_cast %get3A_825 : vector<1x16xf32> to vector<16xf32>
        %swap3A_827 = arith.index_cast %scan3A_768 : i32 to index
        %swap3A_828 = arith.constant 96 : index
        %swap3A_829 = tpu.vector_load %arg12[%swap3A_827, %swap3A_828] {strides = array<i32>} : memref<64x128xf32, #tpu.memory_space<vmem>>, vector<1x16xf32>,
        %swap3A_830 = vector.shape_cast %swap3A_829 : vector<1x16xf32> to vector<16xf32>
        %swap3A_831 = vector.shape_cast %get3A_826 : vector<16xf32> to vector<1x16xf32>
        tpu.vector_store %arg12[%swap3A_827, %swap3A_828], %swap3A_831 {add = true, strides = array<i32>} : memref<64x128xf32, #tpu.memory_space<vmem>>, vector<1x16xf32>,
        %get3A_832 = arith.index_cast %scan3A_768 : i32 to index
        %get3A_833 = arith.constant 112 : index
        %get3A_834 = tpu.vector_load %arg17[%get3A_832, %get3A_833] {strides = array<i32>} : memref<64x128xf32, #tpu.memory_space<vmem>>, vector<1x16xf32>,
        %get3A_835 = vector.shape_cast %get3A_834 : vector<1x16xf32> to vector<16xf32>
        %swap3A_836 = arith.index_cast %scan3A_768 : i32 to index
        %swap3A_837 = arith.constant 112 : index
        %swap3A_838 = tpu.vector_load %arg12[%swap3A_836, %swap3A_837] {strides = array<i32>} : memref<64x128xf32, #tpu.memory_space<vmem>>, vector<1x16xf32>,
        %swap3A_839 = vector.shape_cast %swap3A_838 : vector<1x16xf32> to vector<16xf32>
        %swap3A_840 = vector.shape_cast %get3A_835 : vector<16xf32> to vector<1x16xf32>
        tpu.vector_store %arg12[%swap3A_836, %swap3A_837], %swap3A_840 {add = true, strides = array<i32>} : memref<64x128xf32, #tpu.memory_space<vmem>>, vector<1x16xf32>,
      }
      %scan3A_166 = arith.constant 64 : i32
      %mul3A_167 = arith.constant 64 : i32
      %mul3A_168 = arith.muli %add3A_136, %mul3A_167 : i32
      %add3A_169 = arith.addi %mul3A_2, %mul3A_168 : i32
      %dma_start3A_170 = arith.constant 0 : i32
      %dma_start3A_171 = tpu.memref_slice %arg5[%add3A_169, %dma_start3A_170] : memref<204800x128xf32, #tpu.memory_space<hbm>> -> memref<64x128xf32, #tpu.memory_space<hbm>>
      %dma_start3A_172 = arith.constant 0 : i32
      %dma_start3A_173 = tpu.memref_slice %arg5[%add3A_169, %dma_start3A_172] : memref<204800x128xf32, #tpu.memory_space<hbm>> -> memref<64x128xf32, #tpu.memory_space<hbm>>
      tpu.enqueue_dma source(%arg12 : memref<64x128xf32, #tpu.memory_space<vmem>>) target(%dma_start3A_173 : memref<64x128xf32, #tpu.memory_space<hbm>>) target_semaphore(%arg32 : memref<!tpu.dma_semaphore, #tpu.memory_space<semaphore_mem>>)
      %add3A_174 = arith.constant 3 : i32
      %add3A_175 = arith.addi %mul3A_58, %add3A_174 : i32
      %ge3A_176 = arith.constant 2 : i32
      %ge3A_177 = arith.cmpi sge, %add3A_175, %ge3A_176 : i32
      %convert_element_type3A_178 = arith.extui %ge3A_177 : i1 to i32
      %cond3A_179 = arith.constant 0 : i32
      %cond3A_180 = arith.cmpi ne, %convert_element_type3A_178, %cond3A_179 : i32
      scf.if %cond3A_180 {
        %dma_wait3A_252 = arith.constant 0 : i32
        %dma_wait3A_253 = arith.constant 0 : i32
        %dma_wait3A_254 = tpu.memref_slice %arg5[%dma_wait3A_252, %dma_wait3A_253] : memref<204800x128xf32, #tpu.memory_space<hbm>> -> memref<64x128xf32, #tpu.memory_space<hbm>>
        %dma_wait3A_255 = arith.constant 0 : i32
        %dma_wait3A_256 = arith.constant 0 : i32
        %dma_wait3A_257 = tpu.memref_slice %arg5[%dma_wait3A_255, %dma_wait3A_256] : memref<204800x128xf32, #tpu.memory_space<hbm>> -> memref<64x128xf32, #tpu.memory_space<hbm>>
        tpu.wait_dma2 semaphore(%arg31 : memref<!tpu.dma_semaphore, #tpu.memory_space<semaphore_mem>>) src(%arg11 : memref<64x128xf32, #tpu.memory_space<vmem>>) dst(%dma_wait3A_257 : memref<64x128xf32, #tpu.memory_space<hbm>>)
      } else {
      }
      %add3A_181 = arith.constant 3 : i32
      %add3A_182 = arith.addi %add3A_175, %add3A_181 : i32
      %lt3A_183 = arith.constant 100 : i32
      %lt3A_184 = arith.cmpi slt, %add3A_182, %lt3A_183 : i32
      %convert_element_type3A_185 = arith.extui %lt3A_184 : i1 to i32
      %cond3A_186 = arith.constant 0 : i32
      %cond3A_187 = arith.cmpi ne, %convert_element_type3A_185, %cond3A_186 : i32
      scf.if %cond3A_187 {
        %add3A_252 = arith.constant 3 : i32
        %add3A_253 = arith.addi %add3A_175, %add3A_252 : i32
        %mul3A_254 = arith.constant 64 : i32
        %mul3A_255 = arith.muli %add3A_253, %mul3A_254 : i32
        %dma_start3A_256 = tpu.memref_slice %arg7[%mul3A_255] : memref<6400xi32, #tpu.memory_space<vmem>> -> memref<64xi32, #tpu.memory_space<vmem>>
        %dma_start3A_257 = arith.constant 0 : i32
        %dma_start3A_258 = arith.constant 0 : i32
        %dma_start3A_259 = tpu.memref_slice %arg2[%dma_start3A_257, %dma_start3A_258] : memref<100000x128xf32, #tpu.memory_space<hbm>> -> memref<100000x128xf32, #tpu.memory_space<hbm>>
        tpu.enqueue_indirect_dma source(%dma_start3A_259 : memref<100000x128xf32, #tpu.memory_space<hbm>>) target(%arg11 : memref<64x128xf32, #tpu.memory_space<vmem>>) offsets(%dma_start3A_256 : memref<64xi32, #tpu.memory_space<vmem>>) semaphore(%arg21 : memref<!tpu.dma_semaphore, #tpu.memory_space<semaphore_mem>>)
        %add3A_260 = arith.constant 3 : i32
        %add3A_261 = arith.addi %add3A_175, %add3A_260 : i32
        %mul3A_262 = arith.constant 64 : i32
        %mul3A_263 = arith.muli %add3A_261, %mul3A_262 : i32
        %dma_start3A_264 = tpu.memref_slice %arg8[%mul3A_263] : memref<6400xi32, #tpu.memory_space<vmem>> -> memref<64xi32, #tpu.memory_space<vmem>>
        %dma_start3A_265 = arith.constant 0 : i32
        %dma_start3A_266 = arith.constant 0 : i32
        %dma_start3A_267 = tpu.memref_slice %arg9[%dma_start3A_265, %dma_start3A_266] : memref<600x128xf32, #tpu.memory_space<vmem_shared>> -> memref<600x128xf32, #tpu.memory_space<vmem_shared>>
        tpu.enqueue_indirect_dma source(%dma_start3A_267 : memref<600x128xf32, #tpu.memory_space<vmem_shared>>) target(%arg16 : memref<64x128xf32, #tpu.memory_space<vmem>>) offsets(%dma_start3A_264 : memref<64xi32, #tpu.memory_space<vmem>>) semaphore(%arg26 : memref<!tpu.dma_semaphore, #tpu.memory_space<semaphore_mem>>)
      } else {
      }
      %dma_wait3A_188 = arith.constant 0 : i32
      %dma_wait3A_189 = arith.constant 0 : i32
      %dma_wait3A_190 = tpu.memref_slice %arg2[%dma_wait3A_188, %dma_wait3A_189] : memref<100000x128xf32, #tpu.memory_space<hbm>> -> memref<64x128xf32, #tpu.memory_space<hbm>>
      %dma_wait3A_191 = arith.constant 0 : i32
      %dma_wait3A_192 = arith.constant 0 : i32
      %dma_wait3A_193 = tpu.memref_slice %arg2[%dma_wait3A_191, %dma_wait3A_192] : memref<100000x128xf32, #tpu.memory_space<hbm>> -> memref<64x128xf32, #tpu.memory_space<hbm>>
      tpu.wait_dma2 semaphore(%arg23 : memref<!tpu.dma_semaphore, #tpu.memory_space<semaphore_mem>>) src(%dma_wait3A_193 : memref<64x128xf32, #tpu.memory_space<hbm>>) dst(%arg13 : memref<64x128xf32, #tpu.memory_space<vmem>>)
      %dma_wait3A_194 = arith.constant 0 : i32
      %dma_wait3A_195 = arith.constant 0 : i32
      %dma_wait3A_196 = tpu.memref_slice %arg9[%dma_wait3A_194, %dma_wait3A_195] : memref<600x128xf32, #tpu.memory_space<vmem_shared>> -> memref<64x128xf32, #tpu.memory_space<vmem_shared>>
      %dma_wait3A_197 = arith.constant 0 : i32
      %dma_wait3A_198 = arith.constant 0 : i32
      %dma_wait3A_199 = tpu.memref_slice %arg9[%dma_wait3A_197, %dma_wait3A_198] : memref<600x128xf32, #tpu.memory_space<vmem_shared>> -> memref<64x128xf32, #tpu.memory_space<vmem_shared>>
      tpu.wait_dma2 semaphore(%arg28 : memref<!tpu.dma_semaphore, #tpu.memory_space<semaphore_mem>>) src(%dma_wait3A_199 : memref<64x128xf32, #tpu.memory_space<vmem_shared>>) dst(%arg18 : memref<64x128xf32, #tpu.memory_space<vmem>>)
      %scan3A_200 = arith.constant 0 : i32
      %scan3A_201 = arith.constant 0 : i32
      %scan3A_202 = arith.constant 64 : i32
      %scan3A_203 = arith.addi %scan3A_201, %scan3A_202 : i32
      %scan3A_204 = arith.constant 8 : i32
      scf.for %scan3A_252 = %scan3A_201 to %scan3A_203 step %scan3A_204  : i32 {
        %get3A = arith.index_cast %scan3A_252 : i32 to index
        %get3A_253 = arith.constant 0 : index
        %get3A_254 = tpu.vector_load %arg18[%get3A, %get3A_253] {strides = array<i32>} : memref<64x128xf32, #tpu.memory_space<vmem>>, vector<1x16xf32>,
        %get3A_255 = vector.shape_cast %get3A_254 : vector<1x16xf32> to vector<16xf32>
        %swap3A = arith.index_cast %scan3A_252 : i32 to index
        %swap3A_256 = arith.constant 0 : index
        %swap3A_257 = tpu.vector_load %arg13[%swap3A, %swap3A_256] {strides = array<i32>} : memref<64x128xf32, #tpu.memory_space<vmem>>, vector<1x16xf32>,
        %swap3A_258 = vector.shape_cast %swap3A_257 : vector<1x16xf32> to vector<16xf32>
        %swap3A_259 = vector.shape_cast %get3A_255 : vector<16xf32> to vector<1x16xf32>
        tpu.vector_store %arg13[%swap3A, %swap3A_256], %swap3A_259 {add = true, strides = array<i32>} : memref<64x128xf32, #tpu.memory_space<vmem>>, vector<1x16xf32>,
        %get3A_260 = arith.index_cast %scan3A_252 : i32 to index
        %get3A_261 = arith.constant 16 : index
        %get3A_262 = tpu.vector_load %arg18[%get3A_260, %get3A_261] {strides = array<i32>} : memref<64x128xf32, #tpu.memory_space<vmem>>, vector<1x16xf32>,
        %get3A_263 = vector.shape_cast %get3A_262 : vector<1x16xf32> to vector<16xf32>
        %swap3A_264 = arith.index_cast %scan3A_252 : i32 to index
        %swap3A_265 = arith.constant 16 : index
        %swap3A_266 = tpu.vector_load %arg13[%swap3A_264, %swap3A_265] {strides = array<i32>} : memref<64x128xf32, #tpu.memory_space<vmem>>, vector<1x16xf32>,
        %swap3A_267 = vector.shape_cast %swap3A_266 : vector<1x16xf32> to vector<16xf32>
        %swap3A_268 = vector.shape_cast %get3A_263 : vector<16xf32> to vector<1x16xf32>
        tpu.vector_store %arg13[%swap3A_264, %swap3A_265], %swap3A_268 {add = true, strides = array<i32>} : memref<64x128xf32, #tpu.memory_space<vmem>>, vector<1x16xf32>,
        %get3A_269 = arith.index_cast %scan3A_252 : i32 to index
        %get3A_270 = arith.constant 32 : index
        %get3A_271 = tpu.vector_load %arg18[%get3A_269, %get3A_270] {strides = array<i32>} : memref<64x128xf32, #tpu.memory_space<vmem>>, vector<1x16xf32>,
        %get3A_272 = vector.shape_cast %get3A_271 : vector<1x16xf32> to vector<16xf32>
        %swap3A_273 = arith.index_cast %scan3A_252 : i32 to index
        %swap3A_274 = arith.constant 32 : index
        %swap3A_275 = tpu.vector_load %arg13[%swap3A_273, %swap3A_274] {strides = array<i32>} : memref<64x128xf32, #tpu.memory_space<vmem>>, vector<1x16xf32>,
        %swap3A_276 = vector.shape_cast %swap3A_275 : vector<1x16xf32> to vector<16xf32>
        %swap3A_277 = vector.shape_cast %get3A_272 : vector<16xf32> to vector<1x16xf32>
        tpu.vector_store %arg13[%swap3A_273, %swap3A_274], %swap3A_277 {add = true, strides = array<i32>} : memref<64x128xf32, #tpu.memory_space<vmem>>, vector<1x16xf32>,
        %get3A_278 = arith.index_cast %scan3A_252 : i32 to index
        %get3A_279 = arith.constant 48 : index
        %get3A_280 = tpu.vector_load %arg18[%get3A_278, %get3A_279] {strides = array<i32>} : memref<64x128xf32, #tpu.memory_space<vmem>>, vector<1x16xf32>,
        %get3A_281 = vector.shape_cast %get3A_280 : vector<1x16xf32> to vector<16xf32>
        %swap3A_282 = arith.index_cast %scan3A_252 : i32 to index
        %swap3A_283 = arith.constant 48 : index
        %swap3A_284 = tpu.vector_load %arg13[%swap3A_282, %swap3A_283] {strides = array<i32>} : memref<64x128xf32, #tpu.memory_space<vmem>>, vector<1x16xf32>,
        %swap3A_285 = vector.shape_cast %swap3A_284 : vector<1x16xf32> to vector<16xf32>
        %swap3A_286 = vector.shape_cast %get3A_281 : vector<16xf32> to vector<1x16xf32>
        tpu.vector_store %arg13[%swap3A_282, %swap3A_283], %swap3A_286 {add = true, strides = array<i32>} : memref<64x128xf32, #tpu.memory_space<vmem>>, vector<1x16xf32>,
        %get3A_287 = arith.index_cast %scan3A_252 : i32 to index
        %get3A_288 = arith.constant 64 : index
        %get3A_289 = tpu.vector_load %arg18[%get3A_287, %get3A_288] {strides = array<i32>} : memref<64x128xf32, #tpu.memory_space<vmem>>, vector<1x16xf32>,
        %get3A_290 = vector.shape_cast %get3A_289 : vector<1x16xf32> to vector<16xf32>
        %swap3A_291 = arith.index_cast %scan3A_252 : i32 to index
        %swap3A_292 = arith.constant 64 : index
        %swap3A_293 = tpu.vector_load %arg13[%swap3A_291, %swap3A_292] {strides = array<i32>} : memref<64x128xf32, #tpu.memory_space<vmem>>, vector<1x16xf32>,
        %swap3A_294 = vector.shape_cast %swap3A_293 : vector<1x16xf32> to vector<16xf32>
        %swap3A_295 = vector.shape_cast %get3A_290 : vector<16xf32> to vector<1x16xf32>
        tpu.vector_store %arg13[%swap3A_291, %swap3A_292], %swap3A_295 {add = true, strides = array<i32>} : memref<64x128xf32, #tpu.memory_space<vmem>>, vector<1x16xf32>,
        %get3A_296 = arith.index_cast %scan3A_252 : i32 to index
        %get3A_297 = arith.constant 80 : index
        %get3A_298 = tpu.vector_load %arg18[%get3A_296, %get3A_297] {strides = array<i32>} : memref<64x128xf32, #tpu.memory_space<vmem>>, vector<1x16xf32>,
        %get3A_299 = vector.shape_cast %get3A_298 : vector<1x16xf32> to vector<16xf32>
        %swap3A_300 = arith.index_cast %scan3A_252 : i32 to index
        %swap3A_301 = arith.constant 80 : index
        %swap3A_302 = tpu.vector_load %arg13[%swap3A_300, %swap3A_301] {strides = array<i32>} : memref<64x128xf32, #tpu.memory_space<vmem>>, vector<1x16xf32>,
        %swap3A_303 = vector.shape_cast %swap3A_302 : vector<1x16xf32> to vector<16xf32>
        %swap3A_304 = vector.shape_cast %get3A_299 : vector<16xf32> to vector<1x16xf32>
        tpu.vector_store %arg13[%swap3A_300, %swap3A_301], %swap3A_304 {add = true, strides = array<i32>} : memref<64x128xf32, #tpu.memory_space<vmem>>, vector<1x16xf32>,
        %get3A_305 = arith.index_cast %scan3A_252 : i32 to index
        %get3A_306 = arith.constant 96 : index
        %get3A_307 = tpu.vector_load %arg18[%get3A_305, %get3A_306] {strides = array<i32>} : memref<64x128xf32, #tpu.memory_space<vmem>>, vector<1x16xf32>,
        %get3A_308 = vector.shape_cast %get3A_307 : vector<1x16xf32> to vector<16xf32>
        %swap3A_309 = arith.index_cast %scan3A_252 : i32 to index
        %swap3A_310 = arith.constant 96 : index
        %swap3A_311 = tpu.vector_load %arg13[%swap3A_309, %swap3A_310] {strides = array<i32>} : memref<64x128xf32, #tpu.memory_space<vmem>>, vector<1x16xf32>,
        %swap3A_312 = vector.shape_cast %swap3A_311 : vector<1x16xf32> to vector<16xf32>
        %swap3A_313 = vector.shape_cast %get3A_308 : vector<16xf32> to vector<1x16xf32>
        tpu.vector_store %arg13[%swap3A_309, %swap3A_310], %swap3A_313 {add = true, strides = array<i32>} : memref<64x128xf32, #tpu.memory_space<vmem>>, vector<1x16xf32>,
        %get3A_314 = arith.index_cast %scan3A_252 : i32 to index
        %get3A_315 = arith.constant 112 : index
        %get3A_316 = tpu.vector_load %arg18[%get3A_314, %get3A_315] {strides = array<i32>} : memref<64x128xf32, #tpu.memory_space<vmem>>, vector<1x16xf32>,
        %get3A_317 = vector.shape_cast %get3A_316 : vector<1x16xf32> to vector<16xf32>
        %swap3A_318 = arith.index_cast %scan3A_252 : i32 to index
        %swap3A_319 = arith.constant 112 : index
        %swap3A_320 = tpu.vector_load %arg13[%swap3A_318, %swap3A_319] {strides = array<i32>} : memref<64x128xf32, #tpu.memory_space<vmem>>, vector<1x16xf32>,
        %swap3A_321 = vector.shape_cast %swap3A_320 : vector<1x16xf32> to vector<16xf32>
        %swap3A_322 = vector.shape_cast %get3A_317 : vector<16xf32> to vector<1x16xf32>
        tpu.vector_store %arg13[%swap3A_318, %swap3A_319], %swap3A_322 {add = true, strides = array<i32>} : memref<64x128xf32, #tpu.memory_space<vmem>>, vector<1x16xf32>,
        %scan3A_323 = arith.constant 1 : i32
        %scan3A_324 = arith.addi %scan3A_252, %scan3A_323 : i32
        %get3A_325 = arith.index_cast %scan3A_324 : i32 to index
        %get3A_326 = arith.constant 0 : index
        %get3A_327 = tpu.vector_load %arg18[%get3A_325, %get3A_326] {strides = array<i32>} : memref<64x128xf32, #tpu.memory_space<vmem>>, vector<1x16xf32>,
        %get3A_328 = vector.shape_cast %get3A_327 : vector<1x16xf32> to vector<16xf32>
        %swap3A_329 = arith.index_cast %scan3A_324 : i32 to index
        %swap3A_330 = arith.constant 0 : index
        %swap3A_331 = tpu.vector_load %arg13[%swap3A_329, %swap3A_330] {strides = array<i32>} : memref<64x128xf32, #tpu.memory_space<vmem>>, vector<1x16xf32>,
        %swap3A_332 = vector.shape_cast %swap3A_331 : vector<1x16xf32> to vector<16xf32>
        %swap3A_333 = vector.shape_cast %get3A_328 : vector<16xf32> to vector<1x16xf32>
        tpu.vector_store %arg13[%swap3A_329, %swap3A_330], %swap3A_333 {add = true, strides = array<i32>} : memref<64x128xf32, #tpu.memory_space<vmem>>, vector<1x16xf32>,
        %get3A_334 = arith.index_cast %scan3A_324 : i32 to index
        %get3A_335 = arith.constant 16 : index
        %get3A_336 = tpu.vector_load %arg18[%get3A_334, %get3A_335] {strides = array<i32>} : memref<64x128xf32, #tpu.memory_space<vmem>>, vector<1x16xf32>,
        %get3A_337 = vector.shape_cast %get3A_336 : vector<1x16xf32> to vector<16xf32>
        %swap3A_338 = arith.index_cast %scan3A_324 : i32 to index
        %swap3A_339 = arith.constant 16 : index
        %swap3A_340 = tpu.vector_load %arg13[%swap3A_338, %swap3A_339] {strides = array<i32>} : memref<64x128xf32, #tpu.memory_space<vmem>>, vector<1x16xf32>,
        %swap3A_341 = vector.shape_cast %swap3A_340 : vector<1x16xf32> to vector<16xf32>
        %swap3A_342 = vector.shape_cast %get3A_337 : vector<16xf32> to vector<1x16xf32>
        tpu.vector_store %arg13[%swap3A_338, %swap3A_339], %swap3A_342 {add = true, strides = array<i32>} : memref<64x128xf32, #tpu.memory_space<vmem>>, vector<1x16xf32>,
        %get3A_343 = arith.index_cast %scan3A_324 : i32 to index
        %get3A_344 = arith.constant 32 : index
        %get3A_345 = tpu.vector_load %arg18[%get3A_343, %get3A_344] {strides = array<i32>} : memref<64x128xf32, #tpu.memory_space<vmem>>, vector<1x16xf32>,
        %get3A_346 = vector.shape_cast %get3A_345 : vector<1x16xf32> to vector<16xf32>
        %swap3A_347 = arith.index_cast %scan3A_324 : i32 to index
        %swap3A_348 = arith.constant 32 : index
        %swap3A_349 = tpu.vector_load %arg13[%swap3A_347, %swap3A_348] {strides = array<i32>} : memref<64x128xf32, #tpu.memory_space<vmem>>, vector<1x16xf32>,
        %swap3A_350 = vector.shape_cast %swap3A_349 : vector<1x16xf32> to vector<16xf32>
        %swap3A_351 = vector.shape_cast %get3A_346 : vector<16xf32> to vector<1x16xf32>
        tpu.vector_store %arg13[%swap3A_347, %swap3A_348], %swap3A_351 {add = true, strides = array<i32>} : memref<64x128xf32, #tpu.memory_space<vmem>>, vector<1x16xf32>,
        %get3A_352 = arith.index_cast %scan3A_324 : i32 to index
        %get3A_353 = arith.constant 48 : index
        %get3A_354 = tpu.vector_load %arg18[%get3A_352, %get3A_353] {strides = array<i32>} : memref<64x128xf32, #tpu.memory_space<vmem>>, vector<1x16xf32>,
        %get3A_355 = vector.shape_cast %get3A_354 : vector<1x16xf32> to vector<16xf32>
        %swap3A_356 = arith.index_cast %scan3A_324 : i32 to index
        %swap3A_357 = arith.constant 48 : index
        %swap3A_358 = tpu.vector_load %arg13[%swap3A_356, %swap3A_357] {strides = array<i32>} : memref<64x128xf32, #tpu.memory_space<vmem>>, vector<1x16xf32>,
        %swap3A_359 = vector.shape_cast %swap3A_358 : vector<1x16xf32> to vector<16xf32>
        %swap3A_360 = vector.shape_cast %get3A_355 : vector<16xf32> to vector<1x16xf32>
        tpu.vector_store %arg13[%swap3A_356, %swap3A_357], %swap3A_360 {add = true, strides = array<i32>} : memref<64x128xf32, #tpu.memory_space<vmem>>, vector<1x16xf32>,
        %get3A_361 = arith.index_cast %scan3A_324 : i32 to index
        %get3A_362 = arith.constant 64 : index
        %get3A_363 = tpu.vector_load %arg18[%get3A_361, %get3A_362] {strides = array<i32>} : memref<64x128xf32, #tpu.memory_space<vmem>>, vector<1x16xf32>,
        %get3A_364 = vector.shape_cast %get3A_363 : vector<1x16xf32> to vector<16xf32>
        %swap3A_365 = arith.index_cast %scan3A_324 : i32 to index
        %swap3A_366 = arith.constant 64 : index
        %swap3A_367 = tpu.vector_load %arg13[%swap3A_365, %swap3A_366] {strides = array<i32>} : memref<64x128xf32, #tpu.memory_space<vmem>>, vector<1x16xf32>,
        %swap3A_368 = vector.shape_cast %swap3A_367 : vector<1x16xf32> to vector<16xf32>
        %swap3A_369 = vector.shape_cast %get3A_364 : vector<16xf32> to vector<1x16xf32>
        tpu.vector_store %arg13[%swap3A_365, %swap3A_366], %swap3A_369 {add = true, strides = array<i32>} : memref<64x128xf32, #tpu.memory_space<vmem>>, vector<1x16xf32>,
        %get3A_370 = arith.index_cast %scan3A_324 : i32 to index
        %get3A_371 = arith.constant 80 : index
        %get3A_372 = tpu.vector_load %arg18[%get3A_370, %get3A_371] {strides = array<i32>} : memref<64x128xf32, #tpu.memory_space<vmem>>, vector<1x16xf32>,
        %get3A_373 = vector.shape_cast %get3A_372 : vector<1x16xf32> to vector<16xf32>
        %swap3A_374 = arith.index_cast %scan3A_324 : i32 to index
        %swap3A_375 = arith.constant 80 : index
        %swap3A_376 = tpu.vector_load %arg13[%swap3A_374, %swap3A_375] {strides = array<i32>} : memref<64x128xf32, #tpu.memory_space<vmem>>, vector<1x16xf32>,
        %swap3A_377 = vector.shape_cast %swap3A_376 : vector<1x16xf32> to vector<16xf32>
        %swap3A_378 = vector.shape_cast %get3A_373 : vector<16xf32> to vector<1x16xf32>
        tpu.vector_store %arg13[%swap3A_374, %swap3A_375], %swap3A_378 {add = true, strides = array<i32>} : memref<64x128xf32, #tpu.memory_space<vmem>>, vector<1x16xf32>,
        %get3A_379 = arith.index_cast %scan3A_324 : i32 to index
        %get3A_380 = arith.constant 96 : index
        %get3A_381 = tpu.vector_load %arg18[%get3A_379, %get3A_380] {strides = array<i32>} : memref<64x128xf32, #tpu.memory_space<vmem>>, vector<1x16xf32>,
        %get3A_382 = vector.shape_cast %get3A_381 : vector<1x16xf32> to vector<16xf32>
        %swap3A_383 = arith.index_cast %scan3A_324 : i32 to index
        %swap3A_384 = arith.constant 96 : index
        %swap3A_385 = tpu.vector_load %arg13[%swap3A_383, %swap3A_384] {strides = array<i32>} : memref<64x128xf32, #tpu.memory_space<vmem>>, vector<1x16xf32>,
        %swap3A_386 = vector.shape_cast %swap3A_385 : vector<1x16xf32> to vector<16xf32>
        %swap3A_387 = vector.shape_cast %get3A_382 : vector<16xf32> to vector<1x16xf32>
        tpu.vector_store %arg13[%swap3A_383, %swap3A_384], %swap3A_387 {add = true, strides = array<i32>} : memref<64x128xf32, #tpu.memory_space<vmem>>, vector<1x16xf32>,
        %get3A_388 = arith.index_cast %scan3A_324 : i32 to index
        %get3A_389 = arith.constant 112 : index
        %get3A_390 = tpu.vector_load %arg18[%get3A_388, %get3A_389] {strides = array<i32>} : memref<64x128xf32, #tpu.memory_space<vmem>>, vector<1x16xf32>,
        %get3A_391 = vector.shape_cast %get3A_390 : vector<1x16xf32> to vector<16xf32>
        %swap3A_392 = arith.index_cast %scan3A_324 : i32 to index
        %swap3A_393 = arith.constant 112 : index
        %swap3A_394 = tpu.vector_load %arg13[%swap3A_392, %swap3A_393] {strides = array<i32>} : memref<64x128xf32, #tpu.memory_space<vmem>>, vector<1x16xf32>,
        %swap3A_395 = vector.shape_cast %swap3A_394 : vector<1x16xf32> to vector<16xf32>
        %swap3A_396 = vector.shape_cast %get3A_391 : vector<16xf32> to vector<1x16xf32>
        tpu.vector_store %arg13[%swap3A_392, %swap3A_393], %swap3A_396 {add = true, strides = array<i32>} : memref<64x128xf32, #tpu.memory_space<vmem>>, vector<1x16xf32>,
        %scan3A_397 = arith.constant 2 : i32
        %scan3A_398 = arith.addi %scan3A_252, %scan3A_397 : i32
        %get3A_399 = arith.index_cast %scan3A_398 : i32 to index
        %get3A_400 = arith.constant 0 : index
        %get3A_401 = tpu.vector_load %arg18[%get3A_399, %get3A_400] {strides = array<i32>} : memref<64x128xf32, #tpu.memory_space<vmem>>, vector<1x16xf32>,
        %get3A_402 = vector.shape_cast %get3A_401 : vector<1x16xf32> to vector<16xf32>
        %swap3A_403 = arith.index_cast %scan3A_398 : i32 to index
        %swap3A_404 = arith.constant 0 : index
        %swap3A_405 = tpu.vector_load %arg13[%swap3A_403, %swap3A_404] {strides = array<i32>} : memref<64x128xf32, #tpu.memory_space<vmem>>, vector<1x16xf32>,
        %swap3A_406 = vector.shape_cast %swap3A_405 : vector<1x16xf32> to vector<16xf32>
        %swap3A_407 = vector.shape_cast %get3A_402 : vector<16xf32> to vector<1x16xf32>
        tpu.vector_store %arg13[%swap3A_403, %swap3A_404], %swap3A_407 {add = true, strides = array<i32>} : memref<64x128xf32, #tpu.memory_space<vmem>>, vector<1x16xf32>,
        %get3A_408 = arith.index_cast %scan3A_398 : i32 to index
        %get3A_409 = arith.constant 16 : index
        %get3A_410 = tpu.vector_load %arg18[%get3A_408, %get3A_409] {strides = array<i32>} : memref<64x128xf32, #tpu.memory_space<vmem>>, vector<1x16xf32>,
        %get3A_411 = vector.shape_cast %get3A_410 : vector<1x16xf32> to vector<16xf32>
        %swap3A_412 = arith.index_cast %scan3A_398 : i32 to index
        %swap3A_413 = arith.constant 16 : index
        %swap3A_414 = tpu.vector_load %arg13[%swap3A_412, %swap3A_413] {strides = array<i32>} : memref<64x128xf32, #tpu.memory_space<vmem>>, vector<1x16xf32>,
        %swap3A_415 = vector.shape_cast %swap3A_414 : vector<1x16xf32> to vector<16xf32>
        %swap3A_416 = vector.shape_cast %get3A_411 : vector<16xf32> to vector<1x16xf32>
        tpu.vector_store %arg13[%swap3A_412, %swap3A_413], %swap3A_416 {add = true, strides = array<i32>} : memref<64x128xf32, #tpu.memory_space<vmem>>, vector<1x16xf32>,
        %get3A_417 = arith.index_cast %scan3A_398 : i32 to index
        %get3A_418 = arith.constant 32 : index
        %get3A_419 = tpu.vector_load %arg18[%get3A_417, %get3A_418] {strides = array<i32>} : memref<64x128xf32, #tpu.memory_space<vmem>>, vector<1x16xf32>,
        %get3A_420 = vector.shape_cast %get3A_419 : vector<1x16xf32> to vector<16xf32>
        %swap3A_421 = arith.index_cast %scan3A_398 : i32 to index
        %swap3A_422 = arith.constant 32 : index
        %swap3A_423 = tpu.vector_load %arg13[%swap3A_421, %swap3A_422] {strides = array<i32>} : memref<64x128xf32, #tpu.memory_space<vmem>>, vector<1x16xf32>,
        %swap3A_424 = vector.shape_cast %swap3A_423 : vector<1x16xf32> to vector<16xf32>
        %swap3A_425 = vector.shape_cast %get3A_420 : vector<16xf32> to vector<1x16xf32>
        tpu.vector_store %arg13[%swap3A_421, %swap3A_422], %swap3A_425 {add = true, strides = array<i32>} : memref<64x128xf32, #tpu.memory_space<vmem>>, vector<1x16xf32>,
        %get3A_426 = arith.index_cast %scan3A_398 : i32 to index
        %get3A_427 = arith.constant 48 : index
        %get3A_428 = tpu.vector_load %arg18[%get3A_426, %get3A_427] {strides = array<i32>} : memref<64x128xf32, #tpu.memory_space<vmem>>, vector<1x16xf32>,
        %get3A_429 = vector.shape_cast %get3A_428 : vector<1x16xf32> to vector<16xf32>
        %swap3A_430 = arith.index_cast %scan3A_398 : i32 to index
        %swap3A_431 = arith.constant 48 : index
        %swap3A_432 = tpu.vector_load %arg13[%swap3A_430, %swap3A_431] {strides = array<i32>} : memref<64x128xf32, #tpu.memory_space<vmem>>, vector<1x16xf32>,
        %swap3A_433 = vector.shape_cast %swap3A_432 : vector<1x16xf32> to vector<16xf32>
        %swap3A_434 = vector.shape_cast %get3A_429 : vector<16xf32> to vector<1x16xf32>
        tpu.vector_store %arg13[%swap3A_430, %swap3A_431], %swap3A_434 {add = true, strides = array<i32>} : memref<64x128xf32, #tpu.memory_space<vmem>>, vector<1x16xf32>,
        %get3A_435 = arith.index_cast %scan3A_398 : i32 to index
        %get3A_436 = arith.constant 64 : index
        %get3A_437 = tpu.vector_load %arg18[%get3A_435, %get3A_436] {strides = array<i32>} : memref<64x128xf32, #tpu.memory_space<vmem>>, vector<1x16xf32>,
        %get3A_438 = vector.shape_cast %get3A_437 : vector<1x16xf32> to vector<16xf32>
        %swap3A_439 = arith.index_cast %scan3A_398 : i32 to index
        %swap3A_440 = arith.constant 64 : index
        %swap3A_441 = tpu.vector_load %arg13[%swap3A_439, %swap3A_440] {strides = array<i32>} : memref<64x128xf32, #tpu.memory_space<vmem>>, vector<1x16xf32>,
        %swap3A_442 = vector.shape_cast %swap3A_441 : vector<1x16xf32> to vector<16xf32>
        %swap3A_443 = vector.shape_cast %get3A_438 : vector<16xf32> to vector<1x16xf32>
        tpu.vector_store %arg13[%swap3A_439, %swap3A_440], %swap3A_443 {add = true, strides = array<i32>} : memref<64x128xf32, #tpu.memory_space<vmem>>, vector<1x16xf32>,
        %get3A_444 = arith.index_cast %scan3A_398 : i32 to index
        %get3A_445 = arith.constant 80 : index
        %get3A_446 = tpu.vector_load %arg18[%get3A_444, %get3A_445] {strides = array<i32>} : memref<64x128xf32, #tpu.memory_space<vmem>>, vector<1x16xf32>,
        %get3A_447 = vector.shape_cast %get3A_446 : vector<1x16xf32> to vector<16xf32>
        %swap3A_448 = arith.index_cast %scan3A_398 : i32 to index
        %swap3A_449 = arith.constant 80 : index
        %swap3A_450 = tpu.vector_load %arg13[%swap3A_448, %swap3A_449] {strides = array<i32>} : memref<64x128xf32, #tpu.memory_space<vmem>>, vector<1x16xf32>,
        %swap3A_451 = vector.shape_cast %swap3A_450 : vector<1x16xf32> to vector<16xf32>
        %swap3A_452 = vector.shape_cast %get3A_447 : vector<16xf32> to vector<1x16xf32>
        tpu.vector_store %arg13[%swap3A_448, %swap3A_449], %swap3A_452 {add = true, strides = array<i32>} : memref<64x128xf32, #tpu.memory_space<vmem>>, vector<1x16xf32>,
        %get3A_453 = arith.index_cast %scan3A_398 : i32 to index
        %get3A_454 = arith.constant 96 : index
        %get3A_455 = tpu.vector_load %arg18[%get3A_453, %get3A_454] {strides = array<i32>} : memref<64x128xf32, #tpu.memory_space<vmem>>, vector<1x16xf32>,
        %get3A_456 = vector.shape_cast %get3A_455 : vector<1x16xf32> to vector<16xf32>
        %swap3A_457 = arith.index_cast %scan3A_398 : i32 to index
        %swap3A_458 = arith.constant 96 : index
        %swap3A_459 = tpu.vector_load %arg13[%swap3A_457, %swap3A_458] {strides = array<i32>} : memref<64x128xf32, #tpu.memory_space<vmem>>, vector<1x16xf32>,
        %swap3A_460 = vector.shape_cast %swap3A_459 : vector<1x16xf32> to vector<16xf32>
        %swap3A_461 = vector.shape_cast %get3A_456 : vector<16xf32> to vector<1x16xf32>
        tpu.vector_store %arg13[%swap3A_457, %swap3A_458], %swap3A_461 {add = true, strides = array<i32>} : memref<64x128xf32, #tpu.memory_space<vmem>>, vector<1x16xf32>,
        %get3A_462 = arith.index_cast %scan3A_398 : i32 to index
        %get3A_463 = arith.constant 112 : index
        %get3A_464 = tpu.vector_load %arg18[%get3A_462, %get3A_463] {strides = array<i32>} : memref<64x128xf32, #tpu.memory_space<vmem>>, vector<1x16xf32>,
        %get3A_465 = vector.shape_cast %get3A_464 : vector<1x16xf32> to vector<16xf32>
        %swap3A_466 = arith.index_cast %scan3A_398 : i32 to index
        %swap3A_467 = arith.constant 112 : index
        %swap3A_468 = tpu.vector_load %arg13[%swap3A_466, %swap3A_467] {strides = array<i32>} : memref<64x128xf32, #tpu.memory_space<vmem>>, vector<1x16xf32>,
        %swap3A_469 = vector.shape_cast %swap3A_468 : vector<1x16xf32> to vector<16xf32>
        %swap3A_470 = vector.shape_cast %get3A_465 : vector<16xf32> to vector<1x16xf32>
        tpu.vector_store %arg13[%swap3A_466, %swap3A_467], %swap3A_470 {add = true, strides = array<i32>} : memref<64x128xf32, #tpu.memory_space<vmem>>, vector<1x16xf32>,
        %scan3A_471 = arith.constant 3 : i32
        %scan3A_472 = arith.addi %scan3A_252, %scan3A_471 : i32
        %get3A_473 = arith.index_cast %scan3A_472 : i32 to index
        %get3A_474 = arith.constant 0 : index
        %get3A_475 = tpu.vector_load %arg18[%get3A_473, %get3A_474] {strides = array<i32>} : memref<64x128xf32, #tpu.memory_space<vmem>>, vector<1x16xf32>,
        %get3A_476 = vector.shape_cast %get3A_475 : vector<1x16xf32> to vector<16xf32>
        %swap3A_477 = arith.index_cast %scan3A_472 : i32 to index
        %swap3A_478 = arith.constant 0 : index
        %swap3A_479 = tpu.vector_load %arg13[%swap3A_477, %swap3A_478] {strides = array<i32>} : memref<64x128xf32, #tpu.memory_space<vmem>>, vector<1x16xf32>,
        %swap3A_480 = vector.shape_cast %swap3A_479 : vector<1x16xf32> to vector<16xf32>
        %swap3A_481 = vector.shape_cast %get3A_476 : vector<16xf32> to vector<1x16xf32>
        tpu.vector_store %arg13[%swap3A_477, %swap3A_478], %swap3A_481 {add = true, strides = array<i32>} : memref<64x128xf32, #tpu.memory_space<vmem>>, vector<1x16xf32>,
        %get3A_482 = arith.index_cast %scan3A_472 : i32 to index
        %get3A_483 = arith.constant 16 : index
        %get3A_484 = tpu.vector_load %arg18[%get3A_482, %get3A_483] {strides = array<i32>} : memref<64x128xf32, #tpu.memory_space<vmem>>, vector<1x16xf32>,
        %get3A_485 = vector.shape_cast %get3A_484 : vector<1x16xf32> to vector<16xf32>
        %swap3A_486 = arith.index_cast %scan3A_472 : i32 to index
        %swap3A_487 = arith.constant 16 : index
        %swap3A_488 = tpu.vector_load %arg13[%swap3A_486, %swap3A_487] {strides = array<i32>} : memref<64x128xf32, #tpu.memory_space<vmem>>, vector<1x16xf32>,
        %swap3A_489 = vector.shape_cast %swap3A_488 : vector<1x16xf32> to vector<16xf32>
        %swap3A_490 = vector.shape_cast %get3A_485 : vector<16xf32> to vector<1x16xf32>
        tpu.vector_store %arg13[%swap3A_486, %swap3A_487], %swap3A_490 {add = true, strides = array<i32>} : memref<64x128xf32, #tpu.memory_space<vmem>>, vector<1x16xf32>,
        %get3A_491 = arith.index_cast %scan3A_472 : i32 to index
        %get3A_492 = arith.constant 32 : index
        %get3A_493 = tpu.vector_load %arg18[%get3A_491, %get3A_492] {strides = array<i32>} : memref<64x128xf32, #tpu.memory_space<vmem>>, vector<1x16xf32>,
        %get3A_494 = vector.shape_cast %get3A_493 : vector<1x16xf32> to vector<16xf32>
        %swap3A_495 = arith.index_cast %scan3A_472 : i32 to index
        %swap3A_496 = arith.constant 32 : index
        %swap3A_497 = tpu.vector_load %arg13[%swap3A_495, %swap3A_496] {strides = array<i32>} : memref<64x128xf32, #tpu.memory_space<vmem>>, vector<1x16xf32>,
        %swap3A_498 = vector.shape_cast %swap3A_497 : vector<1x16xf32> to vector<16xf32>
        %swap3A_499 = vector.shape_cast %get3A_494 : vector<16xf32> to vector<1x16xf32>
        tpu.vector_store %arg13[%swap3A_495, %swap3A_496], %swap3A_499 {add = true, strides = array<i32>} : memref<64x128xf32, #tpu.memory_space<vmem>>, vector<1x16xf32>,
        %get3A_500 = arith.index_cast %scan3A_472 : i32 to index
        %get3A_501 = arith.constant 48 : index
        %get3A_502 = tpu.vector_load %arg18[%get3A_500, %get3A_501] {strides = array<i32>} : memref<64x128xf32, #tpu.memory_space<vmem>>, vector<1x16xf32>,
        %get3A_503 = vector.shape_cast %get3A_502 : vector<1x16xf32> to vector<16xf32>
        %swap3A_504 = arith.index_cast %scan3A_472 : i32 to index
        %swap3A_505 = arith.constant 48 : index
        %swap3A_506 = tpu.vector_load %arg13[%swap3A_504, %swap3A_505] {strides = array<i32>} : memref<64x128xf32, #tpu.memory_space<vmem>>, vector<1x16xf32>,
        %swap3A_507 = vector.shape_cast %swap3A_506 : vector<1x16xf32> to vector<16xf32>
        %swap3A_508 = vector.shape_cast %get3A_503 : vector<16xf32> to vector<1x16xf32>
        tpu.vector_store %arg13[%swap3A_504, %swap3A_505], %swap3A_508 {add = true, strides = array<i32>} : memref<64x128xf32, #tpu.memory_space<vmem>>, vector<1x16xf32>,
        %get3A_509 = arith.index_cast %scan3A_472 : i32 to index
        %get3A_510 = arith.constant 64 : index
        %get3A_511 = tpu.vector_load %arg18[%get3A_509, %get3A_510] {strides = array<i32>} : memref<64x128xf32, #tpu.memory_space<vmem>>, vector<1x16xf32>,
        %get3A_512 = vector.shape_cast %get3A_511 : vector<1x16xf32> to vector<16xf32>
        %swap3A_513 = arith.index_cast %scan3A_472 : i32 to index
        %swap3A_514 = arith.constant 64 : index
        %swap3A_515 = tpu.vector_load %arg13[%swap3A_513, %swap3A_514] {strides = array<i32>} : memref<64x128xf32, #tpu.memory_space<vmem>>, vector<1x16xf32>,
        %swap3A_516 = vector.shape_cast %swap3A_515 : vector<1x16xf32> to vector<16xf32>
        %swap3A_517 = vector.shape_cast %get3A_512 : vector<16xf32> to vector<1x16xf32>
        tpu.vector_store %arg13[%swap3A_513, %swap3A_514], %swap3A_517 {add = true, strides = array<i32>} : memref<64x128xf32, #tpu.memory_space<vmem>>, vector<1x16xf32>,
        %get3A_518 = arith.index_cast %scan3A_472 : i32 to index
        %get3A_519 = arith.constant 80 : index
        %get3A_520 = tpu.vector_load %arg18[%get3A_518, %get3A_519] {strides = array<i32>} : memref<64x128xf32, #tpu.memory_space<vmem>>, vector<1x16xf32>,
        %get3A_521 = vector.shape_cast %get3A_520 : vector<1x16xf32> to vector<16xf32>
        %swap3A_522 = arith.index_cast %scan3A_472 : i32 to index
        %swap3A_523 = arith.constant 80 : index
        %swap3A_524 = tpu.vector_load %arg13[%swap3A_522, %swap3A_523] {strides = array<i32>} : memref<64x128xf32, #tpu.memory_space<vmem>>, vector<1x16xf32>,
        %swap3A_525 = vector.shape_cast %swap3A_524 : vector<1x16xf32> to vector<16xf32>
        %swap3A_526 = vector.shape_cast %get3A_521 : vector<16xf32> to vector<1x16xf32>
        tpu.vector_store %arg13[%swap3A_522, %swap3A_523], %swap3A_526 {add = true, strides = array<i32>} : memref<64x128xf32, #tpu.memory_space<vmem>>, vector<1x16xf32>,
        %get3A_527 = arith.index_cast %scan3A_472 : i32 to index
        %get3A_528 = arith.constant 96 : index
        %get3A_529 = tpu.vector_load %arg18[%get3A_527, %get3A_528] {strides = array<i32>} : memref<64x128xf32, #tpu.memory_space<vmem>>, vector<1x16xf32>,
        %get3A_530 = vector.shape_cast %get3A_529 : vector<1x16xf32> to vector<16xf32>
        %swap3A_531 = arith.index_cast %scan3A_472 : i32 to index
        %swap3A_532 = arith.constant 96 : index
        %swap3A_533 = tpu.vector_load %arg13[%swap3A_531, %swap3A_532] {strides = array<i32>} : memref<64x128xf32, #tpu.memory_space<vmem>>, vector<1x16xf32>,
        %swap3A_534 = vector.shape_cast %swap3A_533 : vector<1x16xf32> to vector<16xf32>
        %swap3A_535 = vector.shape_cast %get3A_530 : vector<16xf32> to vector<1x16xf32>
        tpu.vector_store %arg13[%swap3A_531, %swap3A_532], %swap3A_535 {add = true, strides = array<i32>} : memref<64x128xf32, #tpu.memory_space<vmem>>, vector<1x16xf32>,
        %get3A_536 = arith.index_cast %scan3A_472 : i32 to index
        %get3A_537 = arith.constant 112 : index
        %get3A_538 = tpu.vector_load %arg18[%get3A_536, %get3A_537] {strides = array<i32>} : memref<64x128xf32, #tpu.memory_space<vmem>>, vector<1x16xf32>,
        %get3A_539 = vector.shape_cast %get3A_538 : vector<1x16xf32> to vector<16xf32>
        %swap3A_540 = arith.index_cast %scan3A_472 : i32 to index
        %swap3A_541 = arith.constant 112 : index
        %swap3A_542 = tpu.vector_load %arg13[%swap3A_540, %swap3A_541] {strides = array<i32>} : memref<64x128xf32, #tpu.memory_space<vmem>>, vector<1x16xf32>,
        %swap3A_543 = vector.shape_cast %swap3A_542 : vector<1x16xf32> to vector<16xf32>
        %swap3A_544 = vector.shape_cast %get3A_539 : vector<16xf32> to vector<1x16xf32>
        tpu.vector_store %arg13[%swap3A_540, %swap3A_541], %swap3A_544 {add = true, strides = array<i32>} : memref<64x128xf32, #tpu.memory_space<vmem>>, vector<1x16xf32>,
        %scan3A_545 = arith.constant 4 : i32
        %scan3A_546 = arith.addi %scan3A_252, %scan3A_545 : i32
        %get3A_547 = arith.index_cast %scan3A_546 : i32 to index
        %get3A_548 = arith.constant 0 : index
        %get3A_549 = tpu.vector_load %arg18[%get3A_547, %get3A_548] {strides = array<i32>} : memref<64x128xf32, #tpu.memory_space<vmem>>, vector<1x16xf32>,
        %get3A_550 = vector.shape_cast %get3A_549 : vector<1x16xf32> to vector<16xf32>
        %swap3A_551 = arith.index_cast %scan3A_546 : i32 to index
        %swap3A_552 = arith.constant 0 : index
        %swap3A_553 = tpu.vector_load %arg13[%swap3A_551, %swap3A_552] {strides = array<i32>} : memref<64x128xf32, #tpu.memory_space<vmem>>, vector<1x16xf32>,
        %swap3A_554 = vector.shape_cast %swap3A_553 : vector<1x16xf32> to vector<16xf32>
        %swap3A_555 = vector.shape_cast %get3A_550 : vector<16xf32> to vector<1x16xf32>
        tpu.vector_store %arg13[%swap3A_551, %swap3A_552], %swap3A_555 {add = true, strides = array<i32>} : memref<64x128xf32, #tpu.memory_space<vmem>>, vector<1x16xf32>,
        %get3A_556 = arith.index_cast %scan3A_546 : i32 to index
        %get3A_557 = arith.constant 16 : index
        %get3A_558 = tpu.vector_load %arg18[%get3A_556, %get3A_557] {strides = array<i32>} : memref<64x128xf32, #tpu.memory_space<vmem>>, vector<1x16xf32>,
        %get3A_559 = vector.shape_cast %get3A_558 : vector<1x16xf32> to vector<16xf32>
        %swap3A_560 = arith.index_cast %scan3A_546 : i32 to index
        %swap3A_561 = arith.constant 16 : index
        %swap3A_562 = tpu.vector_load %arg13[%swap3A_560, %swap3A_561] {strides = array<i32>} : memref<64x128xf32, #tpu.memory_space<vmem>>, vector<1x16xf32>,
        %swap3A_563 = vector.shape_cast %swap3A_562 : vector<1x16xf32> to vector<16xf32>
        %swap3A_564 = vector.shape_cast %get3A_559 : vector<16xf32> to vector<1x16xf32>
        tpu.vector_store %arg13[%swap3A_560, %swap3A_561], %swap3A_564 {add = true, strides = array<i32>} : memref<64x128xf32, #tpu.memory_space<vmem>>, vector<1x16xf32>,
        %get3A_565 = arith.index_cast %scan3A_546 : i32 to index
        %get3A_566 = arith.constant 32 : index
        %get3A_567 = tpu.vector_load %arg18[%get3A_565, %get3A_566] {strides = array<i32>} : memref<64x128xf32, #tpu.memory_space<vmem>>, vector<1x16xf32>,
        %get3A_568 = vector.shape_cast %get3A_567 : vector<1x16xf32> to vector<16xf32>
        %swap3A_569 = arith.index_cast %scan3A_546 : i32 to index
        %swap3A_570 = arith.constant 32 : index
        %swap3A_571 = tpu.vector_load %arg13[%swap3A_569, %swap3A_570] {strides = array<i32>} : memref<64x128xf32, #tpu.memory_space<vmem>>, vector<1x16xf32>,
        %swap3A_572 = vector.shape_cast %swap3A_571 : vector<1x16xf32> to vector<16xf32>
        %swap3A_573 = vector.shape_cast %get3A_568 : vector<16xf32> to vector<1x16xf32>
        tpu.vector_store %arg13[%swap3A_569, %swap3A_570], %swap3A_573 {add = true, strides = array<i32>} : memref<64x128xf32, #tpu.memory_space<vmem>>, vector<1x16xf32>,
        %get3A_574 = arith.index_cast %scan3A_546 : i32 to index
        %get3A_575 = arith.constant 48 : index
        %get3A_576 = tpu.vector_load %arg18[%get3A_574, %get3A_575] {strides = array<i32>} : memref<64x128xf32, #tpu.memory_space<vmem>>, vector<1x16xf32>,
        %get3A_577 = vector.shape_cast %get3A_576 : vector<1x16xf32> to vector<16xf32>
        %swap3A_578 = arith.index_cast %scan3A_546 : i32 to index
        %swap3A_579 = arith.constant 48 : index
        %swap3A_580 = tpu.vector_load %arg13[%swap3A_578, %swap3A_579] {strides = array<i32>} : memref<64x128xf32, #tpu.memory_space<vmem>>, vector<1x16xf32>,
        %swap3A_581 = vector.shape_cast %swap3A_580 : vector<1x16xf32> to vector<16xf32>
        %swap3A_582 = vector.shape_cast %get3A_577 : vector<16xf32> to vector<1x16xf32>
        tpu.vector_store %arg13[%swap3A_578, %swap3A_579], %swap3A_582 {add = true, strides = array<i32>} : memref<64x128xf32, #tpu.memory_space<vmem>>, vector<1x16xf32>,
        %get3A_583 = arith.index_cast %scan3A_546 : i32 to index
        %get3A_584 = arith.constant 64 : index
        %get3A_585 = tpu.vector_load %arg18[%get3A_583, %get3A_584] {strides = array<i32>} : memref<64x128xf32, #tpu.memory_space<vmem>>, vector<1x16xf32>,
        %get3A_586 = vector.shape_cast %get3A_585 : vector<1x16xf32> to vector<16xf32>
        %swap3A_587 = arith.index_cast %scan3A_546 : i32 to index
        %swap3A_588 = arith.constant 64 : index
        %swap3A_589 = tpu.vector_load %arg13[%swap3A_587, %swap3A_588] {strides = array<i32>} : memref<64x128xf32, #tpu.memory_space<vmem>>, vector<1x16xf32>,
        %swap3A_590 = vector.shape_cast %swap3A_589 : vector<1x16xf32> to vector<16xf32>
        %swap3A_591 = vector.shape_cast %get3A_586 : vector<16xf32> to vector<1x16xf32>
        tpu.vector_store %arg13[%swap3A_587, %swap3A_588], %swap3A_591 {add = true, strides = array<i32>} : memref<64x128xf32, #tpu.memory_space<vmem>>, vector<1x16xf32>,
        %get3A_592 = arith.index_cast %scan3A_546 : i32 to index
        %get3A_593 = arith.constant 80 : index
        %get3A_594 = tpu.vector_load %arg18[%get3A_592, %get3A_593] {strides = array<i32>} : memref<64x128xf32, #tpu.memory_space<vmem>>, vector<1x16xf32>,
        %get3A_595 = vector.shape_cast %get3A_594 : vector<1x16xf32> to vector<16xf32>
        %swap3A_596 = arith.index_cast %scan3A_546 : i32 to index
        %swap3A_597 = arith.constant 80 : index
        %swap3A_598 = tpu.vector_load %arg13[%swap3A_596, %swap3A_597] {strides = array<i32>} : memref<64x128xf32, #tpu.memory_space<vmem>>, vector<1x16xf32>,
        %swap3A_599 = vector.shape_cast %swap3A_598 : vector<1x16xf32> to vector<16xf32>
        %swap3A_600 = vector.shape_cast %get3A_595 : vector<16xf32> to vector<1x16xf32>
        tpu.vector_store %arg13[%swap3A_596, %swap3A_597], %swap3A_600 {add = true, strides = array<i32>} : memref<64x128xf32, #tpu.memory_space<vmem>>, vector<1x16xf32>,
        %get3A_601 = arith.index_cast %scan3A_546 : i32 to index
        %get3A_602 = arith.constant 96 : index
        %get3A_603 = tpu.vector_load %arg18[%get3A_601, %get3A_602] {strides = array<i32>} : memref<64x128xf32, #tpu.memory_space<vmem>>, vector<1x16xf32>,
        %get3A_604 = vector.shape_cast %get3A_603 : vector<1x16xf32> to vector<16xf32>
        %swap3A_605 = arith.index_cast %scan3A_546 : i32 to index
        %swap3A_606 = arith.constant 96 : index
        %swap3A_607 = tpu.vector_load %arg13[%swap3A_605, %swap3A_606] {strides = array<i32>} : memref<64x128xf32, #tpu.memory_space<vmem>>, vector<1x16xf32>,
        %swap3A_608 = vector.shape_cast %swap3A_607 : vector<1x16xf32> to vector<16xf32>
        %swap3A_609 = vector.shape_cast %get3A_604 : vector<16xf32> to vector<1x16xf32>
        tpu.vector_store %arg13[%swap3A_605, %swap3A_606], %swap3A_609 {add = true, strides = array<i32>} : memref<64x128xf32, #tpu.memory_space<vmem>>, vector<1x16xf32>,
        %get3A_610 = arith.index_cast %scan3A_546 : i32 to index
        %get3A_611 = arith.constant 112 : index
        %get3A_612 = tpu.vector_load %arg18[%get3A_610, %get3A_611] {strides = array<i32>} : memref<64x128xf32, #tpu.memory_space<vmem>>, vector<1x16xf32>,
        %get3A_613 = vector.shape_cast %get3A_612 : vector<1x16xf32> to vector<16xf32>
        %swap3A_614 = arith.index_cast %scan3A_546 : i32 to index
        %swap3A_615 = arith.constant 112 : index
        %swap3A_616 = tpu.vector_load %arg13[%swap3A_614, %swap3A_615] {strides = array<i32>} : memref<64x128xf32, #tpu.memory_space<vmem>>, vector<1x16xf32>,
        %swap3A_617 = vector.shape_cast %swap3A_616 : vector<1x16xf32> to vector<16xf32>
        %swap3A_618 = vector.shape_cast %get3A_613 : vector<16xf32> to vector<1x16xf32>
        tpu.vector_store %arg13[%swap3A_614, %swap3A_615], %swap3A_618 {add = true, strides = array<i32>} : memref<64x128xf32, #tpu.memory_space<vmem>>, vector<1x16xf32>,
        %scan3A_619 = arith.constant 5 : i32
        %scan3A_620 = arith.addi %scan3A_252, %scan3A_619 : i32
        %get3A_621 = arith.index_cast %scan3A_620 : i32 to index
        %get3A_622 = arith.constant 0 : index
        %get3A_623 = tpu.vector_load %arg18[%get3A_621, %get3A_622] {strides = array<i32>} : memref<64x128xf32, #tpu.memory_space<vmem>>, vector<1x16xf32>,
        %get3A_624 = vector.shape_cast %get3A_623 : vector<1x16xf32> to vector<16xf32>
        %swap3A_625 = arith.index_cast %scan3A_620 : i32 to index
        %swap3A_626 = arith.constant 0 : index
        %swap3A_627 = tpu.vector_load %arg13[%swap3A_625, %swap3A_626] {strides = array<i32>} : memref<64x128xf32, #tpu.memory_space<vmem>>, vector<1x16xf32>,
        %swap3A_628 = vector.shape_cast %swap3A_627 : vector<1x16xf32> to vector<16xf32>
        %swap3A_629 = vector.shape_cast %get3A_624 : vector<16xf32> to vector<1x16xf32>
        tpu.vector_store %arg13[%swap3A_625, %swap3A_626], %swap3A_629 {add = true, strides = array<i32>} : memref<64x128xf32, #tpu.memory_space<vmem>>, vector<1x16xf32>,
        %get3A_630 = arith.index_cast %scan3A_620 : i32 to index
        %get3A_631 = arith.constant 16 : index
        %get3A_632 = tpu.vector_load %arg18[%get3A_630, %get3A_631] {strides = array<i32>} : memref<64x128xf32, #tpu.memory_space<vmem>>, vector<1x16xf32>,
        %get3A_633 = vector.shape_cast %get3A_632 : vector<1x16xf32> to vector<16xf32>
        %swap3A_634 = arith.index_cast %scan3A_620 : i32 to index
        %swap3A_635 = arith.constant 16 : index
        %swap3A_636 = tpu.vector_load %arg13[%swap3A_634, %swap3A_635] {strides = array<i32>} : memref<64x128xf32, #tpu.memory_space<vmem>>, vector<1x16xf32>,
        %swap3A_637 = vector.shape_cast %swap3A_636 : vector<1x16xf32> to vector<16xf32>
        %swap3A_638 = vector.shape_cast %get3A_633 : vector<16xf32> to vector<1x16xf32>
        tpu.vector_store %arg13[%swap3A_634, %swap3A_635], %swap3A_638 {add = true, strides = array<i32>} : memref<64x128xf32, #tpu.memory_space<vmem>>, vector<1x16xf32>,
        %get3A_639 = arith.index_cast %scan3A_620 : i32 to index
        %get3A_640 = arith.constant 32 : index
        %get3A_641 = tpu.vector_load %arg18[%get3A_639, %get3A_640] {strides = array<i32>} : memref<64x128xf32, #tpu.memory_space<vmem>>, vector<1x16xf32>,
        %get3A_642 = vector.shape_cast %get3A_641 : vector<1x16xf32> to vector<16xf32>
        %swap3A_643 = arith.index_cast %scan3A_620 : i32 to index
        %swap3A_644 = arith.constant 32 : index
        %swap3A_645 = tpu.vector_load %arg13[%swap3A_643, %swap3A_644] {strides = array<i32>} : memref<64x128xf32, #tpu.memory_space<vmem>>, vector<1x16xf32>,
        %swap3A_646 = vector.shape_cast %swap3A_645 : vector<1x16xf32> to vector<16xf32>
        %swap3A_647 = vector.shape_cast %get3A_642 : vector<16xf32> to vector<1x16xf32>
        tpu.vector_store %arg13[%swap3A_643, %swap3A_644], %swap3A_647 {add = true, strides = array<i32>} : memref<64x128xf32, #tpu.memory_space<vmem>>, vector<1x16xf32>,
        %get3A_648 = arith.index_cast %scan3A_620 : i32 to index
        %get3A_649 = arith.constant 48 : index
        %get3A_650 = tpu.vector_load %arg18[%get3A_648, %get3A_649] {strides = array<i32>} : memref<64x128xf32, #tpu.memory_space<vmem>>, vector<1x16xf32>,
        %get3A_651 = vector.shape_cast %get3A_650 : vector<1x16xf32> to vector<16xf32>
        %swap3A_652 = arith.index_cast %scan3A_620 : i32 to index
        %swap3A_653 = arith.constant 48 : index
        %swap3A_654 = tpu.vector_load %arg13[%swap3A_652, %swap3A_653] {strides = array<i32>} : memref<64x128xf32, #tpu.memory_space<vmem>>, vector<1x16xf32>,
        %swap3A_655 = vector.shape_cast %swap3A_654 : vector<1x16xf32> to vector<16xf32>
        %swap3A_656 = vector.shape_cast %get3A_651 : vector<16xf32> to vector<1x16xf32>
        tpu.vector_store %arg13[%swap3A_652, %swap3A_653], %swap3A_656 {add = true, strides = array<i32>} : memref<64x128xf32, #tpu.memory_space<vmem>>, vector<1x16xf32>,
        %get3A_657 = arith.index_cast %scan3A_620 : i32 to index
        %get3A_658 = arith.constant 64 : index
        %get3A_659 = tpu.vector_load %arg18[%get3A_657, %get3A_658] {strides = array<i32>} : memref<64x128xf32, #tpu.memory_space<vmem>>, vector<1x16xf32>,
        %get3A_660 = vector.shape_cast %get3A_659 : vector<1x16xf32> to vector<16xf32>
        %swap3A_661 = arith.index_cast %scan3A_620 : i32 to index
        %swap3A_662 = arith.constant 64 : index
        %swap3A_663 = tpu.vector_load %arg13[%swap3A_661, %swap3A_662] {strides = array<i32>} : memref<64x128xf32, #tpu.memory_space<vmem>>, vector<1x16xf32>,
        %swap3A_664 = vector.shape_cast %swap3A_663 : vector<1x16xf32> to vector<16xf32>
        %swap3A_665 = vector.shape_cast %get3A_660 : vector<16xf32> to vector<1x16xf32>
        tpu.vector_store %arg13[%swap3A_661, %swap3A_662], %swap3A_665 {add = true, strides = array<i32>} : memref<64x128xf32, #tpu.memory_space<vmem>>, vector<1x16xf32>,
        %get3A_666 = arith.index_cast %scan3A_620 : i32 to index
        %get3A_667 = arith.constant 80 : index
        %get3A_668 = tpu.vector_load %arg18[%get3A_666, %get3A_667] {strides = array<i32>} : memref<64x128xf32, #tpu.memory_space<vmem>>, vector<1x16xf32>,
        %get3A_669 = vector.shape_cast %get3A_668 : vector<1x16xf32> to vector<16xf32>
        %swap3A_670 = arith.index_cast %scan3A_620 : i32 to index
        %swap3A_671 = arith.constant 80 : index
        %swap3A_672 = tpu.vector_load %arg13[%swap3A_670, %swap3A_671] {strides = array<i32>} : memref<64x128xf32, #tpu.memory_space<vmem>>, vector<1x16xf32>,
        %swap3A_673 = vector.shape_cast %swap3A_672 : vector<1x16xf32> to vector<16xf32>
        %swap3A_674 = vector.shape_cast %get3A_669 : vector<16xf32> to vector<1x16xf32>
        tpu.vector_store %arg13[%swap3A_670, %swap3A_671], %swap3A_674 {add = true, strides = array<i32>} : memref<64x128xf32, #tpu.memory_space<vmem>>, vector<1x16xf32>,
        %get3A_675 = arith.index_cast %scan3A_620 : i32 to index
        %get3A_676 = arith.constant 96 : index
        %get3A_677 = tpu.vector_load %arg18[%get3A_675, %get3A_676] {strides = array<i32>} : memref<64x128xf32, #tpu.memory_space<vmem>>, vector<1x16xf32>,
        %get3A_678 = vector.shape_cast %get3A_677 : vector<1x16xf32> to vector<16xf32>
        %swap3A_679 = arith.index_cast %scan3A_620 : i32 to index
        %swap3A_680 = arith.constant 96 : index
        %swap3A_681 = tpu.vector_load %arg13[%swap3A_679, %swap3A_680] {strides = array<i32>} : memref<64x128xf32, #tpu.memory_space<vmem>>, vector<1x16xf32>,
        %swap3A_682 = vector.shape_cast %swap3A_681 : vector<1x16xf32> to vector<16xf32>
        %swap3A_683 = vector.shape_cast %get3A_678 : vector<16xf32> to vector<1x16xf32>
        tpu.vector_store %arg13[%swap3A_679, %swap3A_680], %swap3A_683 {add = true, strides = array<i32>} : memref<64x128xf32, #tpu.memory_space<vmem>>, vector<1x16xf32>,
        %get3A_684 = arith.index_cast %scan3A_620 : i32 to index
        %get3A_685 = arith.constant 112 : index
        %get3A_686 = tpu.vector_load %arg18[%get3A_684, %get3A_685] {strides = array<i32>} : memref<64x128xf32, #tpu.memory_space<vmem>>, vector<1x16xf32>,
        %get3A_687 = vector.shape_cast %get3A_686 : vector<1x16xf32> to vector<16xf32>
        %swap3A_688 = arith.index_cast %scan3A_620 : i32 to index
        %swap3A_689 = arith.constant 112 : index
        %swap3A_690 = tpu.vector_load %arg13[%swap3A_688, %swap3A_689] {strides = array<i32>} : memref<64x128xf32, #tpu.memory_space<vmem>>, vector<1x16xf32>,
        %swap3A_691 = vector.shape_cast %swap3A_690 : vector<1x16xf32> to vector<16xf32>
        %swap3A_692 = vector.shape_cast %get3A_687 : vector<16xf32> to vector<1x16xf32>
        tpu.vector_store %arg13[%swap3A_688, %swap3A_689], %swap3A_692 {add = true, strides = array<i32>} : memref<64x128xf32, #tpu.memory_space<vmem>>, vector<1x16xf32>,
        %scan3A_693 = arith.constant 6 : i32
        %scan3A_694 = arith.addi %scan3A_252, %scan3A_693 : i32
        %get3A_695 = arith.index_cast %scan3A_694 : i32 to index
        %get3A_696 = arith.constant 0 : index
        %get3A_697 = tpu.vector_load %arg18[%get3A_695, %get3A_696] {strides = array<i32>} : memref<64x128xf32, #tpu.memory_space<vmem>>, vector<1x16xf32>,
        %get3A_698 = vector.shape_cast %get3A_697 : vector<1x16xf32> to vector<16xf32>
        %swap3A_699 = arith.index_cast %scan3A_694 : i32 to index
        %swap3A_700 = arith.constant 0 : index
        %swap3A_701 = tpu.vector_load %arg13[%swap3A_699, %swap3A_700] {strides = array<i32>} : memref<64x128xf32, #tpu.memory_space<vmem>>, vector<1x16xf32>,
        %swap3A_702 = vector.shape_cast %swap3A_701 : vector<1x16xf32> to vector<16xf32>
        %swap3A_703 = vector.shape_cast %get3A_698 : vector<16xf32> to vector<1x16xf32>
        tpu.vector_store %arg13[%swap3A_699, %swap3A_700], %swap3A_703 {add = true, strides = array<i32>} : memref<64x128xf32, #tpu.memory_space<vmem>>, vector<1x16xf32>,
        %get3A_704 = arith.index_cast %scan3A_694 : i32 to index
        %get3A_705 = arith.constant 16 : index
        %get3A_706 = tpu.vector_load %arg18[%get3A_704, %get3A_705] {strides = array<i32>} : memref<64x128xf32, #tpu.memory_space<vmem>>, vector<1x16xf32>,
        %get3A_707 = vector.shape_cast %get3A_706 : vector<1x16xf32> to vector<16xf32>
        %swap3A_708 = arith.index_cast %scan3A_694 : i32 to index
        %swap3A_709 = arith.constant 16 : index
        %swap3A_710 = tpu.vector_load %arg13[%swap3A_708, %swap3A_709] {strides = array<i32>} : memref<64x128xf32, #tpu.memory_space<vmem>>, vector<1x16xf32>,
        %swap3A_711 = vector.shape_cast %swap3A_710 : vector<1x16xf32> to vector<16xf32>
        %swap3A_712 = vector.shape_cast %get3A_707 : vector<16xf32> to vector<1x16xf32>
        tpu.vector_store %arg13[%swap3A_708, %swap3A_709], %swap3A_712 {add = true, strides = array<i32>} : memref<64x128xf32, #tpu.memory_space<vmem>>, vector<1x16xf32>,
        %get3A_713 = arith.index_cast %scan3A_694 : i32 to index
        %get3A_714 = arith.constant 32 : index
        %get3A_715 = tpu.vector_load %arg18[%get3A_713, %get3A_714] {strides = array<i32>} : memref<64x128xf32, #tpu.memory_space<vmem>>, vector<1x16xf32>,
        %get3A_716 = vector.shape_cast %get3A_715 : vector<1x16xf32> to vector<16xf32>
        %swap3A_717 = arith.index_cast %scan3A_694 : i32 to index
        %swap3A_718 = arith.constant 32 : index
        %swap3A_719 = tpu.vector_load %arg13[%swap3A_717, %swap3A_718] {strides = array<i32>} : memref<64x128xf32, #tpu.memory_space<vmem>>, vector<1x16xf32>,
        %swap3A_720 = vector.shape_cast %swap3A_719 : vector<1x16xf32> to vector<16xf32>
        %swap3A_721 = vector.shape_cast %get3A_716 : vector<16xf32> to vector<1x16xf32>
        tpu.vector_store %arg13[%swap3A_717, %swap3A_718], %swap3A_721 {add = true, strides = array<i32>} : memref<64x128xf32, #tpu.memory_space<vmem>>, vector<1x16xf32>,
        %get3A_722 = arith.index_cast %scan3A_694 : i32 to index
        %get3A_723 = arith.constant 48 : index
        %get3A_724 = tpu.vector_load %arg18[%get3A_722, %get3A_723] {strides = array<i32>} : memref<64x128xf32, #tpu.memory_space<vmem>>, vector<1x16xf32>,
        %get3A_725 = vector.shape_cast %get3A_724 : vector<1x16xf32> to vector<16xf32>
        %swap3A_726 = arith.index_cast %scan3A_694 : i32 to index
        %swap3A_727 = arith.constant 48 : index
        %swap3A_728 = tpu.vector_load %arg13[%swap3A_726, %swap3A_727] {strides = array<i32>} : memref<64x128xf32, #tpu.memory_space<vmem>>, vector<1x16xf32>,
        %swap3A_729 = vector.shape_cast %swap3A_728 : vector<1x16xf32> to vector<16xf32>
        %swap3A_730 = vector.shape_cast %get3A_725 : vector<16xf32> to vector<1x16xf32>
        tpu.vector_store %arg13[%swap3A_726, %swap3A_727], %swap3A_730 {add = true, strides = array<i32>} : memref<64x128xf32, #tpu.memory_space<vmem>>, vector<1x16xf32>,
        %get3A_731 = arith.index_cast %scan3A_694 : i32 to index
        %get3A_732 = arith.constant 64 : index
        %get3A_733 = tpu.vector_load %arg18[%get3A_731, %get3A_732] {strides = array<i32>} : memref<64x128xf32, #tpu.memory_space<vmem>>, vector<1x16xf32>,
        %get3A_734 = vector.shape_cast %get3A_733 : vector<1x16xf32> to vector<16xf32>
        %swap3A_735 = arith.index_cast %scan3A_694 : i32 to index
        %swap3A_736 = arith.constant 64 : index
        %swap3A_737 = tpu.vector_load %arg13[%swap3A_735, %swap3A_736] {strides = array<i32>} : memref<64x128xf32, #tpu.memory_space<vmem>>, vector<1x16xf32>,
        %swap3A_738 = vector.shape_cast %swap3A_737 : vector<1x16xf32> to vector<16xf32>
        %swap3A_739 = vector.shape_cast %get3A_734 : vector<16xf32> to vector<1x16xf32>
        tpu.vector_store %arg13[%swap3A_735, %swap3A_736], %swap3A_739 {add = true, strides = array<i32>} : memref<64x128xf32, #tpu.memory_space<vmem>>, vector<1x16xf32>,
        %get3A_740 = arith.index_cast %scan3A_694 : i32 to index
        %get3A_741 = arith.constant 80 : index
        %get3A_742 = tpu.vector_load %arg18[%get3A_740, %get3A_741] {strides = array<i32>} : memref<64x128xf32, #tpu.memory_space<vmem>>, vector<1x16xf32>,
        %get3A_743 = vector.shape_cast %get3A_742 : vector<1x16xf32> to vector<16xf32>
        %swap3A_744 = arith.index_cast %scan3A_694 : i32 to index
        %swap3A_745 = arith.constant 80 : index
        %swap3A_746 = tpu.vector_load %arg13[%swap3A_744, %swap3A_745] {strides = array<i32>} : memref<64x128xf32, #tpu.memory_space<vmem>>, vector<1x16xf32>,
        %swap3A_747 = vector.shape_cast %swap3A_746 : vector<1x16xf32> to vector<16xf32>
        %swap3A_748 = vector.shape_cast %get3A_743 : vector<16xf32> to vector<1x16xf32>
        tpu.vector_store %arg13[%swap3A_744, %swap3A_745], %swap3A_748 {add = true, strides = array<i32>} : memref<64x128xf32, #tpu.memory_space<vmem>>, vector<1x16xf32>,
        %get3A_749 = arith.index_cast %scan3A_694 : i32 to index
        %get3A_750 = arith.constant 96 : index
        %get3A_751 = tpu.vector_load %arg18[%get3A_749, %get3A_750] {strides = array<i32>} : memref<64x128xf32, #tpu.memory_space<vmem>>, vector<1x16xf32>,
        %get3A_752 = vector.shape_cast %get3A_751 : vector<1x16xf32> to vector<16xf32>
        %swap3A_753 = arith.index_cast %scan3A_694 : i32 to index
        %swap3A_754 = arith.constant 96 : index
        %swap3A_755 = tpu.vector_load %arg13[%swap3A_753, %swap3A_754] {strides = array<i32>} : memref<64x128xf32, #tpu.memory_space<vmem>>, vector<1x16xf32>,
        %swap3A_756 = vector.shape_cast %swap3A_755 : vector<1x16xf32> to vector<16xf32>
        %swap3A_757 = vector.shape_cast %get3A_752 : vector<16xf32> to vector<1x16xf32>
        tpu.vector_store %arg13[%swap3A_753, %swap3A_754], %swap3A_757 {add = true, strides = array<i32>} : memref<64x128xf32, #tpu.memory_space<vmem>>, vector<1x16xf32>,
        %get3A_758 = arith.index_cast %scan3A_694 : i32 to index
        %get3A_759 = arith.constant 112 : index
        %get3A_760 = tpu.vector_load %arg18[%get3A_758, %get3A_759] {strides = array<i32>} : memref<64x128xf32, #tpu.memory_space<vmem>>, vector<1x16xf32>,
        %get3A_761 = vector.shape_cast %get3A_760 : vector<1x16xf32> to vector<16xf32>
        %swap3A_762 = arith.index_cast %scan3A_694 : i32 to index
        %swap3A_763 = arith.constant 112 : index
        %swap3A_764 = tpu.vector_load %arg13[%swap3A_762, %swap3A_763] {strides = array<i32>} : memref<64x128xf32, #tpu.memory_space<vmem>>, vector<1x16xf32>,
        %swap3A_765 = vector.shape_cast %swap3A_764 : vector<1x16xf32> to vector<16xf32>
        %swap3A_766 = vector.shape_cast %get3A_761 : vector<16xf32> to vector<1x16xf32>
        tpu.vector_store %arg13[%swap3A_762, %swap3A_763], %swap3A_766 {add = true, strides = array<i32>} : memref<64x128xf32, #tpu.memory_space<vmem>>, vector<1x16xf32>,
        %scan3A_767 = arith.constant 7 : i32
        %scan3A_768 = arith.addi %scan3A_252, %scan3A_767 : i32
        %get3A_769 = arith.index_cast %scan3A_768 : i32 to index
        %get3A_770 = arith.constant 0 : index
        %get3A_771 = tpu.vector_load %arg18[%get3A_769, %get3A_770] {strides = array<i32>} : memref<64x128xf32, #tpu.memory_space<vmem>>, vector<1x16xf32>,
        %get3A_772 = vector.shape_cast %get3A_771 : vector<1x16xf32> to vector<16xf32>
        %swap3A_773 = arith.index_cast %scan3A_768 : i32 to index
        %swap3A_774 = arith.constant 0 : index
        %swap3A_775 = tpu.vector_load %arg13[%swap3A_773, %swap3A_774] {strides = array<i32>} : memref<64x128xf32, #tpu.memory_space<vmem>>, vector<1x16xf32>,
        %swap3A_776 = vector.shape_cast %swap3A_775 : vector<1x16xf32> to vector<16xf32>
        %swap3A_777 = vector.shape_cast %get3A_772 : vector<16xf32> to vector<1x16xf32>
        tpu.vector_store %arg13[%swap3A_773, %swap3A_774], %swap3A_777 {add = true, strides = array<i32>} : memref<64x128xf32, #tpu.memory_space<vmem>>, vector<1x16xf32>,
        %get3A_778 = arith.index_cast %scan3A_768 : i32 to index
        %get3A_779 = arith.constant 16 : index
        %get3A_780 = tpu.vector_load %arg18[%get3A_778, %get3A_779] {strides = array<i32>} : memref<64x128xf32, #tpu.memory_space<vmem>>, vector<1x16xf32>,
        %get3A_781 = vector.shape_cast %get3A_780 : vector<1x16xf32> to vector<16xf32>
        %swap3A_782 = arith.index_cast %scan3A_768 : i32 to index
        %swap3A_783 = arith.constant 16 : index
        %swap3A_784 = tpu.vector_load %arg13[%swap3A_782, %swap3A_783] {strides = array<i32>} : memref<64x128xf32, #tpu.memory_space<vmem>>, vector<1x16xf32>,
        %swap3A_785 = vector.shape_cast %swap3A_784 : vector<1x16xf32> to vector<16xf32>
        %swap3A_786 = vector.shape_cast %get3A_781 : vector<16xf32> to vector<1x16xf32>
        tpu.vector_store %arg13[%swap3A_782, %swap3A_783], %swap3A_786 {add = true, strides = array<i32>} : memref<64x128xf32, #tpu.memory_space<vmem>>, vector<1x16xf32>,
        %get3A_787 = arith.index_cast %scan3A_768 : i32 to index
        %get3A_788 = arith.constant 32 : index
        %get3A_789 = tpu.vector_load %arg18[%get3A_787, %get3A_788] {strides = array<i32>} : memref<64x128xf32, #tpu.memory_space<vmem>>, vector<1x16xf32>,
        %get3A_790 = vector.shape_cast %get3A_789 : vector<1x16xf32> to vector<16xf32>
        %swap3A_791 = arith.index_cast %scan3A_768 : i32 to index
        %swap3A_792 = arith.constant 32 : index
        %swap3A_793 = tpu.vector_load %arg13[%swap3A_791, %swap3A_792] {strides = array<i32>} : memref<64x128xf32, #tpu.memory_space<vmem>>, vector<1x16xf32>,
        %swap3A_794 = vector.shape_cast %swap3A_793 : vector<1x16xf32> to vector<16xf32>
        %swap3A_795 = vector.shape_cast %get3A_790 : vector<16xf32> to vector<1x16xf32>
        tpu.vector_store %arg13[%swap3A_791, %swap3A_792], %swap3A_795 {add = true, strides = array<i32>} : memref<64x128xf32, #tpu.memory_space<vmem>>, vector<1x16xf32>,
        %get3A_796 = arith.index_cast %scan3A_768 : i32 to index
        %get3A_797 = arith.constant 48 : index
        %get3A_798 = tpu.vector_load %arg18[%get3A_796, %get3A_797] {strides = array<i32>} : memref<64x128xf32, #tpu.memory_space<vmem>>, vector<1x16xf32>,
        %get3A_799 = vector.shape_cast %get3A_798 : vector<1x16xf32> to vector<16xf32>
        %swap3A_800 = arith.index_cast %scan3A_768 : i32 to index
        %swap3A_801 = arith.constant 48 : index
        %swap3A_802 = tpu.vector_load %arg13[%swap3A_800, %swap3A_801] {strides = array<i32>} : memref<64x128xf32, #tpu.memory_space<vmem>>, vector<1x16xf32>,
        %swap3A_803 = vector.shape_cast %swap3A_802 : vector<1x16xf32> to vector<16xf32>
        %swap3A_804 = vector.shape_cast %get3A_799 : vector<16xf32> to vector<1x16xf32>
        tpu.vector_store %arg13[%swap3A_800, %swap3A_801], %swap3A_804 {add = true, strides = array<i32>} : memref<64x128xf32, #tpu.memory_space<vmem>>, vector<1x16xf32>,
        %get3A_805 = arith.index_cast %scan3A_768 : i32 to index
        %get3A_806 = arith.constant 64 : index
        %get3A_807 = tpu.vector_load %arg18[%get3A_805, %get3A_806] {strides = array<i32>} : memref<64x128xf32, #tpu.memory_space<vmem>>, vector<1x16xf32>,
        %get3A_808 = vector.shape_cast %get3A_807 : vector<1x16xf32> to vector<16xf32>
        %swap3A_809 = arith.index_cast %scan3A_768 : i32 to index
        %swap3A_810 = arith.constant 64 : index
        %swap3A_811 = tpu.vector_load %arg13[%swap3A_809, %swap3A_810] {strides = array<i32>} : memref<64x128xf32, #tpu.memory_space<vmem>>, vector<1x16xf32>,
        %swap3A_812 = vector.shape_cast %swap3A_811 : vector<1x16xf32> to vector<16xf32>
        %swap3A_813 = vector.shape_cast %get3A_808 : vector<16xf32> to vector<1x16xf32>
        tpu.vector_store %arg13[%swap3A_809, %swap3A_810], %swap3A_813 {add = true, strides = array<i32>} : memref<64x128xf32, #tpu.memory_space<vmem>>, vector<1x16xf32>,
        %get3A_814 = arith.index_cast %scan3A_768 : i32 to index
        %get3A_815 = arith.constant 80 : index
        %get3A_816 = tpu.vector_load %arg18[%get3A_814, %get3A_815] {strides = array<i32>} : memref<64x128xf32, #tpu.memory_space<vmem>>, vector<1x16xf32>,
        %get3A_817 = vector.shape_cast %get3A_816 : vector<1x16xf32> to vector<16xf32>
        %swap3A_818 = arith.index_cast %scan3A_768 : i32 to index
        %swap3A_819 = arith.constant 80 : index
        %swap3A_820 = tpu.vector_load %arg13[%swap3A_818, %swap3A_819] {strides = array<i32>} : memref<64x128xf32, #tpu.memory_space<vmem>>, vector<1x16xf32>,
        %swap3A_821 = vector.shape_cast %swap3A_820 : vector<1x16xf32> to vector<16xf32>
        %swap3A_822 = vector.shape_cast %get3A_817 : vector<16xf32> to vector<1x16xf32>
        tpu.vector_store %arg13[%swap3A_818, %swap3A_819], %swap3A_822 {add = true, strides = array<i32>} : memref<64x128xf32, #tpu.memory_space<vmem>>, vector<1x16xf32>,
        %get3A_823 = arith.index_cast %scan3A_768 : i32 to index
        %get3A_824 = arith.constant 96 : index
        %get3A_825 = tpu.vector_load %arg18[%get3A_823, %get3A_824] {strides = array<i32>} : memref<64x128xf32, #tpu.memory_space<vmem>>, vector<1x16xf32>,
        %get3A_826 = vector.shape_cast %get3A_825 : vector<1x16xf32> to vector<16xf32>
        %swap3A_827 = arith.index_cast %scan3A_768 : i32 to index
        %swap3A_828 = arith.constant 96 : index
        %swap3A_829 = tpu.vector_load %arg13[%swap3A_827, %swap3A_828] {strides = array<i32>} : memref<64x128xf32, #tpu.memory_space<vmem>>, vector<1x16xf32>,
        %swap3A_830 = vector.shape_cast %swap3A_829 : vector<1x16xf32> to vector<16xf32>
        %swap3A_831 = vector.shape_cast %get3A_826 : vector<16xf32> to vector<1x16xf32>
        tpu.vector_store %arg13[%swap3A_827, %swap3A_828], %swap3A_831 {add = true, strides = array<i32>} : memref<64x128xf32, #tpu.memory_space<vmem>>, vector<1x16xf32>,
        %get3A_832 = arith.index_cast %scan3A_768 : i32 to index
        %get3A_833 = arith.constant 112 : index
        %get3A_834 = tpu.vector_load %arg18[%get3A_832, %get3A_833] {strides = array<i32>} : memref<64x128xf32, #tpu.memory_space<vmem>>, vector<1x16xf32>,
        %get3A_835 = vector.shape_cast %get3A_834 : vector<1x16xf32> to vector<16xf32>
        %swap3A_836 = arith.index_cast %scan3A_768 : i32 to index
        %swap3A_837 = arith.constant 112 : index
        %swap3A_838 = tpu.vector_load %arg13[%swap3A_836, %swap3A_837] {strides = array<i32>} : memref<64x128xf32, #tpu.memory_space<vmem>>, vector<1x16xf32>,
        %swap3A_839 = vector.shape_cast %swap3A_838 : vector<1x16xf32> to vector<16xf32>
        %swap3A_840 = vector.shape_cast %get3A_835 : vector<16xf32> to vector<1x16xf32>
        tpu.vector_store %arg13[%swap3A_836, %swap3A_837], %swap3A_840 {add = true, strides = array<i32>} : memref<64x128xf32, #tpu.memory_space<vmem>>, vector<1x16xf32>,
      }
      %scan3A_205 = arith.constant 64 : i32
      %mul3A_206 = arith.constant 64 : i32
      %mul3A_207 = arith.muli %add3A_175, %mul3A_206 : i32
      %add3A_208 = arith.addi %mul3A_2, %mul3A_207 : i32
      %dma_start3A_209 = arith.constant 0 : i32
      %dma_start3A_210 = tpu.memref_slice %arg5[%add3A_208, %dma_start3A_209] : memref<204800x128xf32, #tpu.memory_space<hbm>> -> memref<64x128xf32, #tpu.memory_space<hbm>>
      %dma_start3A_211 = arith.constant 0 : i32
      %dma_start3A_212 = tpu.memref_slice %arg5[%add3A_208, %dma_start3A_211] : memref<204800x128xf32, #tpu.memory_space<hbm>> -> memref<64x128xf32, #tpu.memory_space<hbm>>
      tpu.enqueue_dma source(%arg13 : memref<64x128xf32, #tpu.memory_space<vmem>>) target(%dma_start3A_212 : memref<64x128xf32, #tpu.memory_space<hbm>>) target_semaphore(%arg33 : memref<!tpu.dma_semaphore, #tpu.memory_space<semaphore_mem>>)
      %add3A_213 = arith.constant 4 : i32
      %add3A_214 = arith.addi %mul3A_58, %add3A_213 : i32
      %ge3A_215 = arith.constant 2 : i32
      %ge3A_216 = arith.cmpi sge, %add3A_214, %ge3A_215 : i32
      %convert_element_type3A_217 = arith.extui %ge3A_216 : i1 to i32
      %cond3A_218 = arith.constant 0 : i32
      %cond3A_219 = arith.cmpi ne, %convert_element_type3A_217, %cond3A_218 : i32
      scf.if %cond3A_219 {
        %dma_wait3A_252 = arith.constant 0 : i32
        %dma_wait3A_253 = arith.constant 0 : i32
        %dma_wait3A_254 = tpu.memref_slice %arg5[%dma_wait3A_252, %dma_wait3A_253] : memref<204800x128xf32, #tpu.memory_space<hbm>> -> memref<64x128xf32, #tpu.memory_space<hbm>>
        %dma_wait3A_255 = arith.constant 0 : i32
        %dma_wait3A_256 = arith.constant 0 : i32
        %dma_wait3A_257 = tpu.memref_slice %arg5[%dma_wait3A_255, %dma_wait3A_256] : memref<204800x128xf32, #tpu.memory_space<hbm>> -> memref<64x128xf32, #tpu.memory_space<hbm>>
        tpu.wait_dma2 semaphore(%arg32 : memref<!tpu.dma_semaphore, #tpu.memory_space<semaphore_mem>>) src(%arg12 : memref<64x128xf32, #tpu.memory_space<vmem>>) dst(%dma_wait3A_257 : memref<64x128xf32, #tpu.memory_space<hbm>>)
      } else {
      }
      %add3A_220 = arith.constant 3 : i32
      %add3A_221 = arith.addi %add3A_214, %add3A_220 : i32
      %lt3A_222 = arith.constant 100 : i32
      %lt3A_223 = arith.cmpi slt, %add3A_221, %lt3A_222 : i32
      %convert_element_type3A_224 = arith.extui %lt3A_223 : i1 to i32
      %cond3A_225 = arith.constant 0 : i32
      %cond3A_226 = arith.cmpi ne, %convert_element_type3A_224, %cond3A_225 : i32
      scf.if %cond3A_226 {
        %add3A_252 = arith.constant 3 : i32
        %add3A_253 = arith.addi %add3A_214, %add3A_252 : i32
        %mul3A_254 = arith.constant 64 : i32
        %mul3A_255 = arith.muli %add3A_253, %mul3A_254 : i32
        %dma_start3A_256 = tpu.memref_slice %arg7[%mul3A_255] : memref<6400xi32, #tpu.memory_space<vmem>> -> memref<64xi32, #tpu.memory_space<vmem>>
        %dma_start3A_257 = arith.constant 0 : i32
        %dma_start3A_258 = arith.constant 0 : i32
        %dma_start3A_259 = tpu.memref_slice %arg2[%dma_start3A_257, %dma_start3A_258] : memref<100000x128xf32, #tpu.memory_space<hbm>> -> memref<100000x128xf32, #tpu.memory_space<hbm>>
        tpu.enqueue_indirect_dma source(%dma_start3A_259 : memref<100000x128xf32, #tpu.memory_space<hbm>>) target(%arg12 : memref<64x128xf32, #tpu.memory_space<vmem>>) offsets(%dma_start3A_256 : memref<64xi32, #tpu.memory_space<vmem>>) semaphore(%arg22 : memref<!tpu.dma_semaphore, #tpu.memory_space<semaphore_mem>>)
        %add3A_260 = arith.constant 3 : i32
        %add3A_261 = arith.addi %add3A_214, %add3A_260 : i32
        %mul3A_262 = arith.constant 64 : i32
        %mul3A_263 = arith.muli %add3A_261, %mul3A_262 : i32
        %dma_start3A_264 = tpu.memref_slice %arg8[%mul3A_263] : memref<6400xi32, #tpu.memory_space<vmem>> -> memref<64xi32, #tpu.memory_space<vmem>>
        %dma_start3A_265 = arith.constant 0 : i32
        %dma_start3A_266 = arith.constant 0 : i32
        %dma_start3A_267 = tpu.memref_slice %arg9[%dma_start3A_265, %dma_start3A_266] : memref<600x128xf32, #tpu.memory_space<vmem_shared>> -> memref<600x128xf32, #tpu.memory_space<vmem_shared>>
        tpu.enqueue_indirect_dma source(%dma_start3A_267 : memref<600x128xf32, #tpu.memory_space<vmem_shared>>) target(%arg17 : memref<64x128xf32, #tpu.memory_space<vmem>>) offsets(%dma_start3A_264 : memref<64xi32, #tpu.memory_space<vmem>>) semaphore(%arg27 : memref<!tpu.dma_semaphore, #tpu.memory_space<semaphore_mem>>)
      } else {
      }
      %dma_wait3A_227 = arith.constant 0 : i32
      %dma_wait3A_228 = arith.constant 0 : i32
      %dma_wait3A_229 = tpu.memref_slice %arg2[%dma_wait3A_227, %dma_wait3A_228] : memref<100000x128xf32, #tpu.memory_space<hbm>> -> memref<64x128xf32, #tpu.memory_space<hbm>>
      %dma_wait3A_230 = arith.constant 0 : i32
      %dma_wait3A_231 = arith.constant 0 : i32
      %dma_wait3A_232 = tpu.memref_slice %arg2[%dma_wait3A_230, %dma_wait3A_231] : memref<100000x128xf32, #tpu.memory_space<hbm>> -> memref<64x128xf32, #tpu.memory_space<hbm>>
      tpu.wait_dma2 semaphore(%arg24 : memref<!tpu.dma_semaphore, #tpu.memory_space<semaphore_mem>>) src(%dma_wait3A_232 : memref<64x128xf32, #tpu.memory_space<hbm>>) dst(%arg14 : memref<64x128xf32, #tpu.memory_space<vmem>>)
      %dma_wait3A_233 = arith.constant 0 : i32
      %dma_wait3A_234 = arith.constant 0 : i32
      %dma_wait3A_235 = tpu.memref_slice %arg9[%dma_wait3A_233, %dma_wait3A_234] : memref<600x128xf32, #tpu.memory_space<vmem_shared>> -> memref<64x128xf32, #tpu.memory_space<vmem_shared>>
      %dma_wait3A_236 = arith.constant 0 : i32
      %dma_wait3A_237 = arith.constant 0 : i32
      %dma_wait3A_238 = tpu.memref_slice %arg9[%dma_wait3A_236, %dma_wait3A_237] : memref<600x128xf32, #tpu.memory_space<vmem_shared>> -> memref<64x128xf32, #tpu.memory_space<vmem_shared>>
      tpu.wait_dma2 semaphore(%arg29 : memref<!tpu.dma_semaphore, #tpu.memory_space<semaphore_mem>>) src(%dma_wait3A_238 : memref<64x128xf32, #tpu.memory_space<vmem_shared>>) dst(%arg19 : memref<64x128xf32, #tpu.memory_space<vmem>>)
      %scan3A_239 = arith.constant 0 : i32
      %scan3A_240 = arith.constant 0 : i32
      %scan3A_241 = arith.constant 64 : i32
      %scan3A_242 = arith.addi %scan3A_240, %scan3A_241 : i32
      %scan3A_243 = arith.constant 8 : i32
      scf.for %scan3A_252 = %scan3A_240 to %scan3A_242 step %scan3A_243  : i32 {
        %get3A = arith.index_cast %scan3A_252 : i32 to index
        %get3A_253 = arith.constant 0 : index
        %get3A_254 = tpu.vector_load %arg19[%get3A, %get3A_253] {strides = array<i32>} : memref<64x128xf32, #tpu.memory_space<vmem>>, vector<1x16xf32>,
        %get3A_255 = vector.shape_cast %get3A_254 : vector<1x16xf32> to vector<16xf32>
        %swap3A = arith.index_cast %scan3A_252 : i32 to index
        %swap3A_256 = arith.constant 0 : index
        %swap3A_257 = tpu.vector_load %arg14[%swap3A, %swap3A_256] {strides = array<i32>} : memref<64x128xf32, #tpu.memory_space<vmem>>, vector<1x16xf32>,
        %swap3A_258 = vector.shape_cast %swap3A_257 : vector<1x16xf32> to vector<16xf32>
        %swap3A_259 = vector.shape_cast %get3A_255 : vector<16xf32> to vector<1x16xf32>
        tpu.vector_store %arg14[%swap3A, %swap3A_256], %swap3A_259 {add = true, strides = array<i32>} : memref<64x128xf32, #tpu.memory_space<vmem>>, vector<1x16xf32>,
        %get3A_260 = arith.index_cast %scan3A_252 : i32 to index
        %get3A_261 = arith.constant 16 : index
        %get3A_262 = tpu.vector_load %arg19[%get3A_260, %get3A_261] {strides = array<i32>} : memref<64x128xf32, #tpu.memory_space<vmem>>, vector<1x16xf32>,
        %get3A_263 = vector.shape_cast %get3A_262 : vector<1x16xf32> to vector<16xf32>
        %swap3A_264 = arith.index_cast %scan3A_252 : i32 to index
        %swap3A_265 = arith.constant 16 : index
        %swap3A_266 = tpu.vector_load %arg14[%swap3A_264, %swap3A_265] {strides = array<i32>} : memref<64x128xf32, #tpu.memory_space<vmem>>, vector<1x16xf32>,
        %swap3A_267 = vector.shape_cast %swap3A_266 : vector<1x16xf32> to vector<16xf32>
        %swap3A_268 = vector.shape_cast %get3A_263 : vector<16xf32> to vector<1x16xf32>
        tpu.vector_store %arg14[%swap3A_264, %swap3A_265], %swap3A_268 {add = true, strides = array<i32>} : memref<64x128xf32, #tpu.memory_space<vmem>>, vector<1x16xf32>,
        %get3A_269 = arith.index_cast %scan3A_252 : i32 to index
        %get3A_270 = arith.constant 32 : index
        %get3A_271 = tpu.vector_load %arg19[%get3A_269, %get3A_270] {strides = array<i32>} : memref<64x128xf32, #tpu.memory_space<vmem>>, vector<1x16xf32>,
        %get3A_272 = vector.shape_cast %get3A_271 : vector<1x16xf32> to vector<16xf32>
        %swap3A_273 = arith.index_cast %scan3A_252 : i32 to index
        %swap3A_274 = arith.constant 32 : index
        %swap3A_275 = tpu.vector_load %arg14[%swap3A_273, %swap3A_274] {strides = array<i32>} : memref<64x128xf32, #tpu.memory_space<vmem>>, vector<1x16xf32>,
        %swap3A_276 = vector.shape_cast %swap3A_275 : vector<1x16xf32> to vector<16xf32>
        %swap3A_277 = vector.shape_cast %get3A_272 : vector<16xf32> to vector<1x16xf32>
        tpu.vector_store %arg14[%swap3A_273, %swap3A_274], %swap3A_277 {add = true, strides = array<i32>} : memref<64x128xf32, #tpu.memory_space<vmem>>, vector<1x16xf32>,
        %get3A_278 = arith.index_cast %scan3A_252 : i32 to index
        %get3A_279 = arith.constant 48 : index
        %get3A_280 = tpu.vector_load %arg19[%get3A_278, %get3A_279] {strides = array<i32>} : memref<64x128xf32, #tpu.memory_space<vmem>>, vector<1x16xf32>,
        %get3A_281 = vector.shape_cast %get3A_280 : vector<1x16xf32> to vector<16xf32>
        %swap3A_282 = arith.index_cast %scan3A_252 : i32 to index
        %swap3A_283 = arith.constant 48 : index
        %swap3A_284 = tpu.vector_load %arg14[%swap3A_282, %swap3A_283] {strides = array<i32>} : memref<64x128xf32, #tpu.memory_space<vmem>>, vector<1x16xf32>,
        %swap3A_285 = vector.shape_cast %swap3A_284 : vector<1x16xf32> to vector<16xf32>
        %swap3A_286 = vector.shape_cast %get3A_281 : vector<16xf32> to vector<1x16xf32>
        tpu.vector_store %arg14[%swap3A_282, %swap3A_283], %swap3A_286 {add = true, strides = array<i32>} : memref<64x128xf32, #tpu.memory_space<vmem>>, vector<1x16xf32>,
        %get3A_287 = arith.index_cast %scan3A_252 : i32 to index
        %get3A_288 = arith.constant 64 : index
        %get3A_289 = tpu.vector_load %arg19[%get3A_287, %get3A_288] {strides = array<i32>} : memref<64x128xf32, #tpu.memory_space<vmem>>, vector<1x16xf32>,
        %get3A_290 = vector.shape_cast %get3A_289 : vector<1x16xf32> to vector<16xf32>
        %swap3A_291 = arith.index_cast %scan3A_252 : i32 to index
        %swap3A_292 = arith.constant 64 : index
        %swap3A_293 = tpu.vector_load %arg14[%swap3A_291, %swap3A_292] {strides = array<i32>} : memref<64x128xf32, #tpu.memory_space<vmem>>, vector<1x16xf32>,
        %swap3A_294 = vector.shape_cast %swap3A_293 : vector<1x16xf32> to vector<16xf32>
        %swap3A_295 = vector.shape_cast %get3A_290 : vector<16xf32> to vector<1x16xf32>
        tpu.vector_store %arg14[%swap3A_291, %swap3A_292], %swap3A_295 {add = true, strides = array<i32>} : memref<64x128xf32, #tpu.memory_space<vmem>>, vector<1x16xf32>,
        %get3A_296 = arith.index_cast %scan3A_252 : i32 to index
        %get3A_297 = arith.constant 80 : index
        %get3A_298 = tpu.vector_load %arg19[%get3A_296, %get3A_297] {strides = array<i32>} : memref<64x128xf32, #tpu.memory_space<vmem>>, vector<1x16xf32>,
        %get3A_299 = vector.shape_cast %get3A_298 : vector<1x16xf32> to vector<16xf32>
        %swap3A_300 = arith.index_cast %scan3A_252 : i32 to index
        %swap3A_301 = arith.constant 80 : index
        %swap3A_302 = tpu.vector_load %arg14[%swap3A_300, %swap3A_301] {strides = array<i32>} : memref<64x128xf32, #tpu.memory_space<vmem>>, vector<1x16xf32>,
        %swap3A_303 = vector.shape_cast %swap3A_302 : vector<1x16xf32> to vector<16xf32>
        %swap3A_304 = vector.shape_cast %get3A_299 : vector<16xf32> to vector<1x16xf32>
        tpu.vector_store %arg14[%swap3A_300, %swap3A_301], %swap3A_304 {add = true, strides = array<i32>} : memref<64x128xf32, #tpu.memory_space<vmem>>, vector<1x16xf32>,
        %get3A_305 = arith.index_cast %scan3A_252 : i32 to index
        %get3A_306 = arith.constant 96 : index
        %get3A_307 = tpu.vector_load %arg19[%get3A_305, %get3A_306] {strides = array<i32>} : memref<64x128xf32, #tpu.memory_space<vmem>>, vector<1x16xf32>,
        %get3A_308 = vector.shape_cast %get3A_307 : vector<1x16xf32> to vector<16xf32>
        %swap3A_309 = arith.index_cast %scan3A_252 : i32 to index
        %swap3A_310 = arith.constant 96 : index
        %swap3A_311 = tpu.vector_load %arg14[%swap3A_309, %swap3A_310] {strides = array<i32>} : memref<64x128xf32, #tpu.memory_space<vmem>>, vector<1x16xf32>,
        %swap3A_312 = vector.shape_cast %swap3A_311 : vector<1x16xf32> to vector<16xf32>
        %swap3A_313 = vector.shape_cast %get3A_308 : vector<16xf32> to vector<1x16xf32>
        tpu.vector_store %arg14[%swap3A_309, %swap3A_310], %swap3A_313 {add = true, strides = array<i32>} : memref<64x128xf32, #tpu.memory_space<vmem>>, vector<1x16xf32>,
        %get3A_314 = arith.index_cast %scan3A_252 : i32 to index
        %get3A_315 = arith.constant 112 : index
        %get3A_316 = tpu.vector_load %arg19[%get3A_314, %get3A_315] {strides = array<i32>} : memref<64x128xf32, #tpu.memory_space<vmem>>, vector<1x16xf32>,
        %get3A_317 = vector.shape_cast %get3A_316 : vector<1x16xf32> to vector<16xf32>
        %swap3A_318 = arith.index_cast %scan3A_252 : i32 to index
        %swap3A_319 = arith.constant 112 : index
        %swap3A_320 = tpu.vector_load %arg14[%swap3A_318, %swap3A_319] {strides = array<i32>} : memref<64x128xf32, #tpu.memory_space<vmem>>, vector<1x16xf32>,
        %swap3A_321 = vector.shape_cast %swap3A_320 : vector<1x16xf32> to vector<16xf32>
        %swap3A_322 = vector.shape_cast %get3A_317 : vector<16xf32> to vector<1x16xf32>
        tpu.vector_store %arg14[%swap3A_318, %swap3A_319], %swap3A_322 {add = true, strides = array<i32>} : memref<64x128xf32, #tpu.memory_space<vmem>>, vector<1x16xf32>,
        %scan3A_323 = arith.constant 1 : i32
        %scan3A_324 = arith.addi %scan3A_252, %scan3A_323 : i32
        %get3A_325 = arith.index_cast %scan3A_324 : i32 to index
        %get3A_326 = arith.constant 0 : index
        %get3A_327 = tpu.vector_load %arg19[%get3A_325, %get3A_326] {strides = array<i32>} : memref<64x128xf32, #tpu.memory_space<vmem>>, vector<1x16xf32>,
        %get3A_328 = vector.shape_cast %get3A_327 : vector<1x16xf32> to vector<16xf32>
        %swap3A_329 = arith.index_cast %scan3A_324 : i32 to index
        %swap3A_330 = arith.constant 0 : index
        %swap3A_331 = tpu.vector_load %arg14[%swap3A_329, %swap3A_330] {strides = array<i32>} : memref<64x128xf32, #tpu.memory_space<vmem>>, vector<1x16xf32>,
        %swap3A_332 = vector.shape_cast %swap3A_331 : vector<1x16xf32> to vector<16xf32>
        %swap3A_333 = vector.shape_cast %get3A_328 : vector<16xf32> to vector<1x16xf32>
        tpu.vector_store %arg14[%swap3A_329, %swap3A_330], %swap3A_333 {add = true, strides = array<i32>} : memref<64x128xf32, #tpu.memory_space<vmem>>, vector<1x16xf32>,
        %get3A_334 = arith.index_cast %scan3A_324 : i32 to index
        %get3A_335 = arith.constant 16 : index
        %get3A_336 = tpu.vector_load %arg19[%get3A_334, %get3A_335] {strides = array<i32>} : memref<64x128xf32, #tpu.memory_space<vmem>>, vector<1x16xf32>,
        %get3A_337 = vector.shape_cast %get3A_336 : vector<1x16xf32> to vector<16xf32>
        %swap3A_338 = arith.index_cast %scan3A_324 : i32 to index
        %swap3A_339 = arith.constant 16 : index
        %swap3A_340 = tpu.vector_load %arg14[%swap3A_338, %swap3A_339] {strides = array<i32>} : memref<64x128xf32, #tpu.memory_space<vmem>>, vector<1x16xf32>,
        %swap3A_341 = vector.shape_cast %swap3A_340 : vector<1x16xf32> to vector<16xf32>
        %swap3A_342 = vector.shape_cast %get3A_337 : vector<16xf32> to vector<1x16xf32>
        tpu.vector_store %arg14[%swap3A_338, %swap3A_339], %swap3A_342 {add = true, strides = array<i32>} : memref<64x128xf32, #tpu.memory_space<vmem>>, vector<1x16xf32>,
        %get3A_343 = arith.index_cast %scan3A_324 : i32 to index
        %get3A_344 = arith.constant 32 : index
        %get3A_345 = tpu.vector_load %arg19[%get3A_343, %get3A_344] {strides = array<i32>} : memref<64x128xf32, #tpu.memory_space<vmem>>, vector<1x16xf32>,
        %get3A_346 = vector.shape_cast %get3A_345 : vector<1x16xf32> to vector<16xf32>
        %swap3A_347 = arith.index_cast %scan3A_324 : i32 to index
        %swap3A_348 = arith.constant 32 : index
        %swap3A_349 = tpu.vector_load %arg14[%swap3A_347, %swap3A_348] {strides = array<i32>} : memref<64x128xf32, #tpu.memory_space<vmem>>, vector<1x16xf32>,
        %swap3A_350 = vector.shape_cast %swap3A_349 : vector<1x16xf32> to vector<16xf32>
        %swap3A_351 = vector.shape_cast %get3A_346 : vector<16xf32> to vector<1x16xf32>
        tpu.vector_store %arg14[%swap3A_347, %swap3A_348], %swap3A_351 {add = true, strides = array<i32>} : memref<64x128xf32, #tpu.memory_space<vmem>>, vector<1x16xf32>,
        %get3A_352 = arith.index_cast %scan3A_324 : i32 to index
        %get3A_353 = arith.constant 48 : index
        %get3A_354 = tpu.vector_load %arg19[%get3A_352, %get3A_353] {strides = array<i32>} : memref<64x128xf32, #tpu.memory_space<vmem>>, vector<1x16xf32>,
        %get3A_355 = vector.shape_cast %get3A_354 : vector<1x16xf32> to vector<16xf32>
        %swap3A_356 = arith.index_cast %scan3A_324 : i32 to index
        %swap3A_357 = arith.constant 48 : index
        %swap3A_358 = tpu.vector_load %arg14[%swap3A_356, %swap3A_357] {strides = array<i32>} : memref<64x128xf32, #tpu.memory_space<vmem>>, vector<1x16xf32>,
        %swap3A_359 = vector.shape_cast %swap3A_358 : vector<1x16xf32> to vector<16xf32>
        %swap3A_360 = vector.shape_cast %get3A_355 : vector<16xf32> to vector<1x16xf32>
        tpu.vector_store %arg14[%swap3A_356, %swap3A_357], %swap3A_360 {add = true, strides = array<i32>} : memref<64x128xf32, #tpu.memory_space<vmem>>, vector<1x16xf32>,
        %get3A_361 = arith.index_cast %scan3A_324 : i32 to index
        %get3A_362 = arith.constant 64 : index
        %get3A_363 = tpu.vector_load %arg19[%get3A_361, %get3A_362] {strides = array<i32>} : memref<64x128xf32, #tpu.memory_space<vmem>>, vector<1x16xf32>,
        %get3A_364 = vector.shape_cast %get3A_363 : vector<1x16xf32> to vector<16xf32>
        %swap3A_365 = arith.index_cast %scan3A_324 : i32 to index
        %swap3A_366 = arith.constant 64 : index
        %swap3A_367 = tpu.vector_load %arg14[%swap3A_365, %swap3A_366] {strides = array<i32>} : memref<64x128xf32, #tpu.memory_space<vmem>>, vector<1x16xf32>,
        %swap3A_368 = vector.shape_cast %swap3A_367 : vector<1x16xf32> to vector<16xf32>
        %swap3A_369 = vector.shape_cast %get3A_364 : vector<16xf32> to vector<1x16xf32>
        tpu.vector_store %arg14[%swap3A_365, %swap3A_366], %swap3A_369 {add = true, strides = array<i32>} : memref<64x128xf32, #tpu.memory_space<vmem>>, vector<1x16xf32>,
        %get3A_370 = arith.index_cast %scan3A_324 : i32 to index
        %get3A_371 = arith.constant 80 : index
        %get3A_372 = tpu.vector_load %arg19[%get3A_370, %get3A_371] {strides = array<i32>} : memref<64x128xf32, #tpu.memory_space<vmem>>, vector<1x16xf32>,
        %get3A_373 = vector.shape_cast %get3A_372 : vector<1x16xf32> to vector<16xf32>
        %swap3A_374 = arith.index_cast %scan3A_324 : i32 to index
        %swap3A_375 = arith.constant 80 : index
        %swap3A_376 = tpu.vector_load %arg14[%swap3A_374, %swap3A_375] {strides = array<i32>} : memref<64x128xf32, #tpu.memory_space<vmem>>, vector<1x16xf32>,
        %swap3A_377 = vector.shape_cast %swap3A_376 : vector<1x16xf32> to vector<16xf32>
        %swap3A_378 = vector.shape_cast %get3A_373 : vector<16xf32> to vector<1x16xf32>
        tpu.vector_store %arg14[%swap3A_374, %swap3A_375], %swap3A_378 {add = true, strides = array<i32>} : memref<64x128xf32, #tpu.memory_space<vmem>>, vector<1x16xf32>,
        %get3A_379 = arith.index_cast %scan3A_324 : i32 to index
        %get3A_380 = arith.constant 96 : index
        %get3A_381 = tpu.vector_load %arg19[%get3A_379, %get3A_380] {strides = array<i32>} : memref<64x128xf32, #tpu.memory_space<vmem>>, vector<1x16xf32>,
        %get3A_382 = vector.shape_cast %get3A_381 : vector<1x16xf32> to vector<16xf32>
        %swap3A_383 = arith.index_cast %scan3A_324 : i32 to index
        %swap3A_384 = arith.constant 96 : index
        %swap3A_385 = tpu.vector_load %arg14[%swap3A_383, %swap3A_384] {strides = array<i32>} : memref<64x128xf32, #tpu.memory_space<vmem>>, vector<1x16xf32>,
        %swap3A_386 = vector.shape_cast %swap3A_385 : vector<1x16xf32> to vector<16xf32>
        %swap3A_387 = vector.shape_cast %get3A_382 : vector<16xf32> to vector<1x16xf32>
        tpu.vector_store %arg14[%swap3A_383, %swap3A_384], %swap3A_387 {add = true, strides = array<i32>} : memref<64x128xf32, #tpu.memory_space<vmem>>, vector<1x16xf32>,
        %get3A_388 = arith.index_cast %scan3A_324 : i32 to index
        %get3A_389 = arith.constant 112 : index
        %get3A_390 = tpu.vector_load %arg19[%get3A_388, %get3A_389] {strides = array<i32>} : memref<64x128xf32, #tpu.memory_space<vmem>>, vector<1x16xf32>,
        %get3A_391 = vector.shape_cast %get3A_390 : vector<1x16xf32> to vector<16xf32>
        %swap3A_392 = arith.index_cast %scan3A_324 : i32 to index
        %swap3A_393 = arith.constant 112 : index
        %swap3A_394 = tpu.vector_load %arg14[%swap3A_392, %swap3A_393] {strides = array<i32>} : memref<64x128xf32, #tpu.memory_space<vmem>>, vector<1x16xf32>,
        %swap3A_395 = vector.shape_cast %swap3A_394 : vector<1x16xf32> to vector<16xf32>
        %swap3A_396 = vector.shape_cast %get3A_391 : vector<16xf32> to vector<1x16xf32>
        tpu.vector_store %arg14[%swap3A_392, %swap3A_393], %swap3A_396 {add = true, strides = array<i32>} : memref<64x128xf32, #tpu.memory_space<vmem>>, vector<1x16xf32>,
        %scan3A_397 = arith.constant 2 : i32
        %scan3A_398 = arith.addi %scan3A_252, %scan3A_397 : i32
        %get3A_399 = arith.index_cast %scan3A_398 : i32 to index
        %get3A_400 = arith.constant 0 : index
        %get3A_401 = tpu.vector_load %arg19[%get3A_399, %get3A_400] {strides = array<i32>} : memref<64x128xf32, #tpu.memory_space<vmem>>, vector<1x16xf32>,
        %get3A_402 = vector.shape_cast %get3A_401 : vector<1x16xf32> to vector<16xf32>
        %swap3A_403 = arith.index_cast %scan3A_398 : i32 to index
        %swap3A_404 = arith.constant 0 : index
        %swap3A_405 = tpu.vector_load %arg14[%swap3A_403, %swap3A_404] {strides = array<i32>} : memref<64x128xf32, #tpu.memory_space<vmem>>, vector<1x16xf32>,
        %swap3A_406 = vector.shape_cast %swap3A_405 : vector<1x16xf32> to vector<16xf32>
        %swap3A_407 = vector.shape_cast %get3A_402 : vector<16xf32> to vector<1x16xf32>
        tpu.vector_store %arg14[%swap3A_403, %swap3A_404], %swap3A_407 {add = true, strides = array<i32>} : memref<64x128xf32, #tpu.memory_space<vmem>>, vector<1x16xf32>,
        %get3A_408 = arith.index_cast %scan3A_398 : i32 to index
        %get3A_409 = arith.constant 16 : index
        %get3A_410 = tpu.vector_load %arg19[%get3A_408, %get3A_409] {strides = array<i32>} : memref<64x128xf32, #tpu.memory_space<vmem>>, vector<1x16xf32>,
        %get3A_411 = vector.shape_cast %get3A_410 : vector<1x16xf32> to vector<16xf32>
        %swap3A_412 = arith.index_cast %scan3A_398 : i32 to index
        %swap3A_413 = arith.constant 16 : index
        %swap3A_414 = tpu.vector_load %arg14[%swap3A_412, %swap3A_413] {strides = array<i32>} : memref<64x128xf32, #tpu.memory_space<vmem>>, vector<1x16xf32>,
        %swap3A_415 = vector.shape_cast %swap3A_414 : vector<1x16xf32> to vector<16xf32>
        %swap3A_416 = vector.shape_cast %get3A_411 : vector<16xf32> to vector<1x16xf32>
        tpu.vector_store %arg14[%swap3A_412, %swap3A_413], %swap3A_416 {add = true, strides = array<i32>} : memref<64x128xf32, #tpu.memory_space<vmem>>, vector<1x16xf32>,
        %get3A_417 = arith.index_cast %scan3A_398 : i32 to index
        %get3A_418 = arith.constant 32 : index
        %get3A_419 = tpu.vector_load %arg19[%get3A_417, %get3A_418] {strides = array<i32>} : memref<64x128xf32, #tpu.memory_space<vmem>>, vector<1x16xf32>,
        %get3A_420 = vector.shape_cast %get3A_419 : vector<1x16xf32> to vector<16xf32>
        %swap3A_421 = arith.index_cast %scan3A_398 : i32 to index
        %swap3A_422 = arith.constant 32 : index
        %swap3A_423 = tpu.vector_load %arg14[%swap3A_421, %swap3A_422] {strides = array<i32>} : memref<64x128xf32, #tpu.memory_space<vmem>>, vector<1x16xf32>,
        %swap3A_424 = vector.shape_cast %swap3A_423 : vector<1x16xf32> to vector<16xf32>
        %swap3A_425 = vector.shape_cast %get3A_420 : vector<16xf32> to vector<1x16xf32>
        tpu.vector_store %arg14[%swap3A_421, %swap3A_422], %swap3A_425 {add = true, strides = array<i32>} : memref<64x128xf32, #tpu.memory_space<vmem>>, vector<1x16xf32>,
        %get3A_426 = arith.index_cast %scan3A_398 : i32 to index
        %get3A_427 = arith.constant 48 : index
        %get3A_428 = tpu.vector_load %arg19[%get3A_426, %get3A_427] {strides = array<i32>} : memref<64x128xf32, #tpu.memory_space<vmem>>, vector<1x16xf32>,
        %get3A_429 = vector.shape_cast %get3A_428 : vector<1x16xf32> to vector<16xf32>
        %swap3A_430 = arith.index_cast %scan3A_398 : i32 to index
        %swap3A_431 = arith.constant 48 : index
        %swap3A_432 = tpu.vector_load %arg14[%swap3A_430, %swap3A_431] {strides = array<i32>} : memref<64x128xf32, #tpu.memory_space<vmem>>, vector<1x16xf32>,
        %swap3A_433 = vector.shape_cast %swap3A_432 : vector<1x16xf32> to vector<16xf32>
        %swap3A_434 = vector.shape_cast %get3A_429 : vector<16xf32> to vector<1x16xf32>
        tpu.vector_store %arg14[%swap3A_430, %swap3A_431], %swap3A_434 {add = true, strides = array<i32>} : memref<64x128xf32, #tpu.memory_space<vmem>>, vector<1x16xf32>,
        %get3A_435 = arith.index_cast %scan3A_398 : i32 to index
        %get3A_436 = arith.constant 64 : index
        %get3A_437 = tpu.vector_load %arg19[%get3A_435, %get3A_436] {strides = array<i32>} : memref<64x128xf32, #tpu.memory_space<vmem>>, vector<1x16xf32>,
        %get3A_438 = vector.shape_cast %get3A_437 : vector<1x16xf32> to vector<16xf32>
        %swap3A_439 = arith.index_cast %scan3A_398 : i32 to index
        %swap3A_440 = arith.constant 64 : index
        %swap3A_441 = tpu.vector_load %arg14[%swap3A_439, %swap3A_440] {strides = array<i32>} : memref<64x128xf32, #tpu.memory_space<vmem>>, vector<1x16xf32>,
        %swap3A_442 = vector.shape_cast %swap3A_441 : vector<1x16xf32> to vector<16xf32>
        %swap3A_443 = vector.shape_cast %get3A_438 : vector<16xf32> to vector<1x16xf32>
        tpu.vector_store %arg14[%swap3A_439, %swap3A_440], %swap3A_443 {add = true, strides = array<i32>} : memref<64x128xf32, #tpu.memory_space<vmem>>, vector<1x16xf32>,
        %get3A_444 = arith.index_cast %scan3A_398 : i32 to index
        %get3A_445 = arith.constant 80 : index
        %get3A_446 = tpu.vector_load %arg19[%get3A_444, %get3A_445] {strides = array<i32>} : memref<64x128xf32, #tpu.memory_space<vmem>>, vector<1x16xf32>,
        %get3A_447 = vector.shape_cast %get3A_446 : vector<1x16xf32> to vector<16xf32>
        %swap3A_448 = arith.index_cast %scan3A_398 : i32 to index
        %swap3A_449 = arith.constant 80 : index
        %swap3A_450 = tpu.vector_load %arg14[%swap3A_448, %swap3A_449] {strides = array<i32>} : memref<64x128xf32, #tpu.memory_space<vmem>>, vector<1x16xf32>,
        %swap3A_451 = vector.shape_cast %swap3A_450 : vector<1x16xf32> to vector<16xf32>
        %swap3A_452 = vector.shape_cast %get3A_447 : vector<16xf32> to vector<1x16xf32>
        tpu.vector_store %arg14[%swap3A_448, %swap3A_449], %swap3A_452 {add = true, strides = array<i32>} : memref<64x128xf32, #tpu.memory_space<vmem>>, vector<1x16xf32>,
        %get3A_453 = arith.index_cast %scan3A_398 : i32 to index
        %get3A_454 = arith.constant 96 : index
        %get3A_455 = tpu.vector_load %arg19[%get3A_453, %get3A_454] {strides = array<i32>} : memref<64x128xf32, #tpu.memory_space<vmem>>, vector<1x16xf32>,
        %get3A_456 = vector.shape_cast %get3A_455 : vector<1x16xf32> to vector<16xf32>
        %swap3A_457 = arith.index_cast %scan3A_398 : i32 to index
        %swap3A_458 = arith.constant 96 : index
        %swap3A_459 = tpu.vector_load %arg14[%swap3A_457, %swap3A_458] {strides = array<i32>} : memref<64x128xf32, #tpu.memory_space<vmem>>, vector<1x16xf32>,
        %swap3A_460 = vector.shape_cast %swap3A_459 : vector<1x16xf32> to vector<16xf32>
        %swap3A_461 = vector.shape_cast %get3A_456 : vector<16xf32> to vector<1x16xf32>
        tpu.vector_store %arg14[%swap3A_457, %swap3A_458], %swap3A_461 {add = true, strides = array<i32>} : memref<64x128xf32, #tpu.memory_space<vmem>>, vector<1x16xf32>,
        %get3A_462 = arith.index_cast %scan3A_398 : i32 to index
        %get3A_463 = arith.constant 112 : index
        %get3A_464 = tpu.vector_load %arg19[%get3A_462, %get3A_463] {strides = array<i32>} : memref<64x128xf32, #tpu.memory_space<vmem>>, vector<1x16xf32>,
        %get3A_465 = vector.shape_cast %get3A_464 : vector<1x16xf32> to vector<16xf32>
        %swap3A_466 = arith.index_cast %scan3A_398 : i32 to index
        %swap3A_467 = arith.constant 112 : index
        %swap3A_468 = tpu.vector_load %arg14[%swap3A_466, %swap3A_467] {strides = array<i32>} : memref<64x128xf32, #tpu.memory_space<vmem>>, vector<1x16xf32>,
        %swap3A_469 = vector.shape_cast %swap3A_468 : vector<1x16xf32> to vector<16xf32>
        %swap3A_470 = vector.shape_cast %get3A_465 : vector<16xf32> to vector<1x16xf32>
        tpu.vector_store %arg14[%swap3A_466, %swap3A_467], %swap3A_470 {add = true, strides = array<i32>} : memref<64x128xf32, #tpu.memory_space<vmem>>, vector<1x16xf32>,
        %scan3A_471 = arith.constant 3 : i32
        %scan3A_472 = arith.addi %scan3A_252, %scan3A_471 : i32
        %get3A_473 = arith.index_cast %scan3A_472 : i32 to index
        %get3A_474 = arith.constant 0 : index
        %get3A_475 = tpu.vector_load %arg19[%get3A_473, %get3A_474] {strides = array<i32>} : memref<64x128xf32, #tpu.memory_space<vmem>>, vector<1x16xf32>,
        %get3A_476 = vector.shape_cast %get3A_475 : vector<1x16xf32> to vector<16xf32>
        %swap3A_477 = arith.index_cast %scan3A_472 : i32 to index
        %swap3A_478 = arith.constant 0 : index
        %swap3A_479 = tpu.vector_load %arg14[%swap3A_477, %swap3A_478] {strides = array<i32>} : memref<64x128xf32, #tpu.memory_space<vmem>>, vector<1x16xf32>,
        %swap3A_480 = vector.shape_cast %swap3A_479 : vector<1x16xf32> to vector<16xf32>
        %swap3A_481 = vector.shape_cast %get3A_476 : vector<16xf32> to vector<1x16xf32>
        tpu.vector_store %arg14[%swap3A_477, %swap3A_478], %swap3A_481 {add = true, strides = array<i32>} : memref<64x128xf32, #tpu.memory_space<vmem>>, vector<1x16xf32>,
        %get3A_482 = arith.index_cast %scan3A_472 : i32 to index
        %get3A_483 = arith.constant 16 : index
        %get3A_484 = tpu.vector_load %arg19[%get3A_482, %get3A_483] {strides = array<i32>} : memref<64x128xf32, #tpu.memory_space<vmem>>, vector<1x16xf32>,
        %get3A_485 = vector.shape_cast %get3A_484 : vector<1x16xf32> to vector<16xf32>
        %swap3A_486 = arith.index_cast %scan3A_472 : i32 to index
        %swap3A_487 = arith.constant 16 : index
        %swap3A_488 = tpu.vector_load %arg14[%swap3A_486, %swap3A_487] {strides = array<i32>} : memref<64x128xf32, #tpu.memory_space<vmem>>, vector<1x16xf32>,
        %swap3A_489 = vector.shape_cast %swap3A_488 : vector<1x16xf32> to vector<16xf32>
        %swap3A_490 = vector.shape_cast %get3A_485 : vector<16xf32> to vector<1x16xf32>
        tpu.vector_store %arg14[%swap3A_486, %swap3A_487], %swap3A_490 {add = true, strides = array<i32>} : memref<64x128xf32, #tpu.memory_space<vmem>>, vector<1x16xf32>,
        %get3A_491 = arith.index_cast %scan3A_472 : i32 to index
        %get3A_492 = arith.constant 32 : index
        %get3A_493 = tpu.vector_load %arg19[%get3A_491, %get3A_492] {strides = array<i32>} : memref<64x128xf32, #tpu.memory_space<vmem>>, vector<1x16xf32>,
        %get3A_494 = vector.shape_cast %get3A_493 : vector<1x16xf32> to vector<16xf32>
        %swap3A_495 = arith.index_cast %scan3A_472 : i32 to index
        %swap3A_496 = arith.constant 32 : index
        %swap3A_497 = tpu.vector_load %arg14[%swap3A_495, %swap3A_496] {strides = array<i32>} : memref<64x128xf32, #tpu.memory_space<vmem>>, vector<1x16xf32>,
        %swap3A_498 = vector.shape_cast %swap3A_497 : vector<1x16xf32> to vector<16xf32>
        %swap3A_499 = vector.shape_cast %get3A_494 : vector<16xf32> to vector<1x16xf32>
        tpu.vector_store %arg14[%swap3A_495, %swap3A_496], %swap3A_499 {add = true, strides = array<i32>} : memref<64x128xf32, #tpu.memory_space<vmem>>, vector<1x16xf32>,
        %get3A_500 = arith.index_cast %scan3A_472 : i32 to index
        %get3A_501 = arith.constant 48 : index
        %get3A_502 = tpu.vector_load %arg19[%get3A_500, %get3A_501] {strides = array<i32>} : memref<64x128xf32, #tpu.memory_space<vmem>>, vector<1x16xf32>,
        %get3A_503 = vector.shape_cast %get3A_502 : vector<1x16xf32> to vector<16xf32>
        %swap3A_504 = arith.index_cast %scan3A_472 : i32 to index
        %swap3A_505 = arith.constant 48 : index
        %swap3A_506 = tpu.vector_load %arg14[%swap3A_504, %swap3A_505] {strides = array<i32>} : memref<64x128xf32, #tpu.memory_space<vmem>>, vector<1x16xf32>,
        %swap3A_507 = vector.shape_cast %swap3A_506 : vector<1x16xf32> to vector<16xf32>
        %swap3A_508 = vector.shape_cast %get3A_503 : vector<16xf32> to vector<1x16xf32>
        tpu.vector_store %arg14[%swap3A_504, %swap3A_505], %swap3A_508 {add = true, strides = array<i32>} : memref<64x128xf32, #tpu.memory_space<vmem>>, vector<1x16xf32>,
        %get3A_509 = arith.index_cast %scan3A_472 : i32 to index
        %get3A_510 = arith.constant 64 : index
        %get3A_511 = tpu.vector_load %arg19[%get3A_509, %get3A_510] {strides = array<i32>} : memref<64x128xf32, #tpu.memory_space<vmem>>, vector<1x16xf32>,
        %get3A_512 = vector.shape_cast %get3A_511 : vector<1x16xf32> to vector<16xf32>
        %swap3A_513 = arith.index_cast %scan3A_472 : i32 to index
        %swap3A_514 = arith.constant 64 : index
        %swap3A_515 = tpu.vector_load %arg14[%swap3A_513, %swap3A_514] {strides = array<i32>} : memref<64x128xf32, #tpu.memory_space<vmem>>, vector<1x16xf32>,
        %swap3A_516 = vector.shape_cast %swap3A_515 : vector<1x16xf32> to vector<16xf32>
        %swap3A_517 = vector.shape_cast %get3A_512 : vector<16xf32> to vector<1x16xf32>
        tpu.vector_store %arg14[%swap3A_513, %swap3A_514], %swap3A_517 {add = true, strides = array<i32>} : memref<64x128xf32, #tpu.memory_space<vmem>>, vector<1x16xf32>,
        %get3A_518 = arith.index_cast %scan3A_472 : i32 to index
        %get3A_519 = arith.constant 80 : index
        %get3A_520 = tpu.vector_load %arg19[%get3A_518, %get3A_519] {strides = array<i32>} : memref<64x128xf32, #tpu.memory_space<vmem>>, vector<1x16xf32>,
        %get3A_521 = vector.shape_cast %get3A_520 : vector<1x16xf32> to vector<16xf32>
        %swap3A_522 = arith.index_cast %scan3A_472 : i32 to index
        %swap3A_523 = arith.constant 80 : index
        %swap3A_524 = tpu.vector_load %arg14[%swap3A_522, %swap3A_523] {strides = array<i32>} : memref<64x128xf32, #tpu.memory_space<vmem>>, vector<1x16xf32>,
        %swap3A_525 = vector.shape_cast %swap3A_524 : vector<1x16xf32> to vector<16xf32>
        %swap3A_526 = vector.shape_cast %get3A_521 : vector<16xf32> to vector<1x16xf32>
        tpu.vector_store %arg14[%swap3A_522, %swap3A_523], %swap3A_526 {add = true, strides = array<i32>} : memref<64x128xf32, #tpu.memory_space<vmem>>, vector<1x16xf32>,
        %get3A_527 = arith.index_cast %scan3A_472 : i32 to index
        %get3A_528 = arith.constant 96 : index
        %get3A_529 = tpu.vector_load %arg19[%get3A_527, %get3A_528] {strides = array<i32>} : memref<64x128xf32, #tpu.memory_space<vmem>>, vector<1x16xf32>,
        %get3A_530 = vector.shape_cast %get3A_529 : vector<1x16xf32> to vector<16xf32>
        %swap3A_531 = arith.index_cast %scan3A_472 : i32 to index
        %swap3A_532 = arith.constant 96 : index
        %swap3A_533 = tpu.vector_load %arg14[%swap3A_531, %swap3A_532] {strides = array<i32>} : memref<64x128xf32, #tpu.memory_space<vmem>>, vector<1x16xf32>,
        %swap3A_534 = vector.shape_cast %swap3A_533 : vector<1x16xf32> to vector<16xf32>
        %swap3A_535 = vector.shape_cast %get3A_530 : vector<16xf32> to vector<1x16xf32>
        tpu.vector_store %arg14[%swap3A_531, %swap3A_532], %swap3A_535 {add = true, strides = array<i32>} : memref<64x128xf32, #tpu.memory_space<vmem>>, vector<1x16xf32>,
        %get3A_536 = arith.index_cast %scan3A_472 : i32 to index
        %get3A_537 = arith.constant 112 : index
        %get3A_538 = tpu.vector_load %arg19[%get3A_536, %get3A_537] {strides = array<i32>} : memref<64x128xf32, #tpu.memory_space<vmem>>, vector<1x16xf32>,
        %get3A_539 = vector.shape_cast %get3A_538 : vector<1x16xf32> to vector<16xf32>
        %swap3A_540 = arith.index_cast %scan3A_472 : i32 to index
        %swap3A_541 = arith.constant 112 : index
        %swap3A_542 = tpu.vector_load %arg14[%swap3A_540, %swap3A_541] {strides = array<i32>} : memref<64x128xf32, #tpu.memory_space<vmem>>, vector<1x16xf32>,
        %swap3A_543 = vector.shape_cast %swap3A_542 : vector<1x16xf32> to vector<16xf32>
        %swap3A_544 = vector.shape_cast %get3A_539 : vector<16xf32> to vector<1x16xf32>
        tpu.vector_store %arg14[%swap3A_540, %swap3A_541], %swap3A_544 {add = true, strides = array<i32>} : memref<64x128xf32, #tpu.memory_space<vmem>>, vector<1x16xf32>,
        %scan3A_545 = arith.constant 4 : i32
        %scan3A_546 = arith.addi %scan3A_252, %scan3A_545 : i32
        %get3A_547 = arith.index_cast %scan3A_546 : i32 to index
        %get3A_548 = arith.constant 0 : index
        %get3A_549 = tpu.vector_load %arg19[%get3A_547, %get3A_548] {strides = array<i32>} : memref<64x128xf32, #tpu.memory_space<vmem>>, vector<1x16xf32>,
        %get3A_550 = vector.shape_cast %get3A_549 : vector<1x16xf32> to vector<16xf32>
        %swap3A_551 = arith.index_cast %scan3A_546 : i32 to index
        %swap3A_552 = arith.constant 0 : index
        %swap3A_553 = tpu.vector_load %arg14[%swap3A_551, %swap3A_552] {strides = array<i32>} : memref<64x128xf32, #tpu.memory_space<vmem>>, vector<1x16xf32>,
        %swap3A_554 = vector.shape_cast %swap3A_553 : vector<1x16xf32> to vector<16xf32>
        %swap3A_555 = vector.shape_cast %get3A_550 : vector<16xf32> to vector<1x16xf32>
        tpu.vector_store %arg14[%swap3A_551, %swap3A_552], %swap3A_555 {add = true, strides = array<i32>} : memref<64x128xf32, #tpu.memory_space<vmem>>, vector<1x16xf32>,
        %get3A_556 = arith.index_cast %scan3A_546 : i32 to index
        %get3A_557 = arith.constant 16 : index
        %get3A_558 = tpu.vector_load %arg19[%get3A_556, %get3A_557] {strides = array<i32>} : memref<64x128xf32, #tpu.memory_space<vmem>>, vector<1x16xf32>,
        %get3A_559 = vector.shape_cast %get3A_558 : vector<1x16xf32> to vector<16xf32>
        %swap3A_560 = arith.index_cast %scan3A_546 : i32 to index
        %swap3A_561 = arith.constant 16 : index
        %swap3A_562 = tpu.vector_load %arg14[%swap3A_560, %swap3A_561] {strides = array<i32>} : memref<64x128xf32, #tpu.memory_space<vmem>>, vector<1x16xf32>,
        %swap3A_563 = vector.shape_cast %swap3A_562 : vector<1x16xf32> to vector<16xf32>
        %swap3A_564 = vector.shape_cast %get3A_559 : vector<16xf32> to vector<1x16xf32>
        tpu.vector_store %arg14[%swap3A_560, %swap3A_561], %swap3A_564 {add = true, strides = array<i32>} : memref<64x128xf32, #tpu.memory_space<vmem>>, vector<1x16xf32>,
        %get3A_565 = arith.index_cast %scan3A_546 : i32 to index
        %get3A_566 = arith.constant 32 : index
        %get3A_567 = tpu.vector_load %arg19[%get3A_565, %get3A_566] {strides = array<i32>} : memref<64x128xf32, #tpu.memory_space<vmem>>, vector<1x16xf32>,
        %get3A_568 = vector.shape_cast %get3A_567 : vector<1x16xf32> to vector<16xf32>
        %swap3A_569 = arith.index_cast %scan3A_546 : i32 to index
        %swap3A_570 = arith.constant 32 : index
        %swap3A_571 = tpu.vector_load %arg14[%swap3A_569, %swap3A_570] {strides = array<i32>} : memref<64x128xf32, #tpu.memory_space<vmem>>, vector<1x16xf32>,
        %swap3A_572 = vector.shape_cast %swap3A_571 : vector<1x16xf32> to vector<16xf32>
        %swap3A_573 = vector.shape_cast %get3A_568 : vector<16xf32> to vector<1x16xf32>
        tpu.vector_store %arg14[%swap3A_569, %swap3A_570], %swap3A_573 {add = true, strides = array<i32>} : memref<64x128xf32, #tpu.memory_space<vmem>>, vector<1x16xf32>,
        %get3A_574 = arith.index_cast %scan3A_546 : i32 to index
        %get3A_575 = arith.constant 48 : index
        %get3A_576 = tpu.vector_load %arg19[%get3A_574, %get3A_575] {strides = array<i32>} : memref<64x128xf32, #tpu.memory_space<vmem>>, vector<1x16xf32>,
        %get3A_577 = vector.shape_cast %get3A_576 : vector<1x16xf32> to vector<16xf32>
        %swap3A_578 = arith.index_cast %scan3A_546 : i32 to index
        %swap3A_579 = arith.constant 48 : index
        %swap3A_580 = tpu.vector_load %arg14[%swap3A_578, %swap3A_579] {strides = array<i32>} : memref<64x128xf32, #tpu.memory_space<vmem>>, vector<1x16xf32>,
        %swap3A_581 = vector.shape_cast %swap3A_580 : vector<1x16xf32> to vector<16xf32>
        %swap3A_582 = vector.shape_cast %get3A_577 : vector<16xf32> to vector<1x16xf32>
        tpu.vector_store %arg14[%swap3A_578, %swap3A_579], %swap3A_582 {add = true, strides = array<i32>} : memref<64x128xf32, #tpu.memory_space<vmem>>, vector<1x16xf32>,
        %get3A_583 = arith.index_cast %scan3A_546 : i32 to index
        %get3A_584 = arith.constant 64 : index
        %get3A_585 = tpu.vector_load %arg19[%get3A_583, %get3A_584] {strides = array<i32>} : memref<64x128xf32, #tpu.memory_space<vmem>>, vector<1x16xf32>,
        %get3A_586 = vector.shape_cast %get3A_585 : vector<1x16xf32> to vector<16xf32>
        %swap3A_587 = arith.index_cast %scan3A_546 : i32 to index
        %swap3A_588 = arith.constant 64 : index
        %swap3A_589 = tpu.vector_load %arg14[%swap3A_587, %swap3A_588] {strides = array<i32>} : memref<64x128xf32, #tpu.memory_space<vmem>>, vector<1x16xf32>,
        %swap3A_590 = vector.shape_cast %swap3A_589 : vector<1x16xf32> to vector<16xf32>
        %swap3A_591 = vector.shape_cast %get3A_586 : vector<16xf32> to vector<1x16xf32>
        tpu.vector_store %arg14[%swap3A_587, %swap3A_588], %swap3A_591 {add = true, strides = array<i32>} : memref<64x128xf32, #tpu.memory_space<vmem>>, vector<1x16xf32>,
        %get3A_592 = arith.index_cast %scan3A_546 : i32 to index
        %get3A_593 = arith.constant 80 : index
        %get3A_594 = tpu.vector_load %arg19[%get3A_592, %get3A_593] {strides = array<i32>} : memref<64x128xf32, #tpu.memory_space<vmem>>, vector<1x16xf32>,
        %get3A_595 = vector.shape_cast %get3A_594 : vector<1x16xf32> to vector<16xf32>
        %swap3A_596 = arith.index_cast %scan3A_546 : i32 to index
        %swap3A_597 = arith.constant 80 : index
        %swap3A_598 = tpu.vector_load %arg14[%swap3A_596, %swap3A_597] {strides = array<i32>} : memref<64x128xf32, #tpu.memory_space<vmem>>, vector<1x16xf32>,
        %swap3A_599 = vector.shape_cast %swap3A_598 : vector<1x16xf32> to vector<16xf32>
        %swap3A_600 = vector.shape_cast %get3A_595 : vector<16xf32> to vector<1x16xf32>
        tpu.vector_store %arg14[%swap3A_596, %swap3A_597], %swap3A_600 {add = true, strides = array<i32>} : memref<64x128xf32, #tpu.memory_space<vmem>>, vector<1x16xf32>,
        %get3A_601 = arith.index_cast %scan3A_546 : i32 to index
        %get3A_602 = arith.constant 96 : index
        %get3A_603 = tpu.vector_load %arg19[%get3A_601, %get3A_602] {strides = array<i32>} : memref<64x128xf32, #tpu.memory_space<vmem>>, vector<1x16xf32>,
        %get3A_604 = vector.shape_cast %get3A_603 : vector<1x16xf32> to vector<16xf32>
        %swap3A_605 = arith.index_cast %scan3A_546 : i32 to index
        %swap3A_606 = arith.constant 96 : index
        %swap3A_607 = tpu.vector_load %arg14[%swap3A_605, %swap3A_606] {strides = array<i32>} : memref<64x128xf32, #tpu.memory_space<vmem>>, vector<1x16xf32>,
        %swap3A_608 = vector.shape_cast %swap3A_607 : vector<1x16xf32> to vector<16xf32>
        %swap3A_609 = vector.shape_cast %get3A_604 : vector<16xf32> to vector<1x16xf32>
        tpu.vector_store %arg14[%swap3A_605, %swap3A_606], %swap3A_609 {add = true, strides = array<i32>} : memref<64x128xf32, #tpu.memory_space<vmem>>, vector<1x16xf32>,
        %get3A_610 = arith.index_cast %scan3A_546 : i32 to index
        %get3A_611 = arith.constant 112 : index
        %get3A_612 = tpu.vector_load %arg19[%get3A_610, %get3A_611] {strides = array<i32>} : memref<64x128xf32, #tpu.memory_space<vmem>>, vector<1x16xf32>,
        %get3A_613 = vector.shape_cast %get3A_612 : vector<1x16xf32> to vector<16xf32>
        %swap3A_614 = arith.index_cast %scan3A_546 : i32 to index
        %swap3A_615 = arith.constant 112 : index
        %swap3A_616 = tpu.vector_load %arg14[%swap3A_614, %swap3A_615] {strides = array<i32>} : memref<64x128xf32, #tpu.memory_space<vmem>>, vector<1x16xf32>,
        %swap3A_617 = vector.shape_cast %swap3A_616 : vector<1x16xf32> to vector<16xf32>
        %swap3A_618 = vector.shape_cast %get3A_613 : vector<16xf32> to vector<1x16xf32>
        tpu.vector_store %arg14[%swap3A_614, %swap3A_615], %swap3A_618 {add = true, strides = array<i32>} : memref<64x128xf32, #tpu.memory_space<vmem>>, vector<1x16xf32>,
        %scan3A_619 = arith.constant 5 : i32
        %scan3A_620 = arith.addi %scan3A_252, %scan3A_619 : i32
        %get3A_621 = arith.index_cast %scan3A_620 : i32 to index
        %get3A_622 = arith.constant 0 : index
        %get3A_623 = tpu.vector_load %arg19[%get3A_621, %get3A_622] {strides = array<i32>} : memref<64x128xf32, #tpu.memory_space<vmem>>, vector<1x16xf32>,
        %get3A_624 = vector.shape_cast %get3A_623 : vector<1x16xf32> to vector<16xf32>
        %swap3A_625 = arith.index_cast %scan3A_620 : i32 to index
        %swap3A_626 = arith.constant 0 : index
        %swap3A_627 = tpu.vector_load %arg14[%swap3A_625, %swap3A_626] {strides = array<i32>} : memref<64x128xf32, #tpu.memory_space<vmem>>, vector<1x16xf32>,
        %swap3A_628 = vector.shape_cast %swap3A_627 : vector<1x16xf32> to vector<16xf32>
        %swap3A_629 = vector.shape_cast %get3A_624 : vector<16xf32> to vector<1x16xf32>
        tpu.vector_store %arg14[%swap3A_625, %swap3A_626], %swap3A_629 {add = true, strides = array<i32>} : memref<64x128xf32, #tpu.memory_space<vmem>>, vector<1x16xf32>,
        %get3A_630 = arith.index_cast %scan3A_620 : i32 to index
        %get3A_631 = arith.constant 16 : index
        %get3A_632 = tpu.vector_load %arg19[%get3A_630, %get3A_631] {strides = array<i32>} : memref<64x128xf32, #tpu.memory_space<vmem>>, vector<1x16xf32>,
        %get3A_633 = vector.shape_cast %get3A_632 : vector<1x16xf32> to vector<16xf32>
        %swap3A_634 = arith.index_cast %scan3A_620 : i32 to index
        %swap3A_635 = arith.constant 16 : index
        %swap3A_636 = tpu.vector_load %arg14[%swap3A_634, %swap3A_635] {strides = array<i32>} : memref<64x128xf32, #tpu.memory_space<vmem>>, vector<1x16xf32>,
        %swap3A_637 = vector.shape_cast %swap3A_636 : vector<1x16xf32> to vector<16xf32>
        %swap3A_638 = vector.shape_cast %get3A_633 : vector<16xf32> to vector<1x16xf32>
        tpu.vector_store %arg14[%swap3A_634, %swap3A_635], %swap3A_638 {add = true, strides = array<i32>} : memref<64x128xf32, #tpu.memory_space<vmem>>, vector<1x16xf32>,
        %get3A_639 = arith.index_cast %scan3A_620 : i32 to index
        %get3A_640 = arith.constant 32 : index
        %get3A_641 = tpu.vector_load %arg19[%get3A_639, %get3A_640] {strides = array<i32>} : memref<64x128xf32, #tpu.memory_space<vmem>>, vector<1x16xf32>,
        %get3A_642 = vector.shape_cast %get3A_641 : vector<1x16xf32> to vector<16xf32>
        %swap3A_643 = arith.index_cast %scan3A_620 : i32 to index
        %swap3A_644 = arith.constant 32 : index
        %swap3A_645 = tpu.vector_load %arg14[%swap3A_643, %swap3A_644] {strides = array<i32>} : memref<64x128xf32, #tpu.memory_space<vmem>>, vector<1x16xf32>,
        %swap3A_646 = vector.shape_cast %swap3A_645 : vector<1x16xf32> to vector<16xf32>
        %swap3A_647 = vector.shape_cast %get3A_642 : vector<16xf32> to vector<1x16xf32>
        tpu.vector_store %arg14[%swap3A_643, %swap3A_644], %swap3A_647 {add = true, strides = array<i32>} : memref<64x128xf32, #tpu.memory_space<vmem>>, vector<1x16xf32>,
        %get3A_648 = arith.index_cast %scan3A_620 : i32 to index
        %get3A_649 = arith.constant 48 : index
        %get3A_650 = tpu.vector_load %arg19[%get3A_648, %get3A_649] {strides = array<i32>} : memref<64x128xf32, #tpu.memory_space<vmem>>, vector<1x16xf32>,
        %get3A_651 = vector.shape_cast %get3A_650 : vector<1x16xf32> to vector<16xf32>
        %swap3A_652 = arith.index_cast %scan3A_620 : i32 to index
        %swap3A_653 = arith.constant 48 : index
        %swap3A_654 = tpu.vector_load %arg14[%swap3A_652, %swap3A_653] {strides = array<i32>} : memref<64x128xf32, #tpu.memory_space<vmem>>, vector<1x16xf32>,
        %swap3A_655 = vector.shape_cast %swap3A_654 : vector<1x16xf32> to vector<16xf32>
        %swap3A_656 = vector.shape_cast %get3A_651 : vector<16xf32> to vector<1x16xf32>
        tpu.vector_store %arg14[%swap3A_652, %swap3A_653], %swap3A_656 {add = true, strides = array<i32>} : memref<64x128xf32, #tpu.memory_space<vmem>>, vector<1x16xf32>,
        %get3A_657 = arith.index_cast %scan3A_620 : i32 to index
        %get3A_658 = arith.constant 64 : index
        %get3A_659 = tpu.vector_load %arg19[%get3A_657, %get3A_658] {strides = array<i32>} : memref<64x128xf32, #tpu.memory_space<vmem>>, vector<1x16xf32>,
        %get3A_660 = vector.shape_cast %get3A_659 : vector<1x16xf32> to vector<16xf32>
        %swap3A_661 = arith.index_cast %scan3A_620 : i32 to index
        %swap3A_662 = arith.constant 64 : index
        %swap3A_663 = tpu.vector_load %arg14[%swap3A_661, %swap3A_662] {strides = array<i32>} : memref<64x128xf32, #tpu.memory_space<vmem>>, vector<1x16xf32>,
        %swap3A_664 = vector.shape_cast %swap3A_663 : vector<1x16xf32> to vector<16xf32>
        %swap3A_665 = vector.shape_cast %get3A_660 : vector<16xf32> to vector<1x16xf32>
        tpu.vector_store %arg14[%swap3A_661, %swap3A_662], %swap3A_665 {add = true, strides = array<i32>} : memref<64x128xf32, #tpu.memory_space<vmem>>, vector<1x16xf32>,
        %get3A_666 = arith.index_cast %scan3A_620 : i32 to index
        %get3A_667 = arith.constant 80 : index
        %get3A_668 = tpu.vector_load %arg19[%get3A_666, %get3A_667] {strides = array<i32>} : memref<64x128xf32, #tpu.memory_space<vmem>>, vector<1x16xf32>,
        %get3A_669 = vector.shape_cast %get3A_668 : vector<1x16xf32> to vector<16xf32>
        %swap3A_670 = arith.index_cast %scan3A_620 : i32 to index
        %swap3A_671 = arith.constant 80 : index
        %swap3A_672 = tpu.vector_load %arg14[%swap3A_670, %swap3A_671] {strides = array<i32>} : memref<64x128xf32, #tpu.memory_space<vmem>>, vector<1x16xf32>,
        %swap3A_673 = vector.shape_cast %swap3A_672 : vector<1x16xf32> to vector<16xf32>
        %swap3A_674 = vector.shape_cast %get3A_669 : vector<16xf32> to vector<1x16xf32>
        tpu.vector_store %arg14[%swap3A_670, %swap3A_671], %swap3A_674 {add = true, strides = array<i32>} : memref<64x128xf32, #tpu.memory_space<vmem>>, vector<1x16xf32>,
        %get3A_675 = arith.index_cast %scan3A_620 : i32 to index
        %get3A_676 = arith.constant 96 : index
        %get3A_677 = tpu.vector_load %arg19[%get3A_675, %get3A_676] {strides = array<i32>} : memref<64x128xf32, #tpu.memory_space<vmem>>, vector<1x16xf32>,
        %get3A_678 = vector.shape_cast %get3A_677 : vector<1x16xf32> to vector<16xf32>
        %swap3A_679 = arith.index_cast %scan3A_620 : i32 to index
        %swap3A_680 = arith.constant 96 : index
        %swap3A_681 = tpu.vector_load %arg14[%swap3A_679, %swap3A_680] {strides = array<i32>} : memref<64x128xf32, #tpu.memory_space<vmem>>, vector<1x16xf32>,
        %swap3A_682 = vector.shape_cast %swap3A_681 : vector<1x16xf32> to vector<16xf32>
        %swap3A_683 = vector.shape_cast %get3A_678 : vector<16xf32> to vector<1x16xf32>
        tpu.vector_store %arg14[%swap3A_679, %swap3A_680], %swap3A_683 {add = true, strides = array<i32>} : memref<64x128xf32, #tpu.memory_space<vmem>>, vector<1x16xf32>,
        %get3A_684 = arith.index_cast %scan3A_620 : i32 to index
        %get3A_685 = arith.constant 112 : index
        %get3A_686 = tpu.vector_load %arg19[%get3A_684, %get3A_685] {strides = array<i32>} : memref<64x128xf32, #tpu.memory_space<vmem>>, vector<1x16xf32>,
        %get3A_687 = vector.shape_cast %get3A_686 : vector<1x16xf32> to vector<16xf32>
        %swap3A_688 = arith.index_cast %scan3A_620 : i32 to index
        %swap3A_689 = arith.constant 112 : index
        %swap3A_690 = tpu.vector_load %arg14[%swap3A_688, %swap3A_689] {strides = array<i32>} : memref<64x128xf32, #tpu.memory_space<vmem>>, vector<1x16xf32>,
        %swap3A_691 = vector.shape_cast %swap3A_690 : vector<1x16xf32> to vector<16xf32>
        %swap3A_692 = vector.shape_cast %get3A_687 : vector<16xf32> to vector<1x16xf32>
        tpu.vector_store %arg14[%swap3A_688, %swap3A_689], %swap3A_692 {add = true, strides = array<i32>} : memref<64x128xf32, #tpu.memory_space<vmem>>, vector<1x16xf32>,
        %scan3A_693 = arith.constant 6 : i32
        %scan3A_694 = arith.addi %scan3A_252, %scan3A_693 : i32
        %get3A_695 = arith.index_cast %scan3A_694 : i32 to index
        %get3A_696 = arith.constant 0 : index
        %get3A_697 = tpu.vector_load %arg19[%get3A_695, %get3A_696] {strides = array<i32>} : memref<64x128xf32, #tpu.memory_space<vmem>>, vector<1x16xf32>,
        %get3A_698 = vector.shape_cast %get3A_697 : vector<1x16xf32> to vector<16xf32>
        %swap3A_699 = arith.index_cast %scan3A_694 : i32 to index
        %swap3A_700 = arith.constant 0 : index
        %swap3A_701 = tpu.vector_load %arg14[%swap3A_699, %swap3A_700] {strides = array<i32>} : memref<64x128xf32, #tpu.memory_space<vmem>>, vector<1x16xf32>,
        %swap3A_702 = vector.shape_cast %swap3A_701 : vector<1x16xf32> to vector<16xf32>
        %swap3A_703 = vector.shape_cast %get3A_698 : vector<16xf32> to vector<1x16xf32>
        tpu.vector_store %arg14[%swap3A_699, %swap3A_700], %swap3A_703 {add = true, strides = array<i32>} : memref<64x128xf32, #tpu.memory_space<vmem>>, vector<1x16xf32>,
        %get3A_704 = arith.index_cast %scan3A_694 : i32 to index
        %get3A_705 = arith.constant 16 : index
        %get3A_706 = tpu.vector_load %arg19[%get3A_704, %get3A_705] {strides = array<i32>} : memref<64x128xf32, #tpu.memory_space<vmem>>, vector<1x16xf32>,
        %get3A_707 = vector.shape_cast %get3A_706 : vector<1x16xf32> to vector<16xf32>
        %swap3A_708 = arith.index_cast %scan3A_694 : i32 to index
        %swap3A_709 = arith.constant 16 : index
        %swap3A_710 = tpu.vector_load %arg14[%swap3A_708, %swap3A_709] {strides = array<i32>} : memref<64x128xf32, #tpu.memory_space<vmem>>, vector<1x16xf32>,
        %swap3A_711 = vector.shape_cast %swap3A_710 : vector<1x16xf32> to vector<16xf32>
        %swap3A_712 = vector.shape_cast %get3A_707 : vector<16xf32> to vector<1x16xf32>
        tpu.vector_store %arg14[%swap3A_708, %swap3A_709], %swap3A_712 {add = true, strides = array<i32>} : memref<64x128xf32, #tpu.memory_space<vmem>>, vector<1x16xf32>,
        %get3A_713 = arith.index_cast %scan3A_694 : i32 to index
        %get3A_714 = arith.constant 32 : index
        %get3A_715 = tpu.vector_load %arg19[%get3A_713, %get3A_714] {strides = array<i32>} : memref<64x128xf32, #tpu.memory_space<vmem>>, vector<1x16xf32>,
        %get3A_716 = vector.shape_cast %get3A_715 : vector<1x16xf32> to vector<16xf32>
        %swap3A_717 = arith.index_cast %scan3A_694 : i32 to index
        %swap3A_718 = arith.constant 32 : index
        %swap3A_719 = tpu.vector_load %arg14[%swap3A_717, %swap3A_718] {strides = array<i32>} : memref<64x128xf32, #tpu.memory_space<vmem>>, vector<1x16xf32>,
        %swap3A_720 = vector.shape_cast %swap3A_719 : vector<1x16xf32> to vector<16xf32>
        %swap3A_721 = vector.shape_cast %get3A_716 : vector<16xf32> to vector<1x16xf32>
        tpu.vector_store %arg14[%swap3A_717, %swap3A_718], %swap3A_721 {add = true, strides = array<i32>} : memref<64x128xf32, #tpu.memory_space<vmem>>, vector<1x16xf32>,
        %get3A_722 = arith.index_cast %scan3A_694 : i32 to index
        %get3A_723 = arith.constant 48 : index
        %get3A_724 = tpu.vector_load %arg19[%get3A_722, %get3A_723] {strides = array<i32>} : memref<64x128xf32, #tpu.memory_space<vmem>>, vector<1x16xf32>,
        %get3A_725 = vector.shape_cast %get3A_724 : vector<1x16xf32> to vector<16xf32>
        %swap3A_726 = arith.index_cast %scan3A_694 : i32 to index
        %swap3A_727 = arith.constant 48 : index
        %swap3A_728 = tpu.vector_load %arg14[%swap3A_726, %swap3A_727] {strides = array<i32>} : memref<64x128xf32, #tpu.memory_space<vmem>>, vector<1x16xf32>,
        %swap3A_729 = vector.shape_cast %swap3A_728 : vector<1x16xf32> to vector<16xf32>
        %swap3A_730 = vector.shape_cast %get3A_725 : vector<16xf32> to vector<1x16xf32>
        tpu.vector_store %arg14[%swap3A_726, %swap3A_727], %swap3A_730 {add = true, strides = array<i32>} : memref<64x128xf32, #tpu.memory_space<vmem>>, vector<1x16xf32>,
        %get3A_731 = arith.index_cast %scan3A_694 : i32 to index
        %get3A_732 = arith.constant 64 : index
        %get3A_733 = tpu.vector_load %arg19[%get3A_731, %get3A_732] {strides = array<i32>} : memref<64x128xf32, #tpu.memory_space<vmem>>, vector<1x16xf32>,
        %get3A_734 = vector.shape_cast %get3A_733 : vector<1x16xf32> to vector<16xf32>
        %swap3A_735 = arith.index_cast %scan3A_694 : i32 to index
        %swap3A_736 = arith.constant 64 : index
        %swap3A_737 = tpu.vector_load %arg14[%swap3A_735, %swap3A_736] {strides = array<i32>} : memref<64x128xf32, #tpu.memory_space<vmem>>, vector<1x16xf32>,
        %swap3A_738 = vector.shape_cast %swap3A_737 : vector<1x16xf32> to vector<16xf32>
        %swap3A_739 = vector.shape_cast %get3A_734 : vector<16xf32> to vector<1x16xf32>
        tpu.vector_store %arg14[%swap3A_735, %swap3A_736], %swap3A_739 {add = true, strides = array<i32>} : memref<64x128xf32, #tpu.memory_space<vmem>>, vector<1x16xf32>,
        %get3A_740 = arith.index_cast %scan3A_694 : i32 to index
        %get3A_741 = arith.constant 80 : index
        %get3A_742 = tpu.vector_load %arg19[%get3A_740, %get3A_741] {strides = array<i32>} : memref<64x128xf32, #tpu.memory_space<vmem>>, vector<1x16xf32>,
        %get3A_743 = vector.shape_cast %get3A_742 : vector<1x16xf32> to vector<16xf32>
        %swap3A_744 = arith.index_cast %scan3A_694 : i32 to index
        %swap3A_745 = arith.constant 80 : index
        %swap3A_746 = tpu.vector_load %arg14[%swap3A_744, %swap3A_745] {strides = array<i32>} : memref<64x128xf32, #tpu.memory_space<vmem>>, vector<1x16xf32>,
        %swap3A_747 = vector.shape_cast %swap3A_746 : vector<1x16xf32> to vector<16xf32>
        %swap3A_748 = vector.shape_cast %get3A_743 : vector<16xf32> to vector<1x16xf32>
        tpu.vector_store %arg14[%swap3A_744, %swap3A_745], %swap3A_748 {add = true, strides = array<i32>} : memref<64x128xf32, #tpu.memory_space<vmem>>, vector<1x16xf32>,
        %get3A_749 = arith.index_cast %scan3A_694 : i32 to index
        %get3A_750 = arith.constant 96 : index
        %get3A_751 = tpu.vector_load %arg19[%get3A_749, %get3A_750] {strides = array<i32>} : memref<64x128xf32, #tpu.memory_space<vmem>>, vector<1x16xf32>,
        %get3A_752 = vector.shape_cast %get3A_751 : vector<1x16xf32> to vector<16xf32>
        %swap3A_753 = arith.index_cast %scan3A_694 : i32 to index
        %swap3A_754 = arith.constant 96 : index
        %swap3A_755 = tpu.vector_load %arg14[%swap3A_753, %swap3A_754] {strides = array<i32>} : memref<64x128xf32, #tpu.memory_space<vmem>>, vector<1x16xf32>,
        %swap3A_756 = vector.shape_cast %swap3A_755 : vector<1x16xf32> to vector<16xf32>
        %swap3A_757 = vector.shape_cast %get3A_752 : vector<16xf32> to vector<1x16xf32>
        tpu.vector_store %arg14[%swap3A_753, %swap3A_754], %swap3A_757 {add = true, strides = array<i32>} : memref<64x128xf32, #tpu.memory_space<vmem>>, vector<1x16xf32>,
        %get3A_758 = arith.index_cast %scan3A_694 : i32 to index
        %get3A_759 = arith.constant 112 : index
        %get3A_760 = tpu.vector_load %arg19[%get3A_758, %get3A_759] {strides = array<i32>} : memref<64x128xf32, #tpu.memory_space<vmem>>, vector<1x16xf32>,
        %get3A_761 = vector.shape_cast %get3A_760 : vector<1x16xf32> to vector<16xf32>
        %swap3A_762 = arith.index_cast %scan3A_694 : i32 to index
        %swap3A_763 = arith.constant 112 : index
        %swap3A_764 = tpu.vector_load %arg14[%swap3A_762, %swap3A_763] {strides = array<i32>} : memref<64x128xf32, #tpu.memory_space<vmem>>, vector<1x16xf32>,
        %swap3A_765 = vector.shape_cast %swap3A_764 : vector<1x16xf32> to vector<16xf32>
        %swap3A_766 = vector.shape_cast %get3A_761 : vector<16xf32> to vector<1x16xf32>
        tpu.vector_store %arg14[%swap3A_762, %swap3A_763], %swap3A_766 {add = true, strides = array<i32>} : memref<64x128xf32, #tpu.memory_space<vmem>>, vector<1x16xf32>,
        %scan3A_767 = arith.constant 7 : i32
        %scan3A_768 = arith.addi %scan3A_252, %scan3A_767 : i32
        %get3A_769 = arith.index_cast %scan3A_768 : i32 to index
        %get3A_770 = arith.constant 0 : index
        %get3A_771 = tpu.vector_load %arg19[%get3A_769, %get3A_770] {strides = array<i32>} : memref<64x128xf32, #tpu.memory_space<vmem>>, vector<1x16xf32>,
        %get3A_772 = vector.shape_cast %get3A_771 : vector<1x16xf32> to vector<16xf32>
        %swap3A_773 = arith.index_cast %scan3A_768 : i32 to index
        %swap3A_774 = arith.constant 0 : index
        %swap3A_775 = tpu.vector_load %arg14[%swap3A_773, %swap3A_774] {strides = array<i32>} : memref<64x128xf32, #tpu.memory_space<vmem>>, vector<1x16xf32>,
        %swap3A_776 = vector.shape_cast %swap3A_775 : vector<1x16xf32> to vector<16xf32>
        %swap3A_777 = vector.shape_cast %get3A_772 : vector<16xf32> to vector<1x16xf32>
        tpu.vector_store %arg14[%swap3A_773, %swap3A_774], %swap3A_777 {add = true, strides = array<i32>} : memref<64x128xf32, #tpu.memory_space<vmem>>, vector<1x16xf32>,
        %get3A_778 = arith.index_cast %scan3A_768 : i32 to index
        %get3A_779 = arith.constant 16 : index
        %get3A_780 = tpu.vector_load %arg19[%get3A_778, %get3A_779] {strides = array<i32>} : memref<64x128xf32, #tpu.memory_space<vmem>>, vector<1x16xf32>,
        %get3A_781 = vector.shape_cast %get3A_780 : vector<1x16xf32> to vector<16xf32>
        %swap3A_782 = arith.index_cast %scan3A_768 : i32 to index
        %swap3A_783 = arith.constant 16 : index
        %swap3A_784 = tpu.vector_load %arg14[%swap3A_782, %swap3A_783] {strides = array<i32>} : memref<64x128xf32, #tpu.memory_space<vmem>>, vector<1x16xf32>,
        %swap3A_785 = vector.shape_cast %swap3A_784 : vector<1x16xf32> to vector<16xf32>
        %swap3A_786 = vector.shape_cast %get3A_781 : vector<16xf32> to vector<1x16xf32>
        tpu.vector_store %arg14[%swap3A_782, %swap3A_783], %swap3A_786 {add = true, strides = array<i32>} : memref<64x128xf32, #tpu.memory_space<vmem>>, vector<1x16xf32>,
        %get3A_787 = arith.index_cast %scan3A_768 : i32 to index
        %get3A_788 = arith.constant 32 : index
        %get3A_789 = tpu.vector_load %arg19[%get3A_787, %get3A_788] {strides = array<i32>} : memref<64x128xf32, #tpu.memory_space<vmem>>, vector<1x16xf32>,
        %get3A_790 = vector.shape_cast %get3A_789 : vector<1x16xf32> to vector<16xf32>
        %swap3A_791 = arith.index_cast %scan3A_768 : i32 to index
        %swap3A_792 = arith.constant 32 : index
        %swap3A_793 = tpu.vector_load %arg14[%swap3A_791, %swap3A_792] {strides = array<i32>} : memref<64x128xf32, #tpu.memory_space<vmem>>, vector<1x16xf32>,
        %swap3A_794 = vector.shape_cast %swap3A_793 : vector<1x16xf32> to vector<16xf32>
        %swap3A_795 = vector.shape_cast %get3A_790 : vector<16xf32> to vector<1x16xf32>
        tpu.vector_store %arg14[%swap3A_791, %swap3A_792], %swap3A_795 {add = true, strides = array<i32>} : memref<64x128xf32, #tpu.memory_space<vmem>>, vector<1x16xf32>,
        %get3A_796 = arith.index_cast %scan3A_768 : i32 to index
        %get3A_797 = arith.constant 48 : index
        %get3A_798 = tpu.vector_load %arg19[%get3A_796, %get3A_797] {strides = array<i32>} : memref<64x128xf32, #tpu.memory_space<vmem>>, vector<1x16xf32>,
        %get3A_799 = vector.shape_cast %get3A_798 : vector<1x16xf32> to vector<16xf32>
        %swap3A_800 = arith.index_cast %scan3A_768 : i32 to index
        %swap3A_801 = arith.constant 48 : index
        %swap3A_802 = tpu.vector_load %arg14[%swap3A_800, %swap3A_801] {strides = array<i32>} : memref<64x128xf32, #tpu.memory_space<vmem>>, vector<1x16xf32>,
        %swap3A_803 = vector.shape_cast %swap3A_802 : vector<1x16xf32> to vector<16xf32>
        %swap3A_804 = vector.shape_cast %get3A_799 : vector<16xf32> to vector<1x16xf32>
        tpu.vector_store %arg14[%swap3A_800, %swap3A_801], %swap3A_804 {add = true, strides = array<i32>} : memref<64x128xf32, #tpu.memory_space<vmem>>, vector<1x16xf32>,
        %get3A_805 = arith.index_cast %scan3A_768 : i32 to index
        %get3A_806 = arith.constant 64 : index
        %get3A_807 = tpu.vector_load %arg19[%get3A_805, %get3A_806] {strides = array<i32>} : memref<64x128xf32, #tpu.memory_space<vmem>>, vector<1x16xf32>,
        %get3A_808 = vector.shape_cast %get3A_807 : vector<1x16xf32> to vector<16xf32>
        %swap3A_809 = arith.index_cast %scan3A_768 : i32 to index
        %swap3A_810 = arith.constant 64 : index
        %swap3A_811 = tpu.vector_load %arg14[%swap3A_809, %swap3A_810] {strides = array<i32>} : memref<64x128xf32, #tpu.memory_space<vmem>>, vector<1x16xf32>,
        %swap3A_812 = vector.shape_cast %swap3A_811 : vector<1x16xf32> to vector<16xf32>
        %swap3A_813 = vector.shape_cast %get3A_808 : vector<16xf32> to vector<1x16xf32>
        tpu.vector_store %arg14[%swap3A_809, %swap3A_810], %swap3A_813 {add = true, strides = array<i32>} : memref<64x128xf32, #tpu.memory_space<vmem>>, vector<1x16xf32>,
        %get3A_814 = arith.index_cast %scan3A_768 : i32 to index
        %get3A_815 = arith.constant 80 : index
        %get3A_816 = tpu.vector_load %arg19[%get3A_814, %get3A_815] {strides = array<i32>} : memref<64x128xf32, #tpu.memory_space<vmem>>, vector<1x16xf32>,
        %get3A_817 = vector.shape_cast %get3A_816 : vector<1x16xf32> to vector<16xf32>
        %swap3A_818 = arith.index_cast %scan3A_768 : i32 to index
        %swap3A_819 = arith.constant 80 : index
        %swap3A_820 = tpu.vector_load %arg14[%swap3A_818, %swap3A_819] {strides = array<i32>} : memref<64x128xf32, #tpu.memory_space<vmem>>, vector<1x16xf32>,
        %swap3A_821 = vector.shape_cast %swap3A_820 : vector<1x16xf32> to vector<16xf32>
        %swap3A_822 = vector.shape_cast %get3A_817 : vector<16xf32> to vector<1x16xf32>
        tpu.vector_store %arg14[%swap3A_818, %swap3A_819], %swap3A_822 {add = true, strides = array<i32>} : memref<64x128xf32, #tpu.memory_space<vmem>>, vector<1x16xf32>,
        %get3A_823 = arith.index_cast %scan3A_768 : i32 to index
        %get3A_824 = arith.constant 96 : index
        %get3A_825 = tpu.vector_load %arg19[%get3A_823, %get3A_824] {strides = array<i32>} : memref<64x128xf32, #tpu.memory_space<vmem>>, vector<1x16xf32>,
        %get3A_826 = vector.shape_cast %get3A_825 : vector<1x16xf32> to vector<16xf32>
        %swap3A_827 = arith.index_cast %scan3A_768 : i32 to index
        %swap3A_828 = arith.constant 96 : index
        %swap3A_829 = tpu.vector_load %arg14[%swap3A_827, %swap3A_828] {strides = array<i32>} : memref<64x128xf32, #tpu.memory_space<vmem>>, vector<1x16xf32>,
        %swap3A_830 = vector.shape_cast %swap3A_829 : vector<1x16xf32> to vector<16xf32>
        %swap3A_831 = vector.shape_cast %get3A_826 : vector<16xf32> to vector<1x16xf32>
        tpu.vector_store %arg14[%swap3A_827, %swap3A_828], %swap3A_831 {add = true, strides = array<i32>} : memref<64x128xf32, #tpu.memory_space<vmem>>, vector<1x16xf32>,
        %get3A_832 = arith.index_cast %scan3A_768 : i32 to index
        %get3A_833 = arith.constant 112 : index
        %get3A_834 = tpu.vector_load %arg19[%get3A_832, %get3A_833] {strides = array<i32>} : memref<64x128xf32, #tpu.memory_space<vmem>>, vector<1x16xf32>,
        %get3A_835 = vector.shape_cast %get3A_834 : vector<1x16xf32> to vector<16xf32>
        %swap3A_836 = arith.index_cast %scan3A_768 : i32 to index
        %swap3A_837 = arith.constant 112 : index
        %swap3A_838 = tpu.vector_load %arg14[%swap3A_836, %swap3A_837] {strides = array<i32>} : memref<64x128xf32, #tpu.memory_space<vmem>>, vector<1x16xf32>,
        %swap3A_839 = vector.shape_cast %swap3A_838 : vector<1x16xf32> to vector<16xf32>
        %swap3A_840 = vector.shape_cast %get3A_835 : vector<16xf32> to vector<1x16xf32>
        tpu.vector_store %arg14[%swap3A_836, %swap3A_837], %swap3A_840 {add = true, strides = array<i32>} : memref<64x128xf32, #tpu.memory_space<vmem>>, vector<1x16xf32>,
      }
      %scan3A_244 = arith.constant 64 : i32
      %mul3A_245 = arith.constant 64 : i32
      %mul3A_246 = arith.muli %add3A_214, %mul3A_245 : i32
      %add3A_247 = arith.addi %mul3A_2, %mul3A_246 : i32
      %dma_start3A_248 = arith.constant 0 : i32
      %dma_start3A_249 = tpu.memref_slice %arg5[%add3A_247, %dma_start3A_248] : memref<204800x128xf32, #tpu.memory_space<hbm>> -> memref<64x128xf32, #tpu.memory_space<hbm>>
      %dma_start3A_250 = arith.constant 0 : i32
      %dma_start3A_251 = tpu.memref_slice %arg5[%add3A_247, %dma_start3A_250] : memref<204800x128xf32, #tpu.memory_space<hbm>> -> memref<64x128xf32, #tpu.memory_space<hbm>>
      tpu.enqueue_dma source(%arg14 : memref<64x128xf32, #tpu.memory_space<vmem>>) target(%dma_start3A_251 : memref<64x128xf32, #tpu.memory_space<hbm>>) target_semaphore(%arg34 : memref<!tpu.dma_semaphore, #tpu.memory_space<semaphore_mem>>)
    }
    %scan3A_44 = arith.constant 20 : i32
    %dma_wait3A = arith.constant 0 : i32
    %dma_wait3A_45 = arith.constant 0 : i32
    %dma_wait3A_46 = tpu.memref_slice %arg5[%dma_wait3A, %dma_wait3A_45] : memref<204800x128xf32, #tpu.memory_space<hbm>> -> memref<64x128xf32, #tpu.memory_space<hbm>>
    %dma_wait3A_47 = arith.constant 0 : i32
    %dma_wait3A_48 = arith.constant 0 : i32
    %dma_wait3A_49 = tpu.memref_slice %arg5[%dma_wait3A_47, %dma_wait3A_48] : memref<204800x128xf32, #tpu.memory_space<hbm>> -> memref<64x128xf32, #tpu.memory_space<hbm>>
    tpu.wait_dma2 semaphore(%arg33 : memref<!tpu.dma_semaphore, #tpu.memory_space<semaphore_mem>>) src(%arg13 : memref<64x128xf32, #tpu.memory_space<vmem>>) dst(%dma_wait3A_49 : memref<64x128xf32, #tpu.memory_space<hbm>>)
    %dma_wait3A_50 = arith.constant 0 : i32
    %dma_wait3A_51 = arith.constant 0 : i32
    %dma_wait3A_52 = tpu.memref_slice %arg5[%dma_wait3A_50, %dma_wait3A_51] : memref<204800x128xf32, #tpu.memory_space<hbm>> -> memref<64x128xf32, #tpu.memory_space<hbm>>
    %dma_wait3A_53 = arith.constant 0 : i32
    %dma_wait3A_54 = arith.constant 0 : i32
    %dma_wait3A_55 = tpu.memref_slice %arg5[%dma_wait3A_53, %dma_wait3A_54] : memref<204800x128xf32, #tpu.memory_space<hbm>> -> memref<64x128xf32, #tpu.memory_space<hbm>>
    tpu.wait_dma2 semaphore(%arg34 : memref<!tpu.dma_semaphore, #tpu.memory_space<semaphore_mem>>) src(%arg14 : memref<64x128xf32, #tpu.memory_space<vmem>>) dst(%dma_wait3A_55 : memref<64x128xf32, #tpu.memory_space<hbm>>)
    return
  }
}

</mosaic_0001>

<sc_bundles>
// kernel: kernel.3.cloned.1.call-start
scs
__scs_entry_jumppad:
0x0: {  	(pc) =	sbr.rel $0x88, $3  }
0x1: {  	(tag) =	ssettag $0x0;
	lr =	simm.s32 $0x1  }
0x2: {  	[smem:$0x3F9D] =	sst lr;
	_ =	strace $0xD0000000  }
0x3: {  	_ = 	snop  }
0x4: {  	_ = 	snop  }
0x5: {  	_ = 	snop  }
0x6: {  	_ = 	snop  }
0x7: {  	_ = 	snop  }
__scs_overlays_trampoline_lowered:
0x8: {  	[smem:$0x3FAC] =	sst s0  }
0x9: {  	[smem:$0x3FAD] =	sst s1  }
0xa: {  	[smem:$0x3FAE] =	sst s2  }
0xb: {  	[smem:$0x3FAF] =	sst s3  }
0xc: {  	[smem:$0x3FB0] =	sst s4  }
0xd: {  	[smem:$0x3FB1] =	sst s5  }
0xe: {  	[smem:$0x3FB2] =	sst s6  }
0xf: {  	[smem:$0x3FB3] =	sst s7  }
0x10: {  	[smem:$0x3FB4] =	sst s8  }
0x11: {  	[smem:$0x3FB5] =	sst s9;
	s0 =	simm.s32 @!p0 $0x0  }
0x12: {  	s1 =	sld [smem:$0x3F9B];
	s0 =	simm.s32 @p0 $0x1  }
0x13: {  	[smem:$0x3FB6] =	sst s0;
	s0 =	simm.s32 @!p1 $0x0  }
0x14: {  	s2 =	sld [smem:$0x3F9A];
	s0 =	simm.s32 @p1 $0x1  }
0x15: {  	[smem:$0x3FB7] =	sst s0;
	s0 =	simm.s32 @!p2 $0x0  }
0x16: {  	s3 =	sld [smem:$0x3FDB];
	s0 =	simm.s32 @p2 $0x1  }
0x17: {  	s4 =	simm.s32 $0x1BF5;
	[smem:$0x3FB9] =	sst s0  }
0x18: {  	s0 =	sld [smem:$0x3F9C];
	_ =	swait.ge [sflag:s4], $0x0  }
0x19: {  	s7 =	sld [smem:$0x3F9D]  }
0x1a: {  	s8 =	sadd.s32 $0xFFFFE003, lr  }
0x1b: {  	s9 =	sadd.s32 $0xFFFFFEF7, lr;
	s5 =	simm.s32 $0xFFFFFFFF;
	p2 =	slt.u32 s8, $0xFFFFF086  }
0x1c: {  	p1 =	slt.u32 s9, $0xF7A;
	s5 =	simm.s32 @!p2 $0x0  }
0x1d: {  	s5 =	simm.s32 @p1 $0x1;
	p0 =	seq.s32 s7, s2  }
0x1e: {  	s7 =	smul.u32 @!p0 $0xF7A, s2;
	p2 =	seq.s32 @!p0 s5, $0x0  }
0x1f: {  	s9 =	smul.u32 $0xF7A, s1;
	s8 =	simm.s32 @!p0 $0x1BF5;
	p2 =	por !p2, p0  }
0x20: {  	[sflag:s8] =	ssyncset.s32 @!p0 $0xFFFFF086;
	s6 =	sadd.s32 @!p0 s3, s7;
	s7 =	simm.s32 @!p0 $0x108  }
0x21: {  	s3 =	sadd.s32 s3, s9;
	s6 =	sadd.s32 @!p0 $0x88, s6;
	s7 =	simm.s32 @p2 $0x1082  }
0x22: {  	[simem:s7], [sflag:s8] =	dma.local @!p0 [hbm:s6], $0xF7A  }
0x23: {  	s9 =	sor.u32 $0xD0000000, s2;
	s6 =	simm.s32 $0x108;
	_ =	swait.ge @!p0 [sflag:s8], $0x0  }
0x24: {  	s3 =	sadd.s32 $0x88, s3;
	s6 =	simm.s32 @!p1 $0x1082;
	[sflag:s4] =	ssyncset.s32 $0xFFFFF086  }
0x25: {  	[simem:s6], [sflag:s4] =	dma.local [hbm:s3], $0xF7A  }
0x26: {  	[smem:$0x3F9D] =	sst s1;
	(tag) =	ssettag s2;
	_ =	strace s9  }
0x27: {  	s1 =	sld [smem:$0x3FAD]  }
0x28: {  	s2 =	sld [smem:$0x3FAE]  }
0x29: {  	s4 =	sld [smem:$0x3FB0]  }
0x2a: {  	p0 =	seq.s32 s5, $0x0;
	s5 =	sld [smem:$0x3FB1]  }
0x2b: {  	s6 =	sld [smem:$0x3FB2]  }
0x2c: {  	s7 =	sld [smem:$0x3FB3]  }
0x2d: {  	s3 =	simm.s32 $0x108;
	s8 =	sld [smem:$0x3FB4]  }
0x2e: {  	s3 =	simm.s32 @!p0 $0x1082;
	s9 =	sld [smem:$0x3FB5]  }
0x2f: {  	lr =	sadd.s32 s0, s3;
	s0 =	sld [smem:$0x3FAC]  }
0x30: {  	s3 =	sld [smem:$0x3FAF]  }
0x31: {  	[smem:$0x3FB8] =	sst s10  }
0x32: {  	s10 =	sld [smem:$0x3FB6];
	_ =	sdelay $0x3  }
0x33: {  	p0 =	seq.s32 s10, $0x1;
	s10 =	sld [smem:$0x3FB8];
	_ =	sdelay $0x3  }
0x34: {  	[smem:$0x3FB8] =	sst s10  }
0x35: {  	s10 =	sld [smem:$0x3FB7];
	_ =	sdelay $0x3  }
0x36: {  	p1 =	seq.s32 s10, $0x1;
	s10 =	sld [smem:$0x3FB8];
	_ =	sdelay $0x3  }
0x37: {  	[smem:$0x3FB8] =	sst s10  }
0x38: {  	s10 =	sld [smem:$0x3FB9]  }
0x39: {  	_ = 	snop;
	(pc) =	sbr.ind lr, $3  }
0x3a: {  	_ = 	snop  }
0x3b: {  	_ = 	snop  }
0x3c: {  	p2 =	seq.s32 s10, $0x1;
	s10 =	sld [smem:$0x3FB8]  }
0x3d: {  	_ =	shalt  }
0x3e: {  	_ =	shalt  }
0x3f: {  	_ =	shalt  }
0x40: {  	_ =	shalt  }
0x41: {  	_ =	shalt  }
0x42: {  	_ =	shalt  }
0x43: {  	_ =	shalt  }
0x44: {  	_ =	shalt  }
0x45: {  	_ =	shalt  }
0x46: {  	_ =	shalt  }
0x47: {  	_ =	shalt  }
0x48: {  	_ =	shalt  }
0x49: {  	_ =	shalt  }
0x4a: {  	_ =	shalt  }
0x4b: {  	_ =	shalt  }
0x4c: {  	_ =	shalt  }
0x4d: {  	_ =	shalt  }
0x4e: {  	_ =	shalt  }
0x4f: {  	_ =	shalt  }
0x50: {  	_ =	shalt  }
0x51: {  	_ =	shalt  }
0x52: {  	_ =	shalt  }
0x53: {  	_ =	shalt  }
0x54: {  	_ =	shalt  }
0x55: {  	_ =	shalt  }
0x56: {  	_ =	shalt  }
0x57: {  	_ =	shalt  }
0x58: {  	_ =	shalt  }
0x59: {  	_ =	shalt  }
0x5a: {  	_ =	shalt  }
0x5b: {  	_ =	shalt  }
0x5c: {  	_ =	shalt  }
0x5d: {  	_ =	shalt  }
0x5e: {  	_ =	shalt  }
0x5f: {  	_ =	shalt  }
0x60: {  	_ =	shalt  }
0x61: {  	_ =	shalt  }
0x62: {  	_ =	shalt  }
0x63: {  	_ =	shalt  }
0x64: {  	_ =	shalt  }
0x65: {  	_ =	shalt  }
0x66: {  	_ =	shalt  }
0x67: {  	_ =	shalt  }
0x68: {  	_ =	shalt  }
0x69: {  	_ =	shalt  }
0x6a: {  	_ =	shalt  }
0x6b: {  	_ =	shalt  }
0x6c: {  	_ =	shalt  }
0x6d: {  	_ =	shalt  }
0x6e: {  	_ =	shalt  }
0x6f: {  	_ =	shalt  }
0x70: {  	_ =	shalt  }
0x71: {  	_ =	shalt  }
0x72: {  	_ =	shalt  }
0x73: {  	_ =	shalt  }
0x74: {  	_ =	shalt  }
0x75: {  	_ =	shalt  }
0x76: {  	_ =	shalt  }
0x77: {  	_ =	shalt  }
0x78: {  	_ =	shalt  }
0x79: {  	_ =	shalt  }
0x7a: {  	_ =	shalt  }
0x7b: {  	_ =	shalt  }
0x7c: {  	_ =	shalt  }
0x7d: {  	_ =	shalt  }
0x7e: {  	_ =	shalt  }
0x7f: {  	_ =	shalt  }
0x80: {  	_ =	shalt  }
0x81: {  	_ =	shalt  }
0x82: {  	_ =	shalt  }
0x83: {  	_ =	shalt  }
0x84: {  	_ =	shalt  }
0x85: {  	_ =	shalt  }
0x86: {  	_ =	shalt  }
0x87: {  	_ =	shalt  }
.Lfunc_end0:
.L_simem_size_0:
called_computation_lowered:
.L_overlay_start_0:
0x88: {  	s2 =	sld [smem:$0x3FD9]  }
0x89: {  	s3 =	sld [smem:$0x3FFE];
	_ =	sdelay $0x1  }
0x8a: {  	s1 =	srdreg.scid  }
0x8b: {  	s0 =	sand.u32 $0x1, s1  }
0x8c: {  	s17 =	sshll.u32 s0, $0xA;
	s2 =	sadd.s32 s3, s2  }
0x8d: {  	s2 =	sadd.s32 s2, s17  }
0x8e: {  	[smem:$0x3FC4] =	sst s2  }
0x8f: {  	_ = 	snop  }
0x90: {  	s2 =	sld [smem:$0x3FC7]  }
0x91: {  	s18 =	sld [smem:$0x3FD0];
	(tm) =	ssettm $0x1  }
0x92: {  	s4 =	sld [smem:$0x3FFB];
	_ =	sdelay $0x3  }
0x93: {  	_ =	strace s4  }
0x94: {  	s4 =	sld [smem:$0x3FFC];
	_ =	sdelay $0x3  }
0x95: {  	_ =	strace s4  }
0x96: {  	s4 =	sld [smem:$0x3FFD];
	_ =	sdelay $0x3  }
0x97: {  	_ =	strace s4  }
0x98: {  	_ =	strace $0x8FFFFFFF  }
0x99: {  	s19 =	sld [smem:$0x3FDB];
	_ =	sdelay $0x1  }
0x9a: {  	s5 =	simm.s32 $_scs_section_size  }
0x9b: {  	s6 =	simm.s32 $_size__tile_overlayer_lowered;
	s7 =	simm.s32 $_tile_overlayer_lowered  }
0x9c: {  	s22 =	simm.s32 $0x1BFF;
	s21 =	sshll.u32 s7, $0x1;
	s4 =	sadd.s32 s5, s19  }
0x9d: {  	s8 =	simm.s32 $0x0;
	s20 =	sshll.u32 s6, $0x1;
	s6 =	sadd.s32 s21, s4  }
0x9e: {  	[timem:s8], [sflag:s22] =	dma.local [hbm:s6], s20  }
0x9f: {  	_ =	swait.ge [sflag:s22], s20  }
0xa0: {  	s5 =	ssub.s32 $0x0, s20;
	[sflag:s22] =	ssyncset.done $0x0  }
0xa1: {  	[sflag:s22] =	ssyncadd.s32 s5;
	_ =	sdelay $0x1  }
0xa2: {  	s23 =	simm.s32 $0x1B8B  }
0xa3: {  	_ =	swait.ge [sflag:s23], $0x1  }
0xa4: {  	[sflag:s23] =	ssyncset.done $0x0  }
0xa5: {  	s25 =	simm.s32 $0x1B8E;
	s24 =	sld [smem:$0x3FFE];
	[sflag:s23] =	ssyncadd.s32 $0xFFFFFFFF  }
0xa6: {  	s26 =	simm.s32 $execute0_lowered;
	[smem:$0x3FD2] =	sst s25  }
0xa7: {  	s6 =	sshll.u32 s26, $0x1;
	_ =	strace $0x80000046;
	[dreg:$0x1] =	wrdreg $0xFFFFFFFF  }
0xa8: {  	s28 =	simm.s32 $_size_execute0_lowered;
	s4 =	sadd.s32 s4, s6;
	[dreg:$0x0] =	wrdreg $0x0  }
0xa9: {  	s6 =	sshll.u32 s28, $0x1;
	[dreg:$0x2] =	wrdreg s4  }
0xaa: {  	[dreg:$0x3] =	wrdreg s6  }
0xab: {  	[dreg:$0x4] =	wrdreg $0xC0  }
0xac: {  	_ =	task [dreg:s8], $0x5FFFF  }
0xad: {  	[dreg:$0x1] =	wrdreg $0xFFFFFFFF  }
0xae: {  	[dreg:$0x0] =	wrdreg $0x60  }
0xaf: {  	[dreg:$0x2] =	wrdreg s2  }
0xb0: {  	[dreg:$0x3] =	wrdreg s24  }
0xb1: {  	[dreg:$0x4] =	wrdreg s18  }
0xb2: {  	[dreg:$0x5] =	wrdreg $0x4B000  }
0xb3: {  	[dreg:$0x6] =	wrdreg $0x9  }
0xb4: {  	_ =	task.clear_ibuf [dreg:s8], $0x7FFFF;
	_ =	strace $0x90000046  }
0xb5: {  	s29 =	simm.s32 $0x9;
	_ =	strace $0x80000048  }
0xb6: {  	_ =	swait.ge [sflag:s29], $0x1  }
0xb7: {  	[sflag:s29] =	ssyncadd.s32 $0xFFFFFFFF  }
0xb8: {  	_ =	strace $0x90000048  }
0xb9: {  	_ =	sfence  }
0xba: {  	s30 =	sld [smem:$0x0];
	_ =	sdelay $0x2  }
0xbb: {  	s31 =	sshll.u32 s1, $0xD;
	s1 =	sshrl.u32 s1, $0x2  }
0xbc: {  	s3 =	sand.u32 $0x4000, s31;
	s1 =	sadd.s32 s1, s30  }
0xbd: {  	s0 =	sor.u32 s3, s0;
	s1 =	sshll.u32 s1, $0x11  }
0xbe: {  	s0 =	sor.u32 s1, s0  }
0xbf: {  	s0 =	sadd.s32 $0x8F2B, s0  }
0xc0: {  	[sflag:s0] =	ssyncadd.remote.s32 $0x1  }
0xc1: {  	_ =	sfence.sel $0xFFFF  }
0xc2: {  	[dreg:$0x0] =	wrdreg $0xFFFFFFFF;
	(pc) =	sbr.abs _section_cstart, $3  }
0xc3: {  	[dreg:$0x1] =	wrdreg $0xFFFFFFFF  }
0xc4: {  	_ =	task.clear_ibuf [dreg:s8], $0x2FFFF;
	_ =	strace $0x9FFFFFFF  }
0xc5: {  	(tm) =	ssettm $0x7FFFFFFF  }
tec
execute0_lowered:
.L_overlay_start_1:
0x0: {  	(tag) =	ssettag $0x1  }
0x1: {  	s0 =	rddreg [dreg:$0x0]  }
0x2: {  	s1 =	srdreg.scid;
	s9 =	rddreg [dreg:$0x1]  }
0x3: {  	s2 =	stileid.u32;
	s3 =	rddreg [dreg:$0x2];
	s6 =	simm.s32 $0x0  }
0x4: {  	s14 =	simm.s32 $0x40;
	s28 =	simm.s32 $0xBDC0;
	s30 =	simm.s32 $0x1  }
0x5: {  	s31 =	simm.s32 $0x6;
	s19 =	simm.s32 $0x2;
	s21 =	simm.s32 $0x7  }
0x6: {  	s22 =	simm.s32 $0xB;
	s24 =	simm.s32 $0x3;
	s25 =	simm.s32 $0x8  }
0x7: {  	s26 =	simm.s32 $0xC;
	s11 =	simm.s32 $0xD;
	s12 =	simm.s32 $0x5  }
0x8: {  	s13 =	simm.s32 $0xA;
	s17 =	simm.s32 $0x0;
	s1 =	sand.u32 $0x1, s1  }
0x9: {  	s4 =	sshll.u32 s2, $0x1;
	[smem:$0x7FF] =	sst s6;
	p0 =	sne.s32 s2, $0x0  }
0xa: {  	s2 =	simm.s32 $0xDDC0;
	s7 =	sor.u32 s1, s4;
	s1 =	ssub.s32 $0x2, s1  }
0xb: {  	s4 =	rddreg [dreg:$0x3];
	s5 =	smul.u32 $0x1900, s7;
	s29 =	sshrl.u32 s1, $0x1  }
0xc: {  	_ =	strace $0x80000047;
	s7 =	smul.u32 $0xC8000, s7;
	s1 =	ssub.s32 s1, s29  }
0xd: {  	s8 =	sshrl.u32 s5, $0x3;
	s10 =	sor.u32 $0x80, s5;
	s1 =	smax.u32 s1, $0x1  }
0xe: {  	s8 =	sadd.s32 s8, s9;
	[dreg:$0x6] =	wrdreg s1;
	s1 =	sshrl.u32 @!p0 s4, $0x3  }
0xf: {  	s9 =	sor.u32 $0x2000, s7;
	s8 =	sadd.s32 $0x2600, s8;
	[dreg:$0x7] =	wrdreg s1  }
0x10: {  	v0 =	vlaneseq.u32;
	s1 =	simm.s32 $0x4;
	[dreg:$0x5] =	wrdreg s8;
	s8 =	simm.s32 $0x9  }
.LBB2_1:
0x11: {  	[dreg:$0x8] =	wrdreg s17  }
0x12: {  	s16 =	rddreg [dreg:$0x1]  }
0x13: {  	s15 =	simm.s32 @!p0 $0x1C10;
	s17 =	rddreg [dreg:$0x7]  }
0x14: {  	[spmem:s17], [sflag:s15] =	dma.local @!p0 [hbm:s16], $0x2580  }
0x15: {  	s15 =	simm.s32 @!p0 $0x10  }
0x16: {  	_ =	swait.ge @!p0 [sflag:s15], $0x2580  }
0x17: {  	s16 =	simm.s32 $0x0;
	[sflag:s15] =	ssyncset.done @!p0 $0x0  }
0x18: {  	s17 =	simm.s32 $0x10;
	s29 =	rddreg [dreg:$0x5];
	[sflag:s15] =	ssyncadd.s32 @!p0 $0xFFFFDA80  }
0x19: {  	[tilespmem:s6], [sflag:$0x10] =	stream.linear.gather [hbm4b:s29+s6], $0x1900, $0x38;
	[tilespmem:$0x19DC0] =	vst v63  }
0x1a: {  	v1 =	vor.u32 s16, v0;
	_ =	swait.ge [sflag:s17], $0x1900  }
0x1b: {  	v2 =	vmulhi.u32 $0x51EB851F, v1;
	[sflag:s17] =	ssyncset.done $0x0  }
0x1c: {  	[sflag:s17] =	ssyncadd.s32 $0xFFFFE700  }
0x1d: {  	v2 =	vshrl.u32 v2, $0x6;
	v3 =	vld [tilespmem:s14+$0xFFFFFFC0]  }
0x1e: {  	v2 =	vmul.u32 $0xC8, v2;
	_ =	sdelay $0x1  }
0x1f: {  	v1 =	vsub.s32 v1, v2  }
0x20: {  	s18 =	simm.s32 $0x10;
	v1 =	vmul.u32 $0x3, v1  }
0x21: {  	v4 =	vor.u32 s18, v0;
	s18 =	simm.s32 $0x1940;
	v2 =	vand.u32 $0x1FFFF, v3;
	v3 =	vshrl.u32 v3, $0x11  }
0x22: {  	s16 =	simm.s32 $0x3240;
	[tilespmem:s18+$0xFFFFFFC0] =	vst v2;
	v1 =	vadd.s32 v1, v3;
	v2 =	vmulhi.u32 $0x51EB851F, v4  }
0x23: {  	[tilespmem:s16+$0xFFFFFFC0] =	vst v1  }
0x24: {  	v1 =	vld [tilespmem:s14+$0xFFFFFFD0];
	v2 =	vshrl.u32 v2, $0x6  }
0x25: {  	v2 =	vmul.u32 $0xC8, v2;
	_ =	sdelay $0x1  }
0x26: {  	v2 =	vsub.s32 v4, v2  }
0x27: {  	s20 =	simm.s32 $0x20;
	v2 =	vmul.u32 $0x3, v2  }
0x28: {  	v4 =	vor.u32 s20, v0;
	v3 =	vand.u32 $0x1FFFF, v1;
	v1 =	vshrl.u32 v1, $0x11  }
0x29: {  	[tilespmem:s18+$0xFFFFFFD0] =	vst v3;
	v1 =	vadd.s32 v2, v1;
	v2 =	vmulhi.u32 $0x51EB851F, v4  }
0x2a: {  	[tilespmem:s16+$0xFFFFFFD0] =	vst v1  }
0x2b: {  	v1 =	vld [tilespmem:s14+$0xFFFFFFE0];
	v2 =	vshrl.u32 v2, $0x6  }
0x2c: {  	v2 =	vmul.u32 $0xC8, v2;
	_ =	sdelay $0x1  }
0x2d: {  	v2 =	vsub.s32 v4, v2  }
0x2e: {  	s23 =	simm.s32 $0x30;
	v2 =	vmul.u32 $0x3, v2  }
0x2f: {  	v4 =	vor.u32 s23, v0;
	v3 =	vand.u32 $0x1FFFF, v1;
	v1 =	vshrl.u32 v1, $0x11  }
0x30: {  	[tilespmem:s18+$0xFFFFFFE0] =	vst v3;
	v1 =	vadd.s32 v2, v1;
	v2 =	vmulhi.u32 $0x51EB851F, v4  }
0x31: {  	[tilespmem:s16+$0xFFFFFFE0] =	vst v1  }
0x32: {  	v1 =	vld [tilespmem:s14+$0xFFFFFFF0];
	v2 =	vshrl.u32 v2, $0x6  }
0x33: {  	v2 =	vmul.u32 $0xC8, v2;
	_ =	sdelay $0x1  }
0x34: {  	v2 =	vsub.s32 v4, v2  }
0x35: {  	s29 =	simm.s32 $0x40;
	v2 =	vmul.u32 $0x3, v2  }
0x36: {  	v4 =	vor.u32 s29, v0;
	v3 =	vand.u32 $0x1FFFF, v1;
	v1 =	vshrl.u32 v1, $0x11  }
0x37: {  	[tilespmem:s18+$0xFFFFFFF0] =	vst v3;
	v1 =	vadd.s32 v2, v1;
	v2 =	vmulhi.u32 $0x51EB851F, v4  }
0x38: {  	[tilespmem:s16+$0xFFFFFFF0] =	vst v1  }
0x39: {  	v1 =	vld [tilespmem:s14+$0x0];
	v2 =	vshrl.u32 v2, $0x6  }
0x3a: {  	v2 =	vmul.u32 $0xC8, v2;
	_ =	sdelay $0x1  }
0x3b: {  	v2 =	vsub.s32 v4, v2  }
0x3c: {  	s17 =	simm.s32 $0x50;
	v2 =	vmul.u32 $0x3, v2  }
0x3d: {  	v4 =	vor.u32 s17, v0;
	v3 =	vand.u32 $0x1FFFF, v1;
	v1 =	vshrl.u32 v1, $0x11  }
0x3e: {  	[tilespmem:s18+$0x0] =	vst v3;
	v1 =	vadd.s32 v2, v1;
	v2 =	vmulhi.u32 $0x51EB851F, v4  }
0x3f: {  	[tilespmem:s16+$0x0] =	vst v1  }
0x40: {  	v1 =	vld [tilespmem:s14+$0x10];
	v2 =	vshrl.u32 v2, $0x6  }
0x41: {  	v2 =	vmul.u32 $0xC8, v2;
	_ =	sdelay $0x1  }
0x42: {  	v2 =	vsub.s32 v4, v2  }
0x43: {  	s20 =	simm.s32 $0x60;
	v2 =	vmul.u32 $0x3, v2  }
0x44: {  	v4 =	vor.u32 s20, v0;
	v3 =	vand.u32 $0x1FFFF, v1;
	v1 =	vshrl.u32 v1, $0x11  }
0x45: {  	[tilespmem:s18+$0x10] =	vst v3;
	v1 =	vadd.s32 v2, v1;
	v2 =	vmulhi.u32 $0x51EB851F, v4  }
0x46: {  	[tilespmem:s16+$0x10] =	vst v1  }
0x47: {  	v1 =	vld [tilespmem:s14+$0x20];
	v2 =	vshrl.u32 v2, $0x6  }
0x48: {  	v2 =	vmul.u32 $0xC8, v2;
	_ =	sdelay $0x1  }
0x49: {  	v2 =	vsub.s32 v4, v2  }
0x4a: {  	s23 =	simm.s32 $0x70;
	v2 =	vmul.u32 $0x3, v2  }
0x4b: {  	v4 =	vor.u32 s23, v0;
	v3 =	vand.u32 $0x1FFFF, v1;
	v1 =	vshrl.u32 v1, $0x11  }
0x4c: {  	[tilespmem:s18+$0x20] =	vst v3;
	v1 =	vadd.s32 v2, v1;
	v2 =	vmulhi.u32 $0x51EB851F, v4  }
0x4d: {  	[tilespmem:s16+$0x20] =	vst v1  }
0x4e: {  	v3 =	vld [tilespmem:s14+$0x30];
	v1 =	vshrl.u32 v2, $0x6  }
0x4f: {  	v1 =	vmul.u32 $0xC8, v1;
	_ =	sdelay $0x1  }
0x50: {  	v1 =	vsub.s32 v4, v1  }
0x51: {  	s29 =	simm.s32 $0x80;
	v4 =	vmul.u32 $0x3, v1  }
0x52: {  	s15 =	simm.s32 $0x32C0;
	s17 =	simm.s32 $0x8;
	s23 =	simm.s32 $0x3240;
	v1 =	vor.u32 s29, v0;
	v5 =	vand.u32 $0x1FFFF, v3;
	v3 =	vshrl.u32 v3, $0x11  }
0x53: {  	s20 =	simm.s32 $0x40;
	s16 =	simm.s32 $0xF0;
	v2 =	vmulhi.u32 $0x51EB851F, v1;
	[tilespmem:s18+$0x30] =	vst v5;
	v3 =	vadd.s32 v4, v3;
	s18 =	simm.s32 $0x1940  }
.LBB2_2:
0x54: {  	s17 =	sadd.s32 $0x8, s17;
	[tilespmem:s23+$0x30] =	vst v3;
	s20 =	sadd.s32 $0x80, s20;
	s18 =	sadd.s32 $0x80, s18  }
0x55: {  	s23 =	smov.u32 s15;
	p1 =	slt.u32 s17, $0x188;
	v3 =	vld [tilespmem:s20+$0xFFFFFFC0];
	v2 =	vshrl.u32 v2, $0x6  }
0x56: {  	v2 =	vmul.u32 $0xC8, v2;
	_ =	sdelay $0x1  }
0x57: {  	v1 =	vsub.s32 v1, v2  }
0x58: {  	s29 =	sadd.s32 $0xFFFFFFA0, s16;
	v1 =	vmul.u32 $0x3, v1  }
0x59: {  	v4 =	vor.u32 s29, v0;
	v2 =	vand.u32 $0x1FFFF, v3;
	v3 =	vshrl.u32 v3, $0x11  }
0x5a: {  	[tilespmem:s18+$0xFFFFFFC0] =	vst v2;
	v1 =	vadd.s32 v1, v3;
	v2 =	vmulhi.u32 $0x51EB851F, v4  }
0x5b: {  	[tilespmem:s15+$0xFFFFFFC0] =	vst v1  }
0x5c: {  	v1 =	vld [tilespmem:s20+$0xFFFFFFD0];
	v2 =	vshrl.u32 v2, $0x6  }
0x5d: {  	v2 =	vmul.u32 $0xC8, v2;
	_ =	sdelay $0x1  }
0x5e: {  	v2 =	vsub.s32 v4, v2  }
0x5f: {  	s29 =	sadd.s32 $0xFFFFFFB0, s16;
	v2 =	vmul.u32 $0x3, v2  }
0x60: {  	v4 =	vor.u32 s29, v0;
	v3 =	vand.u32 $0x1FFFF, v1;
	v1 =	vshrl.u32 v1, $0x11  }
0x61: {  	[tilespmem:s18+$0xFFFFFFD0] =	vst v3;
	v1 =	vadd.s32 v2, v1;
	v2 =	vmulhi.u32 $0x51EB851F, v4  }
0x62: {  	[tilespmem:s15+$0xFFFFFFD0] =	vst v1  }
0x63: {  	v1 =	vld [tilespmem:s20+$0xFFFFFFE0];
	v2 =	vshrl.u32 v2, $0x6  }
0x64: {  	v2 =	vmul.u32 $0xC8, v2;
	_ =	sdelay $0x1  }
0x65: {  	v2 =	vsub.s32 v4, v2  }
0x66: {  	s29 =	sadd.s32 $0xFFFFFFC0, s16;
	v2 =	vmul.u32 $0x3, v2  }
0x67: {  	v4 =	vor.u32 s29, v0;
	v3 =	vand.u32 $0x1FFFF, v1;
	v1 =	vshrl.u32 v1, $0x11  }
0x68: {  	[tilespmem:s18+$0xFFFFFFE0] =	vst v3;
	v1 =	vadd.s32 v2, v1;
	v2 =	vmulhi.u32 $0x51EB851F, v4  }
0x69: {  	[tilespmem:s15+$0xFFFFFFE0] =	vst v1  }
0x6a: {  	v1 =	vld [tilespmem:s20+$0xFFFFFFF0];
	v2 =	vshrl.u32 v2, $0x6  }
0x6b: {  	v2 =	vmul.u32 $0xC8, v2;
	_ =	sdelay $0x1  }
0x6c: {  	v2 =	vsub.s32 v4, v2  }
0x6d: {  	s29 =	sadd.s32 $0xFFFFFFD0, s16;
	v2 =	vmul.u32 $0x3, v2  }
0x6e: {  	v4 =	vor.u32 s29, v0;
	v3 =	vand.u32 $0x1FFFF, v1;
	v1 =	vshrl.u32 v1, $0x11  }
0x6f: {  	[tilespmem:s18+$0xFFFFFFF0] =	vst v3;
	v1 =	vadd.s32 v2, v1;
	v2 =	vmulhi.u32 $0x51EB851F, v4  }
0x70: {  	[tilespmem:s15+$0xFFFFFFF0] =	vst v1  }
0x71: {  	v1 =	vld [tilespmem:s20+$0x0];
	v2 =	vshrl.u32 v2, $0x6  }
0x72: {  	v2 =	vmul.u32 $0xC8, v2;
	_ =	sdelay $0x1  }
0x73: {  	v2 =	vsub.s32 v4, v2  }
0x74: {  	s29 =	sadd.s32 $0xFFFFFFE0, s16;
	v2 =	vmul.u32 $0x3, v2  }
0x75: {  	v4 =	vor.u32 s29, v0;
	v3 =	vand.u32 $0x1FFFF, v1;
	v1 =	vshrl.u32 v1, $0x11  }
0x76: {  	[tilespmem:s18+$0x0] =	vst v3;
	v1 =	vadd.s32 v2, v1;
	v2 =	vmulhi.u32 $0x51EB851F, v4  }
0x77: {  	[tilespmem:s15+$0x0] =	vst v1  }
0x78: {  	v1 =	vld [tilespmem:s20+$0x10];
	v2 =	vshrl.u32 v2, $0x6  }
0x79: {  	v2 =	vmul.u32 $0xC8, v2;
	_ =	sdelay $0x1  }
0x7a: {  	v2 =	vsub.s32 v4, v2  }
0x7b: {  	s29 =	sadd.s32 $0xFFFFFFF0, s16;
	v2 =	vmul.u32 $0x3, v2  }
0x7c: {  	v4 =	vor.u32 s29, v0;
	v3 =	vand.u32 $0x1FFFF, v1;
	v1 =	vshrl.u32 v1, $0x11  }
0x7d: {  	[tilespmem:s18+$0x10] =	vst v3;
	v1 =	vadd.s32 v2, v1;
	v2 =	vmulhi.u32 $0x51EB851F, v4  }
0x7e: {  	[tilespmem:s15+$0x10] =	vst v1  }
0x7f: {  	v1 =	vld [tilespmem:s20+$0x20];
	v2 =	vshrl.u32 v2, $0x6  }
0x80: {  	v2 =	vmul.u32 $0xC8, v2;
	_ =	sdelay $0x1  }
0x81: {  	v2 =	vsub.s32 v4, v2  }
0x82: {  	v2 =	vmul.u32 $0x3, v2  }
0x83: {  	v4 =	vor.u32 s16, v0;
	v3 =	vand.u32 $0x1FFFF, v1;
	v1 =	vshrl.u32 v1, $0x11  }
0x84: {  	[tilespmem:s18+$0x20] =	vst v3;
	v1 =	vadd.s32 v2, v1;
	v2 =	vmulhi.u32 $0x51EB851F, v4  }
0x85: {  	[tilespmem:s15+$0x20] =	vst v1  }
0x86: {  	v3 =	vld [tilespmem:s20+$0x30];
	v1 =	vshrl.u32 v2, $0x6  }
0x87: {  	v1 =	vmul.u32 $0xC8, v1  }
.Ltmp0:
0x88: {  	(pc) =	sbr.rel @p1 .LBB2_2-.Ltmp0, $4  }
0x89: {  	s16 =	sadd.s32 $0x80, s16;
	v1 =	vsub.s32 v4, v1  }
0x8a: {  	s29 =	sadd.s32 $0xFFFFFF90, s16;
	v4 =	vmul.u32 $0x3, v1  }
0x8b: {  	v1 =	vor.u32 s29, v0;
	v5 =	vand.u32 $0x1FFFF, v3;
	v3 =	vshrl.u32 v3, $0x11  }
0x8c: {  	s15 =	sadd.s32 $0x80, s15;
	v2 =	vmulhi.u32 $0x51EB851F, v1;
	[tilespmem:s18+$0x30] =	vst v5;
	v3 =	vadd.s32 v4, v3  }
0x8d: {  	[tilespmem:s23+$0x30] =	vst v3;
	s17 =	sadd.s32 $0x80, s20  }
0x8e: {  	v3 =	vld [tilespmem:s17+$0xFFFFFFC0];
	v2 =	vshrl.u32 v2, $0x6  }
0x8f: {  	v2 =	vmul.u32 $0xC8, v2;
	_ =	sdelay $0x1  }
0x90: {  	v1 =	vsub.s32 v1, v2  }
0x91: {  	s23 =	sadd.s32 $0xFFFFFFA0, s16;
	v1 =	vmul.u32 $0x3, v1  }
0x92: {  	s18 =	sadd.s32 $0x80, s18;
	v4 =	vor.u32 s23, v0;
	v2 =	vand.u32 $0x1FFFF, v3;
	v3 =	vshrl.u32 v3, $0x11  }
0x93: {  	[tilespmem:s18+$0xFFFFFFC0] =	vst v2;
	v1 =	vadd.s32 v1, v3;
	v2 =	vmulhi.u32 $0x51EB851F, v4  }
0x94: {  	[tilespmem:s15+$0xFFFFFFC0] =	vst v1  }
0x95: {  	v1 =	vld [tilespmem:s17+$0xFFFFFFD0];
	v2 =	vshrl.u32 v2, $0x6  }
0x96: {  	v2 =	vmul.u32 $0xC8, v2;
	_ =	sdelay $0x1  }
0x97: {  	v2 =	vsub.s32 v4, v2  }
0x98: {  	s29 =	sadd.s32 $0xFFFFFFB0, s16;
	v2 =	vmul.u32 $0x3, v2  }
0x99: {  	v58 =	vor.u32 s29, v0;
	v3 =	vand.u32 $0x1FFFF, v1;
	v1 =	vshrl.u32 v1, $0x11  }
0x9a: {  	[tilespmem:s18+$0xFFFFFFD0] =	vst v3;
	v1 =	vadd.s32 v2, v1;
	v2 =	vmulhi.u32 $0x51EB851F, v58  }
0x9b: {  	[tilespmem:s15+$0xFFFFFFD0] =	vst v1  }
0x9c: {  	v1 =	vld [tilespmem:s17+$0xFFFFFFE0];
	v2 =	vshrl.u32 v2, $0x6  }
0x9d: {  	v2 =	vmul.u32 $0xC8, v2;
	_ =	sdelay $0x1  }
0x9e: {  	v2 =	vsub.s32 v58, v2  }
0x9f: {  	s23 =	sadd.s32 $0xFFFFFFC0, s16;
	v2 =	vmul.u32 $0x3, v2  }
0xa0: {  	v59 =	vor.u32 s23, v0;
	v3 =	vand.u32 $0x1FFFF, v1;
	v1 =	vshrl.u32 v1, $0x11  }
0xa1: {  	[tilespmem:s18+$0xFFFFFFE0] =	vst v3;
	v1 =	vadd.s32 v2, v1;
	v2 =	vmulhi.u32 $0x51EB851F, v59  }
0xa2: {  	[tilespmem:s15+$0xFFFFFFE0] =	vst v1  }
0xa3: {  	v1 =	vld [tilespmem:s17+$0xFFFFFFF0];
	v2 =	vshrl.u32 v2, $0x6  }
0xa4: {  	v2 =	vmul.u32 $0xC8, v2;
	_ =	sdelay $0x1  }
0xa5: {  	v2 =	vsub.s32 v59, v2  }
0xa6: {  	s29 =	sadd.s32 $0xFFFFFFD0, s16;
	v2 =	vmul.u32 $0x3, v2  }
0xa7: {  	v60 =	vor.u32 s29, v0;
	v3 =	vand.u32 $0x1FFFF, v1;
	v1 =	vshrl.u32 v1, $0x11  }
0xa8: {  	[tilespmem:s18+$0xFFFFFFF0] =	vst v3;
	v1 =	vadd.s32 v2, v1;
	v2 =	vmulhi.u32 $0x51EB851F, v60  }
0xa9: {  	[tilespmem:s15+$0xFFFFFFF0] =	vst v1  }
0xaa: {  	v1 =	vld [tilespmem:s17+$0x0];
	v2 =	vshrl.u32 v2, $0x6  }
0xab: {  	v2 =	vmul.u32 $0xC8, v2;
	_ =	sdelay $0x1  }
0xac: {  	v2 =	vsub.s32 v60, v2  }
0xad: {  	s23 =	sadd.s32 $0xFFFFFFE0, s16;
	v2 =	vmul.u32 $0x3, v2  }
0xae: {  	v61 =	vor.u32 s23, v0;
	v3 =	vand.u32 $0x1FFFF, v1;
	v1 =	vshrl.u32 v1, $0x11  }
0xaf: {  	[tilespmem:s18+$0x0] =	vst v3;
	v1 =	vadd.s32 v2, v1;
	v2 =	vmulhi.u32 $0x51EB851F, v61  }
0xb0: {  	[tilespmem:s15+$0x0] =	vst v1  }
0xb1: {  	v1 =	vld [tilespmem:s17+$0x10];
	v2 =	vshrl.u32 v2, $0x6  }
0xb2: {  	v2 =	vmul.u32 $0xC8, v2;
	_ =	sdelay $0x1  }
0xb3: {  	v2 =	vsub.s32 v61, v2  }
0xb4: {  	s29 =	sadd.s32 $0xFFFFFFF0, s16;
	v2 =	vmul.u32 $0x3, v2  }
0xb5: {  	v62 =	vor.u32 s29, v0;
	v3 =	vand.u32 $0x1FFFF, v1;
	v1 =	vshrl.u32 v1, $0x11  }
0xb6: {  	[tilespmem:s18+$0x10] =	vst v3;
	v1 =	vadd.s32 v2, v1;
	v2 =	vmulhi.u32 $0x51EB851F, v62  }
0xb7: {  	[tilespmem:s15+$0x10] =	vst v1  }
0xb8: {  	v1 =	vld [tilespmem:s17+$0x20];
	v2 =	vshrl.u32 v2, $0x6  }
0xb9: {  	v2 =	vmul.u32 $0xC8, v2;
	_ =	sdelay $0x1  }
0xba: {  	v2 =	vsub.s32 v62, v2  }
0xbb: {  	v2 =	vmul.u32 $0x3, v2  }
0xbc: {  	v63 =	vor.u32 s16, v0;
	v3 =	vand.u32 $0x1FFFF, v1;
	v1 =	vshrl.u32 v1, $0x11  }
0xbd: {  	[tilespmem:s18+$0x20] =	vst v3;
	v1 =	vadd.s32 v2, v1;
	v2 =	vmulhi.u32 $0x51EB851F, v63  }
0xbe: {  	[tilespmem:s15+$0x20] =	vst v1  }
0xbf: {  	v1 =	vld [tilespmem:s17+$0x30];
	v2 =	vshrl.u32 v2, $0x6  }
0xc0: {  	v2 =	vmul.u32 $0xC8, v2;
	_ =	sdelay $0x1  }
0xc1: {  	v2 =	vsub.s32 v63, v2  }
0xc2: {  	v2 =	vmul.u32 $0x3, v2  }
0xc3: {  	v3 =	vand.u32 $0x1FFFF, v1;
	v1 =	vshrl.u32 v1, $0x11  }
0xc4: {  	[tilespmem:s18+$0x30] =	vst v3;
	v1 =	vadd.s32 v2, v1  }
0xc5: {  	s16 =	simm.s32 $0x1900;
	s17 =	simm.s32 $0x5DC0;
	[tilespmem:s15+$0x30] =	vst v1  }
0xc6: {  	[tilespmem:s17], [sflag:$0x1] =	stream.indirect.gather [hbm4b:s0+s14], $0x80, s16, s14, $0xb8;
	[tilespmem:$0x19DC0] =	vst v63  }
0xc7: {  	s20 =	simm.s32 $0x7DC0;
	s18 =	simm.s32 $0x1940  }
0xc8: {  	[tilespmem:s20], [sflag:$0x2] =	stream.indirect.gather [hbm4b:s0+s14], $0x80, s18, s14, $0xb8;
	[tilespmem:$0x19DC0] =	vst v63  }
0xc9: {  	s23 =	simm.s32 $0x1980;
	s29 =	simm.s32 $0x9DC0  }
0xca: {  	[tilespmem:s29], [sflag:$0x3] =	stream.indirect.gather [hbm4b:s0+s14], $0x80, s23, s14, $0xb8;
	[tilespmem:$0x19DC0] =	vst v63  }
0xcb: {  	s16 =	simm.s32 $0x3200;
	s17 =	simm.s32 $0xFDC0;
	[bflag:$0x0] =	sbarrier.arrive $0xFFFF  }
0xcc: {  	[tilespmem:s17], [sflag:$0x6] =	stream.indirect.gather [spmem:s4], $0x80, s16, s14, $0xb8;
	[tilespmem:$0x19DC0] =	vst v63  }
0xcd: {  	s18 =	simm.s32 $0x3240;
	s20 =	simm.s32 $0x11DC0  }
0xce: {  	[tilespmem:s20], [sflag:$0x7] =	stream.indirect.gather [spmem:s4], $0x80, s18, s14, $0xb8;
	[tilespmem:$0x19DC0] =	vst v63  }
0xcf: {  	s23 =	simm.s32 $0x3280;
	s29 =	simm.s32 $0x13DC0;
	s17 =	simm.s32 $0x0  }
0xd0: {  	[tilespmem:s29], [sflag:$0x8] =	stream.indirect.gather [spmem:s4], $0x80, s23, s14, $0xb8;
	[tilespmem:$0x19DC0] =	vst v63  }
.LBB2_4:
0xd1: {  	s29 =	smul.u32 $0x5, s17;
	p1 =	seq.s32 s17, $0x0  }
0xd2: {  	s15 =	simm.s32 @!p1 $0xE  }
0xd3: {  	_ =	swait.ge @!p1 [sflag:s15], $0x2000;
	s23 =	sadd.s32 $0x3, s29  }
0xd4: {  	[sflag:s15] =	ssyncset.done @!p1 $0x0;
	s16 =	sshll.u32 s23, $0x6  }
0xd5: {  	[sflag:s15] =	ssyncadd.s32 @!p1 $0xFFFFE000;
	s20 =	sadd.s32 $0x1900, s16  }
0xd6: {  	[tilespmem:s28], [sflag:$0x4] =	stream.indirect.gather [hbm4b:s0+s14], $0x80, s20, s14, $0xb8;
	[tilespmem:$0x19DC0] =	vst v63  }
0xd7: {  	s18 =	sadd.s32 $0x3200, s16;
	s20 =	simm.s32 $0x15DC0  }
0xd8: {  	[tilespmem:s20], [sflag:$0x9] =	stream.indirect.gather [spmem:s4], $0x80, s18, s14, $0xb8;
	[tilespmem:$0x19DC0] =	vst v63  }
0xd9: {  	_ =	swait.ge [sflag:s30], $0x2000  }
0xda: {  	[sflag:s30] =	ssyncset.done $0x0  }
0xdb: {  	[sflag:s30] =	ssyncadd.s32 $0xFFFFE000  }
0xdc: {  	_ =	swait.ge [sflag:s31], $0x2000  }
0xdd: {  	[sflag:s31] =	ssyncset.done $0x0  }
0xde: {  	s16 =	simm.s32 $0x0;
	[sflag:s31] =	ssyncadd.s32 $0xFFFFE000  }
0xdf: {  	v1 =	vld [tilespmem:s16+$0x101B0]  }
0xe0: {  	v2 =	vld [tilespmem:s16+$0xFDC0]  }
0xe1: {  	v3 =	vld [tilespmem:s16+$0xFDD0]  }
0xe2: {  	v4 =	vld [tilespmem:s16+$0xFDE0]  }
0xe3: {  	v5 =	vld [tilespmem:s16+$0xFDF0]  }
0xe4: {  	v6 =	vld [tilespmem:s16+$0xFE00]  }
0xe5: {  	v7 =	vld [tilespmem:s16+$0xFE10]  }
0xe6: {  	v8 =	vld [tilespmem:s16+$0xFE20]  }
0xe7: {  	v9 =	vld [tilespmem:s16+$0xFE30]  }
0xe8: {  	v10 =	vld [tilespmem:s16+$0xFE40]  }
0xe9: {  	v11 =	vld [tilespmem:s16+$0xFE50]  }
0xea: {  	v12 =	vld [tilespmem:s16+$0xFE60]  }
0xeb: {  	v13 =	vld [tilespmem:s16+$0xFE70]  }
0xec: {  	v14 =	vld [tilespmem:s16+$0xFE80]  }
0xed: {  	v15 =	vld [tilespmem:s16+$0xFE90]  }
0xee: {  	v16 =	vld [tilespmem:s16+$0xFEA0]  }
0xef: {  	v17 =	vld [tilespmem:s16+$0xFEB0]  }
0xf0: {  	v18 =	vld [tilespmem:s16+$0xFEC0]  }
0xf1: {  	v19 =	vld [tilespmem:s16+$0xFED0]  }
0xf2: {  	v20 =	vld [tilespmem:s16+$0xFEE0]  }
0xf3: {  	v21 =	vld [tilespmem:s16+$0xFEF0]  }
0xf4: {  	v22 =	vld [tilespmem:s16+$0xFF00]  }
0xf5: {  	v23 =	vld [tilespmem:s16+$0xFF10]  }
0xf6: {  	v24 =	vld [tilespmem:s16+$0xFF20]  }
0xf7: {  	v25 =	vld [tilespmem:s16+$0xFF30]  }
0xf8: {  	v26 =	vld [tilespmem:s16+$0xFF40]  }
0xf9: {  	v27 =	vld [tilespmem:s16+$0xFF50]  }
0xfa: {  	v28 =	vld [tilespmem:s16+$0xFF60]  }
0xfb: {  	v29 =	vld [tilespmem:s16+$0xFF70]  }
0xfc: {  	v30 =	vld [tilespmem:s16+$0xFF80]  }
0xfd: {  	v31 =	vld [tilespmem:s16+$0xFF90]  }
0xfe: {  	v32 =	vld [tilespmem:s16+$0xFFA0]  }
0xff: {  	v33 =	vld [tilespmem:s16+$0xFFB0]  }
0x100: {  	v34 =	vld [tilespmem:s16+$0xFFC0]  }
0x101: {  	v35 =	vld [tilespmem:s16+$0xFFD0]  }
0x102: {  	v36 =	vld [tilespmem:s16+$0xFFE0]  }
0x103: {  	v37 =	vld [tilespmem:s16+$0xFFF0]  }
0x104: {  	v38 =	vld [tilespmem:s16+$0x10000]  }
0x105: {  	v39 =	vld [tilespmem:s16+$0x10010]  }
0x106: {  	v40 =	vld [tilespmem:s16+$0x10020]  }
0x107: {  	v41 =	vld [tilespmem:s16+$0x10030]  }
0x108: {  	v42 =	vld [tilespmem:s16+$0x10040]  }
0x109: {  	v43 =	vld [tilespmem:s16+$0x10050]  }
0x10a: {  	v44 =	vld [tilespmem:s16+$0x10060]  }
0x10b: {  	v45 =	vld [tilespmem:s16+$0x10070]  }
0x10c: {  	v46 =	vld [tilespmem:s16+$0x10080]  }
0x10d: {  	v47 =	vld [tilespmem:s16+$0x10090]  }
0x10e: {  	v48 =	vld [tilespmem:s16+$0x100A0]  }
0x10f: {  	v49 =	vld [tilespmem:s16+$0x100B0]  }
0x110: {  	v50 =	vld [tilespmem:s16+$0x100C0]  }
0x111: {  	v51 =	vld [tilespmem:s16+$0x100D0]  }
0x112: {  	v52 =	vld [tilespmem:s16+$0x100E0]  }
0x113: {  	v53 =	vld [tilespmem:s16+$0x100F0]  }
0x114: {  	v54 =	vld [tilespmem:s16+$0x10100]  }
0x115: {  	v55 =	vld [tilespmem:s16+$0x10110]  }
0x116: {  	v56 =	vld [tilespmem:s16+$0x10120]  }
0x117: {  	v57 =	vld [tilespmem:s16+$0x10130]  }
0x118: {  	v58 =	vld [tilespmem:s16+$0x10140]  }
0x119: {  	v59 =	vld [tilespmem:s16+$0x10150]  }
0x11a: {  	v60 =	vld [tilespmem:s16+$0x10160]  }
0x11b: {  	v61 =	vld [tilespmem:s16+$0x10170]  }
0x11c: {  	v62 =	vld [tilespmem:s16+$0x10180]  }
0x11d: {  	v63 =	vld [tilespmem:s16+$0x10190]  }
0x11e: {  	[tilespmem:s16+$0x61B0] =	vst.add.f32.msk $0xffff, v1  }
0x11f: {  	v1 =	vld [tilespmem:s16+$0x101A0]  }
0x120: {  	[tilespmem:s16+$0x5DC0] =	vst.add.f32.msk $0xffff, v2  }
0x121: {  	[tilespmem:s16+$0x5DD0] =	vst.add.f32.msk $0xffff, v3  }
0x122: {  	[tilespmem:s16+$0x5DE0] =	vst.add.f32.msk $0xffff, v4  }
0x123: {  	[tilespmem:s16+$0x5DF0] =	vst.add.f32.msk $0xffff, v5  }
0x124: {  	[tilespmem:s16+$0x5E00] =	vst.add.f32.msk $0xffff, v6  }
0x125: {  	[tilespmem:s16+$0x5E10] =	vst.add.f32.msk $0xffff, v7  }
0x126: {  	[tilespmem:s16+$0x5E20] =	vst.add.f32.msk $0xffff, v8  }
0x127: {  	[tilespmem:s16+$0x5E30] =	vst.add.f32.msk $0xffff, v9  }
0x128: {  	[tilespmem:s16+$0x5E40] =	vst.add.f32.msk $0xffff, v10  }
0x129: {  	[tilespmem:s16+$0x5E50] =	vst.add.f32.msk $0xffff, v11  }
0x12a: {  	[tilespmem:s16+$0x5E60] =	vst.add.f32.msk $0xffff, v12  }
0x12b: {  	[tilespmem:s16+$0x5E70] =	vst.add.f32.msk $0xffff, v13  }
0x12c: {  	[tilespmem:s16+$0x5E80] =	vst.add.f32.msk $0xffff, v14  }
0x12d: {  	[tilespmem:s16+$0x5E90] =	vst.add.f32.msk $0xffff, v15  }
0x12e: {  	[tilespmem:s16+$0x5EA0] =	vst.add.f32.msk $0xffff, v16  }
0x12f: {  	[tilespmem:s16+$0x5EB0] =	vst.add.f32.msk $0xffff, v17  }
0x130: {  	[tilespmem:s16+$0x5EC0] =	vst.add.f32.msk $0xffff, v18  }
0x131: {  	[tilespmem:s16+$0x5ED0] =	vst.add.f32.msk $0xffff, v19  }
0x132: {  	[tilespmem:s16+$0x5EE0] =	vst.add.f32.msk $0xffff, v20  }
0x133: {  	[tilespmem:s16+$0x5EF0] =	vst.add.f32.msk $0xffff, v21  }
0x134: {  	[tilespmem:s16+$0x5F00] =	vst.add.f32.msk $0xffff, v22  }
0x135: {  	[tilespmem:s16+$0x5F10] =	vst.add.f32.msk $0xffff, v23  }
0x136: {  	[tilespmem:s16+$0x5F20] =	vst.add.f32.msk $0xffff, v24  }
0x137: {  	[tilespmem:s16+$0x5F30] =	vst.add.f32.msk $0xffff, v25  }
0x138: {  	[tilespmem:s16+$0x5F40] =	vst.add.f32.msk $0xffff, v26  }
0x139: {  	[tilespmem:s16+$0x5F50] =	vst.add.f32.msk $0xffff, v27  }
0x13a: {  	[tilespmem:s16+$0x5F60] =	vst.add.f32.msk $0xffff, v28  }
0x13b: {  	[tilespmem:s16+$0x5F70] =	vst.add.f32.msk $0xffff, v29  }
0x13c: {  	[tilespmem:s16+$0x5F80] =	vst.add.f32.msk $0xffff, v30  }
0x13d: {  	[tilespmem:s16+$0x5F90] =	vst.add.f32.msk $0xffff, v31  }
0x13e: {  	[tilespmem:s16+$0x5FA0] =	vst.add.f32.msk $0xffff, v32  }
0x13f: {  	[tilespmem:s16+$0x5FB0] =	vst.add.f32.msk $0xffff, v33  }
0x140: {  	[tilespmem:s16+$0x5FC0] =	vst.add.f32.msk $0xffff, v34  }
0x141: {  	[tilespmem:s16+$0x5FD0] =	vst.add.f32.msk $0xffff, v35  }
0x142: {  	[tilespmem:s16+$0x5FE0] =	vst.add.f32.msk $0xffff, v36  }
0x143: {  	[tilespmem:s16+$0x5FF0] =	vst.add.f32.msk $0xffff, v37  }
0x144: {  	[tilespmem:s16+$0x6000] =	vst.add.f32.msk $0xffff, v38  }
0x145: {  	[tilespmem:s16+$0x6010] =	vst.add.f32.msk $0xffff, v39  }
0x146: {  	[tilespmem:s16+$0x6020] =	vst.add.f32.msk $0xffff, v40  }
0x147: {  	[tilespmem:s16+$0x6030] =	vst.add.f32.msk $0xffff, v41  }
0x148: {  	[tilespmem:s16+$0x6040] =	vst.add.f32.msk $0xffff, v42  }
0x149: {  	[tilespmem:s16+$0x6050] =	vst.add.f32.msk $0xffff, v43  }
0x14a: {  	[tilespmem:s16+$0x6060] =	vst.add.f32.msk $0xffff, v44  }
0x14b: {  	[tilespmem:s16+$0x6070] =	vst.add.f32.msk $0xffff, v45  }
0x14c: {  	[tilespmem:s16+$0x6080] =	vst.add.f32.msk $0xffff, v46  }
0x14d: {  	[tilespmem:s16+$0x6090] =	vst.add.f32.msk $0xffff, v47  }
0x14e: {  	[tilespmem:s16+$0x60A0] =	vst.add.f32.msk $0xffff, v48  }
0x14f: {  	[tilespmem:s16+$0x60B0] =	vst.add.f32.msk $0xffff, v49  }
0x150: {  	[tilespmem:s16+$0x60C0] =	vst.add.f32.msk $0xffff, v50  }
0x151: {  	[tilespmem:s16+$0x60D0] =	vst.add.f32.msk $0xffff, v51  }
0x152: {  	[tilespmem:s16+$0x60E0] =	vst.add.f32.msk $0xffff, v52  }
0x153: {  	[tilespmem:s16+$0x60F0] =	vst.add.f32.msk $0xffff, v53  }
0x154: {  	[tilespmem:s16+$0x6100] =	vst.add.f32.msk $0xffff, v54  }
0x155: {  	[tilespmem:s16+$0x6110] =	vst.add.f32.msk $0xffff, v55  }
0x156: {  	[tilespmem:s16+$0x6120] =	vst.add.f32.msk $0xffff, v56  }
0x157: {  	[tilespmem:s16+$0x6130] =	vst.add.f32.msk $0xffff, v57  }
0x158: {  	[tilespmem:s16+$0x6140] =	vst.add.f32.msk $0xffff, v58  }
0x159: {  	[tilespmem:s16+$0x6150] =	vst.add.f32.msk $0xffff, v59  }
0x15a: {  	[tilespmem:s16+$0x6160] =	vst.add.f32.msk $0xffff, v60  }
0x15b: {  	[tilespmem:s16+$0x6170] =	vst.add.f32.msk $0xffff, v61  }
0x15c: {  	[tilespmem:s16+$0x6180] =	vst.add.f32.msk $0xffff, v62  }
0x15d: {  	s15 =	simm.s32 $0x0;
	s18 =	simm.s32 $0x1000;
	[tilespmem:s16+$0x6190] =	vst.add.f32.msk $0xffff, v63  }
.LBB2_5:
0x15e: {  	s15 =	sadd.s32 $0x8, s15;
	[tilespmem:s16+$0x61A0] =	vst.add.f32.msk $0xffff, v1;
	s16 =	sshra.s32 s18, $0x2  }
0x15f: {  	v1 =	vld [tilespmem:s16+$0x101B0];
	p2 =	slt.u32 s15, $0x38  }
0x160: {  	v2 =	vld [tilespmem:s16+$0xFDC0]  }
0x161: {  	v3 =	vld [tilespmem:s16+$0xFDD0]  }
0x162: {  	v4 =	vld [tilespmem:s16+$0xFDE0]  }
0x163: {  	v5 =	vld [tilespmem:s16+$0xFDF0]  }
0x164: {  	[tilespmem:s16+$0x61B0] =	vst.add.f32.msk $0xffff, v1  }
0x165: {  	v6 =	vld [tilespmem:s16+$0xFE00]  }
0x166: {  	v7 =	vld [tilespmem:s16+$0xFE10]  }
0x167: {  	v8 =	vld [tilespmem:s16+$0xFE20]  }
0x168: {  	v9 =	vld [tilespmem:s16+$0xFE30]  }
0x169: {  	v10 =	vld [tilespmem:s16+$0xFE40]  }
0x16a: {  	v11 =	vld [tilespmem:s16+$0xFE50]  }
0x16b: {  	v12 =	vld [tilespmem:s16+$0xFE60]  }
0x16c: {  	v13 =	vld [tilespmem:s16+$0xFE70]  }
0x16d: {  	v14 =	vld [tilespmem:s16+$0xFE80]  }
0x16e: {  	v15 =	vld [tilespmem:s16+$0xFE90]  }
0x16f: {  	v16 =	vld [tilespmem:s16+$0xFEA0]  }
0x170: {  	v17 =	vld [tilespmem:s16+$0xFEB0]  }
0x171: {  	v18 =	vld [tilespmem:s16+$0xFEC0]  }
0x172: {  	v19 =	vld [tilespmem:s16+$0xFED0]  }
0x173: {  	v20 =	vld [tilespmem:s16+$0xFEE0]  }
0x174: {  	v21 =	vld [tilespmem:s16+$0xFEF0]  }
0x175: {  	v22 =	vld [tilespmem:s16+$0xFF00]  }
0x176: {  	v23 =	vld [tilespmem:s16+$0xFF10]  }
0x177: {  	v24 =	vld [tilespmem:s16+$0xFF20]  }
0x178: {  	v25 =	vld [tilespmem:s16+$0xFF30]  }
0x179: {  	v26 =	vld [tilespmem:s16+$0xFF40]  }
0x17a: {  	v27 =	vld [tilespmem:s16+$0xFF50]  }
0x17b: {  	v28 =	vld [tilespmem:s16+$0xFF60]  }
0x17c: {  	v29 =	vld [tilespmem:s16+$0xFF70]  }
0x17d: {  	v30 =	vld [tilespmem:s16+$0xFF80]  }
0x17e: {  	v31 =	vld [tilespmem:s16+$0xFF90]  }
0x17f: {  	v32 =	vld [tilespmem:s16+$0xFFA0]  }
0x180: {  	v33 =	vld [tilespmem:s16+$0xFFB0]  }
0x181: {  	v34 =	vld [tilespmem:s16+$0xFFC0]  }
0x182: {  	v35 =	vld [tilespmem:s16+$0xFFD0]  }
0x183: {  	v36 =	vld [tilespmem:s16+$0xFFE0]  }
0x184: {  	v37 =	vld [tilespmem:s16+$0xFFF0]  }
0x185: {  	v38 =	vld [tilespmem:s16+$0x10000]  }
0x186: {  	v39 =	vld [tilespmem:s16+$0x10010]  }
0x187: {  	v40 =	vld [tilespmem:s16+$0x10020]  }
0x188: {  	v41 =	vld [tilespmem:s16+$0x10030]  }
0x189: {  	v42 =	vld [tilespmem:s16+$0x10040]  }
0x18a: {  	v43 =	vld [tilespmem:s16+$0x10050]  }
0x18b: {  	v44 =	vld [tilespmem:s16+$0x10060]  }
0x18c: {  	v45 =	vld [tilespmem:s16+$0x10070]  }
0x18d: {  	v46 =	vld [tilespmem:s16+$0x10080]  }
0x18e: {  	v47 =	vld [tilespmem:s16+$0x10090]  }
0x18f: {  	v48 =	vld [tilespmem:s16+$0x100A0]  }
0x190: {  	v49 =	vld [tilespmem:s16+$0x100B0]  }
0x191: {  	v50 =	vld [tilespmem:s16+$0x100C0]  }
0x192: {  	v51 =	vld [tilespmem:s16+$0x100D0]  }
0x193: {  	v52 =	vld [tilespmem:s16+$0x100E0]  }
0x194: {  	v53 =	vld [tilespmem:s16+$0x100F0]  }
0x195: {  	v54 =	vld [tilespmem:s16+$0x10100]  }
0x196: {  	v55 =	vld [tilespmem:s16+$0x10110]  }
0x197: {  	v56 =	vld [tilespmem:s16+$0x10120]  }
0x198: {  	v57 =	vld [tilespmem:s16+$0x10130]  }
0x199: {  	v58 =	vld [tilespmem:s16+$0x10140]  }
0x19a: {  	v59 =	vld [tilespmem:s16+$0x10150]  }
0x19b: {  	v60 =	vld [tilespmem:s16+$0x10160]  }
0x19c: {  	v61 =	vld [tilespmem:s16+$0x10170]  }
0x19d: {  	v62 =	vld [tilespmem:s16+$0x10180]  }
0x19e: {  	v63 =	vld [tilespmem:s16+$0x10190]  }
0x19f: {  	v1 =	vld [tilespmem:s16+$0x101A0]  }
0x1a0: {  	[tilespmem:s16+$0x5DC0] =	vst.add.f32.msk $0xffff, v2  }
0x1a1: {  	[tilespmem:s16+$0x5DD0] =	vst.add.f32.msk $0xffff, v3  }
0x1a2: {  	[tilespmem:s16+$0x5DE0] =	vst.add.f32.msk $0xffff, v4  }
0x1a3: {  	[tilespmem:s16+$0x5DF0] =	vst.add.f32.msk $0xffff, v5  }
0x1a4: {  	[tilespmem:s16+$0x5E00] =	vst.add.f32.msk $0xffff, v6  }
0x1a5: {  	[tilespmem:s16+$0x5E10] =	vst.add.f32.msk $0xffff, v7  }
0x1a6: {  	[tilespmem:s16+$0x5E20] =	vst.add.f32.msk $0xffff, v8  }
0x1a7: {  	[tilespmem:s16+$0x5E30] =	vst.add.f32.msk $0xffff, v9  }
0x1a8: {  	[tilespmem:s16+$0x5E40] =	vst.add.f32.msk $0xffff, v10  }
0x1a9: {  	[tilespmem:s16+$0x5E50] =	vst.add.f32.msk $0xffff, v11  }
0x1aa: {  	[tilespmem:s16+$0x5E60] =	vst.add.f32.msk $0xffff, v12  }
0x1ab: {  	[tilespmem:s16+$0x5E70] =	vst.add.f32.msk $0xffff, v13  }
0x1ac: {  	[tilespmem:s16+$0x5E80] =	vst.add.f32.msk $0xffff, v14  }
0x1ad: {  	[tilespmem:s16+$0x5E90] =	vst.add.f32.msk $0xffff, v15  }
0x1ae: {  	[tilespmem:s16+$0x5EA0] =	vst.add.f32.msk $0xffff, v16  }
0x1af: {  	[tilespmem:s16+$0x5EB0] =	vst.add.f32.msk $0xffff, v17  }
0x1b0: {  	[tilespmem:s16+$0x5EC0] =	vst.add.f32.msk $0xffff, v18  }
0x1b1: {  	[tilespmem:s16+$0x5ED0] =	vst.add.f32.msk $0xffff, v19  }
0x1b2: {  	[tilespmem:s16+$0x5EE0] =	vst.add.f32.msk $0xffff, v20  }
0x1b3: {  	[tilespmem:s16+$0x5EF0] =	vst.add.f32.msk $0xffff, v21  }
0x1b4: {  	[tilespmem:s16+$0x5F00] =	vst.add.f32.msk $0xffff, v22  }
0x1b5: {  	[tilespmem:s16+$0x5F10] =	vst.add.f32.msk $0xffff, v23  }
0x1b6: {  	[tilespmem:s16+$0x5F20] =	vst.add.f32.msk $0xffff, v24  }
0x1b7: {  	[tilespmem:s16+$0x5F30] =	vst.add.f32.msk $0xffff, v25  }
0x1b8: {  	[tilespmem:s16+$0x5F40] =	vst.add.f32.msk $0xffff, v26  }
0x1b9: {  	[tilespmem:s16+$0x5F50] =	vst.add.f32.msk $0xffff, v27  }
0x1ba: {  	[tilespmem:s16+$0x5F60] =	vst.add.f32.msk $0xffff, v28  }
0x1bb: {  	[tilespmem:s16+$0x5F70] =	vst.add.f32.msk $0xffff, v29  }
0x1bc: {  	[tilespmem:s16+$0x5F80] =	vst.add.f32.msk $0xffff, v30  }
0x1bd: {  	[tilespmem:s16+$0x5F90] =	vst.add.f32.msk $0xffff, v31  }
0x1be: {  	[tilespmem:s16+$0x5FA0] =	vst.add.f32.msk $0xffff, v32  }
0x1bf: {  	[tilespmem:s16+$0x5FB0] =	vst.add.f32.msk $0xffff, v33  }
0x1c0: {  	[tilespmem:s16+$0x5FC0] =	vst.add.f32.msk $0xffff, v34  }
0x1c1: {  	[tilespmem:s16+$0x5FD0] =	vst.add.f32.msk $0xffff, v35  }
0x1c2: {  	[tilespmem:s16+$0x5FE0] =	vst.add.f32.msk $0xffff, v36  }
0x1c3: {  	[tilespmem:s16+$0x5FF0] =	vst.add.f32.msk $0xffff, v37  }
0x1c4: {  	[tilespmem:s16+$0x6000] =	vst.add.f32.msk $0xffff, v38  }
0x1c5: {  	[tilespmem:s16+$0x6010] =	vst.add.f32.msk $0xffff, v39  }
0x1c6: {  	[tilespmem:s16+$0x6020] =	vst.add.f32.msk $0xffff, v40  }
0x1c7: {  	[tilespmem:s16+$0x6030] =	vst.add.f32.msk $0xffff, v41  }
0x1c8: {  	[tilespmem:s16+$0x6040] =	vst.add.f32.msk $0xffff, v42  }
0x1c9: {  	[tilespmem:s16+$0x6050] =	vst.add.f32.msk $0xffff, v43  }
0x1ca: {  	[tilespmem:s16+$0x6060] =	vst.add.f32.msk $0xffff, v44  }
0x1cb: {  	[tilespmem:s16+$0x6070] =	vst.add.f32.msk $0xffff, v45  }
0x1cc: {  	[tilespmem:s16+$0x6080] =	vst.add.f32.msk $0xffff, v46  }
0x1cd: {  	[tilespmem:s16+$0x6090] =	vst.add.f32.msk $0xffff, v47  }
0x1ce: {  	[tilespmem:s16+$0x60A0] =	vst.add.f32.msk $0xffff, v48  }
0x1cf: {  	[tilespmem:s16+$0x60B0] =	vst.add.f32.msk $0xffff, v49  }
0x1d0: {  	[tilespmem:s16+$0x60C0] =	vst.add.f32.msk $0xffff, v50  }
0x1d1: {  	[tilespmem:s16+$0x60D0] =	vst.add.f32.msk $0xffff, v51  }
0x1d2: {  	[tilespmem:s16+$0x60E0] =	vst.add.f32.msk $0xffff, v52  }
0x1d3: {  	[tilespmem:s16+$0x60F0] =	vst.add.f32.msk $0xffff, v53  }
0x1d4: {  	[tilespmem:s16+$0x6100] =	vst.add.f32.msk $0xffff, v54  }
0x1d5: {  	[tilespmem:s16+$0x6110] =	vst.add.f32.msk $0xffff, v55  }
0x1d6: {  	[tilespmem:s16+$0x6120] =	vst.add.f32.msk $0xffff, v56  }
0x1d7: {  	[tilespmem:s16+$0x6130] =	vst.add.f32.msk $0xffff, v57  }
0x1d8: {  	[tilespmem:s16+$0x6140] =	vst.add.f32.msk $0xffff, v58  }
.Ltmp1:
0x1d9: {  	[tilespmem:s16+$0x6150] =	vst.add.f32.msk $0xffff, v59;
	(pc) =	sbr.rel @p2 .LBB2_5-.Ltmp1, $4  }
0x1da: {  	[tilespmem:s16+$0x6160] =	vst.add.f32.msk $0xffff, v60  }
0x1db: {  	[tilespmem:s16+$0x6170] =	vst.add.f32.msk $0xffff, v61  }
0x1dc: {  	[tilespmem:s16+$0x6180] =	vst.add.f32.msk $0xffff, v62  }
0x1dd: {  	s18 =	sadd.s32 $0x1000, s18;
	[tilespmem:s16+$0x6190] =	vst.add.f32.msk $0xffff, v63  }
0x1de: {  	s15 =	smul.u32 $0x140, s17;
	_ =	sdelay $0x1  }
0x1df: {  	s18 =	sadd.s32 s5, s15  }
0x1e0: {  	s18 =	sshll.u32 s18, $0x4  }
0x1e1: {  	[tilespmem:s16+$0x61A0] =	vst.add.f32.msk $0xffff, v1;
	s20 =	simm.s32 $0x5DC0;
	s16 =	simm.s32 @!p1 $0xF;
	s18 =	sadd.s32 s3, s18  }
0x1e2: {  	[hbm4b:s18+s6] =	stream.linear.scatter [tilespmem:s20], [sflag:$0xB], $0x2000, $0x38;
	[tilespmem:$0x19DC0] =	vst v63  }
0x1e3: {  	s29 =	sadd.s32 $0x4, s29;
	_ =	swait.ge @!p1 [sflag:s16], $0x2000  }
0x1e4: {  	s18 =	sshll.u32 s29, $0x6;
	[sflag:s16] =	ssyncset.done @!p1 $0x0  }
0x1e5: {  	s20 =	sadd.s32 $0x1900, s18;
	[sflag:s16] =	ssyncadd.s32 @!p1 $0xFFFFE000  }
0x1e6: {  	[tilespmem:s2], [sflag:$0x5] =	stream.indirect.gather [hbm4b:s0+s14], $0x80, s20, s14, $0xb8;
	[tilespmem:$0x19DC0] =	vst v63  }
0x1e7: {  	s18 =	sadd.s32 $0x3200, s18;
	s20 =	simm.s32 $0x17DC0  }
0x1e8: {  	[tilespmem:s20], [sflag:$0xA] =	stream.indirect.gather [spmem:s4], $0x80, s18, s14, $0xb8;
	[tilespmem:$0x19DC0] =	vst v63  }
0x1e9: {  	_ =	swait.ge [sflag:s19], $0x2000  }
0x1ea: {  	[sflag:s19] =	ssyncset.done $0x0  }
0x1eb: {  	[sflag:s19] =	ssyncadd.s32 $0xFFFFE000  }
0x1ec: {  	_ =	swait.ge [sflag:s21], $0x2000  }
0x1ed: {  	[sflag:s21] =	ssyncset.done $0x0  }
0x1ee: {  	s16 =	simm.s32 $0x0;
	[sflag:s21] =	ssyncadd.s32 $0xFFFFE000  }
0x1ef: {  	v1 =	vld [tilespmem:s16+$0x121B0]  }
0x1f0: {  	v2 =	vld [tilespmem:s16+$0x11DC0]  }
0x1f1: {  	v3 =	vld [tilespmem:s16+$0x11DD0]  }
0x1f2: {  	v4 =	vld [tilespmem:s16+$0x11DE0]  }
0x1f3: {  	v5 =	vld [tilespmem:s16+$0x11DF0]  }
0x1f4: {  	v6 =	vld [tilespmem:s16+$0x11E00]  }
0x1f5: {  	v7 =	vld [tilespmem:s16+$0x11E10]  }
0x1f6: {  	v8 =	vld [tilespmem:s16+$0x11E20]  }
0x1f7: {  	v9 =	vld [tilespmem:s16+$0x11E30]  }
0x1f8: {  	v10 =	vld [tilespmem:s16+$0x11E40]  }
0x1f9: {  	v11 =	vld [tilespmem:s16+$0x11E50]  }
0x1fa: {  	v12 =	vld [tilespmem:s16+$0x11E60]  }
0x1fb: {  	v13 =	vld [tilespmem:s16+$0x11E70]  }
0x1fc: {  	v14 =	vld [tilespmem:s16+$0x11E80]  }
0x1fd: {  	v15 =	vld [tilespmem:s16+$0x11E90]  }
0x1fe: {  	v16 =	vld [tilespmem:s16+$0x11EA0]  }
0x1ff: {  	v17 =	vld [tilespmem:s16+$0x11EB0]  }
0x200: {  	v18 =	vld [tilespmem:s16+$0x11EC0]  }
0x201: {  	v19 =	vld [tilespmem:s16+$0x11ED0]  }
0x202: {  	v20 =	vld [tilespmem:s16+$0x11EE0]  }
0x203: {  	v21 =	vld [tilespmem:s16+$0x11EF0]  }
0x204: {  	v22 =	vld [tilespmem:s16+$0x11F00]  }
0x205: {  	v23 =	vld [tilespmem:s16+$0x11F10]  }
0x206: {  	v24 =	vld [tilespmem:s16+$0x11F20]  }
0x207: {  	v25 =	vld [tilespmem:s16+$0x11F30]  }
0x208: {  	v26 =	vld [tilespmem:s16+$0x11F40]  }
0x209: {  	v27 =	vld [tilespmem:s16+$0x11F50]  }
0x20a: {  	v28 =	vld [tilespmem:s16+$0x11F60]  }
0x20b: {  	v29 =	vld [tilespmem:s16+$0x11F70]  }
0x20c: {  	v30 =	vld [tilespmem:s16+$0x11F80]  }
0x20d: {  	v31 =	vld [tilespmem:s16+$0x11F90]  }
0x20e: {  	v32 =	vld [tilespmem:s16+$0x11FA0]  }
0x20f: {  	v33 =	vld [tilespmem:s16+$0x11FB0]  }
0x210: {  	v34 =	vld [tilespmem:s16+$0x11FC0]  }
0x211: {  	v35 =	vld [tilespmem:s16+$0x11FD0]  }
0x212: {  	v36 =	vld [tilespmem:s16+$0x11FE0]  }
0x213: {  	v37 =	vld [tilespmem:s16+$0x11FF0]  }
0x214: {  	v38 =	vld [tilespmem:s16+$0x12000]  }
0x215: {  	v39 =	vld [tilespmem:s16+$0x12010]  }
0x216: {  	v40 =	vld [tilespmem:s16+$0x12020]  }
0x217: {  	v41 =	vld [tilespmem:s16+$0x12030]  }
0x218: {  	v42 =	vld [tilespmem:s16+$0x12040]  }
0x219: {  	v43 =	vld [tilespmem:s16+$0x12050]  }
0x21a: {  	v44 =	vld [tilespmem:s16+$0x12060]  }
0x21b: {  	v45 =	vld [tilespmem:s16+$0x12070]  }
0x21c: {  	v46 =	vld [tilespmem:s16+$0x12080]  }
0x21d: {  	v47 =	vld [tilespmem:s16+$0x12090]  }
0x21e: {  	v48 =	vld [tilespmem:s16+$0x120A0]  }
0x21f: {  	v49 =	vld [tilespmem:s16+$0x120B0]  }
0x220: {  	v50 =	vld [tilespmem:s16+$0x120C0]  }
0x221: {  	v51 =	vld [tilespmem:s16+$0x120D0]  }
0x222: {  	v52 =	vld [tilespmem:s16+$0x120E0]  }
0x223: {  	v53 =	vld [tilespmem:s16+$0x120F0]  }
0x224: {  	v54 =	vld [tilespmem:s16+$0x12100]  }
0x225: {  	v55 =	vld [tilespmem:s16+$0x12110]  }
0x226: {  	v56 =	vld [tilespmem:s16+$0x12120]  }
0x227: {  	v57 =	vld [tilespmem:s16+$0x12130]  }
0x228: {  	v58 =	vld [tilespmem:s16+$0x12140]  }
0x229: {  	v59 =	vld [tilespmem:s16+$0x12150]  }
0x22a: {  	v60 =	vld [tilespmem:s16+$0x12160]  }
0x22b: {  	v61 =	vld [tilespmem:s16+$0x12170]  }
0x22c: {  	v62 =	vld [tilespmem:s16+$0x12180]  }
0x22d: {  	v63 =	vld [tilespmem:s16+$0x12190]  }
0x22e: {  	[tilespmem:s16+$0x81B0] =	vst.add.f32.msk $0xffff, v1  }
0x22f: {  	v1 =	vld [tilespmem:s16+$0x121A0]  }
0x230: {  	[tilespmem:s16+$0x7DC0] =	vst.add.f32.msk $0xffff, v2  }
0x231: {  	[tilespmem:s16+$0x7DD0] =	vst.add.f32.msk $0xffff, v3  }
0x232: {  	[tilespmem:s16+$0x7DE0] =	vst.add.f32.msk $0xffff, v4  }
0x233: {  	[tilespmem:s16+$0x7DF0] =	vst.add.f32.msk $0xffff, v5  }
0x234: {  	[tilespmem:s16+$0x7E00] =	vst.add.f32.msk $0xffff, v6  }
0x235: {  	[tilespmem:s16+$0x7E10] =	vst.add.f32.msk $0xffff, v7  }
0x236: {  	[tilespmem:s16+$0x7E20] =	vst.add.f32.msk $0xffff, v8  }
0x237: {  	[tilespmem:s16+$0x7E30] =	vst.add.f32.msk $0xffff, v9  }
0x238: {  	[tilespmem:s16+$0x7E40] =	vst.add.f32.msk $0xffff, v10  }
0x239: {  	[tilespmem:s16+$0x7E50] =	vst.add.f32.msk $0xffff, v11  }
0x23a: {  	[tilespmem:s16+$0x7E60] =	vst.add.f32.msk $0xffff, v12  }
0x23b: {  	[tilespmem:s16+$0x7E70] =	vst.add.f32.msk $0xffff, v13  }
0x23c: {  	[tilespmem:s16+$0x7E80] =	vst.add.f32.msk $0xffff, v14  }
0x23d: {  	[tilespmem:s16+$0x7E90] =	vst.add.f32.msk $0xffff, v15  }
0x23e: {  	[tilespmem:s16+$0x7EA0] =	vst.add.f32.msk $0xffff, v16  }
0x23f: {  	[tilespmem:s16+$0x7EB0] =	vst.add.f32.msk $0xffff, v17  }
0x240: {  	[tilespmem:s16+$0x7EC0] =	vst.add.f32.msk $0xffff, v18  }
0x241: {  	[tilespmem:s16+$0x7ED0] =	vst.add.f32.msk $0xffff, v19  }
0x242: {  	[tilespmem:s16+$0x7EE0] =	vst.add.f32.msk $0xffff, v20  }
0x243: {  	[tilespmem:s16+$0x7EF0] =	vst.add.f32.msk $0xffff, v21  }
0x244: {  	[tilespmem:s16+$0x7F00] =	vst.add.f32.msk $0xffff, v22  }
0x245: {  	[tilespmem:s16+$0x7F10] =	vst.add.f32.msk $0xffff, v23  }
0x246: {  	[tilespmem:s16+$0x7F20] =	vst.add.f32.msk $0xffff, v24  }
0x247: {  	[tilespmem:s16+$0x7F30] =	vst.add.f32.msk $0xffff, v25  }
0x248: {  	[tilespmem:s16+$0x7F40] =	vst.add.f32.msk $0xffff, v26  }
0x249: {  	[tilespmem:s16+$0x7F50] =	vst.add.f32.msk $0xffff, v27  }
0x24a: {  	[tilespmem:s16+$0x7F60] =	vst.add.f32.msk $0xffff, v28  }
0x24b: {  	[tilespmem:s16+$0x7F70] =	vst.add.f32.msk $0xffff, v29  }
0x24c: {  	[tilespmem:s16+$0x7F80] =	vst.add.f32.msk $0xffff, v30  }
0x24d: {  	[tilespmem:s16+$0x7F90] =	vst.add.f32.msk $0xffff, v31  }
0x24e: {  	[tilespmem:s16+$0x7FA0] =	vst.add.f32.msk $0xffff, v32  }
0x24f: {  	[tilespmem:s16+$0x7FB0] =	vst.add.f32.msk $0xffff, v33  }
0x250: {  	[tilespmem:s16+$0x7FC0] =	vst.add.f32.msk $0xffff, v34  }
0x251: {  	[tilespmem:s16+$0x7FD0] =	vst.add.f32.msk $0xffff, v35  }
0x252: {  	[tilespmem:s16+$0x7FE0] =	vst.add.f32.msk $0xffff, v36  }
0x253: {  	[tilespmem:s16+$0x7FF0] =	vst.add.f32.msk $0xffff, v37  }
0x254: {  	[tilespmem:s16+$0x8000] =	vst.add.f32.msk $0xffff, v38  }
0x255: {  	[tilespmem:s16+$0x8010] =	vst.add.f32.msk $0xffff, v39  }
0x256: {  	[tilespmem:s16+$0x8020] =	vst.add.f32.msk $0xffff, v40  }
0x257: {  	[tilespmem:s16+$0x8030] =	vst.add.f32.msk $0xffff, v41  }
0x258: {  	[tilespmem:s16+$0x8040] =	vst.add.f32.msk $0xffff, v42  }
0x259: {  	[tilespmem:s16+$0x8050] =	vst.add.f32.msk $0xffff, v43  }
0x25a: {  	[tilespmem:s16+$0x8060] =	vst.add.f32.msk $0xffff, v44  }
0x25b: {  	[tilespmem:s16+$0x8070] =	vst.add.f32.msk $0xffff, v45  }
0x25c: {  	[tilespmem:s16+$0x8080] =	vst.add.f32.msk $0xffff, v46  }
0x25d: {  	[tilespmem:s16+$0x8090] =	vst.add.f32.msk $0xffff, v47  }
0x25e: {  	[tilespmem:s16+$0x80A0] =	vst.add.f32.msk $0xffff, v48  }
0x25f: {  	[tilespmem:s16+$0x80B0] =	vst.add.f32.msk $0xffff, v49  }
0x260: {  	[tilespmem:s16+$0x80C0] =	vst.add.f32.msk $0xffff, v50  }
0x261: {  	[tilespmem:s16+$0x80D0] =	vst.add.f32.msk $0xffff, v51  }
0x262: {  	[tilespmem:s16+$0x80E0] =	vst.add.f32.msk $0xffff, v52  }
0x263: {  	[tilespmem:s16+$0x80F0] =	vst.add.f32.msk $0xffff, v53  }
0x264: {  	[tilespmem:s16+$0x8100] =	vst.add.f32.msk $0xffff, v54  }
0x265: {  	[tilespmem:s16+$0x8110] =	vst.add.f32.msk $0xffff, v55  }
0x266: {  	[tilespmem:s16+$0x8120] =	vst.add.f32.msk $0xffff, v56  }
0x267: {  	[tilespmem:s16+$0x8130] =	vst.add.f32.msk $0xffff, v57  }
0x268: {  	[tilespmem:s16+$0x8140] =	vst.add.f32.msk $0xffff, v58  }
0x269: {  	[tilespmem:s16+$0x8150] =	vst.add.f32.msk $0xffff, v59  }
0x26a: {  	[tilespmem:s16+$0x8160] =	vst.add.f32.msk $0xffff, v60  }
0x26b: {  	[tilespmem:s16+$0x8170] =	vst.add.f32.msk $0xffff, v61  }
0x26c: {  	[tilespmem:s16+$0x8180] =	vst.add.f32.msk $0xffff, v62  }
0x26d: {  	s18 =	simm.s32 $0x0;
	s20 =	simm.s32 $0x1000;
	[tilespmem:s16+$0x8190] =	vst.add.f32.msk $0xffff, v63  }
.LBB2_7:
0x26e: {  	s18 =	sadd.s32 $0x8, s18;
	[tilespmem:s16+$0x81A0] =	vst.add.f32.msk $0xffff, v1;
	s16 =	sshra.s32 s20, $0x2  }
0x26f: {  	v1 =	vld [tilespmem:s16+$0x121B0];
	p1 =	slt.u32 s18, $0x38  }
0x270: {  	v2 =	vld [tilespmem:s16+$0x11DC0]  }
0x271: {  	v3 =	vld [tilespmem:s16+$0x11DD0]  }
0x272: {  	v4 =	vld [tilespmem:s16+$0x11DE0]  }
0x273: {  	v5 =	vld [tilespmem:s16+$0x11DF0]  }
0x274: {  	[tilespmem:s16+$0x81B0] =	vst.add.f32.msk $0xffff, v1  }
0x275: {  	v6 =	vld [tilespmem:s16+$0x11E00]  }
0x276: {  	v7 =	vld [tilespmem:s16+$0x11E10]  }
0x277: {  	v8 =	vld [tilespmem:s16+$0x11E20]  }
0x278: {  	v9 =	vld [tilespmem:s16+$0x11E30]  }
0x279: {  	v10 =	vld [tilespmem:s16+$0x11E40]  }
0x27a: {  	v11 =	vld [tilespmem:s16+$0x11E50]  }
0x27b: {  	v12 =	vld [tilespmem:s16+$0x11E60]  }
0x27c: {  	v13 =	vld [tilespmem:s16+$0x11E70]  }
0x27d: {  	v14 =	vld [tilespmem:s16+$0x11E80]  }
0x27e: {  	v15 =	vld [tilespmem:s16+$0x11E90]  }
0x27f: {  	v16 =	vld [tilespmem:s16+$0x11EA0]  }
0x280: {  	v17 =	vld [tilespmem:s16+$0x11EB0]  }
0x281: {  	v18 =	vld [tilespmem:s16+$0x11EC0]  }
0x282: {  	v19 =	vld [tilespmem:s16+$0x11ED0]  }
0x283: {  	v20 =	vld [tilespmem:s16+$0x11EE0]  }
0x284: {  	v21 =	vld [tilespmem:s16+$0x11EF0]  }
0x285: {  	v22 =	vld [tilespmem:s16+$0x11F00]  }
0x286: {  	v23 =	vld [tilespmem:s16+$0x11F10]  }
0x287: {  	v24 =	vld [tilespmem:s16+$0x11F20]  }
0x288: {  	v25 =	vld [tilespmem:s16+$0x11F30]  }
0x289: {  	v26 =	vld [tilespmem:s16+$0x11F40]  }
0x28a: {  	v27 =	vld [tilespmem:s16+$0x11F50]  }
0x28b: {  	v28 =	vld [tilespmem:s16+$0x11F60]  }
0x28c: {  	v29 =	vld [tilespmem:s16+$0x11F70]  }
0x28d: {  	v30 =	vld [tilespmem:s16+$0x11F80]  }
0x28e: {  	v31 =	vld [tilespmem:s16+$0x11F90]  }
0x28f: {  	v32 =	vld [tilespmem:s16+$0x11FA0]  }
0x290: {  	v33 =	vld [tilespmem:s16+$0x11FB0]  }
0x291: {  	v34 =	vld [tilespmem:s16+$0x11FC0]  }
0x292: {  	v35 =	vld [tilespmem:s16+$0x11FD0]  }
0x293: {  	v36 =	vld [tilespmem:s16+$0x11FE0]  }
0x294: {  	v37 =	vld [tilespmem:s16+$0x11FF0]  }
0x295: {  	v38 =	vld [tilespmem:s16+$0x12000]  }
0x296: {  	v39 =	vld [tilespmem:s16+$0x12010]  }
0x297: {  	v40 =	vld [tilespmem:s16+$0x12020]  }
0x298: {  	v41 =	vld [tilespmem:s16+$0x12030]  }
0x299: {  	v42 =	vld [tilespmem:s16+$0x12040]  }
0x29a: {  	v43 =	vld [tilespmem:s16+$0x12050]  }
0x29b: {  	v44 =	vld [tilespmem:s16+$0x12060]  }
0x29c: {  	v45 =	vld [tilespmem:s16+$0x12070]  }
0x29d: {  	v46 =	vld [tilespmem:s16+$0x12080]  }
0x29e: {  	v47 =	vld [tilespmem:s16+$0x12090]  }
0x29f: {  	v48 =	vld [tilespmem:s16+$0x120A0]  }
0x2a0: {  	v49 =	vld [tilespmem:s16+$0x120B0]  }
0x2a1: {  	v50 =	vld [tilespmem:s16+$0x120C0]  }
0x2a2: {  	v51 =	vld [tilespmem:s16+$0x120D0]  }
0x2a3: {  	v52 =	vld [tilespmem:s16+$0x120E0]  }
0x2a4: {  	v53 =	vld [tilespmem:s16+$0x120F0]  }
0x2a5: {  	v54 =	vld [tilespmem:s16+$0x12100]  }
0x2a6: {  	v55 =	vld [tilespmem:s16+$0x12110]  }
0x2a7: {  	v56 =	vld [tilespmem:s16+$0x12120]  }
0x2a8: {  	v57 =	vld [tilespmem:s16+$0x12130]  }
0x2a9: {  	v58 =	vld [tilespmem:s16+$0x12140]  }
0x2aa: {  	v59 =	vld [tilespmem:s16+$0x12150]  }
0x2ab: {  	v60 =	vld [tilespmem:s16+$0x12160]  }
0x2ac: {  	v61 =	vld [tilespmem:s16+$0x12170]  }
0x2ad: {  	v62 =	vld [tilespmem:s16+$0x12180]  }
0x2ae: {  	v63 =	vld [tilespmem:s16+$0x12190]  }
0x2af: {  	v1 =	vld [tilespmem:s16+$0x121A0]  }
0x2b0: {  	[tilespmem:s16+$0x7DC0] =	vst.add.f32.msk $0xffff, v2  }
0x2b1: {  	[tilespmem:s16+$0x7DD0] =	vst.add.f32.msk $0xffff, v3  }
0x2b2: {  	[tilespmem:s16+$0x7DE0] =	vst.add.f32.msk $0xffff, v4  }
0x2b3: {  	[tilespmem:s16+$0x7DF0] =	vst.add.f32.msk $0xffff, v5  }
0x2b4: {  	[tilespmem:s16+$0x7E00] =	vst.add.f32.msk $0xffff, v6  }
0x2b5: {  	[tilespmem:s16+$0x7E10] =	vst.add.f32.msk $0xffff, v7  }
0x2b6: {  	[tilespmem:s16+$0x7E20] =	vst.add.f32.msk $0xffff, v8  }
0x2b7: {  	[tilespmem:s16+$0x7E30] =	vst.add.f32.msk $0xffff, v9  }
0x2b8: {  	[tilespmem:s16+$0x7E40] =	vst.add.f32.msk $0xffff, v10  }
0x2b9: {  	[tilespmem:s16+$0x7E50] =	vst.add.f32.msk $0xffff, v11  }
0x2ba: {  	[tilespmem:s16+$0x7E60] =	vst.add.f32.msk $0xffff, v12  }
0x2bb: {  	[tilespmem:s16+$0x7E70] =	vst.add.f32.msk $0xffff, v13  }
0x2bc: {  	[tilespmem:s16+$0x7E80] =	vst.add.f32.msk $0xffff, v14  }
0x2bd: {  	[tilespmem:s16+$0x7E90] =	vst.add.f32.msk $0xffff, v15  }
0x2be: {  	[tilespmem:s16+$0x7EA0] =	vst.add.f32.msk $0xffff, v16  }
0x2bf: {  	[tilespmem:s16+$0x7EB0] =	vst.add.f32.msk $0xffff, v17  }
0x2c0: {  	[tilespmem:s16+$0x7EC0] =	vst.add.f32.msk $0xffff, v18  }
0x2c1: {  	[tilespmem:s16+$0x7ED0] =	vst.add.f32.msk $0xffff, v19  }
0x2c2: {  	[tilespmem:s16+$0x7EE0] =	vst.add.f32.msk $0xffff, v20  }
0x2c3: {  	[tilespmem:s16+$0x7EF0] =	vst.add.f32.msk $0xffff, v21  }
0x2c4: {  	[tilespmem:s16+$0x7F00] =	vst.add.f32.msk $0xffff, v22  }
0x2c5: {  	[tilespmem:s16+$0x7F10] =	vst.add.f32.msk $0xffff, v23  }
0x2c6: {  	[tilespmem:s16+$0x7F20] =	vst.add.f32.msk $0xffff, v24  }
0x2c7: {  	[tilespmem:s16+$0x7F30] =	vst.add.f32.msk $0xffff, v25  }
0x2c8: {  	[tilespmem:s16+$0x7F40] =	vst.add.f32.msk $0xffff, v26  }
0x2c9: {  	[tilespmem:s16+$0x7F50] =	vst.add.f32.msk $0xffff, v27  }
0x2ca: {  	[tilespmem:s16+$0x7F60] =	vst.add.f32.msk $0xffff, v28  }
0x2cb: {  	[tilespmem:s16+$0x7F70] =	vst.add.f32.msk $0xffff, v29  }
0x2cc: {  	[tilespmem:s16+$0x7F80] =	vst.add.f32.msk $0xffff, v30  }
0x2cd: {  	[tilespmem:s16+$0x7F90] =	vst.add.f32.msk $0xffff, v31  }
0x2ce: {  	[tilespmem:s16+$0x7FA0] =	vst.add.f32.msk $0xffff, v32  }
0x2cf: {  	[tilespmem:s16+$0x7FB0] =	vst.add.f32.msk $0xffff, v33  }
0x2d0: {  	[tilespmem:s16+$0x7FC0] =	vst.add.f32.msk $0xffff, v34  }
0x2d1: {  	[tilespmem:s16+$0x7FD0] =	vst.add.f32.msk $0xffff, v35  }
0x2d2: {  	[tilespmem:s16+$0x7FE0] =	vst.add.f32.msk $0xffff, v36  }
0x2d3: {  	[tilespmem:s16+$0x7FF0] =	vst.add.f32.msk $0xffff, v37  }
0x2d4: {  	[tilespmem:s16+$0x8000] =	vst.add.f32.msk $0xffff, v38  }
0x2d5: {  	[tilespmem:s16+$0x8010] =	vst.add.f32.msk $0xffff, v39  }
0x2d6: {  	[tilespmem:s16+$0x8020] =	vst.add.f32.msk $0xffff, v40  }
0x2d7: {  	[tilespmem:s16+$0x8030] =	vst.add.f32.msk $0xffff, v41  }
0x2d8: {  	[tilespmem:s16+$0x8040] =	vst.add.f32.msk $0xffff, v42  }
0x2d9: {  	[tilespmem:s16+$0x8050] =	vst.add.f32.msk $0xffff, v43  }
0x2da: {  	[tilespmem:s16+$0x8060] =	vst.add.f32.msk $0xffff, v44  }
0x2db: {  	[tilespmem:s16+$0x8070] =	vst.add.f32.msk $0xffff, v45  }
0x2dc: {  	[tilespmem:s16+$0x8080] =	vst.add.f32.msk $0xffff, v46  }
0x2dd: {  	[tilespmem:s16+$0x8090] =	vst.add.f32.msk $0xffff, v47  }
0x2de: {  	[tilespmem:s16+$0x80A0] =	vst.add.f32.msk $0xffff, v48  }
0x2df: {  	[tilespmem:s16+$0x80B0] =	vst.add.f32.msk $0xffff, v49  }
0x2e0: {  	[tilespmem:s16+$0x80C0] =	vst.add.f32.msk $0xffff, v50  }
0x2e1: {  	[tilespmem:s16+$0x80D0] =	vst.add.f32.msk $0xffff, v51  }
0x2e2: {  	[tilespmem:s16+$0x80E0] =	vst.add.f32.msk $0xffff, v52  }
0x2e3: {  	[tilespmem:s16+$0x80F0] =	vst.add.f32.msk $0xffff, v53  }
0x2e4: {  	[tilespmem:s16+$0x8100] =	vst.add.f32.msk $0xffff, v54  }
0x2e5: {  	[tilespmem:s16+$0x8110] =	vst.add.f32.msk $0xffff, v55  }
0x2e6: {  	[tilespmem:s16+$0x8120] =	vst.add.f32.msk $0xffff, v56  }
0x2e7: {  	[tilespmem:s16+$0x8130] =	vst.add.f32.msk $0xffff, v57  }
0x2e8: {  	[tilespmem:s16+$0x8140] =	vst.add.f32.msk $0xffff, v58  }
.Ltmp2:
0x2e9: {  	[tilespmem:s16+$0x8150] =	vst.add.f32.msk $0xffff, v59;
	(pc) =	sbr.rel @p1 .LBB2_7-.Ltmp2, $4  }
0x2ea: {  	[tilespmem:s16+$0x8160] =	vst.add.f32.msk $0xffff, v60  }
0x2eb: {  	[tilespmem:s16+$0x8170] =	vst.add.f32.msk $0xffff, v61  }
0x2ec: {  	[tilespmem:s16+$0x8180] =	vst.add.f32.msk $0xffff, v62  }
0x2ed: {  	s20 =	sadd.s32 $0x1000, s20;
	[tilespmem:s16+$0x8190] =	vst.add.f32.msk $0xffff, v63  }
0x2ee: {  	s18 =	smul.u32 $0xA000, s17;
	_ =	sdelay $0x1  }
0x2ef: {  	s18 =	sadd.s32 s18, s9  }
0x2f0: {  	s18 =	sshrl.u32 s18, $0x3  }
0x2f1: {  	[tilespmem:s16+$0x81A0] =	vst.add.f32.msk $0xffff, v1;
	s20 =	simm.s32 $0x7DC0;
	s18 =	sadd.s32 s3, s18  }
0x2f2: {  	[hbm4b:s18+s6] =	stream.linear.scatter [tilespmem:s20], [sflag:$0xC], $0x2000, $0x38;
	[tilespmem:$0x19DC0] =	vst v63  }
0x2f3: {  	p1 =	seq.s32 s17, $0x13;
	_ =	swait.ge [sflag:s22], $0x2000  }
0x2f4: {  	s16 =	sadd.s32 @!p1 $0x1A40, s15;
	[sflag:s22] =	ssyncset.done $0x0  }
0x2f5: {  	s18 =	simm.s32 @!p1 $0x40;
	s20 =	simm.s32 @!p1 $0x5DC0;
	[sflag:s22] =	ssyncadd.s32 $0xFFFFE000  }
0x2f6: {  	[tilespmem:s20], [sflag:$0x1] =	stream.indirect.gather @!p1 [hbm4b:s0+s18], $0x80, s16, s18, $0xb8;
	[tilespmem:$0x19DC0] =	vst v63  }
0x2f7: {  	s16 =	sadd.s32 @!p1 $0x3340, s15;
	s20 =	simm.s32 @!p1 $0xFDC0  }
0x2f8: {  	[tilespmem:s20], [sflag:$0x6] =	stream.indirect.gather @!p1 [spmem:s4], $0x80, s16, s18, $0xb8;
	[tilespmem:$0x19DC0] =	vst v63  }
0x2f9: {  	_ =	swait.ge [sflag:s24], $0x2000  }
0x2fa: {  	[sflag:s24] =	ssyncset.done $0x0  }
0x2fb: {  	[sflag:s24] =	ssyncadd.s32 $0xFFFFE000  }
0x2fc: {  	_ =	swait.ge [sflag:s25], $0x2000  }
0x2fd: {  	[sflag:s25] =	ssyncset.done $0x0  }
0x2fe: {  	s16 =	simm.s32 $0x0;
	[sflag:s25] =	ssyncadd.s32 $0xFFFFE000  }
0x2ff: {  	v1 =	vld [tilespmem:s16+$0x141B0]  }
0x300: {  	v2 =	vld [tilespmem:s16+$0x13DC0]  }
0x301: {  	v3 =	vld [tilespmem:s16+$0x13DD0]  }
0x302: {  	v4 =	vld [tilespmem:s16+$0x13DE0]  }
0x303: {  	v5 =	vld [tilespmem:s16+$0x13DF0]  }
0x304: {  	v6 =	vld [tilespmem:s16+$0x13E00]  }
0x305: {  	v7 =	vld [tilespmem:s16+$0x13E10]  }
0x306: {  	v8 =	vld [tilespmem:s16+$0x13E20]  }
0x307: {  	v9 =	vld [tilespmem:s16+$0x13E30]  }
0x308: {  	v10 =	vld [tilespmem:s16+$0x13E40]  }
0x309: {  	v11 =	vld [tilespmem:s16+$0x13E50]  }
0x30a: {  	v12 =	vld [tilespmem:s16+$0x13E60]  }
0x30b: {  	v13 =	vld [tilespmem:s16+$0x13E70]  }
0x30c: {  	v14 =	vld [tilespmem:s16+$0x13E80]  }
0x30d: {  	v15 =	vld [tilespmem:s16+$0x13E90]  }
0x30e: {  	v16 =	vld [tilespmem:s16+$0x13EA0]  }
0x30f: {  	v17 =	vld [tilespmem:s16+$0x13EB0]  }
0x310: {  	v18 =	vld [tilespmem:s16+$0x13EC0]  }
0x311: {  	v19 =	vld [tilespmem:s16+$0x13ED0]  }
0x312: {  	v20 =	vld [tilespmem:s16+$0x13EE0]  }
0x313: {  	v21 =	vld [tilespmem:s16+$0x13EF0]  }
0x314: {  	v22 =	vld [tilespmem:s16+$0x13F00]  }
0x315: {  	v23 =	vld [tilespmem:s16+$0x13F10]  }
0x316: {  	v24 =	vld [tilespmem:s16+$0x13F20]  }
0x317: {  	v25 =	vld [tilespmem:s16+$0x13F30]  }
0x318: {  	v26 =	vld [tilespmem:s16+$0x13F40]  }
0x319: {  	v27 =	vld [tilespmem:s16+$0x13F50]  }
0x31a: {  	v28 =	vld [tilespmem:s16+$0x13F60]  }
0x31b: {  	v29 =	vld [tilespmem:s16+$0x13F70]  }
0x31c: {  	v30 =	vld [tilespmem:s16+$0x13F80]  }
0x31d: {  	v31 =	vld [tilespmem:s16+$0x13F90]  }
0x31e: {  	v32 =	vld [tilespmem:s16+$0x13FA0]  }
0x31f: {  	v33 =	vld [tilespmem:s16+$0x13FB0]  }
0x320: {  	v34 =	vld [tilespmem:s16+$0x13FC0]  }
0x321: {  	v35 =	vld [tilespmem:s16+$0x13FD0]  }
0x322: {  	v36 =	vld [tilespmem:s16+$0x13FE0]  }
0x323: {  	v37 =	vld [tilespmem:s16+$0x13FF0]  }
0x324: {  	v38 =	vld [tilespmem:s16+$0x14000]  }
0x325: {  	v39 =	vld [tilespmem:s16+$0x14010]  }
0x326: {  	v40 =	vld [tilespmem:s16+$0x14020]  }
0x327: {  	v41 =	vld [tilespmem:s16+$0x14030]  }
0x328: {  	v42 =	vld [tilespmem:s16+$0x14040]  }
0x329: {  	v43 =	vld [tilespmem:s16+$0x14050]  }
0x32a: {  	v44 =	vld [tilespmem:s16+$0x14060]  }
0x32b: {  	v45 =	vld [tilespmem:s16+$0x14070]  }
0x32c: {  	v46 =	vld [tilespmem:s16+$0x14080]  }
0x32d: {  	v47 =	vld [tilespmem:s16+$0x14090]  }
0x32e: {  	v48 =	vld [tilespmem:s16+$0x140A0]  }
0x32f: {  	v49 =	vld [tilespmem:s16+$0x140B0]  }
0x330: {  	v50 =	vld [tilespmem:s16+$0x140C0]  }
0x331: {  	v51 =	vld [tilespmem:s16+$0x140D0]  }
0x332: {  	v52 =	vld [tilespmem:s16+$0x140E0]  }
0x333: {  	v53 =	vld [tilespmem:s16+$0x140F0]  }
0x334: {  	v54 =	vld [tilespmem:s16+$0x14100]  }
0x335: {  	v55 =	vld [tilespmem:s16+$0x14110]  }
0x336: {  	v56 =	vld [tilespmem:s16+$0x14120]  }
0x337: {  	v57 =	vld [tilespmem:s16+$0x14130]  }
0x338: {  	v58 =	vld [tilespmem:s16+$0x14140]  }
0x339: {  	v59 =	vld [tilespmem:s16+$0x14150]  }
0x33a: {  	v60 =	vld [tilespmem:s16+$0x14160]  }
0x33b: {  	v61 =	vld [tilespmem:s16+$0x14170]  }
0x33c: {  	v62 =	vld [tilespmem:s16+$0x14180]  }
0x33d: {  	v63 =	vld [tilespmem:s16+$0x14190]  }
0x33e: {  	[tilespmem:s16+$0xA1B0] =	vst.add.f32.msk $0xffff, v1  }
0x33f: {  	v1 =	vld [tilespmem:s16+$0x141A0]  }
0x340: {  	[tilespmem:s16+$0x9DC0] =	vst.add.f32.msk $0xffff, v2  }
0x341: {  	[tilespmem:s16+$0x9DD0] =	vst.add.f32.msk $0xffff, v3  }
0x342: {  	[tilespmem:s16+$0x9DE0] =	vst.add.f32.msk $0xffff, v4  }
0x343: {  	[tilespmem:s16+$0x9DF0] =	vst.add.f32.msk $0xffff, v5  }
0x344: {  	[tilespmem:s16+$0x9E00] =	vst.add.f32.msk $0xffff, v6  }
0x345: {  	[tilespmem:s16+$0x9E10] =	vst.add.f32.msk $0xffff, v7  }
0x346: {  	[tilespmem:s16+$0x9E20] =	vst.add.f32.msk $0xffff, v8  }
0x347: {  	[tilespmem:s16+$0x9E30] =	vst.add.f32.msk $0xffff, v9  }
0x348: {  	[tilespmem:s16+$0x9E40] =	vst.add.f32.msk $0xffff, v10  }
0x349: {  	[tilespmem:s16+$0x9E50] =	vst.add.f32.msk $0xffff, v11  }
0x34a: {  	[tilespmem:s16+$0x9E60] =	vst.add.f32.msk $0xffff, v12  }
0x34b: {  	[tilespmem:s16+$0x9E70] =	vst.add.f32.msk $0xffff, v13  }
0x34c: {  	[tilespmem:s16+$0x9E80] =	vst.add.f32.msk $0xffff, v14  }
0x34d: {  	[tilespmem:s16+$0x9E90] =	vst.add.f32.msk $0xffff, v15  }
0x34e: {  	[tilespmem:s16+$0x9EA0] =	vst.add.f32.msk $0xffff, v16  }
0x34f: {  	[tilespmem:s16+$0x9EB0] =	vst.add.f32.msk $0xffff, v17  }
0x350: {  	[tilespmem:s16+$0x9EC0] =	vst.add.f32.msk $0xffff, v18  }
0x351: {  	[tilespmem:s16+$0x9ED0] =	vst.add.f32.msk $0xffff, v19  }
0x352: {  	[tilespmem:s16+$0x9EE0] =	vst.add.f32.msk $0xffff, v20  }
0x353: {  	[tilespmem:s16+$0x9EF0] =	vst.add.f32.msk $0xffff, v21  }
0x354: {  	[tilespmem:s16+$0x9F00] =	vst.add.f32.msk $0xffff, v22  }
0x355: {  	[tilespmem:s16+$0x9F10] =	vst.add.f32.msk $0xffff, v23  }
0x356: {  	[tilespmem:s16+$0x9F20] =	vst.add.f32.msk $0xffff, v24  }
0x357: {  	[tilespmem:s16+$0x9F30] =	vst.add.f32.msk $0xffff, v25  }
0x358: {  	[tilespmem:s16+$0x9F40] =	vst.add.f32.msk $0xffff, v26  }
0x359: {  	[tilespmem:s16+$0x9F50] =	vst.add.f32.msk $0xffff, v27  }
0x35a: {  	[tilespmem:s16+$0x9F60] =	vst.add.f32.msk $0xffff, v28  }
0x35b: {  	[tilespmem:s16+$0x9F70] =	vst.add.f32.msk $0xffff, v29  }
0x35c: {  	[tilespmem:s16+$0x9F80] =	vst.add.f32.msk $0xffff, v30  }
0x35d: {  	[tilespmem:s16+$0x9F90] =	vst.add.f32.msk $0xffff, v31  }
0x35e: {  	[tilespmem:s16+$0x9FA0] =	vst.add.f32.msk $0xffff, v32  }
0x35f: {  	[tilespmem:s16+$0x9FB0] =	vst.add.f32.msk $0xffff, v33  }
0x360: {  	[tilespmem:s16+$0x9FC0] =	vst.add.f32.msk $0xffff, v34  }
0x361: {  	[tilespmem:s16+$0x9FD0] =	vst.add.f32.msk $0xffff, v35  }
0x362: {  	[tilespmem:s16+$0x9FE0] =	vst.add.f32.msk $0xffff, v36  }
0x363: {  	[tilespmem:s16+$0x9FF0] =	vst.add.f32.msk $0xffff, v37  }
0x364: {  	[tilespmem:s16+$0xA000] =	vst.add.f32.msk $0xffff, v38  }
0x365: {  	[tilespmem:s16+$0xA010] =	vst.add.f32.msk $0xffff, v39  }
0x366: {  	[tilespmem:s16+$0xA020] =	vst.add.f32.msk $0xffff, v40  }
0x367: {  	[tilespmem:s16+$0xA030] =	vst.add.f32.msk $0xffff, v41  }
0x368: {  	[tilespmem:s16+$0xA040] =	vst.add.f32.msk $0xffff, v42  }
0x369: {  	[tilespmem:s16+$0xA050] =	vst.add.f32.msk $0xffff, v43  }
0x36a: {  	[tilespmem:s16+$0xA060] =	vst.add.f32.msk $0xffff, v44  }
0x36b: {  	[tilespmem:s16+$0xA070] =	vst.add.f32.msk $0xffff, v45  }
0x36c: {  	[tilespmem:s16+$0xA080] =	vst.add.f32.msk $0xffff, v46  }
0x36d: {  	[tilespmem:s16+$0xA090] =	vst.add.f32.msk $0xffff, v47  }
0x36e: {  	[tilespmem:s16+$0xA0A0] =	vst.add.f32.msk $0xffff, v48  }
0x36f: {  	[tilespmem:s16+$0xA0B0] =	vst.add.f32.msk $0xffff, v49  }
0x370: {  	[tilespmem:s16+$0xA0C0] =	vst.add.f32.msk $0xffff, v50  }
0x371: {  	[tilespmem:s16+$0xA0D0] =	vst.add.f32.msk $0xffff, v51  }
0x372: {  	[tilespmem:s16+$0xA0E0] =	vst.add.f32.msk $0xffff, v52  }
0x373: {  	[tilespmem:s16+$0xA0F0] =	vst.add.f32.msk $0xffff, v53  }
0x374: {  	[tilespmem:s16+$0xA100] =	vst.add.f32.msk $0xffff, v54  }
0x375: {  	[tilespmem:s16+$0xA110] =	vst.add.f32.msk $0xffff, v55  }
0x376: {  	[tilespmem:s16+$0xA120] =	vst.add.f32.msk $0xffff, v56  }
0x377: {  	[tilespmem:s16+$0xA130] =	vst.add.f32.msk $0xffff, v57  }
0x378: {  	[tilespmem:s16+$0xA140] =	vst.add.f32.msk $0xffff, v58  }
0x379: {  	[tilespmem:s16+$0xA150] =	vst.add.f32.msk $0xffff, v59  }
0x37a: {  	[tilespmem:s16+$0xA160] =	vst.add.f32.msk $0xffff, v60  }
0x37b: {  	[tilespmem:s16+$0xA170] =	vst.add.f32.msk $0xffff, v61  }
0x37c: {  	[tilespmem:s16+$0xA180] =	vst.add.f32.msk $0xffff, v62  }
0x37d: {  	s18 =	simm.s32 $0x0;
	s20 =	simm.s32 $0x1000;
	[tilespmem:s16+$0xA190] =	vst.add.f32.msk $0xffff, v63  }
.LBB2_9:
0x37e: {  	s18 =	sadd.s32 $0x8, s18;
	[tilespmem:s16+$0xA1A0] =	vst.add.f32.msk $0xffff, v1;
	s16 =	sshra.s32 s20, $0x2  }
0x37f: {  	v1 =	vld [tilespmem:s16+$0x141B0];
	p2 =	slt.u32 s18, $0x38  }
0x380: {  	v2 =	vld [tilespmem:s16+$0x13DC0]  }
0x381: {  	v3 =	vld [tilespmem:s16+$0x13DD0]  }
0x382: {  	v4 =	vld [tilespmem:s16+$0x13DE0]  }
0x383: {  	v5 =	vld [tilespmem:s16+$0x13DF0]  }
0x384: {  	[tilespmem:s16+$0xA1B0] =	vst.add.f32.msk $0xffff, v1  }
0x385: {  	v6 =	vld [tilespmem:s16+$0x13E00]  }
0x386: {  	v7 =	vld [tilespmem:s16+$0x13E10]  }
0x387: {  	v8 =	vld [tilespmem:s16+$0x13E20]  }
0x388: {  	v9 =	vld [tilespmem:s16+$0x13E30]  }
0x389: {  	v10 =	vld [tilespmem:s16+$0x13E40]  }
0x38a: {  	v11 =	vld [tilespmem:s16+$0x13E50]  }
0x38b: {  	v12 =	vld [tilespmem:s16+$0x13E60]  }
0x38c: {  	v13 =	vld [tilespmem:s16+$0x13E70]  }
0x38d: {  	v14 =	vld [tilespmem:s16+$0x13E80]  }
0x38e: {  	v15 =	vld [tilespmem:s16+$0x13E90]  }
0x38f: {  	v16 =	vld [tilespmem:s16+$0x13EA0]  }
0x390: {  	v17 =	vld [tilespmem:s16+$0x13EB0]  }
0x391: {  	v18 =	vld [tilespmem:s16+$0x13EC0]  }
0x392: {  	v19 =	vld [tilespmem:s16+$0x13ED0]  }
0x393: {  	v20 =	vld [tilespmem:s16+$0x13EE0]  }
0x394: {  	v21 =	vld [tilespmem:s16+$0x13EF0]  }
0x395: {  	v22 =	vld [tilespmem:s16+$0x13F00]  }
0x396: {  	v23 =	vld [tilespmem:s16+$0x13F10]  }
0x397: {  	v24 =	vld [tilespmem:s16+$0x13F20]  }
0x398: {  	v25 =	vld [tilespmem:s16+$0x13F30]  }
0x399: {  	v26 =	vld [tilespmem:s16+$0x13F40]  }
0x39a: {  	v27 =	vld [tilespmem:s16+$0x13F50]  }
0x39b: {  	v28 =	vld [tilespmem:s16+$0x13F60]  }
0x39c: {  	v29 =	vld [tilespmem:s16+$0x13F70]  }
0x39d: {  	v30 =	vld [tilespmem:s16+$0x13F80]  }
0x39e: {  	v31 =	vld [tilespmem:s16+$0x13F90]  }
0x39f: {  	v32 =	vld [tilespmem:s16+$0x13FA0]  }
0x3a0: {  	v33 =	vld [tilespmem:s16+$0x13FB0]  }
0x3a1: {  	v34 =	vld [tilespmem:s16+$0x13FC0]  }
0x3a2: {  	v35 =	vld [tilespmem:s16+$0x13FD0]  }
0x3a3: {  	v36 =	vld [tilespmem:s16+$0x13FE0]  }
0x3a4: {  	v37 =	vld [tilespmem:s16+$0x13FF0]  }
0x3a5: {  	v38 =	vld [tilespmem:s16+$0x14000]  }
0x3a6: {  	v39 =	vld [tilespmem:s16+$0x14010]  }
0x3a7: {  	v40 =	vld [tilespmem:s16+$0x14020]  }
0x3a8: {  	v41 =	vld [tilespmem:s16+$0x14030]  }
0x3a9: {  	v42 =	vld [tilespmem:s16+$0x14040]  }
0x3aa: {  	v43 =	vld [tilespmem:s16+$0x14050]  }
0x3ab: {  	v44 =	vld [tilespmem:s16+$0x14060]  }
0x3ac: {  	v45 =	vld [tilespmem:s16+$0x14070]  }
0x3ad: {  	v46 =	vld [tilespmem:s16+$0x14080]  }
0x3ae: {  	v47 =	vld [tilespmem:s16+$0x14090]  }
0x3af: {  	v48 =	vld [tilespmem:s16+$0x140A0]  }
0x3b0: {  	v49 =	vld [tilespmem:s16+$0x140B0]  }
0x3b1: {  	v50 =	vld [tilespmem:s16+$0x140C0]  }
0x3b2: {  	v51 =	vld [tilespmem:s16+$0x140D0]  }
0x3b3: {  	v52 =	vld [tilespmem:s16+$0x140E0]  }
0x3b4: {  	v53 =	vld [tilespmem:s16+$0x140F0]  }
0x3b5: {  	v54 =	vld [tilespmem:s16+$0x14100]  }
0x3b6: {  	v55 =	vld [tilespmem:s16+$0x14110]  }
0x3b7: {  	v56 =	vld [tilespmem:s16+$0x14120]  }
0x3b8: {  	v57 =	vld [tilespmem:s16+$0x14130]  }
0x3b9: {  	v58 =	vld [tilespmem:s16+$0x14140]  }
0x3ba: {  	v59 =	vld [tilespmem:s16+$0x14150]  }
0x3bb: {  	v60 =	vld [tilespmem:s16+$0x14160]  }
0x3bc: {  	v61 =	vld [tilespmem:s16+$0x14170]  }
0x3bd: {  	v62 =	vld [tilespmem:s16+$0x14180]  }
0x3be: {  	v63 =	vld [tilespmem:s16+$0x14190]  }
0x3bf: {  	v1 =	vld [tilespmem:s16+$0x141A0]  }
0x3c0: {  	[tilespmem:s16+$0x9DC0] =	vst.add.f32.msk $0xffff, v2  }
0x3c1: {  	[tilespmem:s16+$0x9DD0] =	vst.add.f32.msk $0xffff, v3  }
0x3c2: {  	[tilespmem:s16+$0x9DE0] =	vst.add.f32.msk $0xffff, v4  }
0x3c3: {  	[tilespmem:s16+$0x9DF0] =	vst.add.f32.msk $0xffff, v5  }
0x3c4: {  	[tilespmem:s16+$0x9E00] =	vst.add.f32.msk $0xffff, v6  }
0x3c5: {  	[tilespmem:s16+$0x9E10] =	vst.add.f32.msk $0xffff, v7  }
0x3c6: {  	[tilespmem:s16+$0x9E20] =	vst.add.f32.msk $0xffff, v8  }
0x3c7: {  	[tilespmem:s16+$0x9E30] =	vst.add.f32.msk $0xffff, v9  }
0x3c8: {  	[tilespmem:s16+$0x9E40] =	vst.add.f32.msk $0xffff, v10  }
0x3c9: {  	[tilespmem:s16+$0x9E50] =	vst.add.f32.msk $0xffff, v11  }
0x3ca: {  	[tilespmem:s16+$0x9E60] =	vst.add.f32.msk $0xffff, v12  }
0x3cb: {  	[tilespmem:s16+$0x9E70] =	vst.add.f32.msk $0xffff, v13  }
0x3cc: {  	[tilespmem:s16+$0x9E80] =	vst.add.f32.msk $0xffff, v14  }
0x3cd: {  	[tilespmem:s16+$0x9E90] =	vst.add.f32.msk $0xffff, v15  }
0x3ce: {  	[tilespmem:s16+$0x9EA0] =	vst.add.f32.msk $0xffff, v16  }
0x3cf: {  	[tilespmem:s16+$0x9EB0] =	vst.add.f32.msk $0xffff, v17  }
0x3d0: {  	[tilespmem:s16+$0x9EC0] =	vst.add.f32.msk $0xffff, v18  }
0x3d1: {  	[tilespmem:s16+$0x9ED0] =	vst.add.f32.msk $0xffff, v19  }
0x3d2: {  	[tilespmem:s16+$0x9EE0] =	vst.add.f32.msk $0xffff, v20  }
0x3d3: {  	[tilespmem:s16+$0x9EF0] =	vst.add.f32.msk $0xffff, v21  }
0x3d4: {  	[tilespmem:s16+$0x9F00] =	vst.add.f32.msk $0xffff, v22  }
0x3d5: {  	[tilespmem:s16+$0x9F10] =	vst.add.f32.msk $0xffff, v23  }
0x3d6: {  	[tilespmem:s16+$0x9F20] =	vst.add.f32.msk $0xffff, v24  }
0x3d7: {  	[tilespmem:s16+$0x9F30] =	vst.add.f32.msk $0xffff, v25  }
0x3d8: {  	[tilespmem:s16+$0x9F40] =	vst.add.f32.msk $0xffff, v26  }
0x3d9: {  	[tilespmem:s16+$0x9F50] =	vst.add.f32.msk $0xffff, v27  }
0x3da: {  	[tilespmem:s16+$0x9F60] =	vst.add.f32.msk $0xffff, v28  }
0x3db: {  	[tilespmem:s16+$0x9F70] =	vst.add.f32.msk $0xffff, v29  }
0x3dc: {  	[tilespmem:s16+$0x9F80] =	vst.add.f32.msk $0xffff, v30  }
0x3dd: {  	[tilespmem:s16+$0x9F90] =	vst.add.f32.msk $0xffff, v31  }
0x3de: {  	[tilespmem:s16+$0x9FA0] =	vst.add.f32.msk $0xffff, v32  }
0x3df: {  	[tilespmem:s16+$0x9FB0] =	vst.add.f32.msk $0xffff, v33  }
0x3e0: {  	[tilespmem:s16+$0x9FC0] =	vst.add.f32.msk $0xffff, v34  }
0x3e1: {  	[tilespmem:s16+$0x9FD0] =	vst.add.f32.msk $0xffff, v35  }
0x3e2: {  	[tilespmem:s16+$0x9FE0] =	vst.add.f32.msk $0xffff, v36  }
0x3e3: {  	[tilespmem:s16+$0x9FF0] =	vst.add.f32.msk $0xffff, v37  }
0x3e4: {  	[tilespmem:s16+$0xA000] =	vst.add.f32.msk $0xffff, v38  }
0x3e5: {  	[tilespmem:s16+$0xA010] =	vst.add.f32.msk $0xffff, v39  }
0x3e6: {  	[tilespmem:s16+$0xA020] =	vst.add.f32.msk $0xffff, v40  }
0x3e7: {  	[tilespmem:s16+$0xA030] =	vst.add.f32.msk $0xffff, v41  }
0x3e8: {  	[tilespmem:s16+$0xA040] =	vst.add.f32.msk $0xffff, v42  }
0x3e9: {  	[tilespmem:s16+$0xA050] =	vst.add.f32.msk $0xffff, v43  }
0x3ea: {  	[tilespmem:s16+$0xA060] =	vst.add.f32.msk $0xffff, v44  }
0x3eb: {  	[tilespmem:s16+$0xA070] =	vst.add.f32.msk $0xffff, v45  }
0x3ec: {  	[tilespmem:s16+$0xA080] =	vst.add.f32.msk $0xffff, v46  }
0x3ed: {  	[tilespmem:s16+$0xA090] =	vst.add.f32.msk $0xffff, v47  }
0x3ee: {  	[tilespmem:s16+$0xA0A0] =	vst.add.f32.msk $0xffff, v48  }
0x3ef: {  	[tilespmem:s16+$0xA0B0] =	vst.add.f32.msk $0xffff, v49  }
0x3f0: {  	[tilespmem:s16+$0xA0C0] =	vst.add.f32.msk $0xffff, v50  }
0x3f1: {  	[tilespmem:s16+$0xA0D0] =	vst.add.f32.msk $0xffff, v51  }
0x3f2: {  	[tilespmem:s16+$0xA0E0] =	vst.add.f32.msk $0xffff, v52  }
0x3f3: {  	[tilespmem:s16+$0xA0F0] =	vst.add.f32.msk $0xffff, v53  }
0x3f4: {  	[tilespmem:s16+$0xA100] =	vst.add.f32.msk $0xffff, v54  }
0x3f5: {  	[tilespmem:s16+$0xA110] =	vst.add.f32.msk $0xffff, v55  }
0x3f6: {  	[tilespmem:s16+$0xA120] =	vst.add.f32.msk $0xffff, v56  }
0x3f7: {  	[tilespmem:s16+$0xA130] =	vst.add.f32.msk $0xffff, v57  }
0x3f8: {  	[tilespmem:s16+$0xA140] =	vst.add.f32.msk $0xffff, v58  }
.Ltmp3:
0x3f9: {  	[tilespmem:s16+$0xA150] =	vst.add.f32.msk $0xffff, v59;
	(pc) =	sbr.rel @p2 .LBB2_9-.Ltmp3, $4  }
0x3fa: {  	[tilespmem:s16+$0xA160] =	vst.add.f32.msk $0xffff, v60  }
0x3fb: {  	[tilespmem:s16+$0xA170] =	vst.add.f32.msk $0xffff, v61  }
0x3fc: {  	[tilespmem:s16+$0xA180] =	vst.add.f32.msk $0xffff, v62  }
0x3fd: {  	s20 =	sadd.s32 $0x1000, s20;
	[tilespmem:s16+$0xA190] =	vst.add.f32.msk $0xffff, v63  }
0x3fe: {  	s18 =	sadd.s32 s15, s10  }
0x3ff: {  	s18 =	sshll.u32 s18, $0x4  }
0x400: {  	[tilespmem:s16+$0xA1A0] =	vst.add.f32.msk $0xffff, v1;
	s20 =	simm.s32 $0x9DC0;
	s18 =	sadd.s32 s3, s18  }
0x401: {  	[hbm4b:s18+s6] =	stream.linear.scatter [tilespmem:s20], [sflag:$0xD], $0x2000, $0x38;
	[tilespmem:$0x19DC0] =	vst v63  }
0x402: {  	_ =	swait.ge [sflag:s26], $0x2000  }
0x403: {  	s16 =	sadd.s32 @!p1 $0x1A80, s15;
	[sflag:s26] =	ssyncset.done $0x0  }
0x404: {  	s18 =	simm.s32 @!p1 $0x40;
	s20 =	simm.s32 @!p1 $0x7DC0;
	[sflag:s26] =	ssyncadd.s32 $0xFFFFE000  }
0x405: {  	[tilespmem:s20], [sflag:$0x2] =	stream.indirect.gather @!p1 [hbm4b:s0+s18], $0x80, s16, s18, $0xb8;
	[tilespmem:$0x19DC0] =	vst v63  }
0x406: {  	s16 =	sadd.s32 @!p1 $0x3380, s15;
	s20 =	simm.s32 @!p1 $0x11DC0  }
0x407: {  	[tilespmem:s20], [sflag:$0x7] =	stream.indirect.gather @!p1 [spmem:s4], $0x80, s16, s18, $0xb8;
	[tilespmem:$0x19DC0] =	vst v63  }
0x408: {  	_ =	swait.ge [sflag:s1], $0x2000  }
0x409: {  	[sflag:s1] =	ssyncset.done $0x0  }
0x40a: {  	[sflag:s1] =	ssyncadd.s32 $0xFFFFE000  }
0x40b: {  	_ =	swait.ge [sflag:s8], $0x2000  }
0x40c: {  	[sflag:s8] =	ssyncset.done $0x0  }
0x40d: {  	s16 =	simm.s32 $0x0;
	[sflag:s8] =	ssyncadd.s32 $0xFFFFE000  }
0x40e: {  	v1 =	vld [tilespmem:s16+$0x161B0]  }
0x40f: {  	v2 =	vld [tilespmem:s16+$0x15DC0]  }
0x410: {  	v3 =	vld [tilespmem:s16+$0x15DD0]  }
0x411: {  	v4 =	vld [tilespmem:s16+$0x15DE0]  }
0x412: {  	v5 =	vld [tilespmem:s16+$0x15DF0]  }
0x413: {  	v6 =	vld [tilespmem:s16+$0x15E00]  }
0x414: {  	v7 =	vld [tilespmem:s16+$0x15E10]  }
0x415: {  	v8 =	vld [tilespmem:s16+$0x15E20]  }
0x416: {  	v9 =	vld [tilespmem:s16+$0x15E30]  }
0x417: {  	v10 =	vld [tilespmem:s16+$0x15E40]  }
0x418: {  	v11 =	vld [tilespmem:s16+$0x15E50]  }
0x419: {  	v12 =	vld [tilespmem:s16+$0x15E60]  }
0x41a: {  	v13 =	vld [tilespmem:s16+$0x15E70]  }
0x41b: {  	v14 =	vld [tilespmem:s16+$0x15E80]  }
0x41c: {  	v15 =	vld [tilespmem:s16+$0x15E90]  }
0x41d: {  	v16 =	vld [tilespmem:s16+$0x15EA0]  }
0x41e: {  	v17 =	vld [tilespmem:s16+$0x15EB0]  }
0x41f: {  	v18 =	vld [tilespmem:s16+$0x15EC0]  }
0x420: {  	v19 =	vld [tilespmem:s16+$0x15ED0]  }
0x421: {  	v20 =	vld [tilespmem:s16+$0x15EE0]  }
0x422: {  	v21 =	vld [tilespmem:s16+$0x15EF0]  }
0x423: {  	v22 =	vld [tilespmem:s16+$0x15F00]  }
0x424: {  	v23 =	vld [tilespmem:s16+$0x15F10]  }
0x425: {  	v24 =	vld [tilespmem:s16+$0x15F20]  }
0x426: {  	v25 =	vld [tilespmem:s16+$0x15F30]  }
0x427: {  	v26 =	vld [tilespmem:s16+$0x15F40]  }
0x428: {  	v27 =	vld [tilespmem:s16+$0x15F50]  }
0x429: {  	v28 =	vld [tilespmem:s16+$0x15F60]  }
0x42a: {  	v29 =	vld [tilespmem:s16+$0x15F70]  }
0x42b: {  	v30 =	vld [tilespmem:s16+$0x15F80]  }
0x42c: {  	v31 =	vld [tilespmem:s16+$0x15F90]  }
0x42d: {  	v32 =	vld [tilespmem:s16+$0x15FA0]  }
0x42e: {  	v33 =	vld [tilespmem:s16+$0x15FB0]  }
0x42f: {  	v34 =	vld [tilespmem:s16+$0x15FC0]  }
0x430: {  	v35 =	vld [tilespmem:s16+$0x15FD0]  }
0x431: {  	v36 =	vld [tilespmem:s16+$0x15FE0]  }
0x432: {  	v37 =	vld [tilespmem:s16+$0x15FF0]  }
0x433: {  	v38 =	vld [tilespmem:s16+$0x16000]  }
0x434: {  	v39 =	vld [tilespmem:s16+$0x16010]  }
0x435: {  	v40 =	vld [tilespmem:s16+$0x16020]  }
0x436: {  	v41 =	vld [tilespmem:s16+$0x16030]  }
0x437: {  	v42 =	vld [tilespmem:s16+$0x16040]  }
0x438: {  	v43 =	vld [tilespmem:s16+$0x16050]  }
0x439: {  	v44 =	vld [tilespmem:s16+$0x16060]  }
0x43a: {  	v45 =	vld [tilespmem:s16+$0x16070]  }
0x43b: {  	v46 =	vld [tilespmem:s16+$0x16080]  }
0x43c: {  	v47 =	vld [tilespmem:s16+$0x16090]  }
0x43d: {  	v48 =	vld [tilespmem:s16+$0x160A0]  }
0x43e: {  	v49 =	vld [tilespmem:s16+$0x160B0]  }
0x43f: {  	v50 =	vld [tilespmem:s16+$0x160C0]  }
0x440: {  	v51 =	vld [tilespmem:s16+$0x160D0]  }
0x441: {  	v52 =	vld [tilespmem:s16+$0x160E0]  }
0x442: {  	v53 =	vld [tilespmem:s16+$0x160F0]  }
0x443: {  	v54 =	vld [tilespmem:s16+$0x16100]  }
0x444: {  	v55 =	vld [tilespmem:s16+$0x16110]  }
0x445: {  	v56 =	vld [tilespmem:s16+$0x16120]  }
0x446: {  	v57 =	vld [tilespmem:s16+$0x16130]  }
0x447: {  	v58 =	vld [tilespmem:s16+$0x16140]  }
0x448: {  	v59 =	vld [tilespmem:s16+$0x16150]  }
0x449: {  	v60 =	vld [tilespmem:s16+$0x16160]  }
0x44a: {  	v61 =	vld [tilespmem:s16+$0x16170]  }
0x44b: {  	v62 =	vld [tilespmem:s16+$0x16180]  }
0x44c: {  	v63 =	vld [tilespmem:s16+$0x16190]  }
0x44d: {  	[tilespmem:s16+$0xC1B0] =	vst.add.f32.msk $0xffff, v1  }
0x44e: {  	v1 =	vld [tilespmem:s16+$0x161A0]  }
0x44f: {  	[tilespmem:s16+$0xBDC0] =	vst.add.f32.msk $0xffff, v2  }
0x450: {  	[tilespmem:s16+$0xBDD0] =	vst.add.f32.msk $0xffff, v3  }
0x451: {  	[tilespmem:s16+$0xBDE0] =	vst.add.f32.msk $0xffff, v4  }
0x452: {  	[tilespmem:s16+$0xBDF0] =	vst.add.f32.msk $0xffff, v5  }
0x453: {  	[tilespmem:s16+$0xBE00] =	vst.add.f32.msk $0xffff, v6  }
0x454: {  	[tilespmem:s16+$0xBE10] =	vst.add.f32.msk $0xffff, v7  }
0x455: {  	[tilespmem:s16+$0xBE20] =	vst.add.f32.msk $0xffff, v8  }
0x456: {  	[tilespmem:s16+$0xBE30] =	vst.add.f32.msk $0xffff, v9  }
0x457: {  	[tilespmem:s16+$0xBE40] =	vst.add.f32.msk $0xffff, v10  }
0x458: {  	[tilespmem:s16+$0xBE50] =	vst.add.f32.msk $0xffff, v11  }
0x459: {  	[tilespmem:s16+$0xBE60] =	vst.add.f32.msk $0xffff, v12  }
0x45a: {  	[tilespmem:s16+$0xBE70] =	vst.add.f32.msk $0xffff, v13  }
0x45b: {  	[tilespmem:s16+$0xBE80] =	vst.add.f32.msk $0xffff, v14  }
0x45c: {  	[tilespmem:s16+$0xBE90] =	vst.add.f32.msk $0xffff, v15  }
0x45d: {  	[tilespmem:s16+$0xBEA0] =	vst.add.f32.msk $0xffff, v16  }
0x45e: {  	[tilespmem:s16+$0xBEB0] =	vst.add.f32.msk $0xffff, v17  }
0x45f: {  	[tilespmem:s16+$0xBEC0] =	vst.add.f32.msk $0xffff, v18  }
0x460: {  	[tilespmem:s16+$0xBED0] =	vst.add.f32.msk $0xffff, v19  }
0x461: {  	[tilespmem:s16+$0xBEE0] =	vst.add.f32.msk $0xffff, v20  }
0x462: {  	[tilespmem:s16+$0xBEF0] =	vst.add.f32.msk $0xffff, v21  }
0x463: {  	[tilespmem:s16+$0xBF00] =	vst.add.f32.msk $0xffff, v22  }
0x464: {  	[tilespmem:s16+$0xBF10] =	vst.add.f32.msk $0xffff, v23  }
0x465: {  	[tilespmem:s16+$0xBF20] =	vst.add.f32.msk $0xffff, v24  }
0x466: {  	[tilespmem:s16+$0xBF30] =	vst.add.f32.msk $0xffff, v25  }
0x467: {  	[tilespmem:s16+$0xBF40] =	vst.add.f32.msk $0xffff, v26  }
0x468: {  	[tilespmem:s16+$0xBF50] =	vst.add.f32.msk $0xffff, v27  }
0x469: {  	[tilespmem:s16+$0xBF60] =	vst.add.f32.msk $0xffff, v28  }
0x46a: {  	[tilespmem:s16+$0xBF70] =	vst.add.f32.msk $0xffff, v29  }
0x46b: {  	[tilespmem:s16+$0xBF80] =	vst.add.f32.msk $0xffff, v30  }
0x46c: {  	[tilespmem:s16+$0xBF90] =	vst.add.f32.msk $0xffff, v31  }
0x46d: {  	[tilespmem:s16+$0xBFA0] =	vst.add.f32.msk $0xffff, v32  }
0x46e: {  	[tilespmem:s16+$0xBFB0] =	vst.add.f32.msk $0xffff, v33  }
0x46f: {  	[tilespmem:s16+$0xBFC0] =	vst.add.f32.msk $0xffff, v34  }
0x470: {  	[tilespmem:s16+$0xBFD0] =	vst.add.f32.msk $0xffff, v35  }
0x471: {  	[tilespmem:s16+$0xBFE0] =	vst.add.f32.msk $0xffff, v36  }
0x472: {  	[tilespmem:s16+$0xBFF0] =	vst.add.f32.msk $0xffff, v37  }
0x473: {  	[tilespmem:s16+$0xC000] =	vst.add.f32.msk $0xffff, v38  }
0x474: {  	[tilespmem:s16+$0xC010] =	vst.add.f32.msk $0xffff, v39  }
0x475: {  	[tilespmem:s16+$0xC020] =	vst.add.f32.msk $0xffff, v40  }
0x476: {  	[tilespmem:s16+$0xC030] =	vst.add.f32.msk $0xffff, v41  }
0x477: {  	[tilespmem:s16+$0xC040] =	vst.add.f32.msk $0xffff, v42  }
0x478: {  	[tilespmem:s16+$0xC050] =	vst.add.f32.msk $0xffff, v43  }
0x479: {  	[tilespmem:s16+$0xC060] =	vst.add.f32.msk $0xffff, v44  }
0x47a: {  	[tilespmem:s16+$0xC070] =	vst.add.f32.msk $0xffff, v45  }
0x47b: {  	[tilespmem:s16+$0xC080] =	vst.add.f32.msk $0xffff, v46  }
0x47c: {  	[tilespmem:s16+$0xC090] =	vst.add.f32.msk $0xffff, v47  }
0x47d: {  	[tilespmem:s16+$0xC0A0] =	vst.add.f32.msk $0xffff, v48  }
0x47e: {  	[tilespmem:s16+$0xC0B0] =	vst.add.f32.msk $0xffff, v49  }
0x47f: {  	[tilespmem:s16+$0xC0C0] =	vst.add.f32.msk $0xffff, v50  }
0x480: {  	[tilespmem:s16+$0xC0D0] =	vst.add.f32.msk $0xffff, v51  }
0x481: {  	[tilespmem:s16+$0xC0E0] =	vst.add.f32.msk $0xffff, v52  }
0x482: {  	[tilespmem:s16+$0xC0F0] =	vst.add.f32.msk $0xffff, v53  }
0x483: {  	[tilespmem:s16+$0xC100] =	vst.add.f32.msk $0xffff, v54  }
0x484: {  	[tilespmem:s16+$0xC110] =	vst.add.f32.msk $0xffff, v55  }
0x485: {  	[tilespmem:s16+$0xC120] =	vst.add.f32.msk $0xffff, v56  }
0x486: {  	[tilespmem:s16+$0xC130] =	vst.add.f32.msk $0xffff, v57  }
0x487: {  	[tilespmem:s16+$0xC140] =	vst.add.f32.msk $0xffff, v58  }
0x488: {  	[tilespmem:s16+$0xC150] =	vst.add.f32.msk $0xffff, v59  }
0x489: {  	[tilespmem:s16+$0xC160] =	vst.add.f32.msk $0xffff, v60  }
0x48a: {  	[tilespmem:s16+$0xC170] =	vst.add.f32.msk $0xffff, v61  }
0x48b: {  	[tilespmem:s16+$0xC180] =	vst.add.f32.msk $0xffff, v62  }
0x48c: {  	s18 =	simm.s32 $0x0;
	s20 =	simm.s32 $0x1000;
	[tilespmem:s16+$0xC190] =	vst.add.f32.msk $0xffff, v63  }
.LBB2_11:
0x48d: {  	s18 =	sadd.s32 $0x8, s18;
	[tilespmem:s16+$0xC1A0] =	vst.add.f32.msk $0xffff, v1;
	s16 =	sshra.s32 s20, $0x2  }
0x48e: {  	v1 =	vld [tilespmem:s16+$0x161B0];
	p2 =	slt.u32 s18, $0x38  }
0x48f: {  	v2 =	vld [tilespmem:s16+$0x15DC0]  }
0x490: {  	v3 =	vld [tilespmem:s16+$0x15DD0]  }
0x491: {  	v4 =	vld [tilespmem:s16+$0x15DE0]  }
0x492: {  	v5 =	vld [tilespmem:s16+$0x15DF0]  }
0x493: {  	[tilespmem:s16+$0xC1B0] =	vst.add.f32.msk $0xffff, v1  }
0x494: {  	v6 =	vld [tilespmem:s16+$0x15E00]  }
0x495: {  	v7 =	vld [tilespmem:s16+$0x15E10]  }
0x496: {  	v8 =	vld [tilespmem:s16+$0x15E20]  }
0x497: {  	v9 =	vld [tilespmem:s16+$0x15E30]  }
0x498: {  	v10 =	vld [tilespmem:s16+$0x15E40]  }
0x499: {  	v11 =	vld [tilespmem:s16+$0x15E50]  }
0x49a: {  	v12 =	vld [tilespmem:s16+$0x15E60]  }
0x49b: {  	v13 =	vld [tilespmem:s16+$0x15E70]  }
0x49c: {  	v14 =	vld [tilespmem:s16+$0x15E80]  }
0x49d: {  	v15 =	vld [tilespmem:s16+$0x15E90]  }
0x49e: {  	v16 =	vld [tilespmem:s16+$0x15EA0]  }
0x49f: {  	v17 =	vld [tilespmem:s16+$0x15EB0]  }
0x4a0: {  	v18 =	vld [tilespmem:s16+$0x15EC0]  }
0x4a1: {  	v19 =	vld [tilespmem:s16+$0x15ED0]  }
0x4a2: {  	v20 =	vld [tilespmem:s16+$0x15EE0]  }
0x4a3: {  	v21 =	vld [tilespmem:s16+$0x15EF0]  }
0x4a4: {  	v22 =	vld [tilespmem:s16+$0x15F00]  }
0x4a5: {  	v23 =	vld [tilespmem:s16+$0x15F10]  }
0x4a6: {  	v24 =	vld [tilespmem:s16+$0x15F20]  }
0x4a7: {  	v25 =	vld [tilespmem:s16+$0x15F30]  }
0x4a8: {  	v26 =	vld [tilespmem:s16+$0x15F40]  }
0x4a9: {  	v27 =	vld [tilespmem:s16+$0x15F50]  }
0x4aa: {  	v28 =	vld [tilespmem:s16+$0x15F60]  }
0x4ab: {  	v29 =	vld [tilespmem:s16+$0x15F70]  }
0x4ac: {  	v30 =	vld [tilespmem:s16+$0x15F80]  }
0x4ad: {  	v31 =	vld [tilespmem:s16+$0x15F90]  }
0x4ae: {  	v32 =	vld [tilespmem:s16+$0x15FA0]  }
0x4af: {  	v33 =	vld [tilespmem:s16+$0x15FB0]  }
0x4b0: {  	v34 =	vld [tilespmem:s16+$0x15FC0]  }
0x4b1: {  	v35 =	vld [tilespmem:s16+$0x15FD0]  }
0x4b2: {  	v36 =	vld [tilespmem:s16+$0x15FE0]  }
0x4b3: {  	v37 =	vld [tilespmem:s16+$0x15FF0]  }
0x4b4: {  	v38 =	vld [tilespmem:s16+$0x16000]  }
0x4b5: {  	v39 =	vld [tilespmem:s16+$0x16010]  }
0x4b6: {  	v40 =	vld [tilespmem:s16+$0x16020]  }
0x4b7: {  	v41 =	vld [tilespmem:s16+$0x16030]  }
0x4b8: {  	v42 =	vld [tilespmem:s16+$0x16040]  }
0x4b9: {  	v43 =	vld [tilespmem:s16+$0x16050]  }
0x4ba: {  	v44 =	vld [tilespmem:s16+$0x16060]  }
0x4bb: {  	v45 =	vld [tilespmem:s16+$0x16070]  }
0x4bc: {  	v46 =	vld [tilespmem:s16+$0x16080]  }
0x4bd: {  	v47 =	vld [tilespmem:s16+$0x16090]  }
0x4be: {  	v48 =	vld [tilespmem:s16+$0x160A0]  }
0x4bf: {  	v49 =	vld [tilespmem:s16+$0x160B0]  }
0x4c0: {  	v50 =	vld [tilespmem:s16+$0x160C0]  }
0x4c1: {  	v51 =	vld [tilespmem:s16+$0x160D0]  }
0x4c2: {  	v52 =	vld [tilespmem:s16+$0x160E0]  }
0x4c3: {  	v53 =	vld [tilespmem:s16+$0x160F0]  }
0x4c4: {  	v54 =	vld [tilespmem:s16+$0x16100]  }
0x4c5: {  	v55 =	vld [tilespmem:s16+$0x16110]  }
0x4c6: {  	v56 =	vld [tilespmem:s16+$0x16120]  }
0x4c7: {  	v57 =	vld [tilespmem:s16+$0x16130]  }
0x4c8: {  	v58 =	vld [tilespmem:s16+$0x16140]  }
0x4c9: {  	v59 =	vld [tilespmem:s16+$0x16150]  }
0x4ca: {  	v60 =	vld [tilespmem:s16+$0x16160]  }
0x4cb: {  	v61 =	vld [tilespmem:s16+$0x16170]  }
0x4cc: {  	v62 =	vld [tilespmem:s16+$0x16180]  }
0x4cd: {  	v63 =	vld [tilespmem:s16+$0x16190]  }
0x4ce: {  	v1 =	vld [tilespmem:s16+$0x161A0]  }
0x4cf: {  	[tilespmem:s16+$0xBDC0] =	vst.add.f32.msk $0xffff, v2  }
0x4d0: {  	[tilespmem:s16+$0xBDD0] =	vst.add.f32.msk $0xffff, v3  }
0x4d1: {  	[tilespmem:s16+$0xBDE0] =	vst.add.f32.msk $0xffff, v4  }
0x4d2: {  	[tilespmem:s16+$0xBDF0] =	vst.add.f32.msk $0xffff, v5  }
0x4d3: {  	[tilespmem:s16+$0xBE00] =	vst.add.f32.msk $0xffff, v6  }
0x4d4: {  	[tilespmem:s16+$0xBE10] =	vst.add.f32.msk $0xffff, v7  }
0x4d5: {  	[tilespmem:s16+$0xBE20] =	vst.add.f32.msk $0xffff, v8  }
0x4d6: {  	[tilespmem:s16+$0xBE30] =	vst.add.f32.msk $0xffff, v9  }
0x4d7: {  	[tilespmem:s16+$0xBE40] =	vst.add.f32.msk $0xffff, v10  }
0x4d8: {  	[tilespmem:s16+$0xBE50] =	vst.add.f32.msk $0xffff, v11  }
0x4d9: {  	[tilespmem:s16+$0xBE60] =	vst.add.f32.msk $0xffff, v12  }
0x4da: {  	[tilespmem:s16+$0xBE70] =	vst.add.f32.msk $0xffff, v13  }
0x4db: {  	[tilespmem:s16+$0xBE80] =	vst.add.f32.msk $0xffff, v14  }
0x4dc: {  	[tilespmem:s16+$0xBE90] =	vst.add.f32.msk $0xffff, v15  }
0x4dd: {  	[tilespmem:s16+$0xBEA0] =	vst.add.f32.msk $0xffff, v16  }
0x4de: {  	[tilespmem:s16+$0xBEB0] =	vst.add.f32.msk $0xffff, v17  }
0x4df: {  	[tilespmem:s16+$0xBEC0] =	vst.add.f32.msk $0xffff, v18  }
0x4e0: {  	[tilespmem:s16+$0xBED0] =	vst.add.f32.msk $0xffff, v19  }
0x4e1: {  	[tilespmem:s16+$0xBEE0] =	vst.add.f32.msk $0xffff, v20  }
0x4e2: {  	[tilespmem:s16+$0xBEF0] =	vst.add.f32.msk $0xffff, v21  }
0x4e3: {  	[tilespmem:s16+$0xBF00] =	vst.add.f32.msk $0xffff, v22  }
0x4e4: {  	[tilespmem:s16+$0xBF10] =	vst.add.f32.msk $0xffff, v23  }
0x4e5: {  	[tilespmem:s16+$0xBF20] =	vst.add.f32.msk $0xffff, v24  }
0x4e6: {  	[tilespmem:s16+$0xBF30] =	vst.add.f32.msk $0xffff, v25  }
0x4e7: {  	[tilespmem:s16+$0xBF40] =	vst.add.f32.msk $0xffff, v26  }
0x4e8: {  	[tilespmem:s16+$0xBF50] =	vst.add.f32.msk $0xffff, v27  }
0x4e9: {  	[tilespmem:s16+$0xBF60] =	vst.add.f32.msk $0xffff, v28  }
0x4ea: {  	[tilespmem:s16+$0xBF70] =	vst.add.f32.msk $0xffff, v29  }
0x4eb: {  	[tilespmem:s16+$0xBF80] =	vst.add.f32.msk $0xffff, v30  }
0x4ec: {  	[tilespmem:s16+$0xBF90] =	vst.add.f32.msk $0xffff, v31  }
0x4ed: {  	[tilespmem:s16+$0xBFA0] =	vst.add.f32.msk $0xffff, v32  }
0x4ee: {  	[tilespmem:s16+$0xBFB0] =	vst.add.f32.msk $0xffff, v33  }
0x4ef: {  	[tilespmem:s16+$0xBFC0] =	vst.add.f32.msk $0xffff, v34  }
0x4f0: {  	[tilespmem:s16+$0xBFD0] =	vst.add.f32.msk $0xffff, v35  }
0x4f1: {  	[tilespmem:s16+$0xBFE0] =	vst.add.f32.msk $0xffff, v36  }
0x4f2: {  	[tilespmem:s16+$0xBFF0] =	vst.add.f32.msk $0xffff, v37  }
0x4f3: {  	[tilespmem:s16+$0xC000] =	vst.add.f32.msk $0xffff, v38  }
0x4f4: {  	[tilespmem:s16+$0xC010] =	vst.add.f32.msk $0xffff, v39  }
0x4f5: {  	[tilespmem:s16+$0xC020] =	vst.add.f32.msk $0xffff, v40  }
0x4f6: {  	[tilespmem:s16+$0xC030] =	vst.add.f32.msk $0xffff, v41  }
0x4f7: {  	[tilespmem:s16+$0xC040] =	vst.add.f32.msk $0xffff, v42  }
0x4f8: {  	[tilespmem:s16+$0xC050] =	vst.add.f32.msk $0xffff, v43  }
0x4f9: {  	[tilespmem:s16+$0xC060] =	vst.add.f32.msk $0xffff, v44  }
0x4fa: {  	[tilespmem:s16+$0xC070] =	vst.add.f32.msk $0xffff, v45  }
0x4fb: {  	[tilespmem:s16+$0xC080] =	vst.add.f32.msk $0xffff, v46  }
0x4fc: {  	[tilespmem:s16+$0xC090] =	vst.add.f32.msk $0xffff, v47  }
0x4fd: {  	[tilespmem:s16+$0xC0A0] =	vst.add.f32.msk $0xffff, v48  }
0x4fe: {  	[tilespmem:s16+$0xC0B0] =	vst.add.f32.msk $0xffff, v49  }
0x4ff: {  	[tilespmem:s16+$0xC0C0] =	vst.add.f32.msk $0xffff, v50  }
0x500: {  	[tilespmem:s16+$0xC0D0] =	vst.add.f32.msk $0xffff, v51  }
0x501: {  	[tilespmem:s16+$0xC0E0] =	vst.add.f32.msk $0xffff, v52  }
0x502: {  	[tilespmem:s16+$0xC0F0] =	vst.add.f32.msk $0xffff, v53  }
0x503: {  	[tilespmem:s16+$0xC100] =	vst.add.f32.msk $0xffff, v54  }
0x504: {  	[tilespmem:s16+$0xC110] =	vst.add.f32.msk $0xffff, v55  }
0x505: {  	[tilespmem:s16+$0xC120] =	vst.add.f32.msk $0xffff, v56  }
0x506: {  	[tilespmem:s16+$0xC130] =	vst.add.f32.msk $0xffff, v57  }
0x507: {  	[tilespmem:s16+$0xC140] =	vst.add.f32.msk $0xffff, v58  }
.Ltmp4:
0x508: {  	[tilespmem:s16+$0xC150] =	vst.add.f32.msk $0xffff, v59;
	(pc) =	sbr.rel @p2 .LBB2_11-.Ltmp4, $4  }
0x509: {  	[tilespmem:s16+$0xC160] =	vst.add.f32.msk $0xffff, v60  }
0x50a: {  	[tilespmem:s16+$0xC170] =	vst.add.f32.msk $0xffff, v61  }
0x50b: {  	[tilespmem:s16+$0xC180] =	vst.add.f32.msk $0xffff, v62  }
0x50c: {  	s20 =	sadd.s32 $0x1000, s20;
	[tilespmem:s16+$0xC190] =	vst.add.f32.msk $0xffff, v63  }
0x50d: {  	s18 =	sshll.u32 s23, $0xD  }
0x50e: {  	s18 =	sadd.s32 s7, s18  }
0x50f: {  	s18 =	sshrl.u32 s18, $0x3  }
0x510: {  	[tilespmem:s16+$0xC1A0] =	vst.add.f32.msk $0xffff, v1;
	s23 =	sadd.s32 s3, s18  }
0x511: {  	[hbm4b:s23+s6] =	stream.linear.scatter [tilespmem:s28], [sflag:$0xE], $0x2000, $0x38;
	[tilespmem:$0x19DC0] =	vst v63  }
0x512: {  	_ =	swait.ge [sflag:s11], $0x2000  }
0x513: {  	s16 =	sadd.s32 @!p1 $0x1AC0, s15;
	[sflag:s11] =	ssyncset.done $0x0  }
0x514: {  	s20 =	simm.s32 @!p1 $0x9DC0;
	s18 =	simm.s32 @!p1 $0x40;
	[sflag:s11] =	ssyncadd.s32 $0xFFFFE000  }
0x515: {  	[tilespmem:s20], [sflag:$0x3] =	stream.indirect.gather @!p1 [hbm4b:s0+s18], $0x80, s16, s18, $0xb8;
	[tilespmem:$0x19DC0] =	vst v63  }
0x516: {  	s15 =	sadd.s32 @!p1 $0x33C0, s15;
	s16 =	simm.s32 @!p1 $0x13DC0  }
0x517: {  	[tilespmem:s16], [sflag:$0x8] =	stream.indirect.gather @!p1 [spmem:s4], $0x80, s15, s18, $0xb8;
	[tilespmem:$0x19DC0] =	vst v63  }
0x518: {  	_ =	swait.ge [sflag:s12], $0x2000  }
0x519: {  	[sflag:s12] =	ssyncset.done $0x0  }
0x51a: {  	[sflag:s12] =	ssyncadd.s32 $0xFFFFE000  }
0x51b: {  	_ =	swait.ge [sflag:s13], $0x2000  }
0x51c: {  	[sflag:s13] =	ssyncset.done $0x0  }
0x51d: {  	s15 =	simm.s32 $0x0;
	[sflag:s13] =	ssyncadd.s32 $0xFFFFE000  }
0x51e: {  	v1 =	vld [tilespmem:s15+$0x181B0]  }
0x51f: {  	v2 =	vld [tilespmem:s15+$0x17DC0]  }
0x520: {  	v3 =	vld [tilespmem:s15+$0x17DD0]  }
0x521: {  	v4 =	vld [tilespmem:s15+$0x17DE0]  }
0x522: {  	v5 =	vld [tilespmem:s15+$0x17DF0]  }
0x523: {  	v6 =	vld [tilespmem:s15+$0x17E00]  }
0x524: {  	v7 =	vld [tilespmem:s15+$0x17E10]  }
0x525: {  	v8 =	vld [tilespmem:s15+$0x17E20]  }
0x526: {  	v9 =	vld [tilespmem:s15+$0x17E30]  }
0x527: {  	v10 =	vld [tilespmem:s15+$0x17E40]  }
0x528: {  	v11 =	vld [tilespmem:s15+$0x17E50]  }
0x529: {  	v12 =	vld [tilespmem:s15+$0x17E60]  }
0x52a: {  	v13 =	vld [tilespmem:s15+$0x17E70]  }
0x52b: {  	v14 =	vld [tilespmem:s15+$0x17E80]  }
0x52c: {  	v15 =	vld [tilespmem:s15+$0x17E90]  }
0x52d: {  	v16 =	vld [tilespmem:s15+$0x17EA0]  }
0x52e: {  	v17 =	vld [tilespmem:s15+$0x17EB0]  }
0x52f: {  	v18 =	vld [tilespmem:s15+$0x17EC0]  }
0x530: {  	v19 =	vld [tilespmem:s15+$0x17ED0]  }
0x531: {  	v20 =	vld [tilespmem:s15+$0x17EE0]  }
0x532: {  	v21 =	vld [tilespmem:s15+$0x17EF0]  }
0x533: {  	v22 =	vld [tilespmem:s15+$0x17F00]  }
0x534: {  	v23 =	vld [tilespmem:s15+$0x17F10]  }
0x535: {  	v24 =	vld [tilespmem:s15+$0x17F20]  }
0x536: {  	v25 =	vld [tilespmem:s15+$0x17F30]  }
0x537: {  	v26 =	vld [tilespmem:s15+$0x17F40]  }
0x538: {  	v27 =	vld [tilespmem:s15+$0x17F50]  }
0x539: {  	v28 =	vld [tilespmem:s15+$0x17F60]  }
0x53a: {  	v29 =	vld [tilespmem:s15+$0x17F70]  }
0x53b: {  	v30 =	vld [tilespmem:s15+$0x17F80]  }
0x53c: {  	v31 =	vld [tilespmem:s15+$0x17F90]  }
0x53d: {  	v32 =	vld [tilespmem:s15+$0x17FA0]  }
0x53e: {  	v33 =	vld [tilespmem:s15+$0x17FB0]  }
0x53f: {  	v34 =	vld [tilespmem:s15+$0x17FC0]  }
0x540: {  	v35 =	vld [tilespmem:s15+$0x17FD0]  }
0x541: {  	v36 =	vld [tilespmem:s15+$0x17FE0]  }
0x542: {  	v37 =	vld [tilespmem:s15+$0x17FF0]  }
0x543: {  	v38 =	vld [tilespmem:s15+$0x18000]  }
0x544: {  	v39 =	vld [tilespmem:s15+$0x18010]  }
0x545: {  	v40 =	vld [tilespmem:s15+$0x18020]  }
0x546: {  	v41 =	vld [tilespmem:s15+$0x18030]  }
0x547: {  	v42 =	vld [tilespmem:s15+$0x18040]  }
0x548: {  	v43 =	vld [tilespmem:s15+$0x18050]  }
0x549: {  	v44 =	vld [tilespmem:s15+$0x18060]  }
0x54a: {  	v45 =	vld [tilespmem:s15+$0x18070]  }
0x54b: {  	v46 =	vld [tilespmem:s15+$0x18080]  }
0x54c: {  	v47 =	vld [tilespmem:s15+$0x18090]  }
0x54d: {  	v48 =	vld [tilespmem:s15+$0x180A0]  }
0x54e: {  	v49 =	vld [tilespmem:s15+$0x180B0]  }
0x54f: {  	v50 =	vld [tilespmem:s15+$0x180C0]  }
0x550: {  	v51 =	vld [tilespmem:s15+$0x180D0]  }
0x551: {  	v52 =	vld [tilespmem:s15+$0x180E0]  }
0x552: {  	v53 =	vld [tilespmem:s15+$0x180F0]  }
0x553: {  	v54 =	vld [tilespmem:s15+$0x18100]  }
0x554: {  	v55 =	vld [tilespmem:s15+$0x18110]  }
0x555: {  	v56 =	vld [tilespmem:s15+$0x18120]  }
0x556: {  	v57 =	vld [tilespmem:s15+$0x18130]  }
0x557: {  	v58 =	vld [tilespmem:s15+$0x18140]  }
0x558: {  	v59 =	vld [tilespmem:s15+$0x18150]  }
0x559: {  	v60 =	vld [tilespmem:s15+$0x18160]  }
0x55a: {  	v61 =	vld [tilespmem:s15+$0x18170]  }
0x55b: {  	v62 =	vld [tilespmem:s15+$0x18180]  }
0x55c: {  	v63 =	vld [tilespmem:s15+$0x18190]  }
0x55d: {  	[tilespmem:s15+$0xE1B0] =	vst.add.f32.msk $0xffff, v1  }
0x55e: {  	v1 =	vld [tilespmem:s15+$0x181A0]  }
0x55f: {  	[tilespmem:s15+$0xDDC0] =	vst.add.f32.msk $0xffff, v2  }
0x560: {  	[tilespmem:s15+$0xDDD0] =	vst.add.f32.msk $0xffff, v3  }
0x561: {  	[tilespmem:s15+$0xDDE0] =	vst.add.f32.msk $0xffff, v4  }
0x562: {  	[tilespmem:s15+$0xDDF0] =	vst.add.f32.msk $0xffff, v5  }
0x563: {  	[tilespmem:s15+$0xDE00] =	vst.add.f32.msk $0xffff, v6  }
0x564: {  	[tilespmem:s15+$0xDE10] =	vst.add.f32.msk $0xffff, v7  }
0x565: {  	[tilespmem:s15+$0xDE20] =	vst.add.f32.msk $0xffff, v8  }
0x566: {  	[tilespmem:s15+$0xDE30] =	vst.add.f32.msk $0xffff, v9  }
0x567: {  	[tilespmem:s15+$0xDE40] =	vst.add.f32.msk $0xffff, v10  }
0x568: {  	[tilespmem:s15+$0xDE50] =	vst.add.f32.msk $0xffff, v11  }
0x569: {  	[tilespmem:s15+$0xDE60] =	vst.add.f32.msk $0xffff, v12  }
0x56a: {  	[tilespmem:s15+$0xDE70] =	vst.add.f32.msk $0xffff, v13  }
0x56b: {  	[tilespmem:s15+$0xDE80] =	vst.add.f32.msk $0xffff, v14  }
0x56c: {  	[tilespmem:s15+$0xDE90] =	vst.add.f32.msk $0xffff, v15  }
0x56d: {  	[tilespmem:s15+$0xDEA0] =	vst.add.f32.msk $0xffff, v16  }
0x56e: {  	[tilespmem:s15+$0xDEB0] =	vst.add.f32.msk $0xffff, v17  }
0x56f: {  	[tilespmem:s15+$0xDEC0] =	vst.add.f32.msk $0xffff, v18  }
0x570: {  	[tilespmem:s15+$0xDED0] =	vst.add.f32.msk $0xffff, v19  }
0x571: {  	[tilespmem:s15+$0xDEE0] =	vst.add.f32.msk $0xffff, v20  }
0x572: {  	[tilespmem:s15+$0xDEF0] =	vst.add.f32.msk $0xffff, v21  }
0x573: {  	[tilespmem:s15+$0xDF00] =	vst.add.f32.msk $0xffff, v22  }
0x574: {  	[tilespmem:s15+$0xDF10] =	vst.add.f32.msk $0xffff, v23  }
0x575: {  	[tilespmem:s15+$0xDF20] =	vst.add.f32.msk $0xffff, v24  }
0x576: {  	[tilespmem:s15+$0xDF30] =	vst.add.f32.msk $0xffff, v25  }
0x577: {  	[tilespmem:s15+$0xDF40] =	vst.add.f32.msk $0xffff, v26  }
0x578: {  	[tilespmem:s15+$0xDF50] =	vst.add.f32.msk $0xffff, v27  }
0x579: {  	[tilespmem:s15+$0xDF60] =	vst.add.f32.msk $0xffff, v28  }
0x57a: {  	[tilespmem:s15+$0xDF70] =	vst.add.f32.msk $0xffff, v29  }
0x57b: {  	[tilespmem:s15+$0xDF80] =	vst.add.f32.msk $0xffff, v30  }
0x57c: {  	[tilespmem:s15+$0xDF90] =	vst.add.f32.msk $0xffff, v31  }
0x57d: {  	[tilespmem:s15+$0xDFA0] =	vst.add.f32.msk $0xffff, v32  }
0x57e: {  	[tilespmem:s15+$0xDFB0] =	vst.add.f32.msk $0xffff, v33  }
0x57f: {  	[tilespmem:s15+$0xDFC0] =	vst.add.f32.msk $0xffff, v34  }
0x580: {  	[tilespmem:s15+$0xDFD0] =	vst.add.f32.msk $0xffff, v35  }
0x581: {  	[tilespmem:s15+$0xDFE0] =	vst.add.f32.msk $0xffff, v36  }
0x582: {  	[tilespmem:s15+$0xDFF0] =	vst.add.f32.msk $0xffff, v37  }
0x583: {  	[tilespmem:s15+$0xE000] =	vst.add.f32.msk $0xffff, v38  }
0x584: {  	[tilespmem:s15+$0xE010] =	vst.add.f32.msk $0xffff, v39  }
0x585: {  	[tilespmem:s15+$0xE020] =	vst.add.f32.msk $0xffff, v40  }
0x586: {  	[tilespmem:s15+$0xE030] =	vst.add.f32.msk $0xffff, v41  }
0x587: {  	[tilespmem:s15+$0xE040] =	vst.add.f32.msk $0xffff, v42  }
0x588: {  	[tilespmem:s15+$0xE050] =	vst.add.f32.msk $0xffff, v43  }
0x589: {  	[tilespmem:s15+$0xE060] =	vst.add.f32.msk $0xffff, v44  }
0x58a: {  	[tilespmem:s15+$0xE070] =	vst.add.f32.msk $0xffff, v45  }
0x58b: {  	[tilespmem:s15+$0xE080] =	vst.add.f32.msk $0xffff, v46  }
0x58c: {  	[tilespmem:s15+$0xE090] =	vst.add.f32.msk $0xffff, v47  }
0x58d: {  	[tilespmem:s15+$0xE0A0] =	vst.add.f32.msk $0xffff, v48  }
0x58e: {  	[tilespmem:s15+$0xE0B0] =	vst.add.f32.msk $0xffff, v49  }
0x58f: {  	[tilespmem:s15+$0xE0C0] =	vst.add.f32.msk $0xffff, v50  }
0x590: {  	[tilespmem:s15+$0xE0D0] =	vst.add.f32.msk $0xffff, v51  }
0x591: {  	[tilespmem:s15+$0xE0E0] =	vst.add.f32.msk $0xffff, v52  }
0x592: {  	[tilespmem:s15+$0xE0F0] =	vst.add.f32.msk $0xffff, v53  }
0x593: {  	[tilespmem:s15+$0xE100] =	vst.add.f32.msk $0xffff, v54  }
0x594: {  	[tilespmem:s15+$0xE110] =	vst.add.f32.msk $0xffff, v55  }
0x595: {  	[tilespmem:s15+$0xE120] =	vst.add.f32.msk $0xffff, v56  }
0x596: {  	[tilespmem:s15+$0xE130] =	vst.add.f32.msk $0xffff, v57  }
0x597: {  	[tilespmem:s15+$0xE140] =	vst.add.f32.msk $0xffff, v58  }
0x598: {  	[tilespmem:s15+$0xE150] =	vst.add.f32.msk $0xffff, v59  }
0x599: {  	[tilespmem:s15+$0xE160] =	vst.add.f32.msk $0xffff, v60  }
0x59a: {  	[tilespmem:s15+$0xE170] =	vst.add.f32.msk $0xffff, v61  }
0x59b: {  	[tilespmem:s15+$0xE180] =	vst.add.f32.msk $0xffff, v62  }
0x59c: {  	s16 =	simm.s32 $0x0;
	s18 =	simm.s32 $0x1000;
	[tilespmem:s15+$0xE190] =	vst.add.f32.msk $0xffff, v63  }
.LBB2_13:
0x59d: {  	s16 =	sadd.s32 $0x8, s16;
	[tilespmem:s15+$0xE1A0] =	vst.add.f32.msk $0xffff, v1;
	s15 =	sshra.s32 s18, $0x2  }
0x59e: {  	v1 =	vld [tilespmem:s15+$0x181B0];
	p1 =	slt.u32 s16, $0x38  }
0x59f: {  	v2 =	vld [tilespmem:s15+$0x17DC0]  }
0x5a0: {  	v3 =	vld [tilespmem:s15+$0x17DD0]  }
0x5a1: {  	v4 =	vld [tilespmem:s15+$0x17DE0]  }
0x5a2: {  	v5 =	vld [tilespmem:s15+$0x17DF0]  }
0x5a3: {  	[tilespmem:s15+$0xE1B0] =	vst.add.f32.msk $0xffff, v1  }
0x5a4: {  	v6 =	vld [tilespmem:s15+$0x17E00]  }
0x5a5: {  	v7 =	vld [tilespmem:s15+$0x17E10]  }
0x5a6: {  	v8 =	vld [tilespmem:s15+$0x17E20]  }
0x5a7: {  	v9 =	vld [tilespmem:s15+$0x17E30]  }
0x5a8: {  	v10 =	vld [tilespmem:s15+$0x17E40]  }
0x5a9: {  	v11 =	vld [tilespmem:s15+$0x17E50]  }
0x5aa: {  	v12 =	vld [tilespmem:s15+$0x17E60]  }
0x5ab: {  	v13 =	vld [tilespmem:s15+$0x17E70]  }
0x5ac: {  	v14 =	vld [tilespmem:s15+$0x17E80]  }
0x5ad: {  	v15 =	vld [tilespmem:s15+$0x17E90]  }
0x5ae: {  	v16 =	vld [tilespmem:s15+$0x17EA0]  }
0x5af: {  	v17 =	vld [tilespmem:s15+$0x17EB0]  }
0x5b0: {  	v18 =	vld [tilespmem:s15+$0x17EC0]  }
0x5b1: {  	v19 =	vld [tilespmem:s15+$0x17ED0]  }
0x5b2: {  	v20 =	vld [tilespmem:s15+$0x17EE0]  }
0x5b3: {  	v21 =	vld [tilespmem:s15+$0x17EF0]  }
0x5b4: {  	v22 =	vld [tilespmem:s15+$0x17F00]  }
0x5b5: {  	v23 =	vld [tilespmem:s15+$0x17F10]  }
0x5b6: {  	v24 =	vld [tilespmem:s15+$0x17F20]  }
0x5b7: {  	v25 =	vld [tilespmem:s15+$0x17F30]  }
0x5b8: {  	v26 =	vld [tilespmem:s15+$0x17F40]  }
0x5b9: {  	v27 =	vld [tilespmem:s15+$0x17F50]  }
0x5ba: {  	v28 =	vld [tilespmem:s15+$0x17F60]  }
0x5bb: {  	v29 =	vld [tilespmem:s15+$0x17F70]  }
0x5bc: {  	v30 =	vld [tilespmem:s15+$0x17F80]  }
0x5bd: {  	v31 =	vld [tilespmem:s15+$0x17F90]  }
0x5be: {  	v32 =	vld [tilespmem:s15+$0x17FA0]  }
0x5bf: {  	v33 =	vld [tilespmem:s15+$0x17FB0]  }
0x5c0: {  	v34 =	vld [tilespmem:s15+$0x17FC0]  }
0x5c1: {  	v35 =	vld [tilespmem:s15+$0x17FD0]  }
0x5c2: {  	v36 =	vld [tilespmem:s15+$0x17FE0]  }
0x5c3: {  	v37 =	vld [tilespmem:s15+$0x17FF0]  }
0x5c4: {  	v38 =	vld [tilespmem:s15+$0x18000]  }
0x5c5: {  	v39 =	vld [tilespmem:s15+$0x18010]  }
0x5c6: {  	v40 =	vld [tilespmem:s15+$0x18020]  }
0x5c7: {  	v41 =	vld [tilespmem:s15+$0x18030]  }
0x5c8: {  	v42 =	vld [tilespmem:s15+$0x18040]  }
0x5c9: {  	v43 =	vld [tilespmem:s15+$0x18050]  }
0x5ca: {  	v44 =	vld [tilespmem:s15+$0x18060]  }
0x5cb: {  	v45 =	vld [tilespmem:s15+$0x18070]  }
0x5cc: {  	v46 =	vld [tilespmem:s15+$0x18080]  }
0x5cd: {  	v47 =	vld [tilespmem:s15+$0x18090]  }
0x5ce: {  	v48 =	vld [tilespmem:s15+$0x180A0]  }
0x5cf: {  	v49 =	vld [tilespmem:s15+$0x180B0]  }
0x5d0: {  	v50 =	vld [tilespmem:s15+$0x180C0]  }
0x5d1: {  	v51 =	vld [tilespmem:s15+$0x180D0]  }
0x5d2: {  	v52 =	vld [tilespmem:s15+$0x180E0]  }
0x5d3: {  	v53 =	vld [tilespmem:s15+$0x180F0]  }
0x5d4: {  	v54 =	vld [tilespmem:s15+$0x18100]  }
0x5d5: {  	v55 =	vld [tilespmem:s15+$0x18110]  }
0x5d6: {  	v56 =	vld [tilespmem:s15+$0x18120]  }
0x5d7: {  	v57 =	vld [tilespmem:s15+$0x18130]  }
0x5d8: {  	v58 =	vld [tilespmem:s15+$0x18140]  }
0x5d9: {  	v59 =	vld [tilespmem:s15+$0x18150]  }
0x5da: {  	v60 =	vld [tilespmem:s15+$0x18160]  }
0x5db: {  	v61 =	vld [tilespmem:s15+$0x18170]  }
0x5dc: {  	v62 =	vld [tilespmem:s15+$0x18180]  }
0x5dd: {  	v63 =	vld [tilespmem:s15+$0x18190]  }
0x5de: {  	v1 =	vld [tilespmem:s15+$0x181A0]  }
0x5df: {  	[tilespmem:s15+$0xDDC0] =	vst.add.f32.msk $0xffff, v2  }
0x5e0: {  	[tilespmem:s15+$0xDDD0] =	vst.add.f32.msk $0xffff, v3  }
0x5e1: {  	[tilespmem:s15+$0xDDE0] =	vst.add.f32.msk $0xffff, v4  }
0x5e2: {  	[tilespmem:s15+$0xDDF0] =	vst.add.f32.msk $0xffff, v5  }
0x5e3: {  	[tilespmem:s15+$0xDE00] =	vst.add.f32.msk $0xffff, v6  }
0x5e4: {  	[tilespmem:s15+$0xDE10] =	vst.add.f32.msk $0xffff, v7  }
0x5e5: {  	[tilespmem:s15+$0xDE20] =	vst.add.f32.msk $0xffff, v8  }
0x5e6: {  	[tilespmem:s15+$0xDE30] =	vst.add.f32.msk $0xffff, v9  }
0x5e7: {  	[tilespmem:s15+$0xDE40] =	vst.add.f32.msk $0xffff, v10  }
0x5e8: {  	[tilespmem:s15+$0xDE50] =	vst.add.f32.msk $0xffff, v11  }
0x5e9: {  	[tilespmem:s15+$0xDE60] =	vst.add.f32.msk $0xffff, v12  }
0x5ea: {  	[tilespmem:s15+$0xDE70] =	vst.add.f32.msk $0xffff, v13  }
0x5eb: {  	[tilespmem:s15+$0xDE80] =	vst.add.f32.msk $0xffff, v14  }
0x5ec: {  	[tilespmem:s15+$0xDE90] =	vst.add.f32.msk $0xffff, v15  }
0x5ed: {  	[tilespmem:s15+$0xDEA0] =	vst.add.f32.msk $0xffff, v16  }
0x5ee: {  	[tilespmem:s15+$0xDEB0] =	vst.add.f32.msk $0xffff, v17  }
0x5ef: {  	[tilespmem:s15+$0xDEC0] =	vst.add.f32.msk $0xffff, v18  }
0x5f0: {  	[tilespmem:s15+$0xDED0] =	vst.add.f32.msk $0xffff, v19  }
0x5f1: {  	[tilespmem:s15+$0xDEE0] =	vst.add.f32.msk $0xffff, v20  }
0x5f2: {  	[tilespmem:s15+$0xDEF0] =	vst.add.f32.msk $0xffff, v21  }
0x5f3: {  	[tilespmem:s15+$0xDF00] =	vst.add.f32.msk $0xffff, v22  }
0x5f4: {  	[tilespmem:s15+$0xDF10] =	vst.add.f32.msk $0xffff, v23  }
0x5f5: {  	[tilespmem:s15+$0xDF20] =	vst.add.f32.msk $0xffff, v24  }
0x5f6: {  	[tilespmem:s15+$0xDF30] =	vst.add.f32.msk $0xffff, v25  }
0x5f7: {  	[tilespmem:s15+$0xDF40] =	vst.add.f32.msk $0xffff, v26  }
0x5f8: {  	[tilespmem:s15+$0xDF50] =	vst.add.f32.msk $0xffff, v27  }
0x5f9: {  	[tilespmem:s15+$0xDF60] =	vst.add.f32.msk $0xffff, v28  }
0x5fa: {  	[tilespmem:s15+$0xDF70] =	vst.add.f32.msk $0xffff, v29  }
0x5fb: {  	[tilespmem:s15+$0xDF80] =	vst.add.f32.msk $0xffff, v30  }
0x5fc: {  	[tilespmem:s15+$0xDF90] =	vst.add.f32.msk $0xffff, v31  }
0x5fd: {  	[tilespmem:s15+$0xDFA0] =	vst.add.f32.msk $0xffff, v32  }
0x5fe: {  	[tilespmem:s15+$0xDFB0] =	vst.add.f32.msk $0xffff, v33  }
0x5ff: {  	[tilespmem:s15+$0xDFC0] =	vst.add.f32.msk $0xffff, v34  }
0x600: {  	[tilespmem:s15+$0xDFD0] =	vst.add.f32.msk $0xffff, v35  }
0x601: {  	[tilespmem:s15+$0xDFE0] =	vst.add.f32.msk $0xffff, v36  }
0x602: {  	[tilespmem:s15+$0xDFF0] =	vst.add.f32.msk $0xffff, v37  }
0x603: {  	[tilespmem:s15+$0xE000] =	vst.add.f32.msk $0xffff, v38  }
0x604: {  	[tilespmem:s15+$0xE010] =	vst.add.f32.msk $0xffff, v39  }
0x605: {  	[tilespmem:s15+$0xE020] =	vst.add.f32.msk $0xffff, v40  }
0x606: {  	[tilespmem:s15+$0xE030] =	vst.add.f32.msk $0xffff, v41  }
0x607: {  	[tilespmem:s15+$0xE040] =	vst.add.f32.msk $0xffff, v42  }
0x608: {  	[tilespmem:s15+$0xE050] =	vst.add.f32.msk $0xffff, v43  }
0x609: {  	[tilespmem:s15+$0xE060] =	vst.add.f32.msk $0xffff, v44  }
0x60a: {  	[tilespmem:s15+$0xE070] =	vst.add.f32.msk $0xffff, v45  }
0x60b: {  	[tilespmem:s15+$0xE080] =	vst.add.f32.msk $0xffff, v46  }
0x60c: {  	[tilespmem:s15+$0xE090] =	vst.add.f32.msk $0xffff, v47  }
0x60d: {  	[tilespmem:s15+$0xE0A0] =	vst.add.f32.msk $0xffff, v48  }
0x60e: {  	[tilespmem:s15+$0xE0B0] =	vst.add.f32.msk $0xffff, v49  }
0x60f: {  	[tilespmem:s15+$0xE0C0] =	vst.add.f32.msk $0xffff, v50  }
0x610: {  	[tilespmem:s15+$0xE0D0] =	vst.add.f32.msk $0xffff, v51  }
0x611: {  	[tilespmem:s15+$0xE0E0] =	vst.add.f32.msk $0xffff, v52  }
0x612: {  	[tilespmem:s15+$0xE0F0] =	vst.add.f32.msk $0xffff, v53  }
0x613: {  	[tilespmem:s15+$0xE100] =	vst.add.f32.msk $0xffff, v54  }
0x614: {  	[tilespmem:s15+$0xE110] =	vst.add.f32.msk $0xffff, v55  }
0x615: {  	[tilespmem:s15+$0xE120] =	vst.add.f32.msk $0xffff, v56  }
0x616: {  	[tilespmem:s15+$0xE130] =	vst.add.f32.msk $0xffff, v57  }
0x617: {  	[tilespmem:s15+$0xE140] =	vst.add.f32.msk $0xffff, v58  }
.Ltmp5:
0x618: {  	[tilespmem:s15+$0xE150] =	vst.add.f32.msk $0xffff, v59;
	(pc) =	sbr.rel @p1 .LBB2_13-.Ltmp5, $4  }
0x619: {  	[tilespmem:s15+$0xE160] =	vst.add.f32.msk $0xffff, v60  }
0x61a: {  	[tilespmem:s15+$0xE170] =	vst.add.f32.msk $0xffff, v61  }
0x61b: {  	[tilespmem:s15+$0xE180] =	vst.add.f32.msk $0xffff, v62  }
0x61c: {  	s18 =	sadd.s32 $0x1000, s18;
	[tilespmem:s15+$0xE190] =	vst.add.f32.msk $0xffff, v63  }
0x61d: {  	s17 =	sadd.s32 $0x1, s17  }
0x61e: {  	p1 =	sne.s32 s17, $0x14  }
.Ltmp6:
0x61f: {  	s16 =	sshll.u32 s29, $0xD;
	(pc) =	sbr.rel @p1 .LBB2_4-.Ltmp6, $4  }
0x620: {  	s16 =	sadd.s32 s7, s16  }
0x621: {  	s16 =	sshrl.u32 s16, $0x3  }
0x622: {  	[tilespmem:s15+$0xE1A0] =	vst.add.f32.msk $0xffff, v1;
	s29 =	sadd.s32 s3, s16  }
0x623: {  	[hbm4b:s29+s6] =	stream.linear.scatter [tilespmem:s2], [sflag:$0xF], $0x2000, $0x38;
	[tilespmem:$0x19DC0] =	vst v63  }
0x624: {  	s15 =	simm.s32 $0xE  }
0x625: {  	_ =	swait.ge [sflag:s15], $0x2000  }
0x626: {  	[sflag:s15] =	ssyncset.done $0x0  }
0x627: {  	s16 =	simm.s32 $0xF;
	[sflag:s15] =	ssyncadd.s32 $0xFFFFE000  }
0x628: {  	_ =	swait.ge [sflag:s16], $0x2000  }
0x629: {  	s17 =	rddreg [dreg:$0x8]  }
0x62a: {  	s29 =	rddreg [dreg:$0x6];
	s17 =	sadd.s32 $0x1, s17  }
0x62b: {  	p1 =	sne.s32 s17, s29  }
.Ltmp7:
0x62c: {  	_ = 	snop;
	(pc) =	sbr.rel @p1 .LBB2_1-.Ltmp7, $3  }
0x62d: {  	_ =	sdelay $0x1  }
0x62e: {  	[sflag:s16] =	ssyncset.done $0x0  }
0x62f: {  	[sflag:s16] =	ssyncadd.s32 $0xFFFFE000  }
0x630: {  	_ =	sfence.sel $0x180000  }
0x631: {  	[bflag:$0x0] =	sbarrier.arrive $0xFFFF  }
0x632: {  	_ =	strace $0x90000047  }
0x633: {  	[bflag:$0x2] =	sbarrier.arrive $0xFFFF  }
0x634: {  	s0 =	rddreg [dreg:$0x4]  }
0x635: {  	s0 =	sadd.s32 @!p0 $0x100000, s0  }
0x636: {  	[sflag:s0] =	ssyncadd.tile.s32 @!p0 $0x1;
	_ =	shalt  }
.Lfunc_end2:
_tile_overlayer_lowered:
.L_overlay_start_2:
0x637: {  	(tag) =	ssettag $0x2  }
0x638: {  	s0 =	rddreg [dreg:$0x0];
	s2 =	stileid.u32  }
0x639: {  	s1 =	rddreg [dreg:$0x1];
	p0 =	sne.s32 s2, $0x0  }
0x63a: {  	s3 =	rddreg [dreg:$0x2];
	[bflag:$0x3] =	sbarrier.arrive $0xFFFF;
	s2 =	simm.s32 @!p0 $0x1C10  }
0x63b: {  	[timem:s3], [sflag:s2] =	dma.local @!p0 [hbm:s0], s1  }
0x63c: {  	s0 =	simm.s32 @!p0 $0x10  }
0x63d: {  	_ =	swait.ge @!p0 [sflag:s0], s1  }
0x63e: {  	s1 =	ssub.s32 @!p0 $0x0, s1;
	[sflag:s0] =	ssyncset.done @!p0 $0x0  }
0x63f: {  	[sflag:s0] =	ssyncadd.s32 @!p0 s1  }
0x640: {  	[bflag:$0x3] =	sbarrier.arrive $0xFFFF  }
0x641: {  	_ =	shalt  }

</sc_bundles>
